<compile_context>
chip_gen: v7x
topology: tpu7x:2x2x1
jax: 0.10.2.dev20260603
libtpu: 0.0.44.dev20260713+nightly
codegen_flags: <defaults>
</compile_context>

<pallas_src>
import functools

import jax
import jax.numpy as jnp
from jax import lax
from jax.experimental import pallas as pl
from jax.experimental.pallas import tpu as pltpu
from jax.experimental.pallas import tpu_sc as plsc

_WN = 10
_K = 8192
_PCA = 4096
_D = 512
_N = 10240
_G = _N // _WN

_KB = 512
_GB = 16


def _mapped_body(cb_ref, w_ref, b_ref, mapped_ref, msq_ref, mt_ref):
    m = lax.dot_general(cb_ref[...], w_ref[...], (((1,), (1,)), ((), ())),
                        preferred_element_type=jnp.float32)
    m = m + b_ref[...]
    mapped_ref[...] = m
    msq_ref[...] = jnp.sum(m * m, axis=1, keepdims=True)
    mt_ref[...] = (m + m).T


def _mapped_call(cb, w, b2):
    return pl.pallas_call(
        _mapped_body,
        grid=(_K // _KB,),
        in_specs=[
            pl.BlockSpec((_KB, _PCA), lambda j: (j, 0)),
            pl.BlockSpec((_D, _PCA), lambda j: (0, 0)),
            pl.BlockSpec((1, _D), lambda j: (0, 0)),
        ],
        out_specs=[
            pl.BlockSpec((_KB, _D), lambda j: (j, 0)),
            pl.BlockSpec((_KB, 1), lambda j: (j, 0)),
            pl.BlockSpec((_D, _KB), lambda j: (0, j)),
        ],
        out_shape=[
            jax.ShapeDtypeStruct((_K, _D), jnp.float32),
            jax.ShapeDtypeStruct((_K, 1), jnp.float32),
            jax.ShapeDtypeStruct((_D, _K), jnp.float32),
        ],
    )(cb, w, b2)


_NB = _G // _GB
_GB2 = 2 * _GB


def _dist_into(zb, zsqb, mt_ref, msq_ref, buf_ref):
    z2 = zb.reshape(_WN * _GB, _D)
    dot = lax.dot_general(z2, mt_ref[...], (((1,), (0,)), ((), ())),
                          preferred_element_type=jnp.float32)
    sums = zsqb + msq_ref[...].reshape(1, 1, _K)
    buf_ref[...] = sums - dot.reshape(_WN, _GB, _K)


def _argmin_store(buf_ref, idx_ref, row0):
    dist = buf_ref[...]
    col = lax.broadcasted_iota(jnp.int32, (_GB, _K), 1)
    masked = jnp.zeros((_GB, _K), jnp.bool_)
    cols = []
    for i in range(_WN):
        di = jnp.where(masked, jnp.inf, dist[i])
        mval = jnp.min(di, axis=1, keepdims=True)
        cand = jnp.where(di == mval, col, jnp.int32(_K))
        idx_i = jnp.min(cand, axis=1)
        cols.append(idx_i)
        masked = jnp.logical_or(masked, col == idx_i[:, None])
    idx_ref[pl.ds(row0, _GB), :] = jnp.stack(cols, axis=1)


def _assign_body(zw_ref, zsq_ref, mt_ref, msq_ref, idx_ref, buf_a, buf_b):
    j = pl.program_id(0)
    zb = zw_ref[...]
    zq = zsq_ref[...]
    row_a = jnp.maximum(2 * j - 1, 0) * _GB
    row_b = jnp.minimum(2 * j, _NB - 2) * _GB
    _argmin_store(buf_a, idx_ref, row_a)
    _dist_into(zb[:, :_GB], zq[:, :_GB], mt_ref, msq_ref, buf_b)
    _argmin_store(buf_b, idx_ref, row_b)
    _dist_into(zb[:, _GB:], zq[:, _GB:], mt_ref, msq_ref, buf_a)


def _assign_call(zw, zsq3, mt, msq_row):
    nsteps = _NB // 2
    return pl.pallas_call(
        _assign_body,
        grid=(nsteps + 1,),
        in_specs=[
            pl.BlockSpec((_WN, _GB2, _D), lambda j: (0, jnp.minimum(j, _NB // 2 - 1), 0)),
            pl.BlockSpec((_WN, _GB2, 1), lambda j: (0, jnp.minimum(j, _NB // 2 - 1), 0)),
            pl.BlockSpec((_D, _K), lambda j: (0, 0)),
            pl.BlockSpec((1, _K), lambda j: (0, 0)),
        ],
        out_specs=pl.BlockSpec((_G, _WN), lambda j: (0, 0)),
        out_shape=jax.ShapeDtypeStruct((_G, _WN), jnp.int32),
        scratch_shapes=[
            pltpu.VMEM((_WN, _GB, _K), jnp.float32),
            pltpu.VMEM((_WN, _GB, _K), jnp.float32),
        ],
    )(zw, zsq3, mt, msq_row)


_NW_SC = 32
_CH = 80
_NCH = _N // (_NW_SC * _CH)


def _sc_gather_st_loss(mapped, idx2, z_e2):
    mesh = plsc.VectorSubcoreMesh(core_axis_name="c", subcore_axis_name="s")

    @functools.partial(
        pl.kernel,
        out_type=(jax.ShapeDtypeStruct((_N, _D), jnp.float32),
                  jax.ShapeDtypeStruct((_NW_SC, 16), jnp.float32)),
        mesh=mesh,
        scratch_types=[
            pltpu.VMEM((_CH,), jnp.int32),
            pltpu.VMEM((_CH, _D), jnp.float32),
            pltpu.VMEM((_CH, _D), jnp.float32),
            pltpu.VMEM((16,), jnp.float32),
            pltpu.SemaphoreType.DMA,
        ],
    )
    def body(mapped_hbm, idx_hbm, z_hbm, out_hbm, lp_hbm,
             idx_v, rows_v, z_v, acc_v, sem):
        wid = lax.axis_index("s") * 2 + lax.axis_index("c")
        zero = jnp.zeros((16,), jnp.float32)
        accs = (zero, zero, zero, zero, zero, zero, zero, zero)
        for ci in range(_NCH):
            chunk = wid * _NCH + ci
            base = chunk * _CH
            pltpu.sync_copy(idx_hbm.at[chunk], idx_v)
            pltpu.async_copy(mapped_hbm.at[idx_v], rows_v, sem).wait()
            pltpu.sync_copy(z_hbm.at[pl.ds(base, _CH)], z_v)

            def row_body(r, carry):
                a = list(carry)
                for cc in range(_D // 16):
                    sl = pl.ds(cc * 16, 16)
                    q = rows_v[r, sl]
                    z = z_v[r, sl]
                    t = q - z
                    rows_v[r, sl] = z + t
                    a[cc % 8] = a[cc % 8] + t * t
                return tuple(a)

            accs = lax.fori_loop(0, _CH, row_body, accs)
            pltpu.sync_copy(rows_v, out_hbm.at[pl.ds(base, _CH)])
        a = list(accs)
        acc_v[...] = ((a[0] + a[1]) + (a[2] + a[3])) + ((a[4] + a[5]) + (a[6] + a[7]))
        pltpu.sync_copy(acc_v, lp_hbm.at[wid])

    return body(mapped, idx2, z_e2)


def kernel(z_e, codebook_pca, W, b):
    mapped, msq_col, mt = _mapped_call(codebook_pca, W, b[None, :])
    msq_row = msq_col.reshape(1, _K)
    zw = z_e.reshape(_G, _WN, _D).transpose(1, 0, 2)
    zsq3 = jnp.sum(z_e ** 2, axis=1).reshape(_G, _WN).T[..., None]
    idxs = _assign_call(zw, zsq3, mt, msq_row)
    idx2 = idxs.reshape(_NW_SC * _NCH, _CH)
    z_q_st, lp = _sc_gather_st_loss(mapped, idx2, z_e)
    vq = jnp.sum(lp) * (1.0 / (_N * _D))
    loss = 0.75 * vq + 0.25 * vq
    return (z_q_st, loss)

# --- scband reference (transcript-rebuilt; emitter-appended) ---
"""Pipeline reference for scband-code-book-38998303048173 (READ-ONLY COPY).

The authoritative reference and input builder live on the scoring server;
editing this copy changes nothing except your own understanding.
"""

import jax, jax.numpy as jnp
import numpy as np

WORD_NUM = 10
K = 8192
PCA_DIM = 4096
CODE_DIM = 512
N = 10240


def setup_inputs(seed: int = 0) -> dict:
    key = jax.random.key(seed)
    k1, k2, k3, k4 = jax.random.split(key, 4)
    z_e = jax.random.normal(k1, (N, CODE_DIM), dtype=jnp.float32)
    # frozen LLM input-embedding rows for the filtered vocabulary (buffer)
    codebook_pca = jax.random.normal(k2, (K, PCA_DIM), dtype=jnp.float32) * 0.02
    # codebook_mlp: Linear(pca_dim=4096 -> codebook_dim=512)
    W = jax.random.normal(k3, (CODE_DIM, PCA_DIM), dtype=jnp.float32) * (1.0 / np.sqrt(PCA_DIM))
    b = jax.random.normal(k4, (CODE_DIM,), dtype=jnp.float32) * 0.01
    return {"z_e": z_e, "codebook_pca": codebook_pca, "W": W, "b": b}


def reference(z_e, codebook_pca, W, b):
    # mapped_codebook = self.codebook_mlp(self.codebook_tensor_pca)
    mapped = codebook_pca @ W.T + b  # [K, CODE_DIM]
    # squared L2 distance matrix
    dist = (jnp.sum(z_e ** 2, axis=1, keepdims=True)
            + jnp.sum(mapped ** 2, axis=1)
            - 2.0 * (z_e @ mapped.T))  # [N, K]
    G = dist.shape[0] // WORD_NUM
    dist = dist.reshape(G, WORD_NUM, dist.shape[-1])
    rows = jnp.arange(G)
    idx_list = []
    for i in range(WORD_NUM):
        idx_i = jnp.argmin(dist[:, i, :], axis=1)  # [G]
        # mask chosen code for ALL word slots of this group (in-place inf write)
        dist = dist.at[rows, :, idx_i].set(jnp.inf)
        idx_list.append(idx_i[:, None])
    min_idx = jnp.concatenate(idx_list, axis=1).reshape(-1)  # [N]
    z_q = mapped[min_idx]  # gather
    z_q_st = z_e + jax.lax.stop_gradient(z_q - z_e)
    vq_loss = jnp.mean((z_q - jax.lax.stop_gradient(z_e)) ** 2)
    commitment_loss = jnp.mean((z_e - jax.lax.stop_gradient(z_q)) ** 2)
    return (z_q_st, 0.75 * vq_loss + 0.25 * commitment_loss)

if __name__ == "__main__":
    import jax
    _d = setup_inputs()
    print(jax.jit(kernel)(*tuple(_d.values())))

</pallas_src>

<mosaic_0001>
#map = affine_map<(d0, d1) -> (0, 0)>
module attributes {stable_mosaic.version = 14 : i64} {
  func.func @body(%arg0: i32, %arg1: i32, %arg2: memref<8192x512xf32, #tpu.memory_space<hbm>>, %arg3: memref<128x80xi32, #tpu.memory_space<hbm>>, %arg4: memref<10240x512xf32, #tpu.memory_space<hbm>>, %arg5: memref<10240x512xf32, #tpu.memory_space<hbm>>, %arg6: memref<32x16xf32, #tpu.memory_space<hbm>>, %arg7: memref<80xi32, #tpu.memory_space<vmem>>, %arg8: memref<80x512xf32, #tpu.memory_space<vmem>>, %arg9: memref<80x512xf32, #tpu.memory_space<vmem>>, %arg10: memref<16xf32, #tpu.memory_space<vmem>>, %arg11: memref<!tpu.dma_semaphore, #tpu.memory_space<semaphore_mem>>) attributes {dimension_semantics = [#tpu.dimension_semantics<core_parallel>, #tpu.dimension_semantics<subcore_parallel>], iteration_bounds = array<i64: 2, 16>, scalar_prefetch = 0 : i64, scratch_operands = 5 : i64, tpu.core_type = #tpu.core_type<sc_vector_subcore>, window_params = [{transform_indices = #map}, {transform_indices = #map}, {transform_indices = #map}, {transform_indices = #map}, {transform_indices = #map}]} {
    %mul3A = arith.constant 2 : i32
    %mul3A_0 = arith.muli %arg1, %mul3A : i32
    %add3A = arith.addi %mul3A_0, %arg0 : i32
    %broadcast_in_dim3A = arith.constant 0.000000e+00 : f32
    %broadcast_in_dim3A_1 = vector.broadcast %broadcast_in_dim3A : f32 to vector<16xf32>
    %mul3A_2 = arith.constant 4 : i32
    %mul3A_3 = arith.muli %add3A, %mul3A_2 : i32
    %add3A_4 = arith.constant 0 : i32
    %add3A_5 = arith.addi %mul3A_3, %add3A_4 : i32
    %mul3A_6 = arith.constant 80 : i32
    %mul3A_7 = arith.muli %add3A_5, %mul3A_6 : i32
    "tpu.region"() ({
      %run_scoped3A = tpu.sem_alloc : memref<!tpu.dma_semaphore, #tpu.memory_space<semaphore_mem>>
      %dma_start3A_81 = arith.constant 0 : i32
      %dma_start3A_82 = tpu.memref_slice %arg3[%add3A_5, %dma_start3A_81] : memref<128x80xi32, #tpu.memory_space<hbm>> -> memref<1x80xi32, #tpu.memory_space<hbm>>
      %dma_start3A_83 = tpu.memref_squeeze %dma_start3A_82 : memref<1x80xi32, #tpu.memory_space<hbm>> -> memref<80xi32, #tpu.memory_space<hbm>>
      %dma_start3A_84 = arith.constant 0 : i32
      %dma_start3A_85 = tpu.memref_slice %arg3[%add3A_5, %dma_start3A_84] : memref<128x80xi32, #tpu.memory_space<hbm>> -> memref<1x80xi32, #tpu.memory_space<hbm>>
      %dma_start3A_86 = tpu.memref_squeeze %dma_start3A_85 : memref<1x80xi32, #tpu.memory_space<hbm>> -> memref<80xi32, #tpu.memory_space<hbm>>
      tpu.enqueue_dma source(%dma_start3A_86 : memref<80xi32, #tpu.memory_space<hbm>>) target(%arg7 : memref<80xi32, #tpu.memory_space<vmem>>) target_semaphore(%run_scoped3A : memref<!tpu.dma_semaphore, #tpu.memory_space<semaphore_mem>>)
      %dma_wait3A_87 = arith.constant 0 : i32
      %dma_wait3A_88 = tpu.memref_slice %arg3[%add3A_5, %dma_wait3A_87] : memref<128x80xi32, #tpu.memory_space<hbm>> -> memref<1x80xi32, #tpu.memory_space<hbm>>
      %dma_wait3A_89 = tpu.memref_squeeze %dma_wait3A_88 : memref<1x80xi32, #tpu.memory_space<hbm>> -> memref<80xi32, #tpu.memory_space<hbm>>
      %dma_wait3A_90 = arith.constant 0 : i32
      %dma_wait3A_91 = tpu.memref_slice %arg3[%add3A_5, %dma_wait3A_90] : memref<128x80xi32, #tpu.memory_space<hbm>> -> memref<1x80xi32, #tpu.memory_space<hbm>>
      %dma_wait3A_92 = tpu.memref_squeeze %dma_wait3A_91 : memref<1x80xi32, #tpu.memory_space<hbm>> -> memref<80xi32, #tpu.memory_space<hbm>>
      tpu.wait_dma2 semaphore(%run_scoped3A : memref<!tpu.dma_semaphore, #tpu.memory_space<semaphore_mem>>) src(%dma_wait3A_92 : memref<80xi32, #tpu.memory_space<hbm>>) dst(%arg7 : memref<80xi32, #tpu.memory_space<vmem>>)
      tpu.yield
    }) : () -> ()
    %dma_start3A = arith.constant 0 : i32
    %dma_start3A_8 = arith.constant 0 : i32
    %dma_start3A_9 = tpu.memref_slice %arg2[%dma_start3A, %dma_start3A_8] : memref<8192x512xf32, #tpu.memory_space<hbm>> -> memref<8192x512xf32, #tpu.memory_space<hbm>>
    tpu.enqueue_indirect_dma source(%dma_start3A_9 : memref<8192x512xf32, #tpu.memory_space<hbm>>) target(%arg8 : memref<80x512xf32, #tpu.memory_space<vmem>>) offsets(%arg7 : memref<80xi32, #tpu.memory_space<vmem>>) semaphore(%arg11 : memref<!tpu.dma_semaphore, #tpu.memory_space<semaphore_mem>>)
    %dma_wait3A = arith.constant 0 : i32
    %dma_wait3A_10 = arith.constant 0 : i32
    %dma_wait3A_11 = tpu.memref_slice %arg2[%dma_wait3A, %dma_wait3A_10] : memref<8192x512xf32, #tpu.memory_space<hbm>> -> memref<8192x512xf32, #tpu.memory_space<hbm>>
    tpu.wait_indirect_dma semaphore(%arg11 : memref<!tpu.dma_semaphore, #tpu.memory_space<semaphore_mem>>) src(%dma_wait3A_11 : memref<8192x512xf32, #tpu.memory_space<hbm>>) dst(%arg8 : memref<80x512xf32, #tpu.memory_space<vmem>>)
    "tpu.region"() ({
      %run_scoped3A = tpu.sem_alloc : memref<!tpu.dma_semaphore, #tpu.memory_space<semaphore_mem>>
      %dma_start3A_81 = arith.constant 0 : i32
      %dma_start3A_82 = tpu.memref_slice %arg4[%mul3A_7, %dma_start3A_81] : memref<10240x512xf32, #tpu.memory_space<hbm>> -> memref<80x512xf32, #tpu.memory_space<hbm>>
      %dma_start3A_83 = arith.constant 0 : i32
      %dma_start3A_84 = tpu.memref_slice %arg4[%mul3A_7, %dma_start3A_83] : memref<10240x512xf32, #tpu.memory_space<hbm>> -> memref<80x512xf32, #tpu.memory_space<hbm>>
      tpu.enqueue_dma source(%dma_start3A_84 : memref<80x512xf32, #tpu.memory_space<hbm>>) target(%arg9 : memref<80x512xf32, #tpu.memory_space<vmem>>) target_semaphore(%run_scoped3A : memref<!tpu.dma_semaphore, #tpu.memory_space<semaphore_mem>>)
      %dma_wait3A_85 = arith.constant 0 : i32
      %dma_wait3A_86 = tpu.memref_slice %arg4[%mul3A_7, %dma_wait3A_85] : memref<10240x512xf32, #tpu.memory_space<hbm>> -> memref<80x512xf32, #tpu.memory_space<hbm>>
      %dma_wait3A_87 = arith.constant 0 : i32
      %dma_wait3A_88 = tpu.memref_slice %arg4[%mul3A_7, %dma_wait3A_87] : memref<10240x512xf32, #tpu.memory_space<hbm>> -> memref<80x512xf32, #tpu.memory_space<hbm>>
      tpu.wait_dma2 semaphore(%run_scoped3A : memref<!tpu.dma_semaphore, #tpu.memory_space<semaphore_mem>>) src(%dma_wait3A_88 : memref<80x512xf32, #tpu.memory_space<hbm>>) dst(%arg9 : memref<80x512xf32, #tpu.memory_space<vmem>>)
      tpu.yield
    }) : () -> ()
    %scan3A = arith.constant 0 : i32
    %scan3A_12 = arith.constant 80 : i32
    %scan3A_13 = arith.addi %scan3A, %scan3A_12 : i32
    %scan3A_14 = arith.constant 1 : i32
    %scan3A_15:8 = scf.for %scan3A_81 = %scan3A to %scan3A_13 step %scan3A_14 iter_args(%scan3A_82 = %broadcast_in_dim3A_1, %scan3A_83 = %broadcast_in_dim3A_1, %scan3A_84 = %broadcast_in_dim3A_1, %scan3A_85 = %broadcast_in_dim3A_1, %scan3A_86 = %broadcast_in_dim3A_1, %scan3A_87 = %broadcast_in_dim3A_1, %scan3A_88 = %broadcast_in_dim3A_1, %scan3A_89 = %broadcast_in_dim3A_1) -> (vector<16xf32>, vector<16xf32>, vector<16xf32>, vector<16xf32>, vector<16xf32>, vector<16xf32>, vector<16xf32>, vector<16xf32>)  : i32 {
      %get3A = arith.index_cast %scan3A_81 : i32 to index
      %get3A_90 = arith.constant 0 : index
      %get3A_91 = tpu.vector_load %arg8[%get3A, %get3A_90] {strides = array<i32>} : memref<80x512xf32, #tpu.memory_space<vmem>>, vector<1x16xf32>,
      %get3A_92 = vector.shape_cast %get3A_91 : vector<1x16xf32> to vector<16xf32>
      %get3A_93 = arith.index_cast %scan3A_81 : i32 to index
      %get3A_94 = arith.constant 0 : index
      %get3A_95 = tpu.vector_load %arg9[%get3A_93, %get3A_94] {strides = array<i32>} : memref<80x512xf32, #tpu.memory_space<vmem>>, vector<1x16xf32>,
      %get3A_96 = vector.shape_cast %get3A_95 : vector<1x16xf32> to vector<16xf32>
      %sub3A = arith.subf %get3A_92, %get3A_96 : vector<16xf32>
      %add3A_97 = arith.addf %get3A_96, %sub3A : vector<16xf32>
      %swap3A_98 = arith.index_cast %scan3A_81 : i32 to index
      %swap3A_99 = arith.constant 0 : index
      %swap3A_100 = tpu.vector_load %arg8[%swap3A_98, %swap3A_99] {strides = array<i32>} : memref<80x512xf32, #tpu.memory_space<vmem>>, vector<1x16xf32>,
      %swap3A_101 = vector.shape_cast %swap3A_100 : vector<1x16xf32> to vector<16xf32>
      %swap3A_102 = vector.shape_cast %add3A_97 : vector<16xf32> to vector<1x16xf32>
      tpu.vector_store %arg8[%swap3A_98, %swap3A_99], %swap3A_102 {strides = array<i32>} : memref<80x512xf32, #tpu.memory_space<vmem>>, vector<1x16xf32>,
      %mul3A_103 = arith.mulf %sub3A, %sub3A : vector<16xf32>
      %add3A_104 = arith.addf %scan3A_82, %mul3A_103 : vector<16xf32>
      %get3A_105 = arith.index_cast %scan3A_81 : i32 to index
      %get3A_106 = arith.constant 16 : index
      %get3A_107 = tpu.vector_load %arg8[%get3A_105, %get3A_106] {strides = array<i32>} : memref<80x512xf32, #tpu.memory_space<vmem>>, vector<1x16xf32>,
      %get3A_108 = vector.shape_cast %get3A_107 : vector<1x16xf32> to vector<16xf32>
      %get3A_109 = arith.index_cast %scan3A_81 : i32 to index
      %get3A_110 = arith.constant 16 : index
      %get3A_111 = tpu.vector_load %arg9[%get3A_109, %get3A_110] {strides = array<i32>} : memref<80x512xf32, #tpu.memory_space<vmem>>, vector<1x16xf32>,
      %get3A_112 = vector.shape_cast %get3A_111 : vector<1x16xf32> to vector<16xf32>
      %sub3A_113 = arith.subf %get3A_108, %get3A_112 : vector<16xf32>
      %add3A_114 = arith.addf %get3A_112, %sub3A_113 : vector<16xf32>
      %swap3A_115 = arith.index_cast %scan3A_81 : i32 to index
      %swap3A_116 = arith.constant 16 : index
      %swap3A_117 = tpu.vector_load %arg8[%swap3A_115, %swap3A_116] {strides = array<i32>} : memref<80x512xf32, #tpu.memory_space<vmem>>, vector<1x16xf32>,
      %swap3A_118 = vector.shape_cast %swap3A_117 : vector<1x16xf32> to vector<16xf32>
      %swap3A_119 = vector.shape_cast %add3A_114 : vector<16xf32> to vector<1x16xf32>
      tpu.vector_store %arg8[%swap3A_115, %swap3A_116], %swap3A_119 {strides = array<i32>} : memref<80x512xf32, #tpu.memory_space<vmem>>, vector<1x16xf32>,
      %mul3A_120 = arith.mulf %sub3A_113, %sub3A_113 : vector<16xf32>
      %add3A_121 = arith.addf %scan3A_83, %mul3A_120 : vector<16xf32>
      %get3A_122 = arith.index_cast %scan3A_81 : i32 to index
      %get3A_123 = arith.constant 32 : index
      %get3A_124 = tpu.vector_load %arg8[%get3A_122, %get3A_123] {strides = array<i32>} : memref<80x512xf32, #tpu.memory_space<vmem>>, vector<1x16xf32>,
      %get3A_125 = vector.shape_cast %get3A_124 : vector<1x16xf32> to vector<16xf32>
      %get3A_126 = arith.index_cast %scan3A_81 : i32 to index
      %get3A_127 = arith.constant 32 : index
      %get3A_128 = tpu.vector_load %arg9[%get3A_126, %get3A_127] {strides = array<i32>} : memref<80x512xf32, #tpu.memory_space<vmem>>, vector<1x16xf32>,
      %get3A_129 = vector.shape_cast %get3A_128 : vector<1x16xf32> to vector<16xf32>
      %sub3A_130 = arith.subf %get3A_125, %get3A_129 : vector<16xf32>
      %add3A_131 = arith.addf %get3A_129, %sub3A_130 : vector<16xf32>
      %swap3A_132 = arith.index_cast %scan3A_81 : i32 to index
      %swap3A_133 = arith.constant 32 : index
      %swap3A_134 = tpu.vector_load %arg8[%swap3A_132, %swap3A_133] {strides = array<i32>} : memref<80x512xf32, #tpu.memory_space<vmem>>, vector<1x16xf32>,
      %swap3A_135 = vector.shape_cast %swap3A_134 : vector<1x16xf32> to vector<16xf32>
      %swap3A_136 = vector.shape_cast %add3A_131 : vector<16xf32> to vector<1x16xf32>
      tpu.vector_store %arg8[%swap3A_132, %swap3A_133], %swap3A_136 {strides = array<i32>} : memref<80x512xf32, #tpu.memory_space<vmem>>, vector<1x16xf32>,
      %mul3A_137 = arith.mulf %sub3A_130, %sub3A_130 : vector<16xf32>
      %add3A_138 = arith.addf %scan3A_84, %mul3A_137 : vector<16xf32>
      %get3A_139 = arith.index_cast %scan3A_81 : i32 to index
      %get3A_140 = arith.constant 48 : index
      %get3A_141 = tpu.vector_load %arg8[%get3A_139, %get3A_140] {strides = array<i32>} : memref<80x512xf32, #tpu.memory_space<vmem>>, vector<1x16xf32>,
      %get3A_142 = vector.shape_cast %get3A_141 : vector<1x16xf32> to vector<16xf32>
      %get3A_143 = arith.index_cast %scan3A_81 : i32 to index
      %get3A_144 = arith.constant 48 : index
      %get3A_145 = tpu.vector_load %arg9[%get3A_143, %get3A_144] {strides = array<i32>} : memref<80x512xf32, #tpu.memory_space<vmem>>, vector<1x16xf32>,
      %get3A_146 = vector.shape_cast %get3A_145 : vector<1x16xf32> to vector<16xf32>
      %sub3A_147 = arith.subf %get3A_142, %get3A_146 : vector<16xf32>
      %add3A_148 = arith.addf %get3A_146, %sub3A_147 : vector<16xf32>
      %swap3A_149 = arith.index_cast %scan3A_81 : i32 to index
      %swap3A_150 = arith.constant 48 : index
      %swap3A_151 = tpu.vector_load %arg8[%swap3A_149, %swap3A_150] {strides = array<i32>} : memref<80x512xf32, #tpu.memory_space<vmem>>, vector<1x16xf32>,
      %swap3A_152 = vector.shape_cast %swap3A_151 : vector<1x16xf32> to vector<16xf32>
      %swap3A_153 = vector.shape_cast %add3A_148 : vector<16xf32> to vector<1x16xf32>
      tpu.vector_store %arg8[%swap3A_149, %swap3A_150], %swap3A_153 {strides = array<i32>} : memref<80x512xf32, #tpu.memory_space<vmem>>, vector<1x16xf32>,
      %mul3A_154 = arith.mulf %sub3A_147, %sub3A_147 : vector<16xf32>
      %add3A_155 = arith.addf %scan3A_85, %mul3A_154 : vector<16xf32>
      %get3A_156 = arith.index_cast %scan3A_81 : i32 to index
      %get3A_157 = arith.constant 64 : index
      %get3A_158 = tpu.vector_load %arg8[%get3A_156, %get3A_157] {strides = array<i32>} : memref<80x512xf32, #tpu.memory_space<vmem>>, vector<1x16xf32>,
      %get3A_159 = vector.shape_cast %get3A_158 : vector<1x16xf32> to vector<16xf32>
      %get3A_160 = arith.index_cast %scan3A_81 : i32 to index
      %get3A_161 = arith.constant 64 : index
      %get3A_162 = tpu.vector_load %arg9[%get3A_160, %get3A_161] {strides = array<i32>} : memref<80x512xf32, #tpu.memory_space<vmem>>, vector<1x16xf32>,
      %get3A_163 = vector.shape_cast %get3A_162 : vector<1x16xf32> to vector<16xf32>
      %sub3A_164 = arith.subf %get3A_159, %get3A_163 : vector<16xf32>
      %add3A_165 = arith.addf %get3A_163, %sub3A_164 : vector<16xf32>
      %swap3A_166 = arith.index_cast %scan3A_81 : i32 to index
      %swap3A_167 = arith.constant 64 : index
      %swap3A_168 = tpu.vector_load %arg8[%swap3A_166, %swap3A_167] {strides = array<i32>} : memref<80x512xf32, #tpu.memory_space<vmem>>, vector<1x16xf32>,
      %swap3A_169 = vector.shape_cast %swap3A_168 : vector<1x16xf32> to vector<16xf32>
      %swap3A_170 = vector.shape_cast %add3A_165 : vector<16xf32> to vector<1x16xf32>
      tpu.vector_store %arg8[%swap3A_166, %swap3A_167], %swap3A_170 {strides = array<i32>} : memref<80x512xf32, #tpu.memory_space<vmem>>, vector<1x16xf32>,
      %mul3A_171 = arith.mulf %sub3A_164, %sub3A_164 : vector<16xf32>
      %add3A_172 = arith.addf %scan3A_86, %mul3A_171 : vector<16xf32>
      %get3A_173 = arith.index_cast %scan3A_81 : i32 to index
      %get3A_174 = arith.constant 80 : index
      %get3A_175 = tpu.vector_load %arg8[%get3A_173, %get3A_174] {strides = array<i32>} : memref<80x512xf32, #tpu.memory_space<vmem>>, vector<1x16xf32>,
      %get3A_176 = vector.shape_cast %get3A_175 : vector<1x16xf32> to vector<16xf32>
      %get3A_177 = arith.index_cast %scan3A_81 : i32 to index
      %get3A_178 = arith.constant 80 : index
      %get3A_179 = tpu.vector_load %arg9[%get3A_177, %get3A_178] {strides = array<i32>} : memref<80x512xf32, #tpu.memory_space<vmem>>, vector<1x16xf32>,
      %get3A_180 = vector.shape_cast %get3A_179 : vector<1x16xf32> to vector<16xf32>
      %sub3A_181 = arith.subf %get3A_176, %get3A_180 : vector<16xf32>
      %add3A_182 = arith.addf %get3A_180, %sub3A_181 : vector<16xf32>
      %swap3A_183 = arith.index_cast %scan3A_81 : i32 to index
      %swap3A_184 = arith.constant 80 : index
      %swap3A_185 = tpu.vector_load %arg8[%swap3A_183, %swap3A_184] {strides = array<i32>} : memref<80x512xf32, #tpu.memory_space<vmem>>, vector<1x16xf32>,
      %swap3A_186 = vector.shape_cast %swap3A_185 : vector<1x16xf32> to vector<16xf32>
      %swap3A_187 = vector.shape_cast %add3A_182 : vector<16xf32> to vector<1x16xf32>
      tpu.vector_store %arg8[%swap3A_183, %swap3A_184], %swap3A_187 {strides = array<i32>} : memref<80x512xf32, #tpu.memory_space<vmem>>, vector<1x16xf32>,
      %mul3A_188 = arith.mulf %sub3A_181, %sub3A_181 : vector<16xf32>
      %add3A_189 = arith.addf %scan3A_87, %mul3A_188 : vector<16xf32>
      %get3A_190 = arith.index_cast %scan3A_81 : i32 to index
      %get3A_191 = arith.constant 96 : index
      %get3A_192 = tpu.vector_load %arg8[%get3A_190, %get3A_191] {strides = array<i32>} : memref<80x512xf32, #tpu.memory_space<vmem>>, vector<1x16xf32>,
      %get3A_193 = vector.shape_cast %get3A_192 : vector<1x16xf32> to vector<16xf32>
      %get3A_194 = arith.index_cast %scan3A_81 : i32 to index
      %get3A_195 = arith.constant 96 : index
      %get3A_196 = tpu.vector_load %arg9[%get3A_194, %get3A_195] {strides = array<i32>} : memref<80x512xf32, #tpu.memory_space<vmem>>, vector<1x16xf32>,
      %get3A_197 = vector.shape_cast %get3A_196 : vector<1x16xf32> to vector<16xf32>
      %sub3A_198 = arith.subf %get3A_193, %get3A_197 : vector<16xf32>
      %add3A_199 = arith.addf %get3A_197, %sub3A_198 : vector<16xf32>
      %swap3A_200 = arith.index_cast %scan3A_81 : i32 to index
      %swap3A_201 = arith.constant 96 : index
      %swap3A_202 = tpu.vector_load %arg8[%swap3A_200, %swap3A_201] {strides = array<i32>} : memref<80x512xf32, #tpu.memory_space<vmem>>, vector<1x16xf32>,
      %swap3A_203 = vector.shape_cast %swap3A_202 : vector<1x16xf32> to vector<16xf32>
      %swap3A_204 = vector.shape_cast %add3A_199 : vector<16xf32> to vector<1x16xf32>
      tpu.vector_store %arg8[%swap3A_200, %swap3A_201], %swap3A_204 {strides = array<i32>} : memref<80x512xf32, #tpu.memory_space<vmem>>, vector<1x16xf32>,
      %mul3A_205 = arith.mulf %sub3A_198, %sub3A_198 : vector<16xf32>
      %add3A_206 = arith.addf %scan3A_88, %mul3A_205 : vector<16xf32>
      %get3A_207 = arith.index_cast %scan3A_81 : i32 to index
      %get3A_208 = arith.constant 112 : index
      %get3A_209 = tpu.vector_load %arg8[%get3A_207, %get3A_208] {strides = array<i32>} : memref<80x512xf32, #tpu.memory_space<vmem>>, vector<1x16xf32>,
      %get3A_210 = vector.shape_cast %get3A_209 : vector<1x16xf32> to vector<16xf32>
      %get3A_211 = arith.index_cast %scan3A_81 : i32 to index
      %get3A_212 = arith.constant 112 : index
      %get3A_213 = tpu.vector_load %arg9[%get3A_211, %get3A_212] {strides = array<i32>} : memref<80x512xf32, #tpu.memory_space<vmem>>, vector<1x16xf32>,
      %get3A_214 = vector.shape_cast %get3A_213 : vector<1x16xf32> to vector<16xf32>
      %sub3A_215 = arith.subf %get3A_210, %get3A_214 : vector<16xf32>
      %add3A_216 = arith.addf %get3A_214, %sub3A_215 : vector<16xf32>
      %swap3A_217 = arith.index_cast %scan3A_81 : i32 to index
      %swap3A_218 = arith.constant 112 : index
      %swap3A_219 = tpu.vector_load %arg8[%swap3A_217, %swap3A_218] {strides = array<i32>} : memref<80x512xf32, #tpu.memory_space<vmem>>, vector<1x16xf32>,
      %swap3A_220 = vector.shape_cast %swap3A_219 : vector<1x16xf32> to vector<16xf32>
      %swap3A_221 = vector.shape_cast %add3A_216 : vector<16xf32> to vector<1x16xf32>
      tpu.vector_store %arg8[%swap3A_217, %swap3A_218], %swap3A_221 {strides = array<i32>} : memref<80x512xf32, #tpu.memory_space<vmem>>, vector<1x16xf32>,
      %mul3A_222 = arith.mulf %sub3A_215, %sub3A_215 : vector<16xf32>
      %add3A_223 = arith.addf %scan3A_89, %mul3A_222 : vector<16xf32>
      %get3A_224 = arith.index_cast %scan3A_81 : i32 to index
      %get3A_225 = arith.constant 128 : index
      %get3A_226 = tpu.vector_load %arg8[%get3A_224, %get3A_225] {strides = array<i32>} : memref<80x512xf32, #tpu.memory_space<vmem>>, vector<1x16xf32>,
      %get3A_227 = vector.shape_cast %get3A_226 : vector<1x16xf32> to vector<16xf32>
      %get3A_228 = arith.index_cast %scan3A_81 : i32 to index
      %get3A_229 = arith.constant 128 : index
      %get3A_230 = tpu.vector_load %arg9[%get3A_228, %get3A_229] {strides = array<i32>} : memref<80x512xf32, #tpu.memory_space<vmem>>, vector<1x16xf32>,
      %get3A_231 = vector.shape_cast %get3A_230 : vector<1x16xf32> to vector<16xf32>
      %sub3A_232 = arith.subf %get3A_227, %get3A_231 : vector<16xf32>
      %add3A_233 = arith.addf %get3A_231, %sub3A_232 : vector<16xf32>
      %swap3A_234 = arith.index_cast %scan3A_81 : i32 to index
      %swap3A_235 = arith.constant 128 : index
      %swap3A_236 = tpu.vector_load %arg8[%swap3A_234, %swap3A_235] {strides = array<i32>} : memref<80x512xf32, #tpu.memory_space<vmem>>, vector<1x16xf32>,
      %swap3A_237 = vector.shape_cast %swap3A_236 : vector<1x16xf32> to vector<16xf32>
      %swap3A_238 = vector.shape_cast %add3A_233 : vector<16xf32> to vector<1x16xf32>
      tpu.vector_store %arg8[%swap3A_234, %swap3A_235], %swap3A_238 {strides = array<i32>} : memref<80x512xf32, #tpu.memory_space<vmem>>, vector<1x16xf32>,
      %mul3A_239 = arith.mulf %sub3A_232, %sub3A_232 : vector<16xf32>
      %add3A_240 = arith.addf %add3A_104, %mul3A_239 : vector<16xf32>
      %get3A_241 = arith.index_cast %scan3A_81 : i32 to index
      %get3A_242 = arith.constant 144 : index
      %get3A_243 = tpu.vector_load %arg8[%get3A_241, %get3A_242] {strides = array<i32>} : memref<80x512xf32, #tpu.memory_space<vmem>>, vector<1x16xf32>,
      %get3A_244 = vector.shape_cast %get3A_243 : vector<1x16xf32> to vector<16xf32>
      %get3A_245 = arith.index_cast %scan3A_81 : i32 to index
      %get3A_246 = arith.constant 144 : index
      %get3A_247 = tpu.vector_load %arg9[%get3A_245, %get3A_246] {strides = array<i32>} : memref<80x512xf32, #tpu.memory_space<vmem>>, vector<1x16xf32>,
      %get3A_248 = vector.shape_cast %get3A_247 : vector<1x16xf32> to vector<16xf32>
      %sub3A_249 = arith.subf %get3A_244, %get3A_248 : vector<16xf32>
      %add3A_250 = arith.addf %get3A_248, %sub3A_249 : vector<16xf32>
      %swap3A_251 = arith.index_cast %scan3A_81 : i32 to index
      %swap3A_252 = arith.constant 144 : index
      %swap3A_253 = tpu.vector_load %arg8[%swap3A_251, %swap3A_252] {strides = array<i32>} : memref<80x512xf32, #tpu.memory_space<vmem>>, vector<1x16xf32>,
      %swap3A_254 = vector.shape_cast %swap3A_253 : vector<1x16xf32> to vector<16xf32>
      %swap3A_255 = vector.shape_cast %add3A_250 : vector<16xf32> to vector<1x16xf32>
      tpu.vector_store %arg8[%swap3A_251, %swap3A_252], %swap3A_255 {strides = array<i32>} : memref<80x512xf32, #tpu.memory_space<vmem>>, vector<1x16xf32>,
      %mul3A_256 = arith.mulf %sub3A_249, %sub3A_249 : vector<16xf32>
      %add3A_257 = arith.addf %add3A_121, %mul3A_256 : vector<16xf32>
      %get3A_258 = arith.index_cast %scan3A_81 : i32 to index
      %get3A_259 = arith.constant 160 : index
      %get3A_260 = tpu.vector_load %arg8[%get3A_258, %get3A_259] {strides = array<i32>} : memref<80x512xf32, #tpu.memory_space<vmem>>, vector<1x16xf32>,
      %get3A_261 = vector.shape_cast %get3A_260 : vector<1x16xf32> to vector<16xf32>
      %get3A_262 = arith.index_cast %scan3A_81 : i32 to index
      %get3A_263 = arith.constant 160 : index
      %get3A_264 = tpu.vector_load %arg9[%get3A_262, %get3A_263] {strides = array<i32>} : memref<80x512xf32, #tpu.memory_space<vmem>>, vector<1x16xf32>,
      %get3A_265 = vector.shape_cast %get3A_264 : vector<1x16xf32> to vector<16xf32>
      %sub3A_266 = arith.subf %get3A_261, %get3A_265 : vector<16xf32>
      %add3A_267 = arith.addf %get3A_265, %sub3A_266 : vector<16xf32>
      %swap3A_268 = arith.index_cast %scan3A_81 : i32 to index
      %swap3A_269 = arith.constant 160 : index
      %swap3A_270 = tpu.vector_load %arg8[%swap3A_268, %swap3A_269] {strides = array<i32>} : memref<80x512xf32, #tpu.memory_space<vmem>>, vector<1x16xf32>,
      %swap3A_271 = vector.shape_cast %swap3A_270 : vector<1x16xf32> to vector<16xf32>
      %swap3A_272 = vector.shape_cast %add3A_267 : vector<16xf32> to vector<1x16xf32>
      tpu.vector_store %arg8[%swap3A_268, %swap3A_269], %swap3A_272 {strides = array<i32>} : memref<80x512xf32, #tpu.memory_space<vmem>>, vector<1x16xf32>,
      %mul3A_273 = arith.mulf %sub3A_266, %sub3A_266 : vector<16xf32>
      %add3A_274 = arith.addf %add3A_138, %mul3A_273 : vector<16xf32>
      %get3A_275 = arith.index_cast %scan3A_81 : i32 to index
      %get3A_276 = arith.constant 176 : index
      %get3A_277 = tpu.vector_load %arg8[%get3A_275, %get3A_276] {strides = array<i32>} : memref<80x512xf32, #tpu.memory_space<vmem>>, vector<1x16xf32>,
      %get3A_278 = vector.shape_cast %get3A_277 : vector<1x16xf32> to vector<16xf32>
      %get3A_279 = arith.index_cast %scan3A_81 : i32 to index
      %get3A_280 = arith.constant 176 : index
      %get3A_281 = tpu.vector_load %arg9[%get3A_279, %get3A_280] {strides = array<i32>} : memref<80x512xf32, #tpu.memory_space<vmem>>, vector<1x16xf32>,
      %get3A_282 = vector.shape_cast %get3A_281 : vector<1x16xf32> to vector<16xf32>
      %sub3A_283 = arith.subf %get3A_278, %get3A_282 : vector<16xf32>
      %add3A_284 = arith.addf %get3A_282, %sub3A_283 : vector<16xf32>
      %swap3A_285 = arith.index_cast %scan3A_81 : i32 to index
      %swap3A_286 = arith.constant 176 : index
      %swap3A_287 = tpu.vector_load %arg8[%swap3A_285, %swap3A_286] {strides = array<i32>} : memref<80x512xf32, #tpu.memory_space<vmem>>, vector<1x16xf32>,
      %swap3A_288 = vector.shape_cast %swap3A_287 : vector<1x16xf32> to vector<16xf32>
      %swap3A_289 = vector.shape_cast %add3A_284 : vector<16xf32> to vector<1x16xf32>
      tpu.vector_store %arg8[%swap3A_285, %swap3A_286], %swap3A_289 {strides = array<i32>} : memref<80x512xf32, #tpu.memory_space<vmem>>, vector<1x16xf32>,
      %mul3A_290 = arith.mulf %sub3A_283, %sub3A_283 : vector<16xf32>
      %add3A_291 = arith.addf %add3A_155, %mul3A_290 : vector<16xf32>
      %get3A_292 = arith.index_cast %scan3A_81 : i32 to index
      %get3A_293 = arith.constant 192 : index
      %get3A_294 = tpu.vector_load %arg8[%get3A_292, %get3A_293] {strides = array<i32>} : memref<80x512xf32, #tpu.memory_space<vmem>>, vector<1x16xf32>,
      %get3A_295 = vector.shape_cast %get3A_294 : vector<1x16xf32> to vector<16xf32>
      %get3A_296 = arith.index_cast %scan3A_81 : i32 to index
      %get3A_297 = arith.constant 192 : index
      %get3A_298 = tpu.vector_load %arg9[%get3A_296, %get3A_297] {strides = array<i32>} : memref<80x512xf32, #tpu.memory_space<vmem>>, vector<1x16xf32>,
      %get3A_299 = vector.shape_cast %get3A_298 : vector<1x16xf32> to vector<16xf32>
      %sub3A_300 = arith.subf %get3A_295, %get3A_299 : vector<16xf32>
      %add3A_301 = arith.addf %get3A_299, %sub3A_300 : vector<16xf32>
      %swap3A_302 = arith.index_cast %scan3A_81 : i32 to index
      %swap3A_303 = arith.constant 192 : index
      %swap3A_304 = tpu.vector_load %arg8[%swap3A_302, %swap3A_303] {strides = array<i32>} : memref<80x512xf32, #tpu.memory_space<vmem>>, vector<1x16xf32>,
      %swap3A_305 = vector.shape_cast %swap3A_304 : vector<1x16xf32> to vector<16xf32>
      %swap3A_306 = vector.shape_cast %add3A_301 : vector<16xf32> to vector<1x16xf32>
      tpu.vector_store %arg8[%swap3A_302, %swap3A_303], %swap3A_306 {strides = array<i32>} : memref<80x512xf32, #tpu.memory_space<vmem>>, vector<1x16xf32>,
      %mul3A_307 = arith.mulf %sub3A_300, %sub3A_300 : vector<16xf32>
      %add3A_308 = arith.addf %add3A_172, %mul3A_307 : vector<16xf32>
      %get3A_309 = arith.index_cast %scan3A_81 : i32 to index
      %get3A_310 = arith.constant 208 : index
      %get3A_311 = tpu.vector_load %arg8[%get3A_309, %get3A_310] {strides = array<i32>} : memref<80x512xf32, #tpu.memory_space<vmem>>, vector<1x16xf32>,
      %get3A_312 = vector.shape_cast %get3A_311 : vector<1x16xf32> to vector<16xf32>
      %get3A_313 = arith.index_cast %scan3A_81 : i32 to index
      %get3A_314 = arith.constant 208 : index
      %get3A_315 = tpu.vector_load %arg9[%get3A_313, %get3A_314] {strides = array<i32>} : memref<80x512xf32, #tpu.memory_space<vmem>>, vector<1x16xf32>,
      %get3A_316 = vector.shape_cast %get3A_315 : vector<1x16xf32> to vector<16xf32>
      %sub3A_317 = arith.subf %get3A_312, %get3A_316 : vector<16xf32>
      %add3A_318 = arith.addf %get3A_316, %sub3A_317 : vector<16xf32>
      %swap3A_319 = arith.index_cast %scan3A_81 : i32 to index
      %swap3A_320 = arith.constant 208 : index
      %swap3A_321 = tpu.vector_load %arg8[%swap3A_319, %swap3A_320] {strides = array<i32>} : memref<80x512xf32, #tpu.memory_space<vmem>>, vector<1x16xf32>,
      %swap3A_322 = vector.shape_cast %swap3A_321 : vector<1x16xf32> to vector<16xf32>
      %swap3A_323 = vector.shape_cast %add3A_318 : vector<16xf32> to vector<1x16xf32>
      tpu.vector_store %arg8[%swap3A_319, %swap3A_320], %swap3A_323 {strides = array<i32>} : memref<80x512xf32, #tpu.memory_space<vmem>>, vector<1x16xf32>,
      %mul3A_324 = arith.mulf %sub3A_317, %sub3A_317 : vector<16xf32>
      %add3A_325 = arith.addf %add3A_189, %mul3A_324 : vector<16xf32>
      %get3A_326 = arith.index_cast %scan3A_81 : i32 to index
      %get3A_327 = arith.constant 224 : index
      %get3A_328 = tpu.vector_load %arg8[%get3A_326, %get3A_327] {strides = array<i32>} : memref<80x512xf32, #tpu.memory_space<vmem>>, vector<1x16xf32>,
      %get3A_329 = vector.shape_cast %get3A_328 : vector<1x16xf32> to vector<16xf32>
      %get3A_330 = arith.index_cast %scan3A_81 : i32 to index
      %get3A_331 = arith.constant 224 : index
      %get3A_332 = tpu.vector_load %arg9[%get3A_330, %get3A_331] {strides = array<i32>} : memref<80x512xf32, #tpu.memory_space<vmem>>, vector<1x16xf32>,
      %get3A_333 = vector.shape_cast %get3A_332 : vector<1x16xf32> to vector<16xf32>
      %sub3A_334 = arith.subf %get3A_329, %get3A_333 : vector<16xf32>
      %add3A_335 = arith.addf %get3A_333, %sub3A_334 : vector<16xf32>
      %swap3A_336 = arith.index_cast %scan3A_81 : i32 to index
      %swap3A_337 = arith.constant 224 : index
      %swap3A_338 = tpu.vector_load %arg8[%swap3A_336, %swap3A_337] {strides = array<i32>} : memref<80x512xf32, #tpu.memory_space<vmem>>, vector<1x16xf32>,
      %swap3A_339 = vector.shape_cast %swap3A_338 : vector<1x16xf32> to vector<16xf32>
      %swap3A_340 = vector.shape_cast %add3A_335 : vector<16xf32> to vector<1x16xf32>
      tpu.vector_store %arg8[%swap3A_336, %swap3A_337], %swap3A_340 {strides = array<i32>} : memref<80x512xf32, #tpu.memory_space<vmem>>, vector<1x16xf32>,
      %mul3A_341 = arith.mulf %sub3A_334, %sub3A_334 : vector<16xf32>
      %add3A_342 = arith.addf %add3A_206, %mul3A_341 : vector<16xf32>
      %get3A_343 = arith.index_cast %scan3A_81 : i32 to index
      %get3A_344 = arith.constant 240 : index
      %get3A_345 = tpu.vector_load %arg8[%get3A_343, %get3A_344] {strides = array<i32>} : memref<80x512xf32, #tpu.memory_space<vmem>>, vector<1x16xf32>,
      %get3A_346 = vector.shape_cast %get3A_345 : vector<1x16xf32> to vector<16xf32>
      %get3A_347 = arith.index_cast %scan3A_81 : i32 to index
      %get3A_348 = arith.constant 240 : index
      %get3A_349 = tpu.vector_load %arg9[%get3A_347, %get3A_348] {strides = array<i32>} : memref<80x512xf32, #tpu.memory_space<vmem>>, vector<1x16xf32>,
      %get3A_350 = vector.shape_cast %get3A_349 : vector<1x16xf32> to vector<16xf32>
      %sub3A_351 = arith.subf %get3A_346, %get3A_350 : vector<16xf32>
      %add3A_352 = arith.addf %get3A_350, %sub3A_351 : vector<16xf32>
      %swap3A_353 = arith.index_cast %scan3A_81 : i32 to index
      %swap3A_354 = arith.constant 240 : index
      %swap3A_355 = tpu.vector_load %arg8[%swap3A_353, %swap3A_354] {strides = array<i32>} : memref<80x512xf32, #tpu.memory_space<vmem>>, vector<1x16xf32>,
      %swap3A_356 = vector.shape_cast %swap3A_355 : vector<1x16xf32> to vector<16xf32>
      %swap3A_357 = vector.shape_cast %add3A_352 : vector<16xf32> to vector<1x16xf32>
      tpu.vector_store %arg8[%swap3A_353, %swap3A_354], %swap3A_357 {strides = array<i32>} : memref<80x512xf32, #tpu.memory_space<vmem>>, vector<1x16xf32>,
      %mul3A_358 = arith.mulf %sub3A_351, %sub3A_351 : vector<16xf32>
      %add3A_359 = arith.addf %add3A_223, %mul3A_358 : vector<16xf32>
      %get3A_360 = arith.index_cast %scan3A_81 : i32 to index
      %get3A_361 = arith.constant 256 : index
      %get3A_362 = tpu.vector_load %arg8[%get3A_360, %get3A_361] {strides = array<i32>} : memref<80x512xf32, #tpu.memory_space<vmem>>, vector<1x16xf32>,
      %get3A_363 = vector.shape_cast %get3A_362 : vector<1x16xf32> to vector<16xf32>
      %get3A_364 = arith.index_cast %scan3A_81 : i32 to index
      %get3A_365 = arith.constant 256 : index
      %get3A_366 = tpu.vector_load %arg9[%get3A_364, %get3A_365] {strides = array<i32>} : memref<80x512xf32, #tpu.memory_space<vmem>>, vector<1x16xf32>,
      %get3A_367 = vector.shape_cast %get3A_366 : vector<1x16xf32> to vector<16xf32>
      %sub3A_368 = arith.subf %get3A_363, %get3A_367 : vector<16xf32>
      %add3A_369 = arith.addf %get3A_367, %sub3A_368 : vector<16xf32>
      %swap3A_370 = arith.index_cast %scan3A_81 : i32 to index
      %swap3A_371 = arith.constant 256 : index
      %swap3A_372 = tpu.vector_load %arg8[%swap3A_370, %swap3A_371] {strides = array<i32>} : memref<80x512xf32, #tpu.memory_space<vmem>>, vector<1x16xf32>,
      %swap3A_373 = vector.shape_cast %swap3A_372 : vector<1x16xf32> to vector<16xf32>
      %swap3A_374 = vector.shape_cast %add3A_369 : vector<16xf32> to vector<1x16xf32>
      tpu.vector_store %arg8[%swap3A_370, %swap3A_371], %swap3A_374 {strides = array<i32>} : memref<80x512xf32, #tpu.memory_space<vmem>>, vector<1x16xf32>,
      %mul3A_375 = arith.mulf %sub3A_368, %sub3A_368 : vector<16xf32>
      %add3A_376 = arith.addf %add3A_240, %mul3A_375 : vector<16xf32>
      %get3A_377 = arith.index_cast %scan3A_81 : i32 to index
      %get3A_378 = arith.constant 272 : index
      %get3A_379 = tpu.vector_load %arg8[%get3A_377, %get3A_378] {strides = array<i32>} : memref<80x512xf32, #tpu.memory_space<vmem>>, vector<1x16xf32>,
      %get3A_380 = vector.shape_cast %get3A_379 : vector<1x16xf32> to vector<16xf32>
      %get3A_381 = arith.index_cast %scan3A_81 : i32 to index
      %get3A_382 = arith.constant 272 : index
      %get3A_383 = tpu.vector_load %arg9[%get3A_381, %get3A_382] {strides = array<i32>} : memref<80x512xf32, #tpu.memory_space<vmem>>, vector<1x16xf32>,
      %get3A_384 = vector.shape_cast %get3A_383 : vector<1x16xf32> to vector<16xf32>
      %sub3A_385 = arith.subf %get3A_380, %get3A_384 : vector<16xf32>
      %add3A_386 = arith.addf %get3A_384, %sub3A_385 : vector<16xf32>
      %swap3A_387 = arith.index_cast %scan3A_81 : i32 to index
      %swap3A_388 = arith.constant 272 : index
      %swap3A_389 = tpu.vector_load %arg8[%swap3A_387, %swap3A_388] {strides = array<i32>} : memref<80x512xf32, #tpu.memory_space<vmem>>, vector<1x16xf32>,
      %swap3A_390 = vector.shape_cast %swap3A_389 : vector<1x16xf32> to vector<16xf32>
      %swap3A_391 = vector.shape_cast %add3A_386 : vector<16xf32> to vector<1x16xf32>
      tpu.vector_store %arg8[%swap3A_387, %swap3A_388], %swap3A_391 {strides = array<i32>} : memref<80x512xf32, #tpu.memory_space<vmem>>, vector<1x16xf32>,
      %mul3A_392 = arith.mulf %sub3A_385, %sub3A_385 : vector<16xf32>
      %add3A_393 = arith.addf %add3A_257, %mul3A_392 : vector<16xf32>
      %get3A_394 = arith.index_cast %scan3A_81 : i32 to index
      %get3A_395 = arith.constant 288 : index
      %get3A_396 = tpu.vector_load %arg8[%get3A_394, %get3A_395] {strides = array<i32>} : memref<80x512xf32, #tpu.memory_space<vmem>>, vector<1x16xf32>,
      %get3A_397 = vector.shape_cast %get3A_396 : vector<1x16xf32> to vector<16xf32>
      %get3A_398 = arith.index_cast %scan3A_81 : i32 to index
      %get3A_399 = arith.constant 288 : index
      %get3A_400 = tpu.vector_load %arg9[%get3A_398, %get3A_399] {strides = array<i32>} : memref<80x512xf32, #tpu.memory_space<vmem>>, vector<1x16xf32>,
      %get3A_401 = vector.shape_cast %get3A_400 : vector<1x16xf32> to vector<16xf32>
      %sub3A_402 = arith.subf %get3A_397, %get3A_401 : vector<16xf32>
      %add3A_403 = arith.addf %get3A_401, %sub3A_402 : vector<16xf32>
      %swap3A_404 = arith.index_cast %scan3A_81 : i32 to index
      %swap3A_405 = arith.constant 288 : index
      %swap3A_406 = tpu.vector_load %arg8[%swap3A_404, %swap3A_405] {strides = array<i32>} : memref<80x512xf32, #tpu.memory_space<vmem>>, vector<1x16xf32>,
      %swap3A_407 = vector.shape_cast %swap3A_406 : vector<1x16xf32> to vector<16xf32>
      %swap3A_408 = vector.shape_cast %add3A_403 : vector<16xf32> to vector<1x16xf32>
      tpu.vector_store %arg8[%swap3A_404, %swap3A_405], %swap3A_408 {strides = array<i32>} : memref<80x512xf32, #tpu.memory_space<vmem>>, vector<1x16xf32>,
      %mul3A_409 = arith.mulf %sub3A_402, %sub3A_402 : vector<16xf32>
      %add3A_410 = arith.addf %add3A_274, %mul3A_409 : vector<16xf32>
      %get3A_411 = arith.index_cast %scan3A_81 : i32 to index
      %get3A_412 = arith.constant 304 : index
      %get3A_413 = tpu.vector_load %arg8[%get3A_411, %get3A_412] {strides = array<i32>} : memref<80x512xf32, #tpu.memory_space<vmem>>, vector<1x16xf32>,
      %get3A_414 = vector.shape_cast %get3A_413 : vector<1x16xf32> to vector<16xf32>
      %get3A_415 = arith.index_cast %scan3A_81 : i32 to index
      %get3A_416 = arith.constant 304 : index
      %get3A_417 = tpu.vector_load %arg9[%get3A_415, %get3A_416] {strides = array<i32>} : memref<80x512xf32, #tpu.memory_space<vmem>>, vector<1x16xf32>,
      %get3A_418 = vector.shape_cast %get3A_417 : vector<1x16xf32> to vector<16xf32>
      %sub3A_419 = arith.subf %get3A_414, %get3A_418 : vector<16xf32>
      %add3A_420 = arith.addf %get3A_418, %sub3A_419 : vector<16xf32>
      %swap3A_421 = arith.index_cast %scan3A_81 : i32 to index
      %swap3A_422 = arith.constant 304 : index
      %swap3A_423 = tpu.vector_load %arg8[%swap3A_421, %swap3A_422] {strides = array<i32>} : memref<80x512xf32, #tpu.memory_space<vmem>>, vector<1x16xf32>,
      %swap3A_424 = vector.shape_cast %swap3A_423 : vector<1x16xf32> to vector<16xf32>
      %swap3A_425 = vector.shape_cast %add3A_420 : vector<16xf32> to vector<1x16xf32>
      tpu.vector_store %arg8[%swap3A_421, %swap3A_422], %swap3A_425 {strides = array<i32>} : memref<80x512xf32, #tpu.memory_space<vmem>>, vector<1x16xf32>,
      %mul3A_426 = arith.mulf %sub3A_419, %sub3A_419 : vector<16xf32>
      %add3A_427 = arith.addf %add3A_291, %mul3A_426 : vector<16xf32>
      %get3A_428 = arith.index_cast %scan3A_81 : i32 to index
      %get3A_429 = arith.constant 320 : index
      %get3A_430 = tpu.vector_load %arg8[%get3A_428, %get3A_429] {strides = array<i32>} : memref<80x512xf32, #tpu.memory_space<vmem>>, vector<1x16xf32>,
      %get3A_431 = vector.shape_cast %get3A_430 : vector<1x16xf32> to vector<16xf32>
      %get3A_432 = arith.index_cast %scan3A_81 : i32 to index
      %get3A_433 = arith.constant 320 : index
      %get3A_434 = tpu.vector_load %arg9[%get3A_432, %get3A_433] {strides = array<i32>} : memref<80x512xf32, #tpu.memory_space<vmem>>, vector<1x16xf32>,
      %get3A_435 = vector.shape_cast %get3A_434 : vector<1x16xf32> to vector<16xf32>
      %sub3A_436 = arith.subf %get3A_431, %get3A_435 : vector<16xf32>
      %add3A_437 = arith.addf %get3A_435, %sub3A_436 : vector<16xf32>
      %swap3A_438 = arith.index_cast %scan3A_81 : i32 to index
      %swap3A_439 = arith.constant 320 : index
      %swap3A_440 = tpu.vector_load %arg8[%swap3A_438, %swap3A_439] {strides = array<i32>} : memref<80x512xf32, #tpu.memory_space<vmem>>, vector<1x16xf32>,
      %swap3A_441 = vector.shape_cast %swap3A_440 : vector<1x16xf32> to vector<16xf32>
      %swap3A_442 = vector.shape_cast %add3A_437 : vector<16xf32> to vector<1x16xf32>
      tpu.vector_store %arg8[%swap3A_438, %swap3A_439], %swap3A_442 {strides = array<i32>} : memref<80x512xf32, #tpu.memory_space<vmem>>, vector<1x16xf32>,
      %mul3A_443 = arith.mulf %sub3A_436, %sub3A_436 : vector<16xf32>
      %add3A_444 = arith.addf %add3A_308, %mul3A_443 : vector<16xf32>
      %get3A_445 = arith.index_cast %scan3A_81 : i32 to index
      %get3A_446 = arith.constant 336 : index
      %get3A_447 = tpu.vector_load %arg8[%get3A_445, %get3A_446] {strides = array<i32>} : memref<80x512xf32, #tpu.memory_space<vmem>>, vector<1x16xf32>,
      %get3A_448 = vector.shape_cast %get3A_447 : vector<1x16xf32> to vector<16xf32>
      %get3A_449 = arith.index_cast %scan3A_81 : i32 to index
      %get3A_450 = arith.constant 336 : index
      %get3A_451 = tpu.vector_load %arg9[%get3A_449, %get3A_450] {strides = array<i32>} : memref<80x512xf32, #tpu.memory_space<vmem>>, vector<1x16xf32>,
      %get3A_452 = vector.shape_cast %get3A_451 : vector<1x16xf32> to vector<16xf32>
      %sub3A_453 = arith.subf %get3A_448, %get3A_452 : vector<16xf32>
      %add3A_454 = arith.addf %get3A_452, %sub3A_453 : vector<16xf32>
      %swap3A_455 = arith.index_cast %scan3A_81 : i32 to index
      %swap3A_456 = arith.constant 336 : index
      %swap3A_457 = tpu.vector_load %arg8[%swap3A_455, %swap3A_456] {strides = array<i32>} : memref<80x512xf32, #tpu.memory_space<vmem>>, vector<1x16xf32>,
      %swap3A_458 = vector.shape_cast %swap3A_457 : vector<1x16xf32> to vector<16xf32>
      %swap3A_459 = vector.shape_cast %add3A_454 : vector<16xf32> to vector<1x16xf32>
      tpu.vector_store %arg8[%swap3A_455, %swap3A_456], %swap3A_459 {strides = array<i32>} : memref<80x512xf32, #tpu.memory_space<vmem>>, vector<1x16xf32>,
      %mul3A_460 = arith.mulf %sub3A_453, %sub3A_453 : vector<16xf32>
      %add3A_461 = arith.addf %add3A_325, %mul3A_460 : vector<16xf32>
      %get3A_462 = arith.index_cast %scan3A_81 : i32 to index
      %get3A_463 = arith.constant 352 : index
      %get3A_464 = tpu.vector_load %arg8[%get3A_462, %get3A_463] {strides = array<i32>} : memref<80x512xf32, #tpu.memory_space<vmem>>, vector<1x16xf32>,
      %get3A_465 = vector.shape_cast %get3A_464 : vector<1x16xf32> to vector<16xf32>
      %get3A_466 = arith.index_cast %scan3A_81 : i32 to index
      %get3A_467 = arith.constant 352 : index
      %get3A_468 = tpu.vector_load %arg9[%get3A_466, %get3A_467] {strides = array<i32>} : memref<80x512xf32, #tpu.memory_space<vmem>>, vector<1x16xf32>,
      %get3A_469 = vector.shape_cast %get3A_468 : vector<1x16xf32> to vector<16xf32>
      %sub3A_470 = arith.subf %get3A_465, %get3A_469 : vector<16xf32>
      %add3A_471 = arith.addf %get3A_469, %sub3A_470 : vector<16xf32>
      %swap3A_472 = arith.index_cast %scan3A_81 : i32 to index
      %swap3A_473 = arith.constant 352 : index
      %swap3A_474 = tpu.vector_load %arg8[%swap3A_472, %swap3A_473] {strides = array<i32>} : memref<80x512xf32, #tpu.memory_space<vmem>>, vector<1x16xf32>,
      %swap3A_475 = vector.shape_cast %swap3A_474 : vector<1x16xf32> to vector<16xf32>
      %swap3A_476 = vector.shape_cast %add3A_471 : vector<16xf32> to vector<1x16xf32>
      tpu.vector_store %arg8[%swap3A_472, %swap3A_473], %swap3A_476 {strides = array<i32>} : memref<80x512xf32, #tpu.memory_space<vmem>>, vector<1x16xf32>,
      %mul3A_477 = arith.mulf %sub3A_470, %sub3A_470 : vector<16xf32>
      %add3A_478 = arith.addf %add3A_342, %mul3A_477 : vector<16xf32>
      %get3A_479 = arith.index_cast %scan3A_81 : i32 to index
      %get3A_480 = arith.constant 368 : index
      %get3A_481 = tpu.vector_load %arg8[%get3A_479, %get3A_480] {strides = array<i32>} : memref<80x512xf32, #tpu.memory_space<vmem>>, vector<1x16xf32>,
      %get3A_482 = vector.shape_cast %get3A_481 : vector<1x16xf32> to vector<16xf32>
      %get3A_483 = arith.index_cast %scan3A_81 : i32 to index
      %get3A_484 = arith.constant 368 : index
      %get3A_485 = tpu.vector_load %arg9[%get3A_483, %get3A_484] {strides = array<i32>} : memref<80x512xf32, #tpu.memory_space<vmem>>, vector<1x16xf32>,
      %get3A_486 = vector.shape_cast %get3A_485 : vector<1x16xf32> to vector<16xf32>
      %sub3A_487 = arith.subf %get3A_482, %get3A_486 : vector<16xf32>
      %add3A_488 = arith.addf %get3A_486, %sub3A_487 : vector<16xf32>
      %swap3A_489 = arith.index_cast %scan3A_81 : i32 to index
      %swap3A_490 = arith.constant 368 : index
      %swap3A_491 = tpu.vector_load %arg8[%swap3A_489, %swap3A_490] {strides = array<i32>} : memref<80x512xf32, #tpu.memory_space<vmem>>, vector<1x16xf32>,
      %swap3A_492 = vector.shape_cast %swap3A_491 : vector<1x16xf32> to vector<16xf32>
      %swap3A_493 = vector.shape_cast %add3A_488 : vector<16xf32> to vector<1x16xf32>
      tpu.vector_store %arg8[%swap3A_489, %swap3A_490], %swap3A_493 {strides = array<i32>} : memref<80x512xf32, #tpu.memory_space<vmem>>, vector<1x16xf32>,
      %mul3A_494 = arith.mulf %sub3A_487, %sub3A_487 : vector<16xf32>
      %add3A_495 = arith.addf %add3A_359, %mul3A_494 : vector<16xf32>
      %get3A_496 = arith.index_cast %scan3A_81 : i32 to index
      %get3A_497 = arith.constant 384 : index
      %get3A_498 = tpu.vector_load %arg8[%get3A_496, %get3A_497] {strides = array<i32>} : memref<80x512xf32, #tpu.memory_space<vmem>>, vector<1x16xf32>,
      %get3A_499 = vector.shape_cast %get3A_498 : vector<1x16xf32> to vector<16xf32>
      %get3A_500 = arith.index_cast %scan3A_81 : i32 to index
      %get3A_501 = arith.constant 384 : index
      %get3A_502 = tpu.vector_load %arg9[%get3A_500, %get3A_501] {strides = array<i32>} : memref<80x512xf32, #tpu.memory_space<vmem>>, vector<1x16xf32>,
      %get3A_503 = vector.shape_cast %get3A_502 : vector<1x16xf32> to vector<16xf32>
      %sub3A_504 = arith.subf %get3A_499, %get3A_503 : vector<16xf32>
      %add3A_505 = arith.addf %get3A_503, %sub3A_504 : vector<16xf32>
      %swap3A_506 = arith.index_cast %scan3A_81 : i32 to index
      %swap3A_507 = arith.constant 384 : index
      %swap3A_508 = tpu.vector_load %arg8[%swap3A_506, %swap3A_507] {strides = array<i32>} : memref<80x512xf32, #tpu.memory_space<vmem>>, vector<1x16xf32>,
      %swap3A_509 = vector.shape_cast %swap3A_508 : vector<1x16xf32> to vector<16xf32>
      %swap3A_510 = vector.shape_cast %add3A_505 : vector<16xf32> to vector<1x16xf32>
      tpu.vector_store %arg8[%swap3A_506, %swap3A_507], %swap3A_510 {strides = array<i32>} : memref<80x512xf32, #tpu.memory_space<vmem>>, vector<1x16xf32>,
      %mul3A_511 = arith.mulf %sub3A_504, %sub3A_504 : vector<16xf32>
      %add3A_512 = arith.addf %add3A_376, %mul3A_511 : vector<16xf32>
      %get3A_513 = arith.index_cast %scan3A_81 : i32 to index
      %get3A_514 = arith.constant 400 : index
      %get3A_515 = tpu.vector_load %arg8[%get3A_513, %get3A_514] {strides = array<i32>} : memref<80x512xf32, #tpu.memory_space<vmem>>, vector<1x16xf32>,
      %get3A_516 = vector.shape_cast %get3A_515 : vector<1x16xf32> to vector<16xf32>
      %get3A_517 = arith.index_cast %scan3A_81 : i32 to index
      %get3A_518 = arith.constant 400 : index
      %get3A_519 = tpu.vector_load %arg9[%get3A_517, %get3A_518] {strides = array<i32>} : memref<80x512xf32, #tpu.memory_space<vmem>>, vector<1x16xf32>,
      %get3A_520 = vector.shape_cast %get3A_519 : vector<1x16xf32> to vector<16xf32>
      %sub3A_521 = arith.subf %get3A_516, %get3A_520 : vector<16xf32>
      %add3A_522 = arith.addf %get3A_520, %sub3A_521 : vector<16xf32>
      %swap3A_523 = arith.index_cast %scan3A_81 : i32 to index
      %swap3A_524 = arith.constant 400 : index
      %swap3A_525 = tpu.vector_load %arg8[%swap3A_523, %swap3A_524] {strides = array<i32>} : memref<80x512xf32, #tpu.memory_space<vmem>>, vector<1x16xf32>,
      %swap3A_526 = vector.shape_cast %swap3A_525 : vector<1x16xf32> to vector<16xf32>
      %swap3A_527 = vector.shape_cast %add3A_522 : vector<16xf32> to vector<1x16xf32>
      tpu.vector_store %arg8[%swap3A_523, %swap3A_524], %swap3A_527 {strides = array<i32>} : memref<80x512xf32, #tpu.memory_space<vmem>>, vector<1x16xf32>,
      %mul3A_528 = arith.mulf %sub3A_521, %sub3A_521 : vector<16xf32>
      %add3A_529 = arith.addf %add3A_393, %mul3A_528 : vector<16xf32>
      %get3A_530 = arith.index_cast %scan3A_81 : i32 to index
      %get3A_531 = arith.constant 416 : index
      %get3A_532 = tpu.vector_load %arg8[%get3A_530, %get3A_531] {strides = array<i32>} : memref<80x512xf32, #tpu.memory_space<vmem>>, vector<1x16xf32>,
      %get3A_533 = vector.shape_cast %get3A_532 : vector<1x16xf32> to vector<16xf32>
      %get3A_534 = arith.index_cast %scan3A_81 : i32 to index
      %get3A_535 = arith.constant 416 : index
      %get3A_536 = tpu.vector_load %arg9[%get3A_534, %get3A_535] {strides = array<i32>} : memref<80x512xf32, #tpu.memory_space<vmem>>, vector<1x16xf32>,
      %get3A_537 = vector.shape_cast %get3A_536 : vector<1x16xf32> to vector<16xf32>
      %sub3A_538 = arith.subf %get3A_533, %get3A_537 : vector<16xf32>
      %add3A_539 = arith.addf %get3A_537, %sub3A_538 : vector<16xf32>
      %swap3A_540 = arith.index_cast %scan3A_81 : i32 to index
      %swap3A_541 = arith.constant 416 : index
      %swap3A_542 = tpu.vector_load %arg8[%swap3A_540, %swap3A_541] {strides = array<i32>} : memref<80x512xf32, #tpu.memory_space<vmem>>, vector<1x16xf32>,
      %swap3A_543 = vector.shape_cast %swap3A_542 : vector<1x16xf32> to vector<16xf32>
      %swap3A_544 = vector.shape_cast %add3A_539 : vector<16xf32> to vector<1x16xf32>
      tpu.vector_store %arg8[%swap3A_540, %swap3A_541], %swap3A_544 {strides = array<i32>} : memref<80x512xf32, #tpu.memory_space<vmem>>, vector<1x16xf32>,
      %mul3A_545 = arith.mulf %sub3A_538, %sub3A_538 : vector<16xf32>
      %add3A_546 = arith.addf %add3A_410, %mul3A_545 : vector<16xf32>
      %get3A_547 = arith.index_cast %scan3A_81 : i32 to index
      %get3A_548 = arith.constant 432 : index
      %get3A_549 = tpu.vector_load %arg8[%get3A_547, %get3A_548] {strides = array<i32>} : memref<80x512xf32, #tpu.memory_space<vmem>>, vector<1x16xf32>,
      %get3A_550 = vector.shape_cast %get3A_549 : vector<1x16xf32> to vector<16xf32>
      %get3A_551 = arith.index_cast %scan3A_81 : i32 to index
      %get3A_552 = arith.constant 432 : index
      %get3A_553 = tpu.vector_load %arg9[%get3A_551, %get3A_552] {strides = array<i32>} : memref<80x512xf32, #tpu.memory_space<vmem>>, vector<1x16xf32>,
      %get3A_554 = vector.shape_cast %get3A_553 : vector<1x16xf32> to vector<16xf32>
      %sub3A_555 = arith.subf %get3A_550, %get3A_554 : vector<16xf32>
      %add3A_556 = arith.addf %get3A_554, %sub3A_555 : vector<16xf32>
      %swap3A_557 = arith.index_cast %scan3A_81 : i32 to index
      %swap3A_558 = arith.constant 432 : index
      %swap3A_559 = tpu.vector_load %arg8[%swap3A_557, %swap3A_558] {strides = array<i32>} : memref<80x512xf32, #tpu.memory_space<vmem>>, vector<1x16xf32>,
      %swap3A_560 = vector.shape_cast %swap3A_559 : vector<1x16xf32> to vector<16xf32>
      %swap3A_561 = vector.shape_cast %add3A_556 : vector<16xf32> to vector<1x16xf32>
      tpu.vector_store %arg8[%swap3A_557, %swap3A_558], %swap3A_561 {strides = array<i32>} : memref<80x512xf32, #tpu.memory_space<vmem>>, vector<1x16xf32>,
      %mul3A_562 = arith.mulf %sub3A_555, %sub3A_555 : vector<16xf32>
      %add3A_563 = arith.addf %add3A_427, %mul3A_562 : vector<16xf32>
      %get3A_564 = arith.index_cast %scan3A_81 : i32 to index
      %get3A_565 = arith.constant 448 : index
      %get3A_566 = tpu.vector_load %arg8[%get3A_564, %get3A_565] {strides = array<i32>} : memref<80x512xf32, #tpu.memory_space<vmem>>, vector<1x16xf32>,
      %get3A_567 = vector.shape_cast %get3A_566 : vector<1x16xf32> to vector<16xf32>
      %get3A_568 = arith.index_cast %scan3A_81 : i32 to index
      %get3A_569 = arith.constant 448 : index
      %get3A_570 = tpu.vector_load %arg9[%get3A_568, %get3A_569] {strides = array<i32>} : memref<80x512xf32, #tpu.memory_space<vmem>>, vector<1x16xf32>,
      %get3A_571 = vector.shape_cast %get3A_570 : vector<1x16xf32> to vector<16xf32>
      %sub3A_572 = arith.subf %get3A_567, %get3A_571 : vector<16xf32>
      %add3A_573 = arith.addf %get3A_571, %sub3A_572 : vector<16xf32>
      %swap3A_574 = arith.index_cast %scan3A_81 : i32 to index
      %swap3A_575 = arith.constant 448 : index
      %swap3A_576 = tpu.vector_load %arg8[%swap3A_574, %swap3A_575] {strides = array<i32>} : memref<80x512xf32, #tpu.memory_space<vmem>>, vector<1x16xf32>,
      %swap3A_577 = vector.shape_cast %swap3A_576 : vector<1x16xf32> to vector<16xf32>
      %swap3A_578 = vector.shape_cast %add3A_573 : vector<16xf32> to vector<1x16xf32>
      tpu.vector_store %arg8[%swap3A_574, %swap3A_575], %swap3A_578 {strides = array<i32>} : memref<80x512xf32, #tpu.memory_space<vmem>>, vector<1x16xf32>,
      %mul3A_579 = arith.mulf %sub3A_572, %sub3A_572 : vector<16xf32>
      %add3A_580 = arith.addf %add3A_444, %mul3A_579 : vector<16xf32>
      %get3A_581 = arith.index_cast %scan3A_81 : i32 to index
      %get3A_582 = arith.constant 464 : index
      %get3A_583 = tpu.vector_load %arg8[%get3A_581, %get3A_582] {strides = array<i32>} : memref<80x512xf32, #tpu.memory_space<vmem>>, vector<1x16xf32>,
      %get3A_584 = vector.shape_cast %get3A_583 : vector<1x16xf32> to vector<16xf32>
      %get3A_585 = arith.index_cast %scan3A_81 : i32 to index
      %get3A_586 = arith.constant 464 : index
      %get3A_587 = tpu.vector_load %arg9[%get3A_585, %get3A_586] {strides = array<i32>} : memref<80x512xf32, #tpu.memory_space<vmem>>, vector<1x16xf32>,
      %get3A_588 = vector.shape_cast %get3A_587 : vector<1x16xf32> to vector<16xf32>
      %sub3A_589 = arith.subf %get3A_584, %get3A_588 : vector<16xf32>
      %add3A_590 = arith.addf %get3A_588, %sub3A_589 : vector<16xf32>
      %swap3A_591 = arith.index_cast %scan3A_81 : i32 to index
      %swap3A_592 = arith.constant 464 : index
      %swap3A_593 = tpu.vector_load %arg8[%swap3A_591, %swap3A_592] {strides = array<i32>} : memref<80x512xf32, #tpu.memory_space<vmem>>, vector<1x16xf32>,
      %swap3A_594 = vector.shape_cast %swap3A_593 : vector<1x16xf32> to vector<16xf32>
      %swap3A_595 = vector.shape_cast %add3A_590 : vector<16xf32> to vector<1x16xf32>
      tpu.vector_store %arg8[%swap3A_591, %swap3A_592], %swap3A_595 {strides = array<i32>} : memref<80x512xf32, #tpu.memory_space<vmem>>, vector<1x16xf32>,
      %mul3A_596 = arith.mulf %sub3A_589, %sub3A_589 : vector<16xf32>
      %add3A_597 = arith.addf %add3A_461, %mul3A_596 : vector<16xf32>
      %get3A_598 = arith.index_cast %scan3A_81 : i32 to index
      %get3A_599 = arith.constant 480 : index
      %get3A_600 = tpu.vector_load %arg8[%get3A_598, %get3A_599] {strides = array<i32>} : memref<80x512xf32, #tpu.memory_space<vmem>>, vector<1x16xf32>,
      %get3A_601 = vector.shape_cast %get3A_600 : vector<1x16xf32> to vector<16xf32>
      %get3A_602 = arith.index_cast %scan3A_81 : i32 to index
      %get3A_603 = arith.constant 480 : index
      %get3A_604 = tpu.vector_load %arg9[%get3A_602, %get3A_603] {strides = array<i32>} : memref<80x512xf32, #tpu.memory_space<vmem>>, vector<1x16xf32>,
      %get3A_605 = vector.shape_cast %get3A_604 : vector<1x16xf32> to vector<16xf32>
      %sub3A_606 = arith.subf %get3A_601, %get3A_605 : vector<16xf32>
      %add3A_607 = arith.addf %get3A_605, %sub3A_606 : vector<16xf32>
      %swap3A_608 = arith.index_cast %scan3A_81 : i32 to index
      %swap3A_609 = arith.constant 480 : index
      %swap3A_610 = tpu.vector_load %arg8[%swap3A_608, %swap3A_609] {strides = array<i32>} : memref<80x512xf32, #tpu.memory_space<vmem>>, vector<1x16xf32>,
      %swap3A_611 = vector.shape_cast %swap3A_610 : vector<1x16xf32> to vector<16xf32>
      %swap3A_612 = vector.shape_cast %add3A_607 : vector<16xf32> to vector<1x16xf32>
      tpu.vector_store %arg8[%swap3A_608, %swap3A_609], %swap3A_612 {strides = array<i32>} : memref<80x512xf32, #tpu.memory_space<vmem>>, vector<1x16xf32>,
      %mul3A_613 = arith.mulf %sub3A_606, %sub3A_606 : vector<16xf32>
      %add3A_614 = arith.addf %add3A_478, %mul3A_613 : vector<16xf32>
      %get3A_615 = arith.index_cast %scan3A_81 : i32 to index
      %get3A_616 = arith.constant 496 : index
      %get3A_617 = tpu.vector_load %arg8[%get3A_615, %get3A_616] {strides = array<i32>} : memref<80x512xf32, #tpu.memory_space<vmem>>, vector<1x16xf32>,
      %get3A_618 = vector.shape_cast %get3A_617 : vector<1x16xf32> to vector<16xf32>
      %get3A_619 = arith.index_cast %scan3A_81 : i32 to index
      %get3A_620 = arith.constant 496 : index
      %get3A_621 = tpu.vector_load %arg9[%get3A_619, %get3A_620] {strides = array<i32>} : memref<80x512xf32, #tpu.memory_space<vmem>>, vector<1x16xf32>,
      %get3A_622 = vector.shape_cast %get3A_621 : vector<1x16xf32> to vector<16xf32>
      %sub3A_623 = arith.subf %get3A_618, %get3A_622 : vector<16xf32>
      %add3A_624 = arith.addf %get3A_622, %sub3A_623 : vector<16xf32>
      %swap3A_625 = arith.index_cast %scan3A_81 : i32 to index
      %swap3A_626 = arith.constant 496 : index
      %swap3A_627 = tpu.vector_load %arg8[%swap3A_625, %swap3A_626] {strides = array<i32>} : memref<80x512xf32, #tpu.memory_space<vmem>>, vector<1x16xf32>,
      %swap3A_628 = vector.shape_cast %swap3A_627 : vector<1x16xf32> to vector<16xf32>
      %swap3A_629 = vector.shape_cast %add3A_624 : vector<16xf32> to vector<1x16xf32>
      tpu.vector_store %arg8[%swap3A_625, %swap3A_626], %swap3A_629 {strides = array<i32>} : memref<80x512xf32, #tpu.memory_space<vmem>>, vector<1x16xf32>,
      %mul3A_630 = arith.mulf %sub3A_623, %sub3A_623 : vector<16xf32>
      %add3A_631 = arith.addf %add3A_495, %mul3A_630 : vector<16xf32>
      scf.yield %add3A_512, %add3A_529, %add3A_546, %add3A_563, %add3A_580, %add3A_597, %add3A_614, %add3A_631 : vector<16xf32>, vector<16xf32>, vector<16xf32>, vector<16xf32>, vector<16xf32>, vector<16xf32>, vector<16xf32>, vector<16xf32>
    }
    %scan3A_16 = arith.constant 80 : i32
    "tpu.region"() ({
      %run_scoped3A = tpu.sem_alloc : memref<!tpu.dma_semaphore, #tpu.memory_space<semaphore_mem>>
      %dma_start3A_81 = arith.constant 0 : i32
      %dma_start3A_82 = tpu.memref_slice %arg5[%mul3A_7, %dma_start3A_81] : memref<10240x512xf32, #tpu.memory_space<hbm>> -> memref<80x512xf32, #tpu.memory_space<hbm>>
      %dma_start3A_83 = arith.constant 0 : i32
      %dma_start3A_84 = tpu.memref_slice %arg5[%mul3A_7, %dma_start3A_83] : memref<10240x512xf32, #tpu.memory_space<hbm>> -> memref<80x512xf32, #tpu.memory_space<hbm>>
      tpu.enqueue_dma source(%arg8 : memref<80x512xf32, #tpu.memory_space<vmem>>) target(%dma_start3A_84 : memref<80x512xf32, #tpu.memory_space<hbm>>) target_semaphore(%run_scoped3A : memref<!tpu.dma_semaphore, #tpu.memory_space<semaphore_mem>>)
      %dma_wait3A_85 = arith.constant 0 : i32
      %dma_wait3A_86 = tpu.memref_slice %arg5[%mul3A_7, %dma_wait3A_85] : memref<10240x512xf32, #tpu.memory_space<hbm>> -> memref<80x512xf32, #tpu.memory_space<hbm>>
      %dma_wait3A_87 = arith.constant 0 : i32
      %dma_wait3A_88 = tpu.memref_slice %arg5[%mul3A_7, %dma_wait3A_87] : memref<10240x512xf32, #tpu.memory_space<hbm>> -> memref<80x512xf32, #tpu.memory_space<hbm>>
      tpu.wait_dma2 semaphore(%run_scoped3A : memref<!tpu.dma_semaphore, #tpu.memory_space<semaphore_mem>>) src(%arg8 : memref<80x512xf32, #tpu.memory_space<vmem>>) dst(%dma_wait3A_88 : memref<80x512xf32, #tpu.memory_space<hbm>>)
      tpu.yield
    }) : () -> ()
    %mul3A_17 = arith.constant 4 : i32
    %mul3A_18 = arith.muli %add3A, %mul3A_17 : i32
    %add3A_19 = arith.constant 1 : i32
    %add3A_20 = arith.addi %mul3A_18, %add3A_19 : i32
    %mul3A_21 = arith.constant 80 : i32
    %mul3A_22 = arith.muli %add3A_20, %mul3A_21 : i32
    "tpu.region"() ({
      %run_scoped3A = tpu.sem_alloc : memref<!tpu.dma_semaphore, #tpu.memory_space<semaphore_mem>>
      %dma_start3A_81 = arith.constant 0 : i32
      %dma_start3A_82 = tpu.memref_slice %arg3[%add3A_20, %dma_start3A_81] : memref<128x80xi32, #tpu.memory_space<hbm>> -> memref<1x80xi32, #tpu.memory_space<hbm>>
      %dma_start3A_83 = tpu.memref_squeeze %dma_start3A_82 : memref<1x80xi32, #tpu.memory_space<hbm>> -> memref<80xi32, #tpu.memory_space<hbm>>
      %dma_start3A_84 = arith.constant 0 : i32
      %dma_start3A_85 = tpu.memref_slice %arg3[%add3A_20, %dma_start3A_84] : memref<128x80xi32, #tpu.memory_space<hbm>> -> memref<1x80xi32, #tpu.memory_space<hbm>>
      %dma_start3A_86 = tpu.memref_squeeze %dma_start3A_85 : memref<1x80xi32, #tpu.memory_space<hbm>> -> memref<80xi32, #tpu.memory_space<hbm>>
      tpu.enqueue_dma source(%dma_start3A_86 : memref<80xi32, #tpu.memory_space<hbm>>) target(%arg7 : memref<80xi32, #tpu.memory_space<vmem>>) target_semaphore(%run_scoped3A : memref<!tpu.dma_semaphore, #tpu.memory_space<semaphore_mem>>)
      %dma_wait3A_87 = arith.constant 0 : i32
      %dma_wait3A_88 = tpu.memref_slice %arg3[%add3A_20, %dma_wait3A_87] : memref<128x80xi32, #tpu.memory_space<hbm>> -> memref<1x80xi32, #tpu.memory_space<hbm>>
      %dma_wait3A_89 = tpu.memref_squeeze %dma_wait3A_88 : memref<1x80xi32, #tpu.memory_space<hbm>> -> memref<80xi32, #tpu.memory_space<hbm>>
      %dma_wait3A_90 = arith.constant 0 : i32
      %dma_wait3A_91 = tpu.memref_slice %arg3[%add3A_20, %dma_wait3A_90] : memref<128x80xi32, #tpu.memory_space<hbm>> -> memref<1x80xi32, #tpu.memory_space<hbm>>
      %dma_wait3A_92 = tpu.memref_squeeze %dma_wait3A_91 : memref<1x80xi32, #tpu.memory_space<hbm>> -> memref<80xi32, #tpu.memory_space<hbm>>
      tpu.wait_dma2 semaphore(%run_scoped3A : memref<!tpu.dma_semaphore, #tpu.memory_space<semaphore_mem>>) src(%dma_wait3A_92 : memref<80xi32, #tpu.memory_space<hbm>>) dst(%arg7 : memref<80xi32, #tpu.memory_space<vmem>>)
      tpu.yield
    }) : () -> ()
    %dma_start3A_23 = arith.constant 0 : i32
    %dma_start3A_24 = arith.constant 0 : i32
    %dma_start3A_25 = tpu.memref_slice %arg2[%dma_start3A_23, %dma_start3A_24] : memref<8192x512xf32, #tpu.memory_space<hbm>> -> memref<8192x512xf32, #tpu.memory_space<hbm>>
    tpu.enqueue_indirect_dma source(%dma_start3A_25 : memref<8192x512xf32, #tpu.memory_space<hbm>>) target(%arg8 : memref<80x512xf32, #tpu.memory_space<vmem>>) offsets(%arg7 : memref<80xi32, #tpu.memory_space<vmem>>) semaphore(%arg11 : memref<!tpu.dma_semaphore, #tpu.memory_space<semaphore_mem>>)
    %dma_wait3A_26 = arith.constant 0 : i32
    %dma_wait3A_27 = arith.constant 0 : i32
    %dma_wait3A_28 = tpu.memref_slice %arg2[%dma_wait3A_26, %dma_wait3A_27] : memref<8192x512xf32, #tpu.memory_space<hbm>> -> memref<8192x512xf32, #tpu.memory_space<hbm>>
    tpu.wait_indirect_dma semaphore(%arg11 : memref<!tpu.dma_semaphore, #tpu.memory_space<semaphore_mem>>) src(%dma_wait3A_28 : memref<8192x512xf32, #tpu.memory_space<hbm>>) dst(%arg8 : memref<80x512xf32, #tpu.memory_space<vmem>>)
    "tpu.region"() ({
      %run_scoped3A = tpu.sem_alloc : memref<!tpu.dma_semaphore, #tpu.memory_space<semaphore_mem>>
      %dma_start3A_81 = arith.constant 0 : i32
      %dma_start3A_82 = tpu.memref_slice %arg4[%mul3A_22, %dma_start3A_81] : memref<10240x512xf32, #tpu.memory_space<hbm>> -> memref<80x512xf32, #tpu.memory_space<hbm>>
      %dma_start3A_83 = arith.constant 0 : i32
      %dma_start3A_84 = tpu.memref_slice %arg4[%mul3A_22, %dma_start3A_83] : memref<10240x512xf32, #tpu.memory_space<hbm>> -> memref<80x512xf32, #tpu.memory_space<hbm>>
      tpu.enqueue_dma source(%dma_start3A_84 : memref<80x512xf32, #tpu.memory_space<hbm>>) target(%arg9 : memref<80x512xf32, #tpu.memory_space<vmem>>) target_semaphore(%run_scoped3A : memref<!tpu.dma_semaphore, #tpu.memory_space<semaphore_mem>>)
      %dma_wait3A_85 = arith.constant 0 : i32
      %dma_wait3A_86 = tpu.memref_slice %arg4[%mul3A_22, %dma_wait3A_85] : memref<10240x512xf32, #tpu.memory_space<hbm>> -> memref<80x512xf32, #tpu.memory_space<hbm>>
      %dma_wait3A_87 = arith.constant 0 : i32
      %dma_wait3A_88 = tpu.memref_slice %arg4[%mul3A_22, %dma_wait3A_87] : memref<10240x512xf32, #tpu.memory_space<hbm>> -> memref<80x512xf32, #tpu.memory_space<hbm>>
      tpu.wait_dma2 semaphore(%run_scoped3A : memref<!tpu.dma_semaphore, #tpu.memory_space<semaphore_mem>>) src(%dma_wait3A_88 : memref<80x512xf32, #tpu.memory_space<hbm>>) dst(%arg9 : memref<80x512xf32, #tpu.memory_space<vmem>>)
      tpu.yield
    }) : () -> ()
    %scan3A_29 = arith.constant 0 : i32
    %scan3A_30 = arith.constant 80 : i32
    %scan3A_31 = arith.addi %scan3A_29, %scan3A_30 : i32
    %scan3A_32 = arith.constant 1 : i32
    %scan3A_33:8 = scf.for %scan3A_81 = %scan3A_29 to %scan3A_31 step %scan3A_32 iter_args(%scan3A_82 = %scan3A_15#0, %scan3A_83 = %scan3A_15#1, %scan3A_84 = %scan3A_15#2, %scan3A_85 = %scan3A_15#3, %scan3A_86 = %scan3A_15#4, %scan3A_87 = %scan3A_15#5, %scan3A_88 = %scan3A_15#6, %scan3A_89 = %scan3A_15#7) -> (vector<16xf32>, vector<16xf32>, vector<16xf32>, vector<16xf32>, vector<16xf32>, vector<16xf32>, vector<16xf32>, vector<16xf32>)  : i32 {
      %get3A = arith.index_cast %scan3A_81 : i32 to index
      %get3A_90 = arith.constant 0 : index
      %get3A_91 = tpu.vector_load %arg8[%get3A, %get3A_90] {strides = array<i32>} : memref<80x512xf32, #tpu.memory_space<vmem>>, vector<1x16xf32>,
      %get3A_92 = vector.shape_cast %get3A_91 : vector<1x16xf32> to vector<16xf32>
      %get3A_93 = arith.index_cast %scan3A_81 : i32 to index
      %get3A_94 = arith.constant 0 : index
      %get3A_95 = tpu.vector_load %arg9[%get3A_93, %get3A_94] {strides = array<i32>} : memref<80x512xf32, #tpu.memory_space<vmem>>, vector<1x16xf32>,
      %get3A_96 = vector.shape_cast %get3A_95 : vector<1x16xf32> to vector<16xf32>
      %sub3A = arith.subf %get3A_92, %get3A_96 : vector<16xf32>
      %add3A_97 = arith.addf %get3A_96, %sub3A : vector<16xf32>
      %swap3A_98 = arith.index_cast %scan3A_81 : i32 to index
      %swap3A_99 = arith.constant 0 : index
      %swap3A_100 = tpu.vector_load %arg8[%swap3A_98, %swap3A_99] {strides = array<i32>} : memref<80x512xf32, #tpu.memory_space<vmem>>, vector<1x16xf32>,
      %swap3A_101 = vector.shape_cast %swap3A_100 : vector<1x16xf32> to vector<16xf32>
      %swap3A_102 = vector.shape_cast %add3A_97 : vector<16xf32> to vector<1x16xf32>
      tpu.vector_store %arg8[%swap3A_98, %swap3A_99], %swap3A_102 {strides = array<i32>} : memref<80x512xf32, #tpu.memory_space<vmem>>, vector<1x16xf32>,
      %mul3A_103 = arith.mulf %sub3A, %sub3A : vector<16xf32>
      %add3A_104 = arith.addf %scan3A_82, %mul3A_103 : vector<16xf32>
      %get3A_105 = arith.index_cast %scan3A_81 : i32 to index
      %get3A_106 = arith.constant 16 : index
      %get3A_107 = tpu.vector_load %arg8[%get3A_105, %get3A_106] {strides = array<i32>} : memref<80x512xf32, #tpu.memory_space<vmem>>, vector<1x16xf32>,
      %get3A_108 = vector.shape_cast %get3A_107 : vector<1x16xf32> to vector<16xf32>
      %get3A_109 = arith.index_cast %scan3A_81 : i32 to index
      %get3A_110 = arith.constant 16 : index
      %get3A_111 = tpu.vector_load %arg9[%get3A_109, %get3A_110] {strides = array<i32>} : memref<80x512xf32, #tpu.memory_space<vmem>>, vector<1x16xf32>,
      %get3A_112 = vector.shape_cast %get3A_111 : vector<1x16xf32> to vector<16xf32>
      %sub3A_113 = arith.subf %get3A_108, %get3A_112 : vector<16xf32>
      %add3A_114 = arith.addf %get3A_112, %sub3A_113 : vector<16xf32>
      %swap3A_115 = arith.index_cast %scan3A_81 : i32 to index
      %swap3A_116 = arith.constant 16 : index
      %swap3A_117 = tpu.vector_load %arg8[%swap3A_115, %swap3A_116] {strides = array<i32>} : memref<80x512xf32, #tpu.memory_space<vmem>>, vector<1x16xf32>,
      %swap3A_118 = vector.shape_cast %swap3A_117 : vector<1x16xf32> to vector<16xf32>
      %swap3A_119 = vector.shape_cast %add3A_114 : vector<16xf32> to vector<1x16xf32>
      tpu.vector_store %arg8[%swap3A_115, %swap3A_116], %swap3A_119 {strides = array<i32>} : memref<80x512xf32, #tpu.memory_space<vmem>>, vector<1x16xf32>,
      %mul3A_120 = arith.mulf %sub3A_113, %sub3A_113 : vector<16xf32>
      %add3A_121 = arith.addf %scan3A_83, %mul3A_120 : vector<16xf32>
      %get3A_122 = arith.index_cast %scan3A_81 : i32 to index
      %get3A_123 = arith.constant 32 : index
      %get3A_124 = tpu.vector_load %arg8[%get3A_122, %get3A_123] {strides = array<i32>} : memref<80x512xf32, #tpu.memory_space<vmem>>, vector<1x16xf32>,
      %get3A_125 = vector.shape_cast %get3A_124 : vector<1x16xf32> to vector<16xf32>
      %get3A_126 = arith.index_cast %scan3A_81 : i32 to index
      %get3A_127 = arith.constant 32 : index
      %get3A_128 = tpu.vector_load %arg9[%get3A_126, %get3A_127] {strides = array<i32>} : memref<80x512xf32, #tpu.memory_space<vmem>>, vector<1x16xf32>,
      %get3A_129 = vector.shape_cast %get3A_128 : vector<1x16xf32> to vector<16xf32>
      %sub3A_130 = arith.subf %get3A_125, %get3A_129 : vector<16xf32>
      %add3A_131 = arith.addf %get3A_129, %sub3A_130 : vector<16xf32>
      %swap3A_132 = arith.index_cast %scan3A_81 : i32 to index
      %swap3A_133 = arith.constant 32 : index
      %swap3A_134 = tpu.vector_load %arg8[%swap3A_132, %swap3A_133] {strides = array<i32>} : memref<80x512xf32, #tpu.memory_space<vmem>>, vector<1x16xf32>,
      %swap3A_135 = vector.shape_cast %swap3A_134 : vector<1x16xf32> to vector<16xf32>
      %swap3A_136 = vector.shape_cast %add3A_131 : vector<16xf32> to vector<1x16xf32>
      tpu.vector_store %arg8[%swap3A_132, %swap3A_133], %swap3A_136 {strides = array<i32>} : memref<80x512xf32, #tpu.memory_space<vmem>>, vector<1x16xf32>,
      %mul3A_137 = arith.mulf %sub3A_130, %sub3A_130 : vector<16xf32>
      %add3A_138 = arith.addf %scan3A_84, %mul3A_137 : vector<16xf32>
      %get3A_139 = arith.index_cast %scan3A_81 : i32 to index
      %get3A_140 = arith.constant 48 : index
      %get3A_141 = tpu.vector_load %arg8[%get3A_139, %get3A_140] {strides = array<i32>} : memref<80x512xf32, #tpu.memory_space<vmem>>, vector<1x16xf32>,
      %get3A_142 = vector.shape_cast %get3A_141 : vector<1x16xf32> to vector<16xf32>
      %get3A_143 = arith.index_cast %scan3A_81 : i32 to index
      %get3A_144 = arith.constant 48 : index
      %get3A_145 = tpu.vector_load %arg9[%get3A_143, %get3A_144] {strides = array<i32>} : memref<80x512xf32, #tpu.memory_space<vmem>>, vector<1x16xf32>,
      %get3A_146 = vector.shape_cast %get3A_145 : vector<1x16xf32> to vector<16xf32>
      %sub3A_147 = arith.subf %get3A_142, %get3A_146 : vector<16xf32>
      %add3A_148 = arith.addf %get3A_146, %sub3A_147 : vector<16xf32>
      %swap3A_149 = arith.index_cast %scan3A_81 : i32 to index
      %swap3A_150 = arith.constant 48 : index
      %swap3A_151 = tpu.vector_load %arg8[%swap3A_149, %swap3A_150] {strides = array<i32>} : memref<80x512xf32, #tpu.memory_space<vmem>>, vector<1x16xf32>,
      %swap3A_152 = vector.shape_cast %swap3A_151 : vector<1x16xf32> to vector<16xf32>
      %swap3A_153 = vector.shape_cast %add3A_148 : vector<16xf32> to vector<1x16xf32>
      tpu.vector_store %arg8[%swap3A_149, %swap3A_150], %swap3A_153 {strides = array<i32>} : memref<80x512xf32, #tpu.memory_space<vmem>>, vector<1x16xf32>,
      %mul3A_154 = arith.mulf %sub3A_147, %sub3A_147 : vector<16xf32>
      %add3A_155 = arith.addf %scan3A_85, %mul3A_154 : vector<16xf32>
      %get3A_156 = arith.index_cast %scan3A_81 : i32 to index
      %get3A_157 = arith.constant 64 : index
      %get3A_158 = tpu.vector_load %arg8[%get3A_156, %get3A_157] {strides = array<i32>} : memref<80x512xf32, #tpu.memory_space<vmem>>, vector<1x16xf32>,
      %get3A_159 = vector.shape_cast %get3A_158 : vector<1x16xf32> to vector<16xf32>
      %get3A_160 = arith.index_cast %scan3A_81 : i32 to index
      %get3A_161 = arith.constant 64 : index
      %get3A_162 = tpu.vector_load %arg9[%get3A_160, %get3A_161] {strides = array<i32>} : memref<80x512xf32, #tpu.memory_space<vmem>>, vector<1x16xf32>,
      %get3A_163 = vector.shape_cast %get3A_162 : vector<1x16xf32> to vector<16xf32>
      %sub3A_164 = arith.subf %get3A_159, %get3A_163 : vector<16xf32>
      %add3A_165 = arith.addf %get3A_163, %sub3A_164 : vector<16xf32>
      %swap3A_166 = arith.index_cast %scan3A_81 : i32 to index
      %swap3A_167 = arith.constant 64 : index
      %swap3A_168 = tpu.vector_load %arg8[%swap3A_166, %swap3A_167] {strides = array<i32>} : memref<80x512xf32, #tpu.memory_space<vmem>>, vector<1x16xf32>,
      %swap3A_169 = vector.shape_cast %swap3A_168 : vector<1x16xf32> to vector<16xf32>
      %swap3A_170 = vector.shape_cast %add3A_165 : vector<16xf32> to vector<1x16xf32>
      tpu.vector_store %arg8[%swap3A_166, %swap3A_167], %swap3A_170 {strides = array<i32>} : memref<80x512xf32, #tpu.memory_space<vmem>>, vector<1x16xf32>,
      %mul3A_171 = arith.mulf %sub3A_164, %sub3A_164 : vector<16xf32>
      %add3A_172 = arith.addf %scan3A_86, %mul3A_171 : vector<16xf32>
      %get3A_173 = arith.index_cast %scan3A_81 : i32 to index
      %get3A_174 = arith.constant 80 : index
      %get3A_175 = tpu.vector_load %arg8[%get3A_173, %get3A_174] {strides = array<i32>} : memref<80x512xf32, #tpu.memory_space<vmem>>, vector<1x16xf32>,
      %get3A_176 = vector.shape_cast %get3A_175 : vector<1x16xf32> to vector<16xf32>
      %get3A_177 = arith.index_cast %scan3A_81 : i32 to index
      %get3A_178 = arith.constant 80 : index
      %get3A_179 = tpu.vector_load %arg9[%get3A_177, %get3A_178] {strides = array<i32>} : memref<80x512xf32, #tpu.memory_space<vmem>>, vector<1x16xf32>,
      %get3A_180 = vector.shape_cast %get3A_179 : vector<1x16xf32> to vector<16xf32>
      %sub3A_181 = arith.subf %get3A_176, %get3A_180 : vector<16xf32>
      %add3A_182 = arith.addf %get3A_180, %sub3A_181 : vector<16xf32>
      %swap3A_183 = arith.index_cast %scan3A_81 : i32 to index
      %swap3A_184 = arith.constant 80 : index
      %swap3A_185 = tpu.vector_load %arg8[%swap3A_183, %swap3A_184] {strides = array<i32>} : memref<80x512xf32, #tpu.memory_space<vmem>>, vector<1x16xf32>,
      %swap3A_186 = vector.shape_cast %swap3A_185 : vector<1x16xf32> to vector<16xf32>
      %swap3A_187 = vector.shape_cast %add3A_182 : vector<16xf32> to vector<1x16xf32>
      tpu.vector_store %arg8[%swap3A_183, %swap3A_184], %swap3A_187 {strides = array<i32>} : memref<80x512xf32, #tpu.memory_space<vmem>>, vector<1x16xf32>,
      %mul3A_188 = arith.mulf %sub3A_181, %sub3A_181 : vector<16xf32>
      %add3A_189 = arith.addf %scan3A_87, %mul3A_188 : vector<16xf32>
      %get3A_190 = arith.index_cast %scan3A_81 : i32 to index
      %get3A_191 = arith.constant 96 : index
      %get3A_192 = tpu.vector_load %arg8[%get3A_190, %get3A_191] {strides = array<i32>} : memref<80x512xf32, #tpu.memory_space<vmem>>, vector<1x16xf32>,
      %get3A_193 = vector.shape_cast %get3A_192 : vector<1x16xf32> to vector<16xf32>
      %get3A_194 = arith.index_cast %scan3A_81 : i32 to index
      %get3A_195 = arith.constant 96 : index
      %get3A_196 = tpu.vector_load %arg9[%get3A_194, %get3A_195] {strides = array<i32>} : memref<80x512xf32, #tpu.memory_space<vmem>>, vector<1x16xf32>,
      %get3A_197 = vector.shape_cast %get3A_196 : vector<1x16xf32> to vector<16xf32>
      %sub3A_198 = arith.subf %get3A_193, %get3A_197 : vector<16xf32>
      %add3A_199 = arith.addf %get3A_197, %sub3A_198 : vector<16xf32>
      %swap3A_200 = arith.index_cast %scan3A_81 : i32 to index
      %swap3A_201 = arith.constant 96 : index
      %swap3A_202 = tpu.vector_load %arg8[%swap3A_200, %swap3A_201] {strides = array<i32>} : memref<80x512xf32, #tpu.memory_space<vmem>>, vector<1x16xf32>,
      %swap3A_203 = vector.shape_cast %swap3A_202 : vector<1x16xf32> to vector<16xf32>
      %swap3A_204 = vector.shape_cast %add3A_199 : vector<16xf32> to vector<1x16xf32>
      tpu.vector_store %arg8[%swap3A_200, %swap3A_201], %swap3A_204 {strides = array<i32>} : memref<80x512xf32, #tpu.memory_space<vmem>>, vector<1x16xf32>,
      %mul3A_205 = arith.mulf %sub3A_198, %sub3A_198 : vector<16xf32>
      %add3A_206 = arith.addf %scan3A_88, %mul3A_205 : vector<16xf32>
      %get3A_207 = arith.index_cast %scan3A_81 : i32 to index
      %get3A_208 = arith.constant 112 : index
      %get3A_209 = tpu.vector_load %arg8[%get3A_207, %get3A_208] {strides = array<i32>} : memref<80x512xf32, #tpu.memory_space<vmem>>, vector<1x16xf32>,
      %get3A_210 = vector.shape_cast %get3A_209 : vector<1x16xf32> to vector<16xf32>
      %get3A_211 = arith.index_cast %scan3A_81 : i32 to index
      %get3A_212 = arith.constant 112 : index
      %get3A_213 = tpu.vector_load %arg9[%get3A_211, %get3A_212] {strides = array<i32>} : memref<80x512xf32, #tpu.memory_space<vmem>>, vector<1x16xf32>,
      %get3A_214 = vector.shape_cast %get3A_213 : vector<1x16xf32> to vector<16xf32>
      %sub3A_215 = arith.subf %get3A_210, %get3A_214 : vector<16xf32>
      %add3A_216 = arith.addf %get3A_214, %sub3A_215 : vector<16xf32>
      %swap3A_217 = arith.index_cast %scan3A_81 : i32 to index
      %swap3A_218 = arith.constant 112 : index
      %swap3A_219 = tpu.vector_load %arg8[%swap3A_217, %swap3A_218] {strides = array<i32>} : memref<80x512xf32, #tpu.memory_space<vmem>>, vector<1x16xf32>,
      %swap3A_220 = vector.shape_cast %swap3A_219 : vector<1x16xf32> to vector<16xf32>
      %swap3A_221 = vector.shape_cast %add3A_216 : vector<16xf32> to vector<1x16xf32>
      tpu.vector_store %arg8[%swap3A_217, %swap3A_218], %swap3A_221 {strides = array<i32>} : memref<80x512xf32, #tpu.memory_space<vmem>>, vector<1x16xf32>,
      %mul3A_222 = arith.mulf %sub3A_215, %sub3A_215 : vector<16xf32>
      %add3A_223 = arith.addf %scan3A_89, %mul3A_222 : vector<16xf32>
      %get3A_224 = arith.index_cast %scan3A_81 : i32 to index
      %get3A_225 = arith.constant 128 : index
      %get3A_226 = tpu.vector_load %arg8[%get3A_224, %get3A_225] {strides = array<i32>} : memref<80x512xf32, #tpu.memory_space<vmem>>, vector<1x16xf32>,
      %get3A_227 = vector.shape_cast %get3A_226 : vector<1x16xf32> to vector<16xf32>
      %get3A_228 = arith.index_cast %scan3A_81 : i32 to index
      %get3A_229 = arith.constant 128 : index
      %get3A_230 = tpu.vector_load %arg9[%get3A_228, %get3A_229] {strides = array<i32>} : memref<80x512xf32, #tpu.memory_space<vmem>>, vector<1x16xf32>,
      %get3A_231 = vector.shape_cast %get3A_230 : vector<1x16xf32> to vector<16xf32>
      %sub3A_232 = arith.subf %get3A_227, %get3A_231 : vector<16xf32>
      %add3A_233 = arith.addf %get3A_231, %sub3A_232 : vector<16xf32>
      %swap3A_234 = arith.index_cast %scan3A_81 : i32 to index
      %swap3A_235 = arith.constant 128 : index
      %swap3A_236 = tpu.vector_load %arg8[%swap3A_234, %swap3A_235] {strides = array<i32>} : memref<80x512xf32, #tpu.memory_space<vmem>>, vector<1x16xf32>,
      %swap3A_237 = vector.shape_cast %swap3A_236 : vector<1x16xf32> to vector<16xf32>
      %swap3A_238 = vector.shape_cast %add3A_233 : vector<16xf32> to vector<1x16xf32>
      tpu.vector_store %arg8[%swap3A_234, %swap3A_235], %swap3A_238 {strides = array<i32>} : memref<80x512xf32, #tpu.memory_space<vmem>>, vector<1x16xf32>,
      %mul3A_239 = arith.mulf %sub3A_232, %sub3A_232 : vector<16xf32>
      %add3A_240 = arith.addf %add3A_104, %mul3A_239 : vector<16xf32>
      %get3A_241 = arith.index_cast %scan3A_81 : i32 to index
      %get3A_242 = arith.constant 144 : index
      %get3A_243 = tpu.vector_load %arg8[%get3A_241, %get3A_242] {strides = array<i32>} : memref<80x512xf32, #tpu.memory_space<vmem>>, vector<1x16xf32>,
      %get3A_244 = vector.shape_cast %get3A_243 : vector<1x16xf32> to vector<16xf32>
      %get3A_245 = arith.index_cast %scan3A_81 : i32 to index
      %get3A_246 = arith.constant 144 : index
      %get3A_247 = tpu.vector_load %arg9[%get3A_245, %get3A_246] {strides = array<i32>} : memref<80x512xf32, #tpu.memory_space<vmem>>, vector<1x16xf32>,
      %get3A_248 = vector.shape_cast %get3A_247 : vector<1x16xf32> to vector<16xf32>
      %sub3A_249 = arith.subf %get3A_244, %get3A_248 : vector<16xf32>
      %add3A_250 = arith.addf %get3A_248, %sub3A_249 : vector<16xf32>
      %swap3A_251 = arith.index_cast %scan3A_81 : i32 to index
      %swap3A_252 = arith.constant 144 : index
      %swap3A_253 = tpu.vector_load %arg8[%swap3A_251, %swap3A_252] {strides = array<i32>} : memref<80x512xf32, #tpu.memory_space<vmem>>, vector<1x16xf32>,
      %swap3A_254 = vector.shape_cast %swap3A_253 : vector<1x16xf32> to vector<16xf32>
      %swap3A_255 = vector.shape_cast %add3A_250 : vector<16xf32> to vector<1x16xf32>
      tpu.vector_store %arg8[%swap3A_251, %swap3A_252], %swap3A_255 {strides = array<i32>} : memref<80x512xf32, #tpu.memory_space<vmem>>, vector<1x16xf32>,
      %mul3A_256 = arith.mulf %sub3A_249, %sub3A_249 : vector<16xf32>
      %add3A_257 = arith.addf %add3A_121, %mul3A_256 : vector<16xf32>
      %get3A_258 = arith.index_cast %scan3A_81 : i32 to index
      %get3A_259 = arith.constant 160 : index
      %get3A_260 = tpu.vector_load %arg8[%get3A_258, %get3A_259] {strides = array<i32>} : memref<80x512xf32, #tpu.memory_space<vmem>>, vector<1x16xf32>,
      %get3A_261 = vector.shape_cast %get3A_260 : vector<1x16xf32> to vector<16xf32>
      %get3A_262 = arith.index_cast %scan3A_81 : i32 to index
      %get3A_263 = arith.constant 160 : index
      %get3A_264 = tpu.vector_load %arg9[%get3A_262, %get3A_263] {strides = array<i32>} : memref<80x512xf32, #tpu.memory_space<vmem>>, vector<1x16xf32>,
      %get3A_265 = vector.shape_cast %get3A_264 : vector<1x16xf32> to vector<16xf32>
      %sub3A_266 = arith.subf %get3A_261, %get3A_265 : vector<16xf32>
      %add3A_267 = arith.addf %get3A_265, %sub3A_266 : vector<16xf32>
      %swap3A_268 = arith.index_cast %scan3A_81 : i32 to index
      %swap3A_269 = arith.constant 160 : index
      %swap3A_270 = tpu.vector_load %arg8[%swap3A_268, %swap3A_269] {strides = array<i32>} : memref<80x512xf32, #tpu.memory_space<vmem>>, vector<1x16xf32>,
      %swap3A_271 = vector.shape_cast %swap3A_270 : vector<1x16xf32> to vector<16xf32>
      %swap3A_272 = vector.shape_cast %add3A_267 : vector<16xf32> to vector<1x16xf32>
      tpu.vector_store %arg8[%swap3A_268, %swap3A_269], %swap3A_272 {strides = array<i32>} : memref<80x512xf32, #tpu.memory_space<vmem>>, vector<1x16xf32>,
      %mul3A_273 = arith.mulf %sub3A_266, %sub3A_266 : vector<16xf32>
      %add3A_274 = arith.addf %add3A_138, %mul3A_273 : vector<16xf32>
      %get3A_275 = arith.index_cast %scan3A_81 : i32 to index
      %get3A_276 = arith.constant 176 : index
      %get3A_277 = tpu.vector_load %arg8[%get3A_275, %get3A_276] {strides = array<i32>} : memref<80x512xf32, #tpu.memory_space<vmem>>, vector<1x16xf32>,
      %get3A_278 = vector.shape_cast %get3A_277 : vector<1x16xf32> to vector<16xf32>
      %get3A_279 = arith.index_cast %scan3A_81 : i32 to index
      %get3A_280 = arith.constant 176 : index
      %get3A_281 = tpu.vector_load %arg9[%get3A_279, %get3A_280] {strides = array<i32>} : memref<80x512xf32, #tpu.memory_space<vmem>>, vector<1x16xf32>,
      %get3A_282 = vector.shape_cast %get3A_281 : vector<1x16xf32> to vector<16xf32>
      %sub3A_283 = arith.subf %get3A_278, %get3A_282 : vector<16xf32>
      %add3A_284 = arith.addf %get3A_282, %sub3A_283 : vector<16xf32>
      %swap3A_285 = arith.index_cast %scan3A_81 : i32 to index
      %swap3A_286 = arith.constant 176 : index
      %swap3A_287 = tpu.vector_load %arg8[%swap3A_285, %swap3A_286] {strides = array<i32>} : memref<80x512xf32, #tpu.memory_space<vmem>>, vector<1x16xf32>,
      %swap3A_288 = vector.shape_cast %swap3A_287 : vector<1x16xf32> to vector<16xf32>
      %swap3A_289 = vector.shape_cast %add3A_284 : vector<16xf32> to vector<1x16xf32>
      tpu.vector_store %arg8[%swap3A_285, %swap3A_286], %swap3A_289 {strides = array<i32>} : memref<80x512xf32, #tpu.memory_space<vmem>>, vector<1x16xf32>,
      %mul3A_290 = arith.mulf %sub3A_283, %sub3A_283 : vector<16xf32>
      %add3A_291 = arith.addf %add3A_155, %mul3A_290 : vector<16xf32>
      %get3A_292 = arith.index_cast %scan3A_81 : i32 to index
      %get3A_293 = arith.constant 192 : index
      %get3A_294 = tpu.vector_load %arg8[%get3A_292, %get3A_293] {strides = array<i32>} : memref<80x512xf32, #tpu.memory_space<vmem>>, vector<1x16xf32>,
      %get3A_295 = vector.shape_cast %get3A_294 : vector<1x16xf32> to vector<16xf32>
      %get3A_296 = arith.index_cast %scan3A_81 : i32 to index
      %get3A_297 = arith.constant 192 : index
      %get3A_298 = tpu.vector_load %arg9[%get3A_296, %get3A_297] {strides = array<i32>} : memref<80x512xf32, #tpu.memory_space<vmem>>, vector<1x16xf32>,
      %get3A_299 = vector.shape_cast %get3A_298 : vector<1x16xf32> to vector<16xf32>
      %sub3A_300 = arith.subf %get3A_295, %get3A_299 : vector<16xf32>
      %add3A_301 = arith.addf %get3A_299, %sub3A_300 : vector<16xf32>
      %swap3A_302 = arith.index_cast %scan3A_81 : i32 to index
      %swap3A_303 = arith.constant 192 : index
      %swap3A_304 = tpu.vector_load %arg8[%swap3A_302, %swap3A_303] {strides = array<i32>} : memref<80x512xf32, #tpu.memory_space<vmem>>, vector<1x16xf32>,
      %swap3A_305 = vector.shape_cast %swap3A_304 : vector<1x16xf32> to vector<16xf32>
      %swap3A_306 = vector.shape_cast %add3A_301 : vector<16xf32> to vector<1x16xf32>
      tpu.vector_store %arg8[%swap3A_302, %swap3A_303], %swap3A_306 {strides = array<i32>} : memref<80x512xf32, #tpu.memory_space<vmem>>, vector<1x16xf32>,
      %mul3A_307 = arith.mulf %sub3A_300, %sub3A_300 : vector<16xf32>
      %add3A_308 = arith.addf %add3A_172, %mul3A_307 : vector<16xf32>
      %get3A_309 = arith.index_cast %scan3A_81 : i32 to index
      %get3A_310 = arith.constant 208 : index
      %get3A_311 = tpu.vector_load %arg8[%get3A_309, %get3A_310] {strides = array<i32>} : memref<80x512xf32, #tpu.memory_space<vmem>>, vector<1x16xf32>,
      %get3A_312 = vector.shape_cast %get3A_311 : vector<1x16xf32> to vector<16xf32>
      %get3A_313 = arith.index_cast %scan3A_81 : i32 to index
      %get3A_314 = arith.constant 208 : index
      %get3A_315 = tpu.vector_load %arg9[%get3A_313, %get3A_314] {strides = array<i32>} : memref<80x512xf32, #tpu.memory_space<vmem>>, vector<1x16xf32>,
      %get3A_316 = vector.shape_cast %get3A_315 : vector<1x16xf32> to vector<16xf32>
      %sub3A_317 = arith.subf %get3A_312, %get3A_316 : vector<16xf32>
      %add3A_318 = arith.addf %get3A_316, %sub3A_317 : vector<16xf32>
      %swap3A_319 = arith.index_cast %scan3A_81 : i32 to index
      %swap3A_320 = arith.constant 208 : index
      %swap3A_321 = tpu.vector_load %arg8[%swap3A_319, %swap3A_320] {strides = array<i32>} : memref<80x512xf32, #tpu.memory_space<vmem>>, vector<1x16xf32>,
      %swap3A_322 = vector.shape_cast %swap3A_321 : vector<1x16xf32> to vector<16xf32>
      %swap3A_323 = vector.shape_cast %add3A_318 : vector<16xf32> to vector<1x16xf32>
      tpu.vector_store %arg8[%swap3A_319, %swap3A_320], %swap3A_323 {strides = array<i32>} : memref<80x512xf32, #tpu.memory_space<vmem>>, vector<1x16xf32>,
      %mul3A_324 = arith.mulf %sub3A_317, %sub3A_317 : vector<16xf32>
      %add3A_325 = arith.addf %add3A_189, %mul3A_324 : vector<16xf32>
      %get3A_326 = arith.index_cast %scan3A_81 : i32 to index
      %get3A_327 = arith.constant 224 : index
      %get3A_328 = tpu.vector_load %arg8[%get3A_326, %get3A_327] {strides = array<i32>} : memref<80x512xf32, #tpu.memory_space<vmem>>, vector<1x16xf32>,
      %get3A_329 = vector.shape_cast %get3A_328 : vector<1x16xf32> to vector<16xf32>
      %get3A_330 = arith.index_cast %scan3A_81 : i32 to index
      %get3A_331 = arith.constant 224 : index
      %get3A_332 = tpu.vector_load %arg9[%get3A_330, %get3A_331] {strides = array<i32>} : memref<80x512xf32, #tpu.memory_space<vmem>>, vector<1x16xf32>,
      %get3A_333 = vector.shape_cast %get3A_332 : vector<1x16xf32> to vector<16xf32>
      %sub3A_334 = arith.subf %get3A_329, %get3A_333 : vector<16xf32>
      %add3A_335 = arith.addf %get3A_333, %sub3A_334 : vector<16xf32>
      %swap3A_336 = arith.index_cast %scan3A_81 : i32 to index
      %swap3A_337 = arith.constant 224 : index
      %swap3A_338 = tpu.vector_load %arg8[%swap3A_336, %swap3A_337] {strides = array<i32>} : memref<80x512xf32, #tpu.memory_space<vmem>>, vector<1x16xf32>,
      %swap3A_339 = vector.shape_cast %swap3A_338 : vector<1x16xf32> to vector<16xf32>
      %swap3A_340 = vector.shape_cast %add3A_335 : vector<16xf32> to vector<1x16xf32>
      tpu.vector_store %arg8[%swap3A_336, %swap3A_337], %swap3A_340 {strides = array<i32>} : memref<80x512xf32, #tpu.memory_space<vmem>>, vector<1x16xf32>,
      %mul3A_341 = arith.mulf %sub3A_334, %sub3A_334 : vector<16xf32>
      %add3A_342 = arith.addf %add3A_206, %mul3A_341 : vector<16xf32>
      %get3A_343 = arith.index_cast %scan3A_81 : i32 to index
      %get3A_344 = arith.constant 240 : index
      %get3A_345 = tpu.vector_load %arg8[%get3A_343, %get3A_344] {strides = array<i32>} : memref<80x512xf32, #tpu.memory_space<vmem>>, vector<1x16xf32>,
      %get3A_346 = vector.shape_cast %get3A_345 : vector<1x16xf32> to vector<16xf32>
      %get3A_347 = arith.index_cast %scan3A_81 : i32 to index
      %get3A_348 = arith.constant 240 : index
      %get3A_349 = tpu.vector_load %arg9[%get3A_347, %get3A_348] {strides = array<i32>} : memref<80x512xf32, #tpu.memory_space<vmem>>, vector<1x16xf32>,
      %get3A_350 = vector.shape_cast %get3A_349 : vector<1x16xf32> to vector<16xf32>
      %sub3A_351 = arith.subf %get3A_346, %get3A_350 : vector<16xf32>
      %add3A_352 = arith.addf %get3A_350, %sub3A_351 : vector<16xf32>
      %swap3A_353 = arith.index_cast %scan3A_81 : i32 to index
      %swap3A_354 = arith.constant 240 : index
      %swap3A_355 = tpu.vector_load %arg8[%swap3A_353, %swap3A_354] {strides = array<i32>} : memref<80x512xf32, #tpu.memory_space<vmem>>, vector<1x16xf32>,
      %swap3A_356 = vector.shape_cast %swap3A_355 : vector<1x16xf32> to vector<16xf32>
      %swap3A_357 = vector.shape_cast %add3A_352 : vector<16xf32> to vector<1x16xf32>
      tpu.vector_store %arg8[%swap3A_353, %swap3A_354], %swap3A_357 {strides = array<i32>} : memref<80x512xf32, #tpu.memory_space<vmem>>, vector<1x16xf32>,
      %mul3A_358 = arith.mulf %sub3A_351, %sub3A_351 : vector<16xf32>
      %add3A_359 = arith.addf %add3A_223, %mul3A_358 : vector<16xf32>
      %get3A_360 = arith.index_cast %scan3A_81 : i32 to index
      %get3A_361 = arith.constant 256 : index
      %get3A_362 = tpu.vector_load %arg8[%get3A_360, %get3A_361] {strides = array<i32>} : memref<80x512xf32, #tpu.memory_space<vmem>>, vector<1x16xf32>,
      %get3A_363 = vector.shape_cast %get3A_362 : vector<1x16xf32> to vector<16xf32>
      %get3A_364 = arith.index_cast %scan3A_81 : i32 to index
      %get3A_365 = arith.constant 256 : index
      %get3A_366 = tpu.vector_load %arg9[%get3A_364, %get3A_365] {strides = array<i32>} : memref<80x512xf32, #tpu.memory_space<vmem>>, vector<1x16xf32>,
      %get3A_367 = vector.shape_cast %get3A_366 : vector<1x16xf32> to vector<16xf32>
      %sub3A_368 = arith.subf %get3A_363, %get3A_367 : vector<16xf32>
      %add3A_369 = arith.addf %get3A_367, %sub3A_368 : vector<16xf32>
      %swap3A_370 = arith.index_cast %scan3A_81 : i32 to index
      %swap3A_371 = arith.constant 256 : index
      %swap3A_372 = tpu.vector_load %arg8[%swap3A_370, %swap3A_371] {strides = array<i32>} : memref<80x512xf32, #tpu.memory_space<vmem>>, vector<1x16xf32>,
      %swap3A_373 = vector.shape_cast %swap3A_372 : vector<1x16xf32> to vector<16xf32>
      %swap3A_374 = vector.shape_cast %add3A_369 : vector<16xf32> to vector<1x16xf32>
      tpu.vector_store %arg8[%swap3A_370, %swap3A_371], %swap3A_374 {strides = array<i32>} : memref<80x512xf32, #tpu.memory_space<vmem>>, vector<1x16xf32>,
      %mul3A_375 = arith.mulf %sub3A_368, %sub3A_368 : vector<16xf32>
      %add3A_376 = arith.addf %add3A_240, %mul3A_375 : vector<16xf32>
      %get3A_377 = arith.index_cast %scan3A_81 : i32 to index
      %get3A_378 = arith.constant 272 : index
      %get3A_379 = tpu.vector_load %arg8[%get3A_377, %get3A_378] {strides = array<i32>} : memref<80x512xf32, #tpu.memory_space<vmem>>, vector<1x16xf32>,
      %get3A_380 = vector.shape_cast %get3A_379 : vector<1x16xf32> to vector<16xf32>
      %get3A_381 = arith.index_cast %scan3A_81 : i32 to index
      %get3A_382 = arith.constant 272 : index
      %get3A_383 = tpu.vector_load %arg9[%get3A_381, %get3A_382] {strides = array<i32>} : memref<80x512xf32, #tpu.memory_space<vmem>>, vector<1x16xf32>,
      %get3A_384 = vector.shape_cast %get3A_383 : vector<1x16xf32> to vector<16xf32>
      %sub3A_385 = arith.subf %get3A_380, %get3A_384 : vector<16xf32>
      %add3A_386 = arith.addf %get3A_384, %sub3A_385 : vector<16xf32>
      %swap3A_387 = arith.index_cast %scan3A_81 : i32 to index
      %swap3A_388 = arith.constant 272 : index
      %swap3A_389 = tpu.vector_load %arg8[%swap3A_387, %swap3A_388] {strides = array<i32>} : memref<80x512xf32, #tpu.memory_space<vmem>>, vector<1x16xf32>,
      %swap3A_390 = vector.shape_cast %swap3A_389 : vector<1x16xf32> to vector<16xf32>
      %swap3A_391 = vector.shape_cast %add3A_386 : vector<16xf32> to vector<1x16xf32>
      tpu.vector_store %arg8[%swap3A_387, %swap3A_388], %swap3A_391 {strides = array<i32>} : memref<80x512xf32, #tpu.memory_space<vmem>>, vector<1x16xf32>,
      %mul3A_392 = arith.mulf %sub3A_385, %sub3A_385 : vector<16xf32>
      %add3A_393 = arith.addf %add3A_257, %mul3A_392 : vector<16xf32>
      %get3A_394 = arith.index_cast %scan3A_81 : i32 to index
      %get3A_395 = arith.constant 288 : index
      %get3A_396 = tpu.vector_load %arg8[%get3A_394, %get3A_395] {strides = array<i32>} : memref<80x512xf32, #tpu.memory_space<vmem>>, vector<1x16xf32>,
      %get3A_397 = vector.shape_cast %get3A_396 : vector<1x16xf32> to vector<16xf32>
      %get3A_398 = arith.index_cast %scan3A_81 : i32 to index
      %get3A_399 = arith.constant 288 : index
      %get3A_400 = tpu.vector_load %arg9[%get3A_398, %get3A_399] {strides = array<i32>} : memref<80x512xf32, #tpu.memory_space<vmem>>, vector<1x16xf32>,
      %get3A_401 = vector.shape_cast %get3A_400 : vector<1x16xf32> to vector<16xf32>
      %sub3A_402 = arith.subf %get3A_397, %get3A_401 : vector<16xf32>
      %add3A_403 = arith.addf %get3A_401, %sub3A_402 : vector<16xf32>
      %swap3A_404 = arith.index_cast %scan3A_81 : i32 to index
      %swap3A_405 = arith.constant 288 : index
      %swap3A_406 = tpu.vector_load %arg8[%swap3A_404, %swap3A_405] {strides = array<i32>} : memref<80x512xf32, #tpu.memory_space<vmem>>, vector<1x16xf32>,
      %swap3A_407 = vector.shape_cast %swap3A_406 : vector<1x16xf32> to vector<16xf32>
      %swap3A_408 = vector.shape_cast %add3A_403 : vector<16xf32> to vector<1x16xf32>
      tpu.vector_store %arg8[%swap3A_404, %swap3A_405], %swap3A_408 {strides = array<i32>} : memref<80x512xf32, #tpu.memory_space<vmem>>, vector<1x16xf32>,
      %mul3A_409 = arith.mulf %sub3A_402, %sub3A_402 : vector<16xf32>
      %add3A_410 = arith.addf %add3A_274, %mul3A_409 : vector<16xf32>
      %get3A_411 = arith.index_cast %scan3A_81 : i32 to index
      %get3A_412 = arith.constant 304 : index
      %get3A_413 = tpu.vector_load %arg8[%get3A_411, %get3A_412] {strides = array<i32>} : memref<80x512xf32, #tpu.memory_space<vmem>>, vector<1x16xf32>,
      %get3A_414 = vector.shape_cast %get3A_413 : vector<1x16xf32> to vector<16xf32>
      %get3A_415 = arith.index_cast %scan3A_81 : i32 to index
      %get3A_416 = arith.constant 304 : index
      %get3A_417 = tpu.vector_load %arg9[%get3A_415, %get3A_416] {strides = array<i32>} : memref<80x512xf32, #tpu.memory_space<vmem>>, vector<1x16xf32>,
      %get3A_418 = vector.shape_cast %get3A_417 : vector<1x16xf32> to vector<16xf32>
      %sub3A_419 = arith.subf %get3A_414, %get3A_418 : vector<16xf32>
      %add3A_420 = arith.addf %get3A_418, %sub3A_419 : vector<16xf32>
      %swap3A_421 = arith.index_cast %scan3A_81 : i32 to index
      %swap3A_422 = arith.constant 304 : index
      %swap3A_423 = tpu.vector_load %arg8[%swap3A_421, %swap3A_422] {strides = array<i32>} : memref<80x512xf32, #tpu.memory_space<vmem>>, vector<1x16xf32>,
      %swap3A_424 = vector.shape_cast %swap3A_423 : vector<1x16xf32> to vector<16xf32>
      %swap3A_425 = vector.shape_cast %add3A_420 : vector<16xf32> to vector<1x16xf32>
      tpu.vector_store %arg8[%swap3A_421, %swap3A_422], %swap3A_425 {strides = array<i32>} : memref<80x512xf32, #tpu.memory_space<vmem>>, vector<1x16xf32>,
      %mul3A_426 = arith.mulf %sub3A_419, %sub3A_419 : vector<16xf32>
      %add3A_427 = arith.addf %add3A_291, %mul3A_426 : vector<16xf32>
      %get3A_428 = arith.index_cast %scan3A_81 : i32 to index
      %get3A_429 = arith.constant 320 : index
      %get3A_430 = tpu.vector_load %arg8[%get3A_428, %get3A_429] {strides = array<i32>} : memref<80x512xf32, #tpu.memory_space<vmem>>, vector<1x16xf32>,
      %get3A_431 = vector.shape_cast %get3A_430 : vector<1x16xf32> to vector<16xf32>
      %get3A_432 = arith.index_cast %scan3A_81 : i32 to index
      %get3A_433 = arith.constant 320 : index
      %get3A_434 = tpu.vector_load %arg9[%get3A_432, %get3A_433] {strides = array<i32>} : memref<80x512xf32, #tpu.memory_space<vmem>>, vector<1x16xf32>,
      %get3A_435 = vector.shape_cast %get3A_434 : vector<1x16xf32> to vector<16xf32>
      %sub3A_436 = arith.subf %get3A_431, %get3A_435 : vector<16xf32>
      %add3A_437 = arith.addf %get3A_435, %sub3A_436 : vector<16xf32>
      %swap3A_438 = arith.index_cast %scan3A_81 : i32 to index
      %swap3A_439 = arith.constant 320 : index
      %swap3A_440 = tpu.vector_load %arg8[%swap3A_438, %swap3A_439] {strides = array<i32>} : memref<80x512xf32, #tpu.memory_space<vmem>>, vector<1x16xf32>,
      %swap3A_441 = vector.shape_cast %swap3A_440 : vector<1x16xf32> to vector<16xf32>
      %swap3A_442 = vector.shape_cast %add3A_437 : vector<16xf32> to vector<1x16xf32>
      tpu.vector_store %arg8[%swap3A_438, %swap3A_439], %swap3A_442 {strides = array<i32>} : memref<80x512xf32, #tpu.memory_space<vmem>>, vector<1x16xf32>,
      %mul3A_443 = arith.mulf %sub3A_436, %sub3A_436 : vector<16xf32>
      %add3A_444 = arith.addf %add3A_308, %mul3A_443 : vector<16xf32>
      %get3A_445 = arith.index_cast %scan3A_81 : i32 to index
      %get3A_446 = arith.constant 336 : index
      %get3A_447 = tpu.vector_load %arg8[%get3A_445, %get3A_446] {strides = array<i32>} : memref<80x512xf32, #tpu.memory_space<vmem>>, vector<1x16xf32>,
      %get3A_448 = vector.shape_cast %get3A_447 : vector<1x16xf32> to vector<16xf32>
      %get3A_449 = arith.index_cast %scan3A_81 : i32 to index
      %get3A_450 = arith.constant 336 : index
      %get3A_451 = tpu.vector_load %arg9[%get3A_449, %get3A_450] {strides = array<i32>} : memref<80x512xf32, #tpu.memory_space<vmem>>, vector<1x16xf32>,
      %get3A_452 = vector.shape_cast %get3A_451 : vector<1x16xf32> to vector<16xf32>
      %sub3A_453 = arith.subf %get3A_448, %get3A_452 : vector<16xf32>
      %add3A_454 = arith.addf %get3A_452, %sub3A_453 : vector<16xf32>
      %swap3A_455 = arith.index_cast %scan3A_81 : i32 to index
      %swap3A_456 = arith.constant 336 : index
      %swap3A_457 = tpu.vector_load %arg8[%swap3A_455, %swap3A_456] {strides = array<i32>} : memref<80x512xf32, #tpu.memory_space<vmem>>, vector<1x16xf32>,
      %swap3A_458 = vector.shape_cast %swap3A_457 : vector<1x16xf32> to vector<16xf32>
      %swap3A_459 = vector.shape_cast %add3A_454 : vector<16xf32> to vector<1x16xf32>
      tpu.vector_store %arg8[%swap3A_455, %swap3A_456], %swap3A_459 {strides = array<i32>} : memref<80x512xf32, #tpu.memory_space<vmem>>, vector<1x16xf32>,
      %mul3A_460 = arith.mulf %sub3A_453, %sub3A_453 : vector<16xf32>
      %add3A_461 = arith.addf %add3A_325, %mul3A_460 : vector<16xf32>
      %get3A_462 = arith.index_cast %scan3A_81 : i32 to index
      %get3A_463 = arith.constant 352 : index
      %get3A_464 = tpu.vector_load %arg8[%get3A_462, %get3A_463] {strides = array<i32>} : memref<80x512xf32, #tpu.memory_space<vmem>>, vector<1x16xf32>,
      %get3A_465 = vector.shape_cast %get3A_464 : vector<1x16xf32> to vector<16xf32>
      %get3A_466 = arith.index_cast %scan3A_81 : i32 to index
      %get3A_467 = arith.constant 352 : index
      %get3A_468 = tpu.vector_load %arg9[%get3A_466, %get3A_467] {strides = array<i32>} : memref<80x512xf32, #tpu.memory_space<vmem>>, vector<1x16xf32>,
      %get3A_469 = vector.shape_cast %get3A_468 : vector<1x16xf32> to vector<16xf32>
      %sub3A_470 = arith.subf %get3A_465, %get3A_469 : vector<16xf32>
      %add3A_471 = arith.addf %get3A_469, %sub3A_470 : vector<16xf32>
      %swap3A_472 = arith.index_cast %scan3A_81 : i32 to index
      %swap3A_473 = arith.constant 352 : index
      %swap3A_474 = tpu.vector_load %arg8[%swap3A_472, %swap3A_473] {strides = array<i32>} : memref<80x512xf32, #tpu.memory_space<vmem>>, vector<1x16xf32>,
      %swap3A_475 = vector.shape_cast %swap3A_474 : vector<1x16xf32> to vector<16xf32>
      %swap3A_476 = vector.shape_cast %add3A_471 : vector<16xf32> to vector<1x16xf32>
      tpu.vector_store %arg8[%swap3A_472, %swap3A_473], %swap3A_476 {strides = array<i32>} : memref<80x512xf32, #tpu.memory_space<vmem>>, vector<1x16xf32>,
      %mul3A_477 = arith.mulf %sub3A_470, %sub3A_470 : vector<16xf32>
      %add3A_478 = arith.addf %add3A_342, %mul3A_477 : vector<16xf32>
      %get3A_479 = arith.index_cast %scan3A_81 : i32 to index
      %get3A_480 = arith.constant 368 : index
      %get3A_481 = tpu.vector_load %arg8[%get3A_479, %get3A_480] {strides = array<i32>} : memref<80x512xf32, #tpu.memory_space<vmem>>, vector<1x16xf32>,
      %get3A_482 = vector.shape_cast %get3A_481 : vector<1x16xf32> to vector<16xf32>
      %get3A_483 = arith.index_cast %scan3A_81 : i32 to index
      %get3A_484 = arith.constant 368 : index
      %get3A_485 = tpu.vector_load %arg9[%get3A_483, %get3A_484] {strides = array<i32>} : memref<80x512xf32, #tpu.memory_space<vmem>>, vector<1x16xf32>,
      %get3A_486 = vector.shape_cast %get3A_485 : vector<1x16xf32> to vector<16xf32>
      %sub3A_487 = arith.subf %get3A_482, %get3A_486 : vector<16xf32>
      %add3A_488 = arith.addf %get3A_486, %sub3A_487 : vector<16xf32>
      %swap3A_489 = arith.index_cast %scan3A_81 : i32 to index
      %swap3A_490 = arith.constant 368 : index
      %swap3A_491 = tpu.vector_load %arg8[%swap3A_489, %swap3A_490] {strides = array<i32>} : memref<80x512xf32, #tpu.memory_space<vmem>>, vector<1x16xf32>,
      %swap3A_492 = vector.shape_cast %swap3A_491 : vector<1x16xf32> to vector<16xf32>
      %swap3A_493 = vector.shape_cast %add3A_488 : vector<16xf32> to vector<1x16xf32>
      tpu.vector_store %arg8[%swap3A_489, %swap3A_490], %swap3A_493 {strides = array<i32>} : memref<80x512xf32, #tpu.memory_space<vmem>>, vector<1x16xf32>,
      %mul3A_494 = arith.mulf %sub3A_487, %sub3A_487 : vector<16xf32>
      %add3A_495 = arith.addf %add3A_359, %mul3A_494 : vector<16xf32>
      %get3A_496 = arith.index_cast %scan3A_81 : i32 to index
      %get3A_497 = arith.constant 384 : index
      %get3A_498 = tpu.vector_load %arg8[%get3A_496, %get3A_497] {strides = array<i32>} : memref<80x512xf32, #tpu.memory_space<vmem>>, vector<1x16xf32>,
      %get3A_499 = vector.shape_cast %get3A_498 : vector<1x16xf32> to vector<16xf32>
      %get3A_500 = arith.index_cast %scan3A_81 : i32 to index
      %get3A_501 = arith.constant 384 : index
      %get3A_502 = tpu.vector_load %arg9[%get3A_500, %get3A_501] {strides = array<i32>} : memref<80x512xf32, #tpu.memory_space<vmem>>, vector<1x16xf32>,
      %get3A_503 = vector.shape_cast %get3A_502 : vector<1x16xf32> to vector<16xf32>
      %sub3A_504 = arith.subf %get3A_499, %get3A_503 : vector<16xf32>
      %add3A_505 = arith.addf %get3A_503, %sub3A_504 : vector<16xf32>
      %swap3A_506 = arith.index_cast %scan3A_81 : i32 to index
      %swap3A_507 = arith.constant 384 : index
      %swap3A_508 = tpu.vector_load %arg8[%swap3A_506, %swap3A_507] {strides = array<i32>} : memref<80x512xf32, #tpu.memory_space<vmem>>, vector<1x16xf32>,
      %swap3A_509 = vector.shape_cast %swap3A_508 : vector<1x16xf32> to vector<16xf32>
      %swap3A_510 = vector.shape_cast %add3A_505 : vector<16xf32> to vector<1x16xf32>
      tpu.vector_store %arg8[%swap3A_506, %swap3A_507], %swap3A_510 {strides = array<i32>} : memref<80x512xf32, #tpu.memory_space<vmem>>, vector<1x16xf32>,
      %mul3A_511 = arith.mulf %sub3A_504, %sub3A_504 : vector<16xf32>
      %add3A_512 = arith.addf %add3A_376, %mul3A_511 : vector<16xf32>
      %get3A_513 = arith.index_cast %scan3A_81 : i32 to index
      %get3A_514 = arith.constant 400 : index
      %get3A_515 = tpu.vector_load %arg8[%get3A_513, %get3A_514] {strides = array<i32>} : memref<80x512xf32, #tpu.memory_space<vmem>>, vector<1x16xf32>,
      %get3A_516 = vector.shape_cast %get3A_515 : vector<1x16xf32> to vector<16xf32>
      %get3A_517 = arith.index_cast %scan3A_81 : i32 to index
      %get3A_518 = arith.constant 400 : index
      %get3A_519 = tpu.vector_load %arg9[%get3A_517, %get3A_518] {strides = array<i32>} : memref<80x512xf32, #tpu.memory_space<vmem>>, vector<1x16xf32>,
      %get3A_520 = vector.shape_cast %get3A_519 : vector<1x16xf32> to vector<16xf32>
      %sub3A_521 = arith.subf %get3A_516, %get3A_520 : vector<16xf32>
      %add3A_522 = arith.addf %get3A_520, %sub3A_521 : vector<16xf32>
      %swap3A_523 = arith.index_cast %scan3A_81 : i32 to index
      %swap3A_524 = arith.constant 400 : index
      %swap3A_525 = tpu.vector_load %arg8[%swap3A_523, %swap3A_524] {strides = array<i32>} : memref<80x512xf32, #tpu.memory_space<vmem>>, vector<1x16xf32>,
      %swap3A_526 = vector.shape_cast %swap3A_525 : vector<1x16xf32> to vector<16xf32>
      %swap3A_527 = vector.shape_cast %add3A_522 : vector<16xf32> to vector<1x16xf32>
      tpu.vector_store %arg8[%swap3A_523, %swap3A_524], %swap3A_527 {strides = array<i32>} : memref<80x512xf32, #tpu.memory_space<vmem>>, vector<1x16xf32>,
      %mul3A_528 = arith.mulf %sub3A_521, %sub3A_521 : vector<16xf32>
      %add3A_529 = arith.addf %add3A_393, %mul3A_528 : vector<16xf32>
      %get3A_530 = arith.index_cast %scan3A_81 : i32 to index
      %get3A_531 = arith.constant 416 : index
      %get3A_532 = tpu.vector_load %arg8[%get3A_530, %get3A_531] {strides = array<i32>} : memref<80x512xf32, #tpu.memory_space<vmem>>, vector<1x16xf32>,
      %get3A_533 = vector.shape_cast %get3A_532 : vector<1x16xf32> to vector<16xf32>
      %get3A_534 = arith.index_cast %scan3A_81 : i32 to index
      %get3A_535 = arith.constant 416 : index
      %get3A_536 = tpu.vector_load %arg9[%get3A_534, %get3A_535] {strides = array<i32>} : memref<80x512xf32, #tpu.memory_space<vmem>>, vector<1x16xf32>,
      %get3A_537 = vector.shape_cast %get3A_536 : vector<1x16xf32> to vector<16xf32>
      %sub3A_538 = arith.subf %get3A_533, %get3A_537 : vector<16xf32>
      %add3A_539 = arith.addf %get3A_537, %sub3A_538 : vector<16xf32>
      %swap3A_540 = arith.index_cast %scan3A_81 : i32 to index
      %swap3A_541 = arith.constant 416 : index
      %swap3A_542 = tpu.vector_load %arg8[%swap3A_540, %swap3A_541] {strides = array<i32>} : memref<80x512xf32, #tpu.memory_space<vmem>>, vector<1x16xf32>,
      %swap3A_543 = vector.shape_cast %swap3A_542 : vector<1x16xf32> to vector<16xf32>
      %swap3A_544 = vector.shape_cast %add3A_539 : vector<16xf32> to vector<1x16xf32>
      tpu.vector_store %arg8[%swap3A_540, %swap3A_541], %swap3A_544 {strides = array<i32>} : memref<80x512xf32, #tpu.memory_space<vmem>>, vector<1x16xf32>,
      %mul3A_545 = arith.mulf %sub3A_538, %sub3A_538 : vector<16xf32>
      %add3A_546 = arith.addf %add3A_410, %mul3A_545 : vector<16xf32>
      %get3A_547 = arith.index_cast %scan3A_81 : i32 to index
      %get3A_548 = arith.constant 432 : index
      %get3A_549 = tpu.vector_load %arg8[%get3A_547, %get3A_548] {strides = array<i32>} : memref<80x512xf32, #tpu.memory_space<vmem>>, vector<1x16xf32>,
      %get3A_550 = vector.shape_cast %get3A_549 : vector<1x16xf32> to vector<16xf32>
      %get3A_551 = arith.index_cast %scan3A_81 : i32 to index
      %get3A_552 = arith.constant 432 : index
      %get3A_553 = tpu.vector_load %arg9[%get3A_551, %get3A_552] {strides = array<i32>} : memref<80x512xf32, #tpu.memory_space<vmem>>, vector<1x16xf32>,
      %get3A_554 = vector.shape_cast %get3A_553 : vector<1x16xf32> to vector<16xf32>
      %sub3A_555 = arith.subf %get3A_550, %get3A_554 : vector<16xf32>
      %add3A_556 = arith.addf %get3A_554, %sub3A_555 : vector<16xf32>
      %swap3A_557 = arith.index_cast %scan3A_81 : i32 to index
      %swap3A_558 = arith.constant 432 : index
      %swap3A_559 = tpu.vector_load %arg8[%swap3A_557, %swap3A_558] {strides = array<i32>} : memref<80x512xf32, #tpu.memory_space<vmem>>, vector<1x16xf32>,
      %swap3A_560 = vector.shape_cast %swap3A_559 : vector<1x16xf32> to vector<16xf32>
      %swap3A_561 = vector.shape_cast %add3A_556 : vector<16xf32> to vector<1x16xf32>
      tpu.vector_store %arg8[%swap3A_557, %swap3A_558], %swap3A_561 {strides = array<i32>} : memref<80x512xf32, #tpu.memory_space<vmem>>, vector<1x16xf32>,
      %mul3A_562 = arith.mulf %sub3A_555, %sub3A_555 : vector<16xf32>
      %add3A_563 = arith.addf %add3A_427, %mul3A_562 : vector<16xf32>
      %get3A_564 = arith.index_cast %scan3A_81 : i32 to index
      %get3A_565 = arith.constant 448 : index
      %get3A_566 = tpu.vector_load %arg8[%get3A_564, %get3A_565] {strides = array<i32>} : memref<80x512xf32, #tpu.memory_space<vmem>>, vector<1x16xf32>,
      %get3A_567 = vector.shape_cast %get3A_566 : vector<1x16xf32> to vector<16xf32>
      %get3A_568 = arith.index_cast %scan3A_81 : i32 to index
      %get3A_569 = arith.constant 448 : index
      %get3A_570 = tpu.vector_load %arg9[%get3A_568, %get3A_569] {strides = array<i32>} : memref<80x512xf32, #tpu.memory_space<vmem>>, vector<1x16xf32>,
      %get3A_571 = vector.shape_cast %get3A_570 : vector<1x16xf32> to vector<16xf32>
      %sub3A_572 = arith.subf %get3A_567, %get3A_571 : vector<16xf32>
      %add3A_573 = arith.addf %get3A_571, %sub3A_572 : vector<16xf32>
      %swap3A_574 = arith.index_cast %scan3A_81 : i32 to index
      %swap3A_575 = arith.constant 448 : index
      %swap3A_576 = tpu.vector_load %arg8[%swap3A_574, %swap3A_575] {strides = array<i32>} : memref<80x512xf32, #tpu.memory_space<vmem>>, vector<1x16xf32>,
      %swap3A_577 = vector.shape_cast %swap3A_576 : vector<1x16xf32> to vector<16xf32>
      %swap3A_578 = vector.shape_cast %add3A_573 : vector<16xf32> to vector<1x16xf32>
      tpu.vector_store %arg8[%swap3A_574, %swap3A_575], %swap3A_578 {strides = array<i32>} : memref<80x512xf32, #tpu.memory_space<vmem>>, vector<1x16xf32>,
      %mul3A_579 = arith.mulf %sub3A_572, %sub3A_572 : vector<16xf32>
      %add3A_580 = arith.addf %add3A_444, %mul3A_579 : vector<16xf32>
      %get3A_581 = arith.index_cast %scan3A_81 : i32 to index
      %get3A_582 = arith.constant 464 : index
      %get3A_583 = tpu.vector_load %arg8[%get3A_581, %get3A_582] {strides = array<i32>} : memref<80x512xf32, #tpu.memory_space<vmem>>, vector<1x16xf32>,
      %get3A_584 = vector.shape_cast %get3A_583 : vector<1x16xf32> to vector<16xf32>
      %get3A_585 = arith.index_cast %scan3A_81 : i32 to index
      %get3A_586 = arith.constant 464 : index
      %get3A_587 = tpu.vector_load %arg9[%get3A_585, %get3A_586] {strides = array<i32>} : memref<80x512xf32, #tpu.memory_space<vmem>>, vector<1x16xf32>,
      %get3A_588 = vector.shape_cast %get3A_587 : vector<1x16xf32> to vector<16xf32>
      %sub3A_589 = arith.subf %get3A_584, %get3A_588 : vector<16xf32>
      %add3A_590 = arith.addf %get3A_588, %sub3A_589 : vector<16xf32>
      %swap3A_591 = arith.index_cast %scan3A_81 : i32 to index
      %swap3A_592 = arith.constant 464 : index
      %swap3A_593 = tpu.vector_load %arg8[%swap3A_591, %swap3A_592] {strides = array<i32>} : memref<80x512xf32, #tpu.memory_space<vmem>>, vector<1x16xf32>,
      %swap3A_594 = vector.shape_cast %swap3A_593 : vector<1x16xf32> to vector<16xf32>
      %swap3A_595 = vector.shape_cast %add3A_590 : vector<16xf32> to vector<1x16xf32>
      tpu.vector_store %arg8[%swap3A_591, %swap3A_592], %swap3A_595 {strides = array<i32>} : memref<80x512xf32, #tpu.memory_space<vmem>>, vector<1x16xf32>,
      %mul3A_596 = arith.mulf %sub3A_589, %sub3A_589 : vector<16xf32>
      %add3A_597 = arith.addf %add3A_461, %mul3A_596 : vector<16xf32>
      %get3A_598 = arith.index_cast %scan3A_81 : i32 to index
      %get3A_599 = arith.constant 480 : index
      %get3A_600 = tpu.vector_load %arg8[%get3A_598, %get3A_599] {strides = array<i32>} : memref<80x512xf32, #tpu.memory_space<vmem>>, vector<1x16xf32>,
      %get3A_601 = vector.shape_cast %get3A_600 : vector<1x16xf32> to vector<16xf32>
      %get3A_602 = arith.index_cast %scan3A_81 : i32 to index
      %get3A_603 = arith.constant 480 : index
      %get3A_604 = tpu.vector_load %arg9[%get3A_602, %get3A_603] {strides = array<i32>} : memref<80x512xf32, #tpu.memory_space<vmem>>, vector<1x16xf32>,
      %get3A_605 = vector.shape_cast %get3A_604 : vector<1x16xf32> to vector<16xf32>
      %sub3A_606 = arith.subf %get3A_601, %get3A_605 : vector<16xf32>
      %add3A_607 = arith.addf %get3A_605, %sub3A_606 : vector<16xf32>
      %swap3A_608 = arith.index_cast %scan3A_81 : i32 to index
      %swap3A_609 = arith.constant 480 : index
      %swap3A_610 = tpu.vector_load %arg8[%swap3A_608, %swap3A_609] {strides = array<i32>} : memref<80x512xf32, #tpu.memory_space<vmem>>, vector<1x16xf32>,
      %swap3A_611 = vector.shape_cast %swap3A_610 : vector<1x16xf32> to vector<16xf32>
      %swap3A_612 = vector.shape_cast %add3A_607 : vector<16xf32> to vector<1x16xf32>
      tpu.vector_store %arg8[%swap3A_608, %swap3A_609], %swap3A_612 {strides = array<i32>} : memref<80x512xf32, #tpu.memory_space<vmem>>, vector<1x16xf32>,
      %mul3A_613 = arith.mulf %sub3A_606, %sub3A_606 : vector<16xf32>
      %add3A_614 = arith.addf %add3A_478, %mul3A_613 : vector<16xf32>
      %get3A_615 = arith.index_cast %scan3A_81 : i32 to index
      %get3A_616 = arith.constant 496 : index
      %get3A_617 = tpu.vector_load %arg8[%get3A_615, %get3A_616] {strides = array<i32>} : memref<80x512xf32, #tpu.memory_space<vmem>>, vector<1x16xf32>,
      %get3A_618 = vector.shape_cast %get3A_617 : vector<1x16xf32> to vector<16xf32>
      %get3A_619 = arith.index_cast %scan3A_81 : i32 to index
      %get3A_620 = arith.constant 496 : index
      %get3A_621 = tpu.vector_load %arg9[%get3A_619, %get3A_620] {strides = array<i32>} : memref<80x512xf32, #tpu.memory_space<vmem>>, vector<1x16xf32>,
      %get3A_622 = vector.shape_cast %get3A_621 : vector<1x16xf32> to vector<16xf32>
      %sub3A_623 = arith.subf %get3A_618, %get3A_622 : vector<16xf32>
      %add3A_624 = arith.addf %get3A_622, %sub3A_623 : vector<16xf32>
      %swap3A_625 = arith.index_cast %scan3A_81 : i32 to index
      %swap3A_626 = arith.constant 496 : index
      %swap3A_627 = tpu.vector_load %arg8[%swap3A_625, %swap3A_626] {strides = array<i32>} : memref<80x512xf32, #tpu.memory_space<vmem>>, vector<1x16xf32>,
      %swap3A_628 = vector.shape_cast %swap3A_627 : vector<1x16xf32> to vector<16xf32>
      %swap3A_629 = vector.shape_cast %add3A_624 : vector<16xf32> to vector<1x16xf32>
      tpu.vector_store %arg8[%swap3A_625, %swap3A_626], %swap3A_629 {strides = array<i32>} : memref<80x512xf32, #tpu.memory_space<vmem>>, vector<1x16xf32>,
      %mul3A_630 = arith.mulf %sub3A_623, %sub3A_623 : vector<16xf32>
      %add3A_631 = arith.addf %add3A_495, %mul3A_630 : vector<16xf32>
      scf.yield %add3A_512, %add3A_529, %add3A_546, %add3A_563, %add3A_580, %add3A_597, %add3A_614, %add3A_631 : vector<16xf32>, vector<16xf32>, vector<16xf32>, vector<16xf32>, vector<16xf32>, vector<16xf32>, vector<16xf32>, vector<16xf32>
    }
    %scan3A_34 = arith.constant 80 : i32
    "tpu.region"() ({
      %run_scoped3A = tpu.sem_alloc : memref<!tpu.dma_semaphore, #tpu.memory_space<semaphore_mem>>
      %dma_start3A_81 = arith.constant 0 : i32
      %dma_start3A_82 = tpu.memref_slice %arg5[%mul3A_22, %dma_start3A_81] : memref<10240x512xf32, #tpu.memory_space<hbm>> -> memref<80x512xf32, #tpu.memory_space<hbm>>
      %dma_start3A_83 = arith.constant 0 : i32
      %dma_start3A_84 = tpu.memref_slice %arg5[%mul3A_22, %dma_start3A_83] : memref<10240x512xf32, #tpu.memory_space<hbm>> -> memref<80x512xf32, #tpu.memory_space<hbm>>
      tpu.enqueue_dma source(%arg8 : memref<80x512xf32, #tpu.memory_space<vmem>>) target(%dma_start3A_84 : memref<80x512xf32, #tpu.memory_space<hbm>>) target_semaphore(%run_scoped3A : memref<!tpu.dma_semaphore, #tpu.memory_space<semaphore_mem>>)
      %dma_wait3A_85 = arith.constant 0 : i32
      %dma_wait3A_86 = tpu.memref_slice %arg5[%mul3A_22, %dma_wait3A_85] : memref<10240x512xf32, #tpu.memory_space<hbm>> -> memref<80x512xf32, #tpu.memory_space<hbm>>
      %dma_wait3A_87 = arith.constant 0 : i32
      %dma_wait3A_88 = tpu.memref_slice %arg5[%mul3A_22, %dma_wait3A_87] : memref<10240x512xf32, #tpu.memory_space<hbm>> -> memref<80x512xf32, #tpu.memory_space<hbm>>
      tpu.wait_dma2 semaphore(%run_scoped3A : memref<!tpu.dma_semaphore, #tpu.memory_space<semaphore_mem>>) src(%arg8 : memref<80x512xf32, #tpu.memory_space<vmem>>) dst(%dma_wait3A_88 : memref<80x512xf32, #tpu.memory_space<hbm>>)
      tpu.yield
    }) : () -> ()
    %mul3A_35 = arith.constant 4 : i32
    %mul3A_36 = arith.muli %add3A, %mul3A_35 : i32
    %add3A_37 = arith.constant 2 : i32
    %add3A_38 = arith.addi %mul3A_36, %add3A_37 : i32
    %mul3A_39 = arith.constant 80 : i32
    %mul3A_40 = arith.muli %add3A_38, %mul3A_39 : i32
    "tpu.region"() ({
      %run_scoped3A = tpu.sem_alloc : memref<!tpu.dma_semaphore, #tpu.memory_space<semaphore_mem>>
      %dma_start3A_81 = arith.constant 0 : i32
      %dma_start3A_82 = tpu.memref_slice %arg3[%add3A_38, %dma_start3A_81] : memref<128x80xi32, #tpu.memory_space<hbm>> -> memref<1x80xi32, #tpu.memory_space<hbm>>
      %dma_start3A_83 = tpu.memref_squeeze %dma_start3A_82 : memref<1x80xi32, #tpu.memory_space<hbm>> -> memref<80xi32, #tpu.memory_space<hbm>>
      %dma_start3A_84 = arith.constant 0 : i32
      %dma_start3A_85 = tpu.memref_slice %arg3[%add3A_38, %dma_start3A_84] : memref<128x80xi32, #tpu.memory_space<hbm>> -> memref<1x80xi32, #tpu.memory_space<hbm>>
      %dma_start3A_86 = tpu.memref_squeeze %dma_start3A_85 : memref<1x80xi32, #tpu.memory_space<hbm>> -> memref<80xi32, #tpu.memory_space<hbm>>
      tpu.enqueue_dma source(%dma_start3A_86 : memref<80xi32, #tpu.memory_space<hbm>>) target(%arg7 : memref<80xi32, #tpu.memory_space<vmem>>) target_semaphore(%run_scoped3A : memref<!tpu.dma_semaphore, #tpu.memory_space<semaphore_mem>>)
      %dma_wait3A_87 = arith.constant 0 : i32
      %dma_wait3A_88 = tpu.memref_slice %arg3[%add3A_38, %dma_wait3A_87] : memref<128x80xi32, #tpu.memory_space<hbm>> -> memref<1x80xi32, #tpu.memory_space<hbm>>
      %dma_wait3A_89 = tpu.memref_squeeze %dma_wait3A_88 : memref<1x80xi32, #tpu.memory_space<hbm>> -> memref<80xi32, #tpu.memory_space<hbm>>
      %dma_wait3A_90 = arith.constant 0 : i32
      %dma_wait3A_91 = tpu.memref_slice %arg3[%add3A_38, %dma_wait3A_90] : memref<128x80xi32, #tpu.memory_space<hbm>> -> memref<1x80xi32, #tpu.memory_space<hbm>>
      %dma_wait3A_92 = tpu.memref_squeeze %dma_wait3A_91 : memref<1x80xi32, #tpu.memory_space<hbm>> -> memref<80xi32, #tpu.memory_space<hbm>>
      tpu.wait_dma2 semaphore(%run_scoped3A : memref<!tpu.dma_semaphore, #tpu.memory_space<semaphore_mem>>) src(%dma_wait3A_92 : memref<80xi32, #tpu.memory_space<hbm>>) dst(%arg7 : memref<80xi32, #tpu.memory_space<vmem>>)
      tpu.yield
    }) : () -> ()
    %dma_start3A_41 = arith.constant 0 : i32
    %dma_start3A_42 = arith.constant 0 : i32
    %dma_start3A_43 = tpu.memref_slice %arg2[%dma_start3A_41, %dma_start3A_42] : memref<8192x512xf32, #tpu.memory_space<hbm>> -> memref<8192x512xf32, #tpu.memory_space<hbm>>
    tpu.enqueue_indirect_dma source(%dma_start3A_43 : memref<8192x512xf32, #tpu.memory_space<hbm>>) target(%arg8 : memref<80x512xf32, #tpu.memory_space<vmem>>) offsets(%arg7 : memref<80xi32, #tpu.memory_space<vmem>>) semaphore(%arg11 : memref<!tpu.dma_semaphore, #tpu.memory_space<semaphore_mem>>)
    %dma_wait3A_44 = arith.constant 0 : i32
    %dma_wait3A_45 = arith.constant 0 : i32
    %dma_wait3A_46 = tpu.memref_slice %arg2[%dma_wait3A_44, %dma_wait3A_45] : memref<8192x512xf32, #tpu.memory_space<hbm>> -> memref<8192x512xf32, #tpu.memory_space<hbm>>
    tpu.wait_indirect_dma semaphore(%arg11 : memref<!tpu.dma_semaphore, #tpu.memory_space<semaphore_mem>>) src(%dma_wait3A_46 : memref<8192x512xf32, #tpu.memory_space<hbm>>) dst(%arg8 : memref<80x512xf32, #tpu.memory_space<vmem>>)
    "tpu.region"() ({
      %run_scoped3A = tpu.sem_alloc : memref<!tpu.dma_semaphore, #tpu.memory_space<semaphore_mem>>
      %dma_start3A_81 = arith.constant 0 : i32
      %dma_start3A_82 = tpu.memref_slice %arg4[%mul3A_40, %dma_start3A_81] : memref<10240x512xf32, #tpu.memory_space<hbm>> -> memref<80x512xf32, #tpu.memory_space<hbm>>
      %dma_start3A_83 = arith.constant 0 : i32
      %dma_start3A_84 = tpu.memref_slice %arg4[%mul3A_40, %dma_start3A_83] : memref<10240x512xf32, #tpu.memory_space<hbm>> -> memref<80x512xf32, #tpu.memory_space<hbm>>
      tpu.enqueue_dma source(%dma_start3A_84 : memref<80x512xf32, #tpu.memory_space<hbm>>) target(%arg9 : memref<80x512xf32, #tpu.memory_space<vmem>>) target_semaphore(%run_scoped3A : memref<!tpu.dma_semaphore, #tpu.memory_space<semaphore_mem>>)
      %dma_wait3A_85 = arith.constant 0 : i32
      %dma_wait3A_86 = tpu.memref_slice %arg4[%mul3A_40, %dma_wait3A_85] : memref<10240x512xf32, #tpu.memory_space<hbm>> -> memref<80x512xf32, #tpu.memory_space<hbm>>
      %dma_wait3A_87 = arith.constant 0 : i32
      %dma_wait3A_88 = tpu.memref_slice %arg4[%mul3A_40, %dma_wait3A_87] : memref<10240x512xf32, #tpu.memory_space<hbm>> -> memref<80x512xf32, #tpu.memory_space<hbm>>
      tpu.wait_dma2 semaphore(%run_scoped3A : memref<!tpu.dma_semaphore, #tpu.memory_space<semaphore_mem>>) src(%dma_wait3A_88 : memref<80x512xf32, #tpu.memory_space<hbm>>) dst(%arg9 : memref<80x512xf32, #tpu.memory_space<vmem>>)
      tpu.yield
    }) : () -> ()
    %scan3A_47 = arith.constant 0 : i32
    %scan3A_48 = arith.constant 80 : i32
    %scan3A_49 = arith.addi %scan3A_47, %scan3A_48 : i32
    %scan3A_50 = arith.constant 1 : i32
    %scan3A_51:8 = scf.for %scan3A_81 = %scan3A_47 to %scan3A_49 step %scan3A_50 iter_args(%scan3A_82 = %scan3A_33#0, %scan3A_83 = %scan3A_33#1, %scan3A_84 = %scan3A_33#2, %scan3A_85 = %scan3A_33#3, %scan3A_86 = %scan3A_33#4, %scan3A_87 = %scan3A_33#5, %scan3A_88 = %scan3A_33#6, %scan3A_89 = %scan3A_33#7) -> (vector<16xf32>, vector<16xf32>, vector<16xf32>, vector<16xf32>, vector<16xf32>, vector<16xf32>, vector<16xf32>, vector<16xf32>)  : i32 {
      %get3A = arith.index_cast %scan3A_81 : i32 to index
      %get3A_90 = arith.constant 0 : index
      %get3A_91 = tpu.vector_load %arg8[%get3A, %get3A_90] {strides = array<i32>} : memref<80x512xf32, #tpu.memory_space<vmem>>, vector<1x16xf32>,
      %get3A_92 = vector.shape_cast %get3A_91 : vector<1x16xf32> to vector<16xf32>
      %get3A_93 = arith.index_cast %scan3A_81 : i32 to index
      %get3A_94 = arith.constant 0 : index
      %get3A_95 = tpu.vector_load %arg9[%get3A_93, %get3A_94] {strides = array<i32>} : memref<80x512xf32, #tpu.memory_space<vmem>>, vector<1x16xf32>,
      %get3A_96 = vector.shape_cast %get3A_95 : vector<1x16xf32> to vector<16xf32>
      %sub3A = arith.subf %get3A_92, %get3A_96 : vector<16xf32>
      %add3A_97 = arith.addf %get3A_96, %sub3A : vector<16xf32>
      %swap3A_98 = arith.index_cast %scan3A_81 : i32 to index
      %swap3A_99 = arith.constant 0 : index
      %swap3A_100 = tpu.vector_load %arg8[%swap3A_98, %swap3A_99] {strides = array<i32>} : memref<80x512xf32, #tpu.memory_space<vmem>>, vector<1x16xf32>,
      %swap3A_101 = vector.shape_cast %swap3A_100 : vector<1x16xf32> to vector<16xf32>
      %swap3A_102 = vector.shape_cast %add3A_97 : vector<16xf32> to vector<1x16xf32>
      tpu.vector_store %arg8[%swap3A_98, %swap3A_99], %swap3A_102 {strides = array<i32>} : memref<80x512xf32, #tpu.memory_space<vmem>>, vector<1x16xf32>,
      %mul3A_103 = arith.mulf %sub3A, %sub3A : vector<16xf32>
      %add3A_104 = arith.addf %scan3A_82, %mul3A_103 : vector<16xf32>
      %get3A_105 = arith.index_cast %scan3A_81 : i32 to index
      %get3A_106 = arith.constant 16 : index
      %get3A_107 = tpu.vector_load %arg8[%get3A_105, %get3A_106] {strides = array<i32>} : memref<80x512xf32, #tpu.memory_space<vmem>>, vector<1x16xf32>,
      %get3A_108 = vector.shape_cast %get3A_107 : vector<1x16xf32> to vector<16xf32>
      %get3A_109 = arith.index_cast %scan3A_81 : i32 to index
      %get3A_110 = arith.constant 16 : index
      %get3A_111 = tpu.vector_load %arg9[%get3A_109, %get3A_110] {strides = array<i32>} : memref<80x512xf32, #tpu.memory_space<vmem>>, vector<1x16xf32>,
      %get3A_112 = vector.shape_cast %get3A_111 : vector<1x16xf32> to vector<16xf32>
      %sub3A_113 = arith.subf %get3A_108, %get3A_112 : vector<16xf32>
      %add3A_114 = arith.addf %get3A_112, %sub3A_113 : vector<16xf32>
      %swap3A_115 = arith.index_cast %scan3A_81 : i32 to index
      %swap3A_116 = arith.constant 16 : index
      %swap3A_117 = tpu.vector_load %arg8[%swap3A_115, %swap3A_116] {strides = array<i32>} : memref<80x512xf32, #tpu.memory_space<vmem>>, vector<1x16xf32>,
      %swap3A_118 = vector.shape_cast %swap3A_117 : vector<1x16xf32> to vector<16xf32>
      %swap3A_119 = vector.shape_cast %add3A_114 : vector<16xf32> to vector<1x16xf32>
      tpu.vector_store %arg8[%swap3A_115, %swap3A_116], %swap3A_119 {strides = array<i32>} : memref<80x512xf32, #tpu.memory_space<vmem>>, vector<1x16xf32>,
      %mul3A_120 = arith.mulf %sub3A_113, %sub3A_113 : vector<16xf32>
      %add3A_121 = arith.addf %scan3A_83, %mul3A_120 : vector<16xf32>
      %get3A_122 = arith.index_cast %scan3A_81 : i32 to index
      %get3A_123 = arith.constant 32 : index
      %get3A_124 = tpu.vector_load %arg8[%get3A_122, %get3A_123] {strides = array<i32>} : memref<80x512xf32, #tpu.memory_space<vmem>>, vector<1x16xf32>,
      %get3A_125 = vector.shape_cast %get3A_124 : vector<1x16xf32> to vector<16xf32>
      %get3A_126 = arith.index_cast %scan3A_81 : i32 to index
      %get3A_127 = arith.constant 32 : index
      %get3A_128 = tpu.vector_load %arg9[%get3A_126, %get3A_127] {strides = array<i32>} : memref<80x512xf32, #tpu.memory_space<vmem>>, vector<1x16xf32>,
      %get3A_129 = vector.shape_cast %get3A_128 : vector<1x16xf32> to vector<16xf32>
      %sub3A_130 = arith.subf %get3A_125, %get3A_129 : vector<16xf32>
      %add3A_131 = arith.addf %get3A_129, %sub3A_130 : vector<16xf32>
      %swap3A_132 = arith.index_cast %scan3A_81 : i32 to index
      %swap3A_133 = arith.constant 32 : index
      %swap3A_134 = tpu.vector_load %arg8[%swap3A_132, %swap3A_133] {strides = array<i32>} : memref<80x512xf32, #tpu.memory_space<vmem>>, vector<1x16xf32>,
      %swap3A_135 = vector.shape_cast %swap3A_134 : vector<1x16xf32> to vector<16xf32>
      %swap3A_136 = vector.shape_cast %add3A_131 : vector<16xf32> to vector<1x16xf32>
      tpu.vector_store %arg8[%swap3A_132, %swap3A_133], %swap3A_136 {strides = array<i32>} : memref<80x512xf32, #tpu.memory_space<vmem>>, vector<1x16xf32>,
      %mul3A_137 = arith.mulf %sub3A_130, %sub3A_130 : vector<16xf32>
      %add3A_138 = arith.addf %scan3A_84, %mul3A_137 : vector<16xf32>
      %get3A_139 = arith.index_cast %scan3A_81 : i32 to index
      %get3A_140 = arith.constant 48 : index
      %get3A_141 = tpu.vector_load %arg8[%get3A_139, %get3A_140] {strides = array<i32>} : memref<80x512xf32, #tpu.memory_space<vmem>>, vector<1x16xf32>,
      %get3A_142 = vector.shape_cast %get3A_141 : vector<1x16xf32> to vector<16xf32>
      %get3A_143 = arith.index_cast %scan3A_81 : i32 to index
      %get3A_144 = arith.constant 48 : index
      %get3A_145 = tpu.vector_load %arg9[%get3A_143, %get3A_144] {strides = array<i32>} : memref<80x512xf32, #tpu.memory_space<vmem>>, vector<1x16xf32>,
      %get3A_146 = vector.shape_cast %get3A_145 : vector<1x16xf32> to vector<16xf32>
      %sub3A_147 = arith.subf %get3A_142, %get3A_146 : vector<16xf32>
      %add3A_148 = arith.addf %get3A_146, %sub3A_147 : vector<16xf32>
      %swap3A_149 = arith.index_cast %scan3A_81 : i32 to index
      %swap3A_150 = arith.constant 48 : index
      %swap3A_151 = tpu.vector_load %arg8[%swap3A_149, %swap3A_150] {strides = array<i32>} : memref<80x512xf32, #tpu.memory_space<vmem>>, vector<1x16xf32>,
      %swap3A_152 = vector.shape_cast %swap3A_151 : vector<1x16xf32> to vector<16xf32>
      %swap3A_153 = vector.shape_cast %add3A_148 : vector<16xf32> to vector<1x16xf32>
      tpu.vector_store %arg8[%swap3A_149, %swap3A_150], %swap3A_153 {strides = array<i32>} : memref<80x512xf32, #tpu.memory_space<vmem>>, vector<1x16xf32>,
      %mul3A_154 = arith.mulf %sub3A_147, %sub3A_147 : vector<16xf32>
      %add3A_155 = arith.addf %scan3A_85, %mul3A_154 : vector<16xf32>
      %get3A_156 = arith.index_cast %scan3A_81 : i32 to index
      %get3A_157 = arith.constant 64 : index
      %get3A_158 = tpu.vector_load %arg8[%get3A_156, %get3A_157] {strides = array<i32>} : memref<80x512xf32, #tpu.memory_space<vmem>>, vector<1x16xf32>,
      %get3A_159 = vector.shape_cast %get3A_158 : vector<1x16xf32> to vector<16xf32>
      %get3A_160 = arith.index_cast %scan3A_81 : i32 to index
      %get3A_161 = arith.constant 64 : index
      %get3A_162 = tpu.vector_load %arg9[%get3A_160, %get3A_161] {strides = array<i32>} : memref<80x512xf32, #tpu.memory_space<vmem>>, vector<1x16xf32>,
      %get3A_163 = vector.shape_cast %get3A_162 : vector<1x16xf32> to vector<16xf32>
      %sub3A_164 = arith.subf %get3A_159, %get3A_163 : vector<16xf32>
      %add3A_165 = arith.addf %get3A_163, %sub3A_164 : vector<16xf32>
      %swap3A_166 = arith.index_cast %scan3A_81 : i32 to index
      %swap3A_167 = arith.constant 64 : index
      %swap3A_168 = tpu.vector_load %arg8[%swap3A_166, %swap3A_167] {strides = array<i32>} : memref<80x512xf32, #tpu.memory_space<vmem>>, vector<1x16xf32>,
      %swap3A_169 = vector.shape_cast %swap3A_168 : vector<1x16xf32> to vector<16xf32>
      %swap3A_170 = vector.shape_cast %add3A_165 : vector<16xf32> to vector<1x16xf32>
      tpu.vector_store %arg8[%swap3A_166, %swap3A_167], %swap3A_170 {strides = array<i32>} : memref<80x512xf32, #tpu.memory_space<vmem>>, vector<1x16xf32>,
      %mul3A_171 = arith.mulf %sub3A_164, %sub3A_164 : vector<16xf32>
      %add3A_172 = arith.addf %scan3A_86, %mul3A_171 : vector<16xf32>
      %get3A_173 = arith.index_cast %scan3A_81 : i32 to index
      %get3A_174 = arith.constant 80 : index
      %get3A_175 = tpu.vector_load %arg8[%get3A_173, %get3A_174] {strides = array<i32>} : memref<80x512xf32, #tpu.memory_space<vmem>>, vector<1x16xf32>,
      %get3A_176 = vector.shape_cast %get3A_175 : vector<1x16xf32> to vector<16xf32>
      %get3A_177 = arith.index_cast %scan3A_81 : i32 to index
      %get3A_178 = arith.constant 80 : index
      %get3A_179 = tpu.vector_load %arg9[%get3A_177, %get3A_178] {strides = array<i32>} : memref<80x512xf32, #tpu.memory_space<vmem>>, vector<1x16xf32>,
      %get3A_180 = vector.shape_cast %get3A_179 : vector<1x16xf32> to vector<16xf32>
      %sub3A_181 = arith.subf %get3A_176, %get3A_180 : vector<16xf32>
      %add3A_182 = arith.addf %get3A_180, %sub3A_181 : vector<16xf32>
      %swap3A_183 = arith.index_cast %scan3A_81 : i32 to index
      %swap3A_184 = arith.constant 80 : index
      %swap3A_185 = tpu.vector_load %arg8[%swap3A_183, %swap3A_184] {strides = array<i32>} : memref<80x512xf32, #tpu.memory_space<vmem>>, vector<1x16xf32>,
      %swap3A_186 = vector.shape_cast %swap3A_185 : vector<1x16xf32> to vector<16xf32>
      %swap3A_187 = vector.shape_cast %add3A_182 : vector<16xf32> to vector<1x16xf32>
      tpu.vector_store %arg8[%swap3A_183, %swap3A_184], %swap3A_187 {strides = array<i32>} : memref<80x512xf32, #tpu.memory_space<vmem>>, vector<1x16xf32>,
      %mul3A_188 = arith.mulf %sub3A_181, %sub3A_181 : vector<16xf32>
      %add3A_189 = arith.addf %scan3A_87, %mul3A_188 : vector<16xf32>
      %get3A_190 = arith.index_cast %scan3A_81 : i32 to index
      %get3A_191 = arith.constant 96 : index
      %get3A_192 = tpu.vector_load %arg8[%get3A_190, %get3A_191] {strides = array<i32>} : memref<80x512xf32, #tpu.memory_space<vmem>>, vector<1x16xf32>,
      %get3A_193 = vector.shape_cast %get3A_192 : vector<1x16xf32> to vector<16xf32>
      %get3A_194 = arith.index_cast %scan3A_81 : i32 to index
      %get3A_195 = arith.constant 96 : index
      %get3A_196 = tpu.vector_load %arg9[%get3A_194, %get3A_195] {strides = array<i32>} : memref<80x512xf32, #tpu.memory_space<vmem>>, vector<1x16xf32>,
      %get3A_197 = vector.shape_cast %get3A_196 : vector<1x16xf32> to vector<16xf32>
      %sub3A_198 = arith.subf %get3A_193, %get3A_197 : vector<16xf32>
      %add3A_199 = arith.addf %get3A_197, %sub3A_198 : vector<16xf32>
      %swap3A_200 = arith.index_cast %scan3A_81 : i32 to index
      %swap3A_201 = arith.constant 96 : index
      %swap3A_202 = tpu.vector_load %arg8[%swap3A_200, %swap3A_201] {strides = array<i32>} : memref<80x512xf32, #tpu.memory_space<vmem>>, vector<1x16xf32>,
      %swap3A_203 = vector.shape_cast %swap3A_202 : vector<1x16xf32> to vector<16xf32>
      %swap3A_204 = vector.shape_cast %add3A_199 : vector<16xf32> to vector<1x16xf32>
      tpu.vector_store %arg8[%swap3A_200, %swap3A_201], %swap3A_204 {strides = array<i32>} : memref<80x512xf32, #tpu.memory_space<vmem>>, vector<1x16xf32>,
      %mul3A_205 = arith.mulf %sub3A_198, %sub3A_198 : vector<16xf32>
      %add3A_206 = arith.addf %scan3A_88, %mul3A_205 : vector<16xf32>
      %get3A_207 = arith.index_cast %scan3A_81 : i32 to index
      %get3A_208 = arith.constant 112 : index
      %get3A_209 = tpu.vector_load %arg8[%get3A_207, %get3A_208] {strides = array<i32>} : memref<80x512xf32, #tpu.memory_space<vmem>>, vector<1x16xf32>,
      %get3A_210 = vector.shape_cast %get3A_209 : vector<1x16xf32> to vector<16xf32>
      %get3A_211 = arith.index_cast %scan3A_81 : i32 to index
      %get3A_212 = arith.constant 112 : index
      %get3A_213 = tpu.vector_load %arg9[%get3A_211, %get3A_212] {strides = array<i32>} : memref<80x512xf32, #tpu.memory_space<vmem>>, vector<1x16xf32>,
      %get3A_214 = vector.shape_cast %get3A_213 : vector<1x16xf32> to vector<16xf32>
      %sub3A_215 = arith.subf %get3A_210, %get3A_214 : vector<16xf32>
      %add3A_216 = arith.addf %get3A_214, %sub3A_215 : vector<16xf32>
      %swap3A_217 = arith.index_cast %scan3A_81 : i32 to index
      %swap3A_218 = arith.constant 112 : index
      %swap3A_219 = tpu.vector_load %arg8[%swap3A_217, %swap3A_218] {strides = array<i32>} : memref<80x512xf32, #tpu.memory_space<vmem>>, vector<1x16xf32>,
      %swap3A_220 = vector.shape_cast %swap3A_219 : vector<1x16xf32> to vector<16xf32>
      %swap3A_221 = vector.shape_cast %add3A_216 : vector<16xf32> to vector<1x16xf32>
      tpu.vector_store %arg8[%swap3A_217, %swap3A_218], %swap3A_221 {strides = array<i32>} : memref<80x512xf32, #tpu.memory_space<vmem>>, vector<1x16xf32>,
      %mul3A_222 = arith.mulf %sub3A_215, %sub3A_215 : vector<16xf32>
      %add3A_223 = arith.addf %scan3A_89, %mul3A_222 : vector<16xf32>
      %get3A_224 = arith.index_cast %scan3A_81 : i32 to index
      %get3A_225 = arith.constant 128 : index
      %get3A_226 = tpu.vector_load %arg8[%get3A_224, %get3A_225] {strides = array<i32>} : memref<80x512xf32, #tpu.memory_space<vmem>>, vector<1x16xf32>,
      %get3A_227 = vector.shape_cast %get3A_226 : vector<1x16xf32> to vector<16xf32>
      %get3A_228 = arith.index_cast %scan3A_81 : i32 to index
      %get3A_229 = arith.constant 128 : index
      %get3A_230 = tpu.vector_load %arg9[%get3A_228, %get3A_229] {strides = array<i32>} : memref<80x512xf32, #tpu.memory_space<vmem>>, vector<1x16xf32>,
      %get3A_231 = vector.shape_cast %get3A_230 : vector<1x16xf32> to vector<16xf32>
      %sub3A_232 = arith.subf %get3A_227, %get3A_231 : vector<16xf32>
      %add3A_233 = arith.addf %get3A_231, %sub3A_232 : vector<16xf32>
      %swap3A_234 = arith.index_cast %scan3A_81 : i32 to index
      %swap3A_235 = arith.constant 128 : index
      %swap3A_236 = tpu.vector_load %arg8[%swap3A_234, %swap3A_235] {strides = array<i32>} : memref<80x512xf32, #tpu.memory_space<vmem>>, vector<1x16xf32>,
      %swap3A_237 = vector.shape_cast %swap3A_236 : vector<1x16xf32> to vector<16xf32>
      %swap3A_238 = vector.shape_cast %add3A_233 : vector<16xf32> to vector<1x16xf32>
      tpu.vector_store %arg8[%swap3A_234, %swap3A_235], %swap3A_238 {strides = array<i32>} : memref<80x512xf32, #tpu.memory_space<vmem>>, vector<1x16xf32>,
      %mul3A_239 = arith.mulf %sub3A_232, %sub3A_232 : vector<16xf32>
      %add3A_240 = arith.addf %add3A_104, %mul3A_239 : vector<16xf32>
      %get3A_241 = arith.index_cast %scan3A_81 : i32 to index
      %get3A_242 = arith.constant 144 : index
      %get3A_243 = tpu.vector_load %arg8[%get3A_241, %get3A_242] {strides = array<i32>} : memref<80x512xf32, #tpu.memory_space<vmem>>, vector<1x16xf32>,
      %get3A_244 = vector.shape_cast %get3A_243 : vector<1x16xf32> to vector<16xf32>
      %get3A_245 = arith.index_cast %scan3A_81 : i32 to index
      %get3A_246 = arith.constant 144 : index
      %get3A_247 = tpu.vector_load %arg9[%get3A_245, %get3A_246] {strides = array<i32>} : memref<80x512xf32, #tpu.memory_space<vmem>>, vector<1x16xf32>,
      %get3A_248 = vector.shape_cast %get3A_247 : vector<1x16xf32> to vector<16xf32>
      %sub3A_249 = arith.subf %get3A_244, %get3A_248 : vector<16xf32>
      %add3A_250 = arith.addf %get3A_248, %sub3A_249 : vector<16xf32>
      %swap3A_251 = arith.index_cast %scan3A_81 : i32 to index
      %swap3A_252 = arith.constant 144 : index
      %swap3A_253 = tpu.vector_load %arg8[%swap3A_251, %swap3A_252] {strides = array<i32>} : memref<80x512xf32, #tpu.memory_space<vmem>>, vector<1x16xf32>,
      %swap3A_254 = vector.shape_cast %swap3A_253 : vector<1x16xf32> to vector<16xf32>
      %swap3A_255 = vector.shape_cast %add3A_250 : vector<16xf32> to vector<1x16xf32>
      tpu.vector_store %arg8[%swap3A_251, %swap3A_252], %swap3A_255 {strides = array<i32>} : memref<80x512xf32, #tpu.memory_space<vmem>>, vector<1x16xf32>,
      %mul3A_256 = arith.mulf %sub3A_249, %sub3A_249 : vector<16xf32>
      %add3A_257 = arith.addf %add3A_121, %mul3A_256 : vector<16xf32>
      %get3A_258 = arith.index_cast %scan3A_81 : i32 to index
      %get3A_259 = arith.constant 160 : index
      %get3A_260 = tpu.vector_load %arg8[%get3A_258, %get3A_259] {strides = array<i32>} : memref<80x512xf32, #tpu.memory_space<vmem>>, vector<1x16xf32>,
      %get3A_261 = vector.shape_cast %get3A_260 : vector<1x16xf32> to vector<16xf32>
      %get3A_262 = arith.index_cast %scan3A_81 : i32 to index
      %get3A_263 = arith.constant 160 : index
      %get3A_264 = tpu.vector_load %arg9[%get3A_262, %get3A_263] {strides = array<i32>} : memref<80x512xf32, #tpu.memory_space<vmem>>, vector<1x16xf32>,
      %get3A_265 = vector.shape_cast %get3A_264 : vector<1x16xf32> to vector<16xf32>
      %sub3A_266 = arith.subf %get3A_261, %get3A_265 : vector<16xf32>
      %add3A_267 = arith.addf %get3A_265, %sub3A_266 : vector<16xf32>
      %swap3A_268 = arith.index_cast %scan3A_81 : i32 to index
      %swap3A_269 = arith.constant 160 : index
      %swap3A_270 = tpu.vector_load %arg8[%swap3A_268, %swap3A_269] {strides = array<i32>} : memref<80x512xf32, #tpu.memory_space<vmem>>, vector<1x16xf32>,
      %swap3A_271 = vector.shape_cast %swap3A_270 : vector<1x16xf32> to vector<16xf32>
      %swap3A_272 = vector.shape_cast %add3A_267 : vector<16xf32> to vector<1x16xf32>
      tpu.vector_store %arg8[%swap3A_268, %swap3A_269], %swap3A_272 {strides = array<i32>} : memref<80x512xf32, #tpu.memory_space<vmem>>, vector<1x16xf32>,
      %mul3A_273 = arith.mulf %sub3A_266, %sub3A_266 : vector<16xf32>
      %add3A_274 = arith.addf %add3A_138, %mul3A_273 : vector<16xf32>
      %get3A_275 = arith.index_cast %scan3A_81 : i32 to index
      %get3A_276 = arith.constant 176 : index
      %get3A_277 = tpu.vector_load %arg8[%get3A_275, %get3A_276] {strides = array<i32>} : memref<80x512xf32, #tpu.memory_space<vmem>>, vector<1x16xf32>,
      %get3A_278 = vector.shape_cast %get3A_277 : vector<1x16xf32> to vector<16xf32>
      %get3A_279 = arith.index_cast %scan3A_81 : i32 to index
      %get3A_280 = arith.constant 176 : index
      %get3A_281 = tpu.vector_load %arg9[%get3A_279, %get3A_280] {strides = array<i32>} : memref<80x512xf32, #tpu.memory_space<vmem>>, vector<1x16xf32>,
      %get3A_282 = vector.shape_cast %get3A_281 : vector<1x16xf32> to vector<16xf32>
      %sub3A_283 = arith.subf %get3A_278, %get3A_282 : vector<16xf32>
      %add3A_284 = arith.addf %get3A_282, %sub3A_283 : vector<16xf32>
      %swap3A_285 = arith.index_cast %scan3A_81 : i32 to index
      %swap3A_286 = arith.constant 176 : index
      %swap3A_287 = tpu.vector_load %arg8[%swap3A_285, %swap3A_286] {strides = array<i32>} : memref<80x512xf32, #tpu.memory_space<vmem>>, vector<1x16xf32>,
      %swap3A_288 = vector.shape_cast %swap3A_287 : vector<1x16xf32> to vector<16xf32>
      %swap3A_289 = vector.shape_cast %add3A_284 : vector<16xf32> to vector<1x16xf32>
      tpu.vector_store %arg8[%swap3A_285, %swap3A_286], %swap3A_289 {strides = array<i32>} : memref<80x512xf32, #tpu.memory_space<vmem>>, vector<1x16xf32>,
      %mul3A_290 = arith.mulf %sub3A_283, %sub3A_283 : vector<16xf32>
      %add3A_291 = arith.addf %add3A_155, %mul3A_290 : vector<16xf32>
      %get3A_292 = arith.index_cast %scan3A_81 : i32 to index
      %get3A_293 = arith.constant 192 : index
      %get3A_294 = tpu.vector_load %arg8[%get3A_292, %get3A_293] {strides = array<i32>} : memref<80x512xf32, #tpu.memory_space<vmem>>, vector<1x16xf32>,
      %get3A_295 = vector.shape_cast %get3A_294 : vector<1x16xf32> to vector<16xf32>
      %get3A_296 = arith.index_cast %scan3A_81 : i32 to index
      %get3A_297 = arith.constant 192 : index
      %get3A_298 = tpu.vector_load %arg9[%get3A_296, %get3A_297] {strides = array<i32>} : memref<80x512xf32, #tpu.memory_space<vmem>>, vector<1x16xf32>,
      %get3A_299 = vector.shape_cast %get3A_298 : vector<1x16xf32> to vector<16xf32>
      %sub3A_300 = arith.subf %get3A_295, %get3A_299 : vector<16xf32>
      %add3A_301 = arith.addf %get3A_299, %sub3A_300 : vector<16xf32>
      %swap3A_302 = arith.index_cast %scan3A_81 : i32 to index
      %swap3A_303 = arith.constant 192 : index
      %swap3A_304 = tpu.vector_load %arg8[%swap3A_302, %swap3A_303] {strides = array<i32>} : memref<80x512xf32, #tpu.memory_space<vmem>>, vector<1x16xf32>,
      %swap3A_305 = vector.shape_cast %swap3A_304 : vector<1x16xf32> to vector<16xf32>
      %swap3A_306 = vector.shape_cast %add3A_301 : vector<16xf32> to vector<1x16xf32>
      tpu.vector_store %arg8[%swap3A_302, %swap3A_303], %swap3A_306 {strides = array<i32>} : memref<80x512xf32, #tpu.memory_space<vmem>>, vector<1x16xf32>,
      %mul3A_307 = arith.mulf %sub3A_300, %sub3A_300 : vector<16xf32>
      %add3A_308 = arith.addf %add3A_172, %mul3A_307 : vector<16xf32>
      %get3A_309 = arith.index_cast %scan3A_81 : i32 to index
      %get3A_310 = arith.constant 208 : index
      %get3A_311 = tpu.vector_load %arg8[%get3A_309, %get3A_310] {strides = array<i32>} : memref<80x512xf32, #tpu.memory_space<vmem>>, vector<1x16xf32>,
      %get3A_312 = vector.shape_cast %get3A_311 : vector<1x16xf32> to vector<16xf32>
      %get3A_313 = arith.index_cast %scan3A_81 : i32 to index
      %get3A_314 = arith.constant 208 : index
      %get3A_315 = tpu.vector_load %arg9[%get3A_313, %get3A_314] {strides = array<i32>} : memref<80x512xf32, #tpu.memory_space<vmem>>, vector<1x16xf32>,
      %get3A_316 = vector.shape_cast %get3A_315 : vector<1x16xf32> to vector<16xf32>
      %sub3A_317 = arith.subf %get3A_312, %get3A_316 : vector<16xf32>
      %add3A_318 = arith.addf %get3A_316, %sub3A_317 : vector<16xf32>
      %swap3A_319 = arith.index_cast %scan3A_81 : i32 to index
      %swap3A_320 = arith.constant 208 : index
      %swap3A_321 = tpu.vector_load %arg8[%swap3A_319, %swap3A_320] {strides = array<i32>} : memref<80x512xf32, #tpu.memory_space<vmem>>, vector<1x16xf32>,
      %swap3A_322 = vector.shape_cast %swap3A_321 : vector<1x16xf32> to vector<16xf32>
      %swap3A_323 = vector.shape_cast %add3A_318 : vector<16xf32> to vector<1x16xf32>
      tpu.vector_store %arg8[%swap3A_319, %swap3A_320], %swap3A_323 {strides = array<i32>} : memref<80x512xf32, #tpu.memory_space<vmem>>, vector<1x16xf32>,
      %mul3A_324 = arith.mulf %sub3A_317, %sub3A_317 : vector<16xf32>
      %add3A_325 = arith.addf %add3A_189, %mul3A_324 : vector<16xf32>
      %get3A_326 = arith.index_cast %scan3A_81 : i32 to index
      %get3A_327 = arith.constant 224 : index
      %get3A_328 = tpu.vector_load %arg8[%get3A_326, %get3A_327] {strides = array<i32>} : memref<80x512xf32, #tpu.memory_space<vmem>>, vector<1x16xf32>,
      %get3A_329 = vector.shape_cast %get3A_328 : vector<1x16xf32> to vector<16xf32>
      %get3A_330 = arith.index_cast %scan3A_81 : i32 to index
      %get3A_331 = arith.constant 224 : index
      %get3A_332 = tpu.vector_load %arg9[%get3A_330, %get3A_331] {strides = array<i32>} : memref<80x512xf32, #tpu.memory_space<vmem>>, vector<1x16xf32>,
      %get3A_333 = vector.shape_cast %get3A_332 : vector<1x16xf32> to vector<16xf32>
      %sub3A_334 = arith.subf %get3A_329, %get3A_333 : vector<16xf32>
      %add3A_335 = arith.addf %get3A_333, %sub3A_334 : vector<16xf32>
      %swap3A_336 = arith.index_cast %scan3A_81 : i32 to index
      %swap3A_337 = arith.constant 224 : index
      %swap3A_338 = tpu.vector_load %arg8[%swap3A_336, %swap3A_337] {strides = array<i32>} : memref<80x512xf32, #tpu.memory_space<vmem>>, vector<1x16xf32>,
      %swap3A_339 = vector.shape_cast %swap3A_338 : vector<1x16xf32> to vector<16xf32>
      %swap3A_340 = vector.shape_cast %add3A_335 : vector<16xf32> to vector<1x16xf32>
      tpu.vector_store %arg8[%swap3A_336, %swap3A_337], %swap3A_340 {strides = array<i32>} : memref<80x512xf32, #tpu.memory_space<vmem>>, vector<1x16xf32>,
      %mul3A_341 = arith.mulf %sub3A_334, %sub3A_334 : vector<16xf32>
      %add3A_342 = arith.addf %add3A_206, %mul3A_341 : vector<16xf32>
      %get3A_343 = arith.index_cast %scan3A_81 : i32 to index
      %get3A_344 = arith.constant 240 : index
      %get3A_345 = tpu.vector_load %arg8[%get3A_343, %get3A_344] {strides = array<i32>} : memref<80x512xf32, #tpu.memory_space<vmem>>, vector<1x16xf32>,
      %get3A_346 = vector.shape_cast %get3A_345 : vector<1x16xf32> to vector<16xf32>
      %get3A_347 = arith.index_cast %scan3A_81 : i32 to index
      %get3A_348 = arith.constant 240 : index
      %get3A_349 = tpu.vector_load %arg9[%get3A_347, %get3A_348] {strides = array<i32>} : memref<80x512xf32, #tpu.memory_space<vmem>>, vector<1x16xf32>,
      %get3A_350 = vector.shape_cast %get3A_349 : vector<1x16xf32> to vector<16xf32>
      %sub3A_351 = arith.subf %get3A_346, %get3A_350 : vector<16xf32>
      %add3A_352 = arith.addf %get3A_350, %sub3A_351 : vector<16xf32>
      %swap3A_353 = arith.index_cast %scan3A_81 : i32 to index
      %swap3A_354 = arith.constant 240 : index
      %swap3A_355 = tpu.vector_load %arg8[%swap3A_353, %swap3A_354] {strides = array<i32>} : memref<80x512xf32, #tpu.memory_space<vmem>>, vector<1x16xf32>,
      %swap3A_356 = vector.shape_cast %swap3A_355 : vector<1x16xf32> to vector<16xf32>
      %swap3A_357 = vector.shape_cast %add3A_352 : vector<16xf32> to vector<1x16xf32>
      tpu.vector_store %arg8[%swap3A_353, %swap3A_354], %swap3A_357 {strides = array<i32>} : memref<80x512xf32, #tpu.memory_space<vmem>>, vector<1x16xf32>,
      %mul3A_358 = arith.mulf %sub3A_351, %sub3A_351 : vector<16xf32>
      %add3A_359 = arith.addf %add3A_223, %mul3A_358 : vector<16xf32>
      %get3A_360 = arith.index_cast %scan3A_81 : i32 to index
      %get3A_361 = arith.constant 256 : index
      %get3A_362 = tpu.vector_load %arg8[%get3A_360, %get3A_361] {strides = array<i32>} : memref<80x512xf32, #tpu.memory_space<vmem>>, vector<1x16xf32>,
      %get3A_363 = vector.shape_cast %get3A_362 : vector<1x16xf32> to vector<16xf32>
      %get3A_364 = arith.index_cast %scan3A_81 : i32 to index
      %get3A_365 = arith.constant 256 : index
      %get3A_366 = tpu.vector_load %arg9[%get3A_364, %get3A_365] {strides = array<i32>} : memref<80x512xf32, #tpu.memory_space<vmem>>, vector<1x16xf32>,
      %get3A_367 = vector.shape_cast %get3A_366 : vector<1x16xf32> to vector<16xf32>
      %sub3A_368 = arith.subf %get3A_363, %get3A_367 : vector<16xf32>
      %add3A_369 = arith.addf %get3A_367, %sub3A_368 : vector<16xf32>
      %swap3A_370 = arith.index_cast %scan3A_81 : i32 to index
      %swap3A_371 = arith.constant 256 : index
      %swap3A_372 = tpu.vector_load %arg8[%swap3A_370, %swap3A_371] {strides = array<i32>} : memref<80x512xf32, #tpu.memory_space<vmem>>, vector<1x16xf32>,
      %swap3A_373 = vector.shape_cast %swap3A_372 : vector<1x16xf32> to vector<16xf32>
      %swap3A_374 = vector.shape_cast %add3A_369 : vector<16xf32> to vector<1x16xf32>
      tpu.vector_store %arg8[%swap3A_370, %swap3A_371], %swap3A_374 {strides = array<i32>} : memref<80x512xf32, #tpu.memory_space<vmem>>, vector<1x16xf32>,
      %mul3A_375 = arith.mulf %sub3A_368, %sub3A_368 : vector<16xf32>
      %add3A_376 = arith.addf %add3A_240, %mul3A_375 : vector<16xf32>
      %get3A_377 = arith.index_cast %scan3A_81 : i32 to index
      %get3A_378 = arith.constant 272 : index
      %get3A_379 = tpu.vector_load %arg8[%get3A_377, %get3A_378] {strides = array<i32>} : memref<80x512xf32, #tpu.memory_space<vmem>>, vector<1x16xf32>,
      %get3A_380 = vector.shape_cast %get3A_379 : vector<1x16xf32> to vector<16xf32>
      %get3A_381 = arith.index_cast %scan3A_81 : i32 to index
      %get3A_382 = arith.constant 272 : index
      %get3A_383 = tpu.vector_load %arg9[%get3A_381, %get3A_382] {strides = array<i32>} : memref<80x512xf32, #tpu.memory_space<vmem>>, vector<1x16xf32>,
      %get3A_384 = vector.shape_cast %get3A_383 : vector<1x16xf32> to vector<16xf32>
      %sub3A_385 = arith.subf %get3A_380, %get3A_384 : vector<16xf32>
      %add3A_386 = arith.addf %get3A_384, %sub3A_385 : vector<16xf32>
      %swap3A_387 = arith.index_cast %scan3A_81 : i32 to index
      %swap3A_388 = arith.constant 272 : index
      %swap3A_389 = tpu.vector_load %arg8[%swap3A_387, %swap3A_388] {strides = array<i32>} : memref<80x512xf32, #tpu.memory_space<vmem>>, vector<1x16xf32>,
      %swap3A_390 = vector.shape_cast %swap3A_389 : vector<1x16xf32> to vector<16xf32>
      %swap3A_391 = vector.shape_cast %add3A_386 : vector<16xf32> to vector<1x16xf32>
      tpu.vector_store %arg8[%swap3A_387, %swap3A_388], %swap3A_391 {strides = array<i32>} : memref<80x512xf32, #tpu.memory_space<vmem>>, vector<1x16xf32>,
      %mul3A_392 = arith.mulf %sub3A_385, %sub3A_385 : vector<16xf32>
      %add3A_393 = arith.addf %add3A_257, %mul3A_392 : vector<16xf32>
      %get3A_394 = arith.index_cast %scan3A_81 : i32 to index
      %get3A_395 = arith.constant 288 : index
      %get3A_396 = tpu.vector_load %arg8[%get3A_394, %get3A_395] {strides = array<i32>} : memref<80x512xf32, #tpu.memory_space<vmem>>, vector<1x16xf32>,
      %get3A_397 = vector.shape_cast %get3A_396 : vector<1x16xf32> to vector<16xf32>
      %get3A_398 = arith.index_cast %scan3A_81 : i32 to index
      %get3A_399 = arith.constant 288 : index
      %get3A_400 = tpu.vector_load %arg9[%get3A_398, %get3A_399] {strides = array<i32>} : memref<80x512xf32, #tpu.memory_space<vmem>>, vector<1x16xf32>,
      %get3A_401 = vector.shape_cast %get3A_400 : vector<1x16xf32> to vector<16xf32>
      %sub3A_402 = arith.subf %get3A_397, %get3A_401 : vector<16xf32>
      %add3A_403 = arith.addf %get3A_401, %sub3A_402 : vector<16xf32>
      %swap3A_404 = arith.index_cast %scan3A_81 : i32 to index
      %swap3A_405 = arith.constant 288 : index
      %swap3A_406 = tpu.vector_load %arg8[%swap3A_404, %swap3A_405] {strides = array<i32>} : memref<80x512xf32, #tpu.memory_space<vmem>>, vector<1x16xf32>,
      %swap3A_407 = vector.shape_cast %swap3A_406 : vector<1x16xf32> to vector<16xf32>
      %swap3A_408 = vector.shape_cast %add3A_403 : vector<16xf32> to vector<1x16xf32>
      tpu.vector_store %arg8[%swap3A_404, %swap3A_405], %swap3A_408 {strides = array<i32>} : memref<80x512xf32, #tpu.memory_space<vmem>>, vector<1x16xf32>,
      %mul3A_409 = arith.mulf %sub3A_402, %sub3A_402 : vector<16xf32>
      %add3A_410 = arith.addf %add3A_274, %mul3A_409 : vector<16xf32>
      %get3A_411 = arith.index_cast %scan3A_81 : i32 to index
      %get3A_412 = arith.constant 304 : index
      %get3A_413 = tpu.vector_load %arg8[%get3A_411, %get3A_412] {strides = array<i32>} : memref<80x512xf32, #tpu.memory_space<vmem>>, vector<1x16xf32>,
      %get3A_414 = vector.shape_cast %get3A_413 : vector<1x16xf32> to vector<16xf32>
      %get3A_415 = arith.index_cast %scan3A_81 : i32 to index
      %get3A_416 = arith.constant 304 : index
      %get3A_417 = tpu.vector_load %arg9[%get3A_415, %get3A_416] {strides = array<i32>} : memref<80x512xf32, #tpu.memory_space<vmem>>, vector<1x16xf32>,
      %get3A_418 = vector.shape_cast %get3A_417 : vector<1x16xf32> to vector<16xf32>
      %sub3A_419 = arith.subf %get3A_414, %get3A_418 : vector<16xf32>
      %add3A_420 = arith.addf %get3A_418, %sub3A_419 : vector<16xf32>
      %swap3A_421 = arith.index_cast %scan3A_81 : i32 to index
      %swap3A_422 = arith.constant 304 : index
      %swap3A_423 = tpu.vector_load %arg8[%swap3A_421, %swap3A_422] {strides = array<i32>} : memref<80x512xf32, #tpu.memory_space<vmem>>, vector<1x16xf32>,
      %swap3A_424 = vector.shape_cast %swap3A_423 : vector<1x16xf32> to vector<16xf32>
      %swap3A_425 = vector.shape_cast %add3A_420 : vector<16xf32> to vector<1x16xf32>
      tpu.vector_store %arg8[%swap3A_421, %swap3A_422], %swap3A_425 {strides = array<i32>} : memref<80x512xf32, #tpu.memory_space<vmem>>, vector<1x16xf32>,
      %mul3A_426 = arith.mulf %sub3A_419, %sub3A_419 : vector<16xf32>
      %add3A_427 = arith.addf %add3A_291, %mul3A_426 : vector<16xf32>
      %get3A_428 = arith.index_cast %scan3A_81 : i32 to index
      %get3A_429 = arith.constant 320 : index
      %get3A_430 = tpu.vector_load %arg8[%get3A_428, %get3A_429] {strides = array<i32>} : memref<80x512xf32, #tpu.memory_space<vmem>>, vector<1x16xf32>,
      %get3A_431 = vector.shape_cast %get3A_430 : vector<1x16xf32> to vector<16xf32>
      %get3A_432 = arith.index_cast %scan3A_81 : i32 to index
      %get3A_433 = arith.constant 320 : index
      %get3A_434 = tpu.vector_load %arg9[%get3A_432, %get3A_433] {strides = array<i32>} : memref<80x512xf32, #tpu.memory_space<vmem>>, vector<1x16xf32>,
      %get3A_435 = vector.shape_cast %get3A_434 : vector<1x16xf32> to vector<16xf32>
      %sub3A_436 = arith.subf %get3A_431, %get3A_435 : vector<16xf32>
      %add3A_437 = arith.addf %get3A_435, %sub3A_436 : vector<16xf32>
      %swap3A_438 = arith.index_cast %scan3A_81 : i32 to index
      %swap3A_439 = arith.constant 320 : index
      %swap3A_440 = tpu.vector_load %arg8[%swap3A_438, %swap3A_439] {strides = array<i32>} : memref<80x512xf32, #tpu.memory_space<vmem>>, vector<1x16xf32>,
      %swap3A_441 = vector.shape_cast %swap3A_440 : vector<1x16xf32> to vector<16xf32>
      %swap3A_442 = vector.shape_cast %add3A_437 : vector<16xf32> to vector<1x16xf32>
      tpu.vector_store %arg8[%swap3A_438, %swap3A_439], %swap3A_442 {strides = array<i32>} : memref<80x512xf32, #tpu.memory_space<vmem>>, vector<1x16xf32>,
      %mul3A_443 = arith.mulf %sub3A_436, %sub3A_436 : vector<16xf32>
      %add3A_444 = arith.addf %add3A_308, %mul3A_443 : vector<16xf32>
      %get3A_445 = arith.index_cast %scan3A_81 : i32 to index
      %get3A_446 = arith.constant 336 : index
      %get3A_447 = tpu.vector_load %arg8[%get3A_445, %get3A_446] {strides = array<i32>} : memref<80x512xf32, #tpu.memory_space<vmem>>, vector<1x16xf32>,
      %get3A_448 = vector.shape_cast %get3A_447 : vector<1x16xf32> to vector<16xf32>
      %get3A_449 = arith.index_cast %scan3A_81 : i32 to index
      %get3A_450 = arith.constant 336 : index
      %get3A_451 = tpu.vector_load %arg9[%get3A_449, %get3A_450] {strides = array<i32>} : memref<80x512xf32, #tpu.memory_space<vmem>>, vector<1x16xf32>,
      %get3A_452 = vector.shape_cast %get3A_451 : vector<1x16xf32> to vector<16xf32>
      %sub3A_453 = arith.subf %get3A_448, %get3A_452 : vector<16xf32>
      %add3A_454 = arith.addf %get3A_452, %sub3A_453 : vector<16xf32>
      %swap3A_455 = arith.index_cast %scan3A_81 : i32 to index
      %swap3A_456 = arith.constant 336 : index
      %swap3A_457 = tpu.vector_load %arg8[%swap3A_455, %swap3A_456] {strides = array<i32>} : memref<80x512xf32, #tpu.memory_space<vmem>>, vector<1x16xf32>,
      %swap3A_458 = vector.shape_cast %swap3A_457 : vector<1x16xf32> to vector<16xf32>
      %swap3A_459 = vector.shape_cast %add3A_454 : vector<16xf32> to vector<1x16xf32>
      tpu.vector_store %arg8[%swap3A_455, %swap3A_456], %swap3A_459 {strides = array<i32>} : memref<80x512xf32, #tpu.memory_space<vmem>>, vector<1x16xf32>,
      %mul3A_460 = arith.mulf %sub3A_453, %sub3A_453 : vector<16xf32>
      %add3A_461 = arith.addf %add3A_325, %mul3A_460 : vector<16xf32>
      %get3A_462 = arith.index_cast %scan3A_81 : i32 to index
      %get3A_463 = arith.constant 352 : index
      %get3A_464 = tpu.vector_load %arg8[%get3A_462, %get3A_463] {strides = array<i32>} : memref<80x512xf32, #tpu.memory_space<vmem>>, vector<1x16xf32>,
      %get3A_465 = vector.shape_cast %get3A_464 : vector<1x16xf32> to vector<16xf32>
      %get3A_466 = arith.index_cast %scan3A_81 : i32 to index
      %get3A_467 = arith.constant 352 : index
      %get3A_468 = tpu.vector_load %arg9[%get3A_466, %get3A_467] {strides = array<i32>} : memref<80x512xf32, #tpu.memory_space<vmem>>, vector<1x16xf32>,
      %get3A_469 = vector.shape_cast %get3A_468 : vector<1x16xf32> to vector<16xf32>
      %sub3A_470 = arith.subf %get3A_465, %get3A_469 : vector<16xf32>
      %add3A_471 = arith.addf %get3A_469, %sub3A_470 : vector<16xf32>
      %swap3A_472 = arith.index_cast %scan3A_81 : i32 to index
      %swap3A_473 = arith.constant 352 : index
      %swap3A_474 = tpu.vector_load %arg8[%swap3A_472, %swap3A_473] {strides = array<i32>} : memref<80x512xf32, #tpu.memory_space<vmem>>, vector<1x16xf32>,
      %swap3A_475 = vector.shape_cast %swap3A_474 : vector<1x16xf32> to vector<16xf32>
      %swap3A_476 = vector.shape_cast %add3A_471 : vector<16xf32> to vector<1x16xf32>
      tpu.vector_store %arg8[%swap3A_472, %swap3A_473], %swap3A_476 {strides = array<i32>} : memref<80x512xf32, #tpu.memory_space<vmem>>, vector<1x16xf32>,
      %mul3A_477 = arith.mulf %sub3A_470, %sub3A_470 : vector<16xf32>
      %add3A_478 = arith.addf %add3A_342, %mul3A_477 : vector<16xf32>
      %get3A_479 = arith.index_cast %scan3A_81 : i32 to index
      %get3A_480 = arith.constant 368 : index
      %get3A_481 = tpu.vector_load %arg8[%get3A_479, %get3A_480] {strides = array<i32>} : memref<80x512xf32, #tpu.memory_space<vmem>>, vector<1x16xf32>,
      %get3A_482 = vector.shape_cast %get3A_481 : vector<1x16xf32> to vector<16xf32>
      %get3A_483 = arith.index_cast %scan3A_81 : i32 to index
      %get3A_484 = arith.constant 368 : index
      %get3A_485 = tpu.vector_load %arg9[%get3A_483, %get3A_484] {strides = array<i32>} : memref<80x512xf32, #tpu.memory_space<vmem>>, vector<1x16xf32>,
      %get3A_486 = vector.shape_cast %get3A_485 : vector<1x16xf32> to vector<16xf32>
      %sub3A_487 = arith.subf %get3A_482, %get3A_486 : vector<16xf32>
      %add3A_488 = arith.addf %get3A_486, %sub3A_487 : vector<16xf32>
      %swap3A_489 = arith.index_cast %scan3A_81 : i32 to index
      %swap3A_490 = arith.constant 368 : index
      %swap3A_491 = tpu.vector_load %arg8[%swap3A_489, %swap3A_490] {strides = array<i32>} : memref<80x512xf32, #tpu.memory_space<vmem>>, vector<1x16xf32>,
      %swap3A_492 = vector.shape_cast %swap3A_491 : vector<1x16xf32> to vector<16xf32>
      %swap3A_493 = vector.shape_cast %add3A_488 : vector<16xf32> to vector<1x16xf32>
      tpu.vector_store %arg8[%swap3A_489, %swap3A_490], %swap3A_493 {strides = array<i32>} : memref<80x512xf32, #tpu.memory_space<vmem>>, vector<1x16xf32>,
      %mul3A_494 = arith.mulf %sub3A_487, %sub3A_487 : vector<16xf32>
      %add3A_495 = arith.addf %add3A_359, %mul3A_494 : vector<16xf32>
      %get3A_496 = arith.index_cast %scan3A_81 : i32 to index
      %get3A_497 = arith.constant 384 : index
      %get3A_498 = tpu.vector_load %arg8[%get3A_496, %get3A_497] {strides = array<i32>} : memref<80x512xf32, #tpu.memory_space<vmem>>, vector<1x16xf32>,
      %get3A_499 = vector.shape_cast %get3A_498 : vector<1x16xf32> to vector<16xf32>
      %get3A_500 = arith.index_cast %scan3A_81 : i32 to index
      %get3A_501 = arith.constant 384 : index
      %get3A_502 = tpu.vector_load %arg9[%get3A_500, %get3A_501] {strides = array<i32>} : memref<80x512xf32, #tpu.memory_space<vmem>>, vector<1x16xf32>,
      %get3A_503 = vector.shape_cast %get3A_502 : vector<1x16xf32> to vector<16xf32>
      %sub3A_504 = arith.subf %get3A_499, %get3A_503 : vector<16xf32>
      %add3A_505 = arith.addf %get3A_503, %sub3A_504 : vector<16xf32>
      %swap3A_506 = arith.index_cast %scan3A_81 : i32 to index
      %swap3A_507 = arith.constant 384 : index
      %swap3A_508 = tpu.vector_load %arg8[%swap3A_506, %swap3A_507] {strides = array<i32>} : memref<80x512xf32, #tpu.memory_space<vmem>>, vector<1x16xf32>,
      %swap3A_509 = vector.shape_cast %swap3A_508 : vector<1x16xf32> to vector<16xf32>
      %swap3A_510 = vector.shape_cast %add3A_505 : vector<16xf32> to vector<1x16xf32>
      tpu.vector_store %arg8[%swap3A_506, %swap3A_507], %swap3A_510 {strides = array<i32>} : memref<80x512xf32, #tpu.memory_space<vmem>>, vector<1x16xf32>,
      %mul3A_511 = arith.mulf %sub3A_504, %sub3A_504 : vector<16xf32>
      %add3A_512 = arith.addf %add3A_376, %mul3A_511 : vector<16xf32>
      %get3A_513 = arith.index_cast %scan3A_81 : i32 to index
      %get3A_514 = arith.constant 400 : index
      %get3A_515 = tpu.vector_load %arg8[%get3A_513, %get3A_514] {strides = array<i32>} : memref<80x512xf32, #tpu.memory_space<vmem>>, vector<1x16xf32>,
      %get3A_516 = vector.shape_cast %get3A_515 : vector<1x16xf32> to vector<16xf32>
      %get3A_517 = arith.index_cast %scan3A_81 : i32 to index
      %get3A_518 = arith.constant 400 : index
      %get3A_519 = tpu.vector_load %arg9[%get3A_517, %get3A_518] {strides = array<i32>} : memref<80x512xf32, #tpu.memory_space<vmem>>, vector<1x16xf32>,
      %get3A_520 = vector.shape_cast %get3A_519 : vector<1x16xf32> to vector<16xf32>
      %sub3A_521 = arith.subf %get3A_516, %get3A_520 : vector<16xf32>
      %add3A_522 = arith.addf %get3A_520, %sub3A_521 : vector<16xf32>
      %swap3A_523 = arith.index_cast %scan3A_81 : i32 to index
      %swap3A_524 = arith.constant 400 : index
      %swap3A_525 = tpu.vector_load %arg8[%swap3A_523, %swap3A_524] {strides = array<i32>} : memref<80x512xf32, #tpu.memory_space<vmem>>, vector<1x16xf32>,
      %swap3A_526 = vector.shape_cast %swap3A_525 : vector<1x16xf32> to vector<16xf32>
      %swap3A_527 = vector.shape_cast %add3A_522 : vector<16xf32> to vector<1x16xf32>
      tpu.vector_store %arg8[%swap3A_523, %swap3A_524], %swap3A_527 {strides = array<i32>} : memref<80x512xf32, #tpu.memory_space<vmem>>, vector<1x16xf32>,
      %mul3A_528 = arith.mulf %sub3A_521, %sub3A_521 : vector<16xf32>
      %add3A_529 = arith.addf %add3A_393, %mul3A_528 : vector<16xf32>
      %get3A_530 = arith.index_cast %scan3A_81 : i32 to index
      %get3A_531 = arith.constant 416 : index
      %get3A_532 = tpu.vector_load %arg8[%get3A_530, %get3A_531] {strides = array<i32>} : memref<80x512xf32, #tpu.memory_space<vmem>>, vector<1x16xf32>,
      %get3A_533 = vector.shape_cast %get3A_532 : vector<1x16xf32> to vector<16xf32>
      %get3A_534 = arith.index_cast %scan3A_81 : i32 to index
      %get3A_535 = arith.constant 416 : index
      %get3A_536 = tpu.vector_load %arg9[%get3A_534, %get3A_535] {strides = array<i32>} : memref<80x512xf32, #tpu.memory_space<vmem>>, vector<1x16xf32>,
      %get3A_537 = vector.shape_cast %get3A_536 : vector<1x16xf32> to vector<16xf32>
      %sub3A_538 = arith.subf %get3A_533, %get3A_537 : vector<16xf32>
      %add3A_539 = arith.addf %get3A_537, %sub3A_538 : vector<16xf32>
      %swap3A_540 = arith.index_cast %scan3A_81 : i32 to index
      %swap3A_541 = arith.constant 416 : index
      %swap3A_542 = tpu.vector_load %arg8[%swap3A_540, %swap3A_541] {strides = array<i32>} : memref<80x512xf32, #tpu.memory_space<vmem>>, vector<1x16xf32>,
      %swap3A_543 = vector.shape_cast %swap3A_542 : vector<1x16xf32> to vector<16xf32>
      %swap3A_544 = vector.shape_cast %add3A_539 : vector<16xf32> to vector<1x16xf32>
      tpu.vector_store %arg8[%swap3A_540, %swap3A_541], %swap3A_544 {strides = array<i32>} : memref<80x512xf32, #tpu.memory_space<vmem>>, vector<1x16xf32>,
      %mul3A_545 = arith.mulf %sub3A_538, %sub3A_538 : vector<16xf32>
      %add3A_546 = arith.addf %add3A_410, %mul3A_545 : vector<16xf32>
      %get3A_547 = arith.index_cast %scan3A_81 : i32 to index
      %get3A_548 = arith.constant 432 : index
      %get3A_549 = tpu.vector_load %arg8[%get3A_547, %get3A_548] {strides = array<i32>} : memref<80x512xf32, #tpu.memory_space<vmem>>, vector<1x16xf32>,
      %get3A_550 = vector.shape_cast %get3A_549 : vector<1x16xf32> to vector<16xf32>
      %get3A_551 = arith.index_cast %scan3A_81 : i32 to index
      %get3A_552 = arith.constant 432 : index
      %get3A_553 = tpu.vector_load %arg9[%get3A_551, %get3A_552] {strides = array<i32>} : memref<80x512xf32, #tpu.memory_space<vmem>>, vector<1x16xf32>,
      %get3A_554 = vector.shape_cast %get3A_553 : vector<1x16xf32> to vector<16xf32>
      %sub3A_555 = arith.subf %get3A_550, %get3A_554 : vector<16xf32>
      %add3A_556 = arith.addf %get3A_554, %sub3A_555 : vector<16xf32>
      %swap3A_557 = arith.index_cast %scan3A_81 : i32 to index
      %swap3A_558 = arith.constant 432 : index
      %swap3A_559 = tpu.vector_load %arg8[%swap3A_557, %swap3A_558] {strides = array<i32>} : memref<80x512xf32, #tpu.memory_space<vmem>>, vector<1x16xf32>,
      %swap3A_560 = vector.shape_cast %swap3A_559 : vector<1x16xf32> to vector<16xf32>
      %swap3A_561 = vector.shape_cast %add3A_556 : vector<16xf32> to vector<1x16xf32>
      tpu.vector_store %arg8[%swap3A_557, %swap3A_558], %swap3A_561 {strides = array<i32>} : memref<80x512xf32, #tpu.memory_space<vmem>>, vector<1x16xf32>,
      %mul3A_562 = arith.mulf %sub3A_555, %sub3A_555 : vector<16xf32>
      %add3A_563 = arith.addf %add3A_427, %mul3A_562 : vector<16xf32>
      %get3A_564 = arith.index_cast %scan3A_81 : i32 to index
      %get3A_565 = arith.constant 448 : index
      %get3A_566 = tpu.vector_load %arg8[%get3A_564, %get3A_565] {strides = array<i32>} : memref<80x512xf32, #tpu.memory_space<vmem>>, vector<1x16xf32>,
      %get3A_567 = vector.shape_cast %get3A_566 : vector<1x16xf32> to vector<16xf32>
      %get3A_568 = arith.index_cast %scan3A_81 : i32 to index
      %get3A_569 = arith.constant 448 : index
      %get3A_570 = tpu.vector_load %arg9[%get3A_568, %get3A_569] {strides = array<i32>} : memref<80x512xf32, #tpu.memory_space<vmem>>, vector<1x16xf32>,
      %get3A_571 = vector.shape_cast %get3A_570 : vector<1x16xf32> to vector<16xf32>
      %sub3A_572 = arith.subf %get3A_567, %get3A_571 : vector<16xf32>
      %add3A_573 = arith.addf %get3A_571, %sub3A_572 : vector<16xf32>
      %swap3A_574 = arith.index_cast %scan3A_81 : i32 to index
      %swap3A_575 = arith.constant 448 : index
      %swap3A_576 = tpu.vector_load %arg8[%swap3A_574, %swap3A_575] {strides = array<i32>} : memref<80x512xf32, #tpu.memory_space<vmem>>, vector<1x16xf32>,
      %swap3A_577 = vector.shape_cast %swap3A_576 : vector<1x16xf32> to vector<16xf32>
      %swap3A_578 = vector.shape_cast %add3A_573 : vector<16xf32> to vector<1x16xf32>
      tpu.vector_store %arg8[%swap3A_574, %swap3A_575], %swap3A_578 {strides = array<i32>} : memref<80x512xf32, #tpu.memory_space<vmem>>, vector<1x16xf32>,
      %mul3A_579 = arith.mulf %sub3A_572, %sub3A_572 : vector<16xf32>
      %add3A_580 = arith.addf %add3A_444, %mul3A_579 : vector<16xf32>
      %get3A_581 = arith.index_cast %scan3A_81 : i32 to index
      %get3A_582 = arith.constant 464 : index
      %get3A_583 = tpu.vector_load %arg8[%get3A_581, %get3A_582] {strides = array<i32>} : memref<80x512xf32, #tpu.memory_space<vmem>>, vector<1x16xf32>,
      %get3A_584 = vector.shape_cast %get3A_583 : vector<1x16xf32> to vector<16xf32>
      %get3A_585 = arith.index_cast %scan3A_81 : i32 to index
      %get3A_586 = arith.constant 464 : index
      %get3A_587 = tpu.vector_load %arg9[%get3A_585, %get3A_586] {strides = array<i32>} : memref<80x512xf32, #tpu.memory_space<vmem>>, vector<1x16xf32>,
      %get3A_588 = vector.shape_cast %get3A_587 : vector<1x16xf32> to vector<16xf32>
      %sub3A_589 = arith.subf %get3A_584, %get3A_588 : vector<16xf32>
      %add3A_590 = arith.addf %get3A_588, %sub3A_589 : vector<16xf32>
      %swap3A_591 = arith.index_cast %scan3A_81 : i32 to index
      %swap3A_592 = arith.constant 464 : index
      %swap3A_593 = tpu.vector_load %arg8[%swap3A_591, %swap3A_592] {strides = array<i32>} : memref<80x512xf32, #tpu.memory_space<vmem>>, vector<1x16xf32>,
      %swap3A_594 = vector.shape_cast %swap3A_593 : vector<1x16xf32> to vector<16xf32>
      %swap3A_595 = vector.shape_cast %add3A_590 : vector<16xf32> to vector<1x16xf32>
      tpu.vector_store %arg8[%swap3A_591, %swap3A_592], %swap3A_595 {strides = array<i32>} : memref<80x512xf32, #tpu.memory_space<vmem>>, vector<1x16xf32>,
      %mul3A_596 = arith.mulf %sub3A_589, %sub3A_589 : vector<16xf32>
      %add3A_597 = arith.addf %add3A_461, %mul3A_596 : vector<16xf32>
      %get3A_598 = arith.index_cast %scan3A_81 : i32 to index
      %get3A_599 = arith.constant 480 : index
      %get3A_600 = tpu.vector_load %arg8[%get3A_598, %get3A_599] {strides = array<i32>} : memref<80x512xf32, #tpu.memory_space<vmem>>, vector<1x16xf32>,
      %get3A_601 = vector.shape_cast %get3A_600 : vector<1x16xf32> to vector<16xf32>
      %get3A_602 = arith.index_cast %scan3A_81 : i32 to index
      %get3A_603 = arith.constant 480 : index
      %get3A_604 = tpu.vector_load %arg9[%get3A_602, %get3A_603] {strides = array<i32>} : memref<80x512xf32, #tpu.memory_space<vmem>>, vector<1x16xf32>,
      %get3A_605 = vector.shape_cast %get3A_604 : vector<1x16xf32> to vector<16xf32>
      %sub3A_606 = arith.subf %get3A_601, %get3A_605 : vector<16xf32>
      %add3A_607 = arith.addf %get3A_605, %sub3A_606 : vector<16xf32>
      %swap3A_608 = arith.index_cast %scan3A_81 : i32 to index
      %swap3A_609 = arith.constant 480 : index
      %swap3A_610 = tpu.vector_load %arg8[%swap3A_608, %swap3A_609] {strides = array<i32>} : memref<80x512xf32, #tpu.memory_space<vmem>>, vector<1x16xf32>,
      %swap3A_611 = vector.shape_cast %swap3A_610 : vector<1x16xf32> to vector<16xf32>
      %swap3A_612 = vector.shape_cast %add3A_607 : vector<16xf32> to vector<1x16xf32>
      tpu.vector_store %arg8[%swap3A_608, %swap3A_609], %swap3A_612 {strides = array<i32>} : memref<80x512xf32, #tpu.memory_space<vmem>>, vector<1x16xf32>,
      %mul3A_613 = arith.mulf %sub3A_606, %sub3A_606 : vector<16xf32>
      %add3A_614 = arith.addf %add3A_478, %mul3A_613 : vector<16xf32>
      %get3A_615 = arith.index_cast %scan3A_81 : i32 to index
      %get3A_616 = arith.constant 496 : index
      %get3A_617 = tpu.vector_load %arg8[%get3A_615, %get3A_616] {strides = array<i32>} : memref<80x512xf32, #tpu.memory_space<vmem>>, vector<1x16xf32>,
      %get3A_618 = vector.shape_cast %get3A_617 : vector<1x16xf32> to vector<16xf32>
      %get3A_619 = arith.index_cast %scan3A_81 : i32 to index
      %get3A_620 = arith.constant 496 : index
      %get3A_621 = tpu.vector_load %arg9[%get3A_619, %get3A_620] {strides = array<i32>} : memref<80x512xf32, #tpu.memory_space<vmem>>, vector<1x16xf32>,
      %get3A_622 = vector.shape_cast %get3A_621 : vector<1x16xf32> to vector<16xf32>
      %sub3A_623 = arith.subf %get3A_618, %get3A_622 : vector<16xf32>
      %add3A_624 = arith.addf %get3A_622, %sub3A_623 : vector<16xf32>
      %swap3A_625 = arith.index_cast %scan3A_81 : i32 to index
      %swap3A_626 = arith.constant 496 : index
      %swap3A_627 = tpu.vector_load %arg8[%swap3A_625, %swap3A_626] {strides = array<i32>} : memref<80x512xf32, #tpu.memory_space<vmem>>, vector<1x16xf32>,
      %swap3A_628 = vector.shape_cast %swap3A_627 : vector<1x16xf32> to vector<16xf32>
      %swap3A_629 = vector.shape_cast %add3A_624 : vector<16xf32> to vector<1x16xf32>
      tpu.vector_store %arg8[%swap3A_625, %swap3A_626], %swap3A_629 {strides = array<i32>} : memref<80x512xf32, #tpu.memory_space<vmem>>, vector<1x16xf32>,
      %mul3A_630 = arith.mulf %sub3A_623, %sub3A_623 : vector<16xf32>
      %add3A_631 = arith.addf %add3A_495, %mul3A_630 : vector<16xf32>
      scf.yield %add3A_512, %add3A_529, %add3A_546, %add3A_563, %add3A_580, %add3A_597, %add3A_614, %add3A_631 : vector<16xf32>, vector<16xf32>, vector<16xf32>, vector<16xf32>, vector<16xf32>, vector<16xf32>, vector<16xf32>, vector<16xf32>
    }
    %scan3A_52 = arith.constant 80 : i32
    "tpu.region"() ({
      %run_scoped3A = tpu.sem_alloc : memref<!tpu.dma_semaphore, #tpu.memory_space<semaphore_mem>>
      %dma_start3A_81 = arith.constant 0 : i32
      %dma_start3A_82 = tpu.memref_slice %arg5[%mul3A_40, %dma_start3A_81] : memref<10240x512xf32, #tpu.memory_space<hbm>> -> memref<80x512xf32, #tpu.memory_space<hbm>>
      %dma_start3A_83 = arith.constant 0 : i32
      %dma_start3A_84 = tpu.memref_slice %arg5[%mul3A_40, %dma_start3A_83] : memref<10240x512xf32, #tpu.memory_space<hbm>> -> memref<80x512xf32, #tpu.memory_space<hbm>>
      tpu.enqueue_dma source(%arg8 : memref<80x512xf32, #tpu.memory_space<vmem>>) target(%dma_start3A_84 : memref<80x512xf32, #tpu.memory_space<hbm>>) target_semaphore(%run_scoped3A : memref<!tpu.dma_semaphore, #tpu.memory_space<semaphore_mem>>)
      %dma_wait3A_85 = arith.constant 0 : i32
      %dma_wait3A_86 = tpu.memref_slice %arg5[%mul3A_40, %dma_wait3A_85] : memref<10240x512xf32, #tpu.memory_space<hbm>> -> memref<80x512xf32, #tpu.memory_space<hbm>>
      %dma_wait3A_87 = arith.constant 0 : i32
      %dma_wait3A_88 = tpu.memref_slice %arg5[%mul3A_40, %dma_wait3A_87] : memref<10240x512xf32, #tpu.memory_space<hbm>> -> memref<80x512xf32, #tpu.memory_space<hbm>>
      tpu.wait_dma2 semaphore(%run_scoped3A : memref<!tpu.dma_semaphore, #tpu.memory_space<semaphore_mem>>) src(%arg8 : memref<80x512xf32, #tpu.memory_space<vmem>>) dst(%dma_wait3A_88 : memref<80x512xf32, #tpu.memory_space<hbm>>)
      tpu.yield
    }) : () -> ()
    %mul3A_53 = arith.constant 4 : i32
    %mul3A_54 = arith.muli %add3A, %mul3A_53 : i32
    %add3A_55 = arith.constant 3 : i32
    %add3A_56 = arith.addi %mul3A_54, %add3A_55 : i32
    %mul3A_57 = arith.constant 80 : i32
    %mul3A_58 = arith.muli %add3A_56, %mul3A_57 : i32
    "tpu.region"() ({
      %run_scoped3A = tpu.sem_alloc : memref<!tpu.dma_semaphore, #tpu.memory_space<semaphore_mem>>
      %dma_start3A_81 = arith.constant 0 : i32
      %dma_start3A_82 = tpu.memref_slice %arg3[%add3A_56, %dma_start3A_81] : memref<128x80xi32, #tpu.memory_space<hbm>> -> memref<1x80xi32, #tpu.memory_space<hbm>>
      %dma_start3A_83 = tpu.memref_squeeze %dma_start3A_82 : memref<1x80xi32, #tpu.memory_space<hbm>> -> memref<80xi32, #tpu.memory_space<hbm>>
      %dma_start3A_84 = arith.constant 0 : i32
      %dma_start3A_85 = tpu.memref_slice %arg3[%add3A_56, %dma_start3A_84] : memref<128x80xi32, #tpu.memory_space<hbm>> -> memref<1x80xi32, #tpu.memory_space<hbm>>
      %dma_start3A_86 = tpu.memref_squeeze %dma_start3A_85 : memref<1x80xi32, #tpu.memory_space<hbm>> -> memref<80xi32, #tpu.memory_space<hbm>>
      tpu.enqueue_dma source(%dma_start3A_86 : memref<80xi32, #tpu.memory_space<hbm>>) target(%arg7 : memref<80xi32, #tpu.memory_space<vmem>>) target_semaphore(%run_scoped3A : memref<!tpu.dma_semaphore, #tpu.memory_space<semaphore_mem>>)
      %dma_wait3A_87 = arith.constant 0 : i32
      %dma_wait3A_88 = tpu.memref_slice %arg3[%add3A_56, %dma_wait3A_87] : memref<128x80xi32, #tpu.memory_space<hbm>> -> memref<1x80xi32, #tpu.memory_space<hbm>>
      %dma_wait3A_89 = tpu.memref_squeeze %dma_wait3A_88 : memref<1x80xi32, #tpu.memory_space<hbm>> -> memref<80xi32, #tpu.memory_space<hbm>>
      %dma_wait3A_90 = arith.constant 0 : i32
      %dma_wait3A_91 = tpu.memref_slice %arg3[%add3A_56, %dma_wait3A_90] : memref<128x80xi32, #tpu.memory_space<hbm>> -> memref<1x80xi32, #tpu.memory_space<hbm>>
      %dma_wait3A_92 = tpu.memref_squeeze %dma_wait3A_91 : memref<1x80xi32, #tpu.memory_space<hbm>> -> memref<80xi32, #tpu.memory_space<hbm>>
      tpu.wait_dma2 semaphore(%run_scoped3A : memref<!tpu.dma_semaphore, #tpu.memory_space<semaphore_mem>>) src(%dma_wait3A_92 : memref<80xi32, #tpu.memory_space<hbm>>) dst(%arg7 : memref<80xi32, #tpu.memory_space<vmem>>)
      tpu.yield
    }) : () -> ()
    %dma_start3A_59 = arith.constant 0 : i32
    %dma_start3A_60 = arith.constant 0 : i32
    %dma_start3A_61 = tpu.memref_slice %arg2[%dma_start3A_59, %dma_start3A_60] : memref<8192x512xf32, #tpu.memory_space<hbm>> -> memref<8192x512xf32, #tpu.memory_space<hbm>>
    tpu.enqueue_indirect_dma source(%dma_start3A_61 : memref<8192x512xf32, #tpu.memory_space<hbm>>) target(%arg8 : memref<80x512xf32, #tpu.memory_space<vmem>>) offsets(%arg7 : memref<80xi32, #tpu.memory_space<vmem>>) semaphore(%arg11 : memref<!tpu.dma_semaphore, #tpu.memory_space<semaphore_mem>>)
    %dma_wait3A_62 = arith.constant 0 : i32
    %dma_wait3A_63 = arith.constant 0 : i32
    %dma_wait3A_64 = tpu.memref_slice %arg2[%dma_wait3A_62, %dma_wait3A_63] : memref<8192x512xf32, #tpu.memory_space<hbm>> -> memref<8192x512xf32, #tpu.memory_space<hbm>>
    tpu.wait_indirect_dma semaphore(%arg11 : memref<!tpu.dma_semaphore, #tpu.memory_space<semaphore_mem>>) src(%dma_wait3A_64 : memref<8192x512xf32, #tpu.memory_space<hbm>>) dst(%arg8 : memref<80x512xf32, #tpu.memory_space<vmem>>)
    "tpu.region"() ({
      %run_scoped3A = tpu.sem_alloc : memref<!tpu.dma_semaphore, #tpu.memory_space<semaphore_mem>>
      %dma_start3A_81 = arith.constant 0 : i32
      %dma_start3A_82 = tpu.memref_slice %arg4[%mul3A_58, %dma_start3A_81] : memref<10240x512xf32, #tpu.memory_space<hbm>> -> memref<80x512xf32, #tpu.memory_space<hbm>>
      %dma_start3A_83 = arith.constant 0 : i32
      %dma_start3A_84 = tpu.memref_slice %arg4[%mul3A_58, %dma_start3A_83] : memref<10240x512xf32, #tpu.memory_space<hbm>> -> memref<80x512xf32, #tpu.memory_space<hbm>>
      tpu.enqueue_dma source(%dma_start3A_84 : memref<80x512xf32, #tpu.memory_space<hbm>>) target(%arg9 : memref<80x512xf32, #tpu.memory_space<vmem>>) target_semaphore(%run_scoped3A : memref<!tpu.dma_semaphore, #tpu.memory_space<semaphore_mem>>)
      %dma_wait3A_85 = arith.constant 0 : i32
      %dma_wait3A_86 = tpu.memref_slice %arg4[%mul3A_58, %dma_wait3A_85] : memref<10240x512xf32, #tpu.memory_space<hbm>> -> memref<80x512xf32, #tpu.memory_space<hbm>>
      %dma_wait3A_87 = arith.constant 0 : i32
      %dma_wait3A_88 = tpu.memref_slice %arg4[%mul3A_58, %dma_wait3A_87] : memref<10240x512xf32, #tpu.memory_space<hbm>> -> memref<80x512xf32, #tpu.memory_space<hbm>>
      tpu.wait_dma2 semaphore(%run_scoped3A : memref<!tpu.dma_semaphore, #tpu.memory_space<semaphore_mem>>) src(%dma_wait3A_88 : memref<80x512xf32, #tpu.memory_space<hbm>>) dst(%arg9 : memref<80x512xf32, #tpu.memory_space<vmem>>)
      tpu.yield
    }) : () -> ()
    %scan3A_65 = arith.constant 0 : i32
    %scan3A_66 = arith.constant 80 : i32
    %scan3A_67 = arith.addi %scan3A_65, %scan3A_66 : i32
    %scan3A_68 = arith.constant 1 : i32
    %scan3A_69:8 = scf.for %scan3A_81 = %scan3A_65 to %scan3A_67 step %scan3A_68 iter_args(%scan3A_82 = %scan3A_51#0, %scan3A_83 = %scan3A_51#1, %scan3A_84 = %scan3A_51#2, %scan3A_85 = %scan3A_51#3, %scan3A_86 = %scan3A_51#4, %scan3A_87 = %scan3A_51#5, %scan3A_88 = %scan3A_51#6, %scan3A_89 = %scan3A_51#7) -> (vector<16xf32>, vector<16xf32>, vector<16xf32>, vector<16xf32>, vector<16xf32>, vector<16xf32>, vector<16xf32>, vector<16xf32>)  : i32 {
      %get3A = arith.index_cast %scan3A_81 : i32 to index
      %get3A_90 = arith.constant 0 : index
      %get3A_91 = tpu.vector_load %arg8[%get3A, %get3A_90] {strides = array<i32>} : memref<80x512xf32, #tpu.memory_space<vmem>>, vector<1x16xf32>,
      %get3A_92 = vector.shape_cast %get3A_91 : vector<1x16xf32> to vector<16xf32>
      %get3A_93 = arith.index_cast %scan3A_81 : i32 to index
      %get3A_94 = arith.constant 0 : index
      %get3A_95 = tpu.vector_load %arg9[%get3A_93, %get3A_94] {strides = array<i32>} : memref<80x512xf32, #tpu.memory_space<vmem>>, vector<1x16xf32>,
      %get3A_96 = vector.shape_cast %get3A_95 : vector<1x16xf32> to vector<16xf32>
      %sub3A = arith.subf %get3A_92, %get3A_96 : vector<16xf32>
      %add3A_97 = arith.addf %get3A_96, %sub3A : vector<16xf32>
      %swap3A_98 = arith.index_cast %scan3A_81 : i32 to index
      %swap3A_99 = arith.constant 0 : index
      %swap3A_100 = tpu.vector_load %arg8[%swap3A_98, %swap3A_99] {strides = array<i32>} : memref<80x512xf32, #tpu.memory_space<vmem>>, vector<1x16xf32>,
      %swap3A_101 = vector.shape_cast %swap3A_100 : vector<1x16xf32> to vector<16xf32>
      %swap3A_102 = vector.shape_cast %add3A_97 : vector<16xf32> to vector<1x16xf32>
      tpu.vector_store %arg8[%swap3A_98, %swap3A_99], %swap3A_102 {strides = array<i32>} : memref<80x512xf32, #tpu.memory_space<vmem>>, vector<1x16xf32>,
      %mul3A_103 = arith.mulf %sub3A, %sub3A : vector<16xf32>
      %add3A_104 = arith.addf %scan3A_82, %mul3A_103 : vector<16xf32>
      %get3A_105 = arith.index_cast %scan3A_81 : i32 to index
      %get3A_106 = arith.constant 16 : index
      %get3A_107 = tpu.vector_load %arg8[%get3A_105, %get3A_106] {strides = array<i32>} : memref<80x512xf32, #tpu.memory_space<vmem>>, vector<1x16xf32>,
      %get3A_108 = vector.shape_cast %get3A_107 : vector<1x16xf32> to vector<16xf32>
      %get3A_109 = arith.index_cast %scan3A_81 : i32 to index
      %get3A_110 = arith.constant 16 : index
      %get3A_111 = tpu.vector_load %arg9[%get3A_109, %get3A_110] {strides = array<i32>} : memref<80x512xf32, #tpu.memory_space<vmem>>, vector<1x16xf32>,
      %get3A_112 = vector.shape_cast %get3A_111 : vector<1x16xf32> to vector<16xf32>
      %sub3A_113 = arith.subf %get3A_108, %get3A_112 : vector<16xf32>
      %add3A_114 = arith.addf %get3A_112, %sub3A_113 : vector<16xf32>
      %swap3A_115 = arith.index_cast %scan3A_81 : i32 to index
      %swap3A_116 = arith.constant 16 : index
      %swap3A_117 = tpu.vector_load %arg8[%swap3A_115, %swap3A_116] {strides = array<i32>} : memref<80x512xf32, #tpu.memory_space<vmem>>, vector<1x16xf32>,
      %swap3A_118 = vector.shape_cast %swap3A_117 : vector<1x16xf32> to vector<16xf32>
      %swap3A_119 = vector.shape_cast %add3A_114 : vector<16xf32> to vector<1x16xf32>
      tpu.vector_store %arg8[%swap3A_115, %swap3A_116], %swap3A_119 {strides = array<i32>} : memref<80x512xf32, #tpu.memory_space<vmem>>, vector<1x16xf32>,
      %mul3A_120 = arith.mulf %sub3A_113, %sub3A_113 : vector<16xf32>
      %add3A_121 = arith.addf %scan3A_83, %mul3A_120 : vector<16xf32>
      %get3A_122 = arith.index_cast %scan3A_81 : i32 to index
      %get3A_123 = arith.constant 32 : index
      %get3A_124 = tpu.vector_load %arg8[%get3A_122, %get3A_123] {strides = array<i32>} : memref<80x512xf32, #tpu.memory_space<vmem>>, vector<1x16xf32>,
      %get3A_125 = vector.shape_cast %get3A_124 : vector<1x16xf32> to vector<16xf32>
      %get3A_126 = arith.index_cast %scan3A_81 : i32 to index
      %get3A_127 = arith.constant 32 : index
      %get3A_128 = tpu.vector_load %arg9[%get3A_126, %get3A_127] {strides = array<i32>} : memref<80x512xf32, #tpu.memory_space<vmem>>, vector<1x16xf32>,
      %get3A_129 = vector.shape_cast %get3A_128 : vector<1x16xf32> to vector<16xf32>
      %sub3A_130 = arith.subf %get3A_125, %get3A_129 : vector<16xf32>
      %add3A_131 = arith.addf %get3A_129, %sub3A_130 : vector<16xf32>
      %swap3A_132 = arith.index_cast %scan3A_81 : i32 to index
      %swap3A_133 = arith.constant 32 : index
      %swap3A_134 = tpu.vector_load %arg8[%swap3A_132, %swap3A_133] {strides = array<i32>} : memref<80x512xf32, #tpu.memory_space<vmem>>, vector<1x16xf32>,
      %swap3A_135 = vector.shape_cast %swap3A_134 : vector<1x16xf32> to vector<16xf32>
      %swap3A_136 = vector.shape_cast %add3A_131 : vector<16xf32> to vector<1x16xf32>
      tpu.vector_store %arg8[%swap3A_132, %swap3A_133], %swap3A_136 {strides = array<i32>} : memref<80x512xf32, #tpu.memory_space<vmem>>, vector<1x16xf32>,
      %mul3A_137 = arith.mulf %sub3A_130, %sub3A_130 : vector<16xf32>
      %add3A_138 = arith.addf %scan3A_84, %mul3A_137 : vector<16xf32>
      %get3A_139 = arith.index_cast %scan3A_81 : i32 to index
      %get3A_140 = arith.constant 48 : index
      %get3A_141 = tpu.vector_load %arg8[%get3A_139, %get3A_140] {strides = array<i32>} : memref<80x512xf32, #tpu.memory_space<vmem>>, vector<1x16xf32>,
      %get3A_142 = vector.shape_cast %get3A_141 : vector<1x16xf32> to vector<16xf32>
      %get3A_143 = arith.index_cast %scan3A_81 : i32 to index
      %get3A_144 = arith.constant 48 : index
      %get3A_145 = tpu.vector_load %arg9[%get3A_143, %get3A_144] {strides = array<i32>} : memref<80x512xf32, #tpu.memory_space<vmem>>, vector<1x16xf32>,
      %get3A_146 = vector.shape_cast %get3A_145 : vector<1x16xf32> to vector<16xf32>
      %sub3A_147 = arith.subf %get3A_142, %get3A_146 : vector<16xf32>
      %add3A_148 = arith.addf %get3A_146, %sub3A_147 : vector<16xf32>
      %swap3A_149 = arith.index_cast %scan3A_81 : i32 to index
      %swap3A_150 = arith.constant 48 : index
      %swap3A_151 = tpu.vector_load %arg8[%swap3A_149, %swap3A_150] {strides = array<i32>} : memref<80x512xf32, #tpu.memory_space<vmem>>, vector<1x16xf32>,
      %swap3A_152 = vector.shape_cast %swap3A_151 : vector<1x16xf32> to vector<16xf32>
      %swap3A_153 = vector.shape_cast %add3A_148 : vector<16xf32> to vector<1x16xf32>
      tpu.vector_store %arg8[%swap3A_149, %swap3A_150], %swap3A_153 {strides = array<i32>} : memref<80x512xf32, #tpu.memory_space<vmem>>, vector<1x16xf32>,
      %mul3A_154 = arith.mulf %sub3A_147, %sub3A_147 : vector<16xf32>
      %add3A_155 = arith.addf %scan3A_85, %mul3A_154 : vector<16xf32>
      %get3A_156 = arith.index_cast %scan3A_81 : i32 to index
      %get3A_157 = arith.constant 64 : index
      %get3A_158 = tpu.vector_load %arg8[%get3A_156, %get3A_157] {strides = array<i32>} : memref<80x512xf32, #tpu.memory_space<vmem>>, vector<1x16xf32>,
      %get3A_159 = vector.shape_cast %get3A_158 : vector<1x16xf32> to vector<16xf32>
      %get3A_160 = arith.index_cast %scan3A_81 : i32 to index
      %get3A_161 = arith.constant 64 : index
      %get3A_162 = tpu.vector_load %arg9[%get3A_160, %get3A_161] {strides = array<i32>} : memref<80x512xf32, #tpu.memory_space<vmem>>, vector<1x16xf32>,
      %get3A_163 = vector.shape_cast %get3A_162 : vector<1x16xf32> to vector<16xf32>
      %sub3A_164 = arith.subf %get3A_159, %get3A_163 : vector<16xf32>
      %add3A_165 = arith.addf %get3A_163, %sub3A_164 : vector<16xf32>
      %swap3A_166 = arith.index_cast %scan3A_81 : i32 to index
      %swap3A_167 = arith.constant 64 : index
      %swap3A_168 = tpu.vector_load %arg8[%swap3A_166, %swap3A_167] {strides = array<i32>} : memref<80x512xf32, #tpu.memory_space<vmem>>, vector<1x16xf32>,
      %swap3A_169 = vector.shape_cast %swap3A_168 : vector<1x16xf32> to vector<16xf32>
      %swap3A_170 = vector.shape_cast %add3A_165 : vector<16xf32> to vector<1x16xf32>
      tpu.vector_store %arg8[%swap3A_166, %swap3A_167], %swap3A_170 {strides = array<i32>} : memref<80x512xf32, #tpu.memory_space<vmem>>, vector<1x16xf32>,
      %mul3A_171 = arith.mulf %sub3A_164, %sub3A_164 : vector<16xf32>
      %add3A_172 = arith.addf %scan3A_86, %mul3A_171 : vector<16xf32>
      %get3A_173 = arith.index_cast %scan3A_81 : i32 to index
      %get3A_174 = arith.constant 80 : index
      %get3A_175 = tpu.vector_load %arg8[%get3A_173, %get3A_174] {strides = array<i32>} : memref<80x512xf32, #tpu.memory_space<vmem>>, vector<1x16xf32>,
      %get3A_176 = vector.shape_cast %get3A_175 : vector<1x16xf32> to vector<16xf32>
      %get3A_177 = arith.index_cast %scan3A_81 : i32 to index
      %get3A_178 = arith.constant 80 : index
      %get3A_179 = tpu.vector_load %arg9[%get3A_177, %get3A_178] {strides = array<i32>} : memref<80x512xf32, #tpu.memory_space<vmem>>, vector<1x16xf32>,
      %get3A_180 = vector.shape_cast %get3A_179 : vector<1x16xf32> to vector<16xf32>
      %sub3A_181 = arith.subf %get3A_176, %get3A_180 : vector<16xf32>
      %add3A_182 = arith.addf %get3A_180, %sub3A_181 : vector<16xf32>
      %swap3A_183 = arith.index_cast %scan3A_81 : i32 to index
      %swap3A_184 = arith.constant 80 : index
      %swap3A_185 = tpu.vector_load %arg8[%swap3A_183, %swap3A_184] {strides = array<i32>} : memref<80x512xf32, #tpu.memory_space<vmem>>, vector<1x16xf32>,
      %swap3A_186 = vector.shape_cast %swap3A_185 : vector<1x16xf32> to vector<16xf32>
      %swap3A_187 = vector.shape_cast %add3A_182 : vector<16xf32> to vector<1x16xf32>
      tpu.vector_store %arg8[%swap3A_183, %swap3A_184], %swap3A_187 {strides = array<i32>} : memref<80x512xf32, #tpu.memory_space<vmem>>, vector<1x16xf32>,
      %mul3A_188 = arith.mulf %sub3A_181, %sub3A_181 : vector<16xf32>
      %add3A_189 = arith.addf %scan3A_87, %mul3A_188 : vector<16xf32>
      %get3A_190 = arith.index_cast %scan3A_81 : i32 to index
      %get3A_191 = arith.constant 96 : index
      %get3A_192 = tpu.vector_load %arg8[%get3A_190, %get3A_191] {strides = array<i32>} : memref<80x512xf32, #tpu.memory_space<vmem>>, vector<1x16xf32>,
      %get3A_193 = vector.shape_cast %get3A_192 : vector<1x16xf32> to vector<16xf32>
      %get3A_194 = arith.index_cast %scan3A_81 : i32 to index
      %get3A_195 = arith.constant 96 : index
      %get3A_196 = tpu.vector_load %arg9[%get3A_194, %get3A_195] {strides = array<i32>} : memref<80x512xf32, #tpu.memory_space<vmem>>, vector<1x16xf32>,
      %get3A_197 = vector.shape_cast %get3A_196 : vector<1x16xf32> to vector<16xf32>
      %sub3A_198 = arith.subf %get3A_193, %get3A_197 : vector<16xf32>
      %add3A_199 = arith.addf %get3A_197, %sub3A_198 : vector<16xf32>
      %swap3A_200 = arith.index_cast %scan3A_81 : i32 to index
      %swap3A_201 = arith.constant 96 : index
      %swap3A_202 = tpu.vector_load %arg8[%swap3A_200, %swap3A_201] {strides = array<i32>} : memref<80x512xf32, #tpu.memory_space<vmem>>, vector<1x16xf32>,
      %swap3A_203 = vector.shape_cast %swap3A_202 : vector<1x16xf32> to vector<16xf32>
      %swap3A_204 = vector.shape_cast %add3A_199 : vector<16xf32> to vector<1x16xf32>
      tpu.vector_store %arg8[%swap3A_200, %swap3A_201], %swap3A_204 {strides = array<i32>} : memref<80x512xf32, #tpu.memory_space<vmem>>, vector<1x16xf32>,
      %mul3A_205 = arith.mulf %sub3A_198, %sub3A_198 : vector<16xf32>
      %add3A_206 = arith.addf %scan3A_88, %mul3A_205 : vector<16xf32>
      %get3A_207 = arith.index_cast %scan3A_81 : i32 to index
      %get3A_208 = arith.constant 112 : index
      %get3A_209 = tpu.vector_load %arg8[%get3A_207, %get3A_208] {strides = array<i32>} : memref<80x512xf32, #tpu.memory_space<vmem>>, vector<1x16xf32>,
      %get3A_210 = vector.shape_cast %get3A_209 : vector<1x16xf32> to vector<16xf32>
      %get3A_211 = arith.index_cast %scan3A_81 : i32 to index
      %get3A_212 = arith.constant 112 : index
      %get3A_213 = tpu.vector_load %arg9[%get3A_211, %get3A_212] {strides = array<i32>} : memref<80x512xf32, #tpu.memory_space<vmem>>, vector<1x16xf32>,
      %get3A_214 = vector.shape_cast %get3A_213 : vector<1x16xf32> to vector<16xf32>
      %sub3A_215 = arith.subf %get3A_210, %get3A_214 : vector<16xf32>
      %add3A_216 = arith.addf %get3A_214, %sub3A_215 : vector<16xf32>
      %swap3A_217 = arith.index_cast %scan3A_81 : i32 to index
      %swap3A_218 = arith.constant 112 : index
      %swap3A_219 = tpu.vector_load %arg8[%swap3A_217, %swap3A_218] {strides = array<i32>} : memref<80x512xf32, #tpu.memory_space<vmem>>, vector<1x16xf32>,
      %swap3A_220 = vector.shape_cast %swap3A_219 : vector<1x16xf32> to vector<16xf32>
      %swap3A_221 = vector.shape_cast %add3A_216 : vector<16xf32> to vector<1x16xf32>
      tpu.vector_store %arg8[%swap3A_217, %swap3A_218], %swap3A_221 {strides = array<i32>} : memref<80x512xf32, #tpu.memory_space<vmem>>, vector<1x16xf32>,
      %mul3A_222 = arith.mulf %sub3A_215, %sub3A_215 : vector<16xf32>
      %add3A_223 = arith.addf %scan3A_89, %mul3A_222 : vector<16xf32>
      %get3A_224 = arith.index_cast %scan3A_81 : i32 to index
      %get3A_225 = arith.constant 128 : index
      %get3A_226 = tpu.vector_load %arg8[%get3A_224, %get3A_225] {strides = array<i32>} : memref<80x512xf32, #tpu.memory_space<vmem>>, vector<1x16xf32>,
      %get3A_227 = vector.shape_cast %get3A_226 : vector<1x16xf32> to vector<16xf32>
      %get3A_228 = arith.index_cast %scan3A_81 : i32 to index
      %get3A_229 = arith.constant 128 : index
      %get3A_230 = tpu.vector_load %arg9[%get3A_228, %get3A_229] {strides = array<i32>} : memref<80x512xf32, #tpu.memory_space<vmem>>, vector<1x16xf32>,
      %get3A_231 = vector.shape_cast %get3A_230 : vector<1x16xf32> to vector<16xf32>
      %sub3A_232 = arith.subf %get3A_227, %get3A_231 : vector<16xf32>
      %add3A_233 = arith.addf %get3A_231, %sub3A_232 : vector<16xf32>
      %swap3A_234 = arith.index_cast %scan3A_81 : i32 to index
      %swap3A_235 = arith.constant 128 : index
      %swap3A_236 = tpu.vector_load %arg8[%swap3A_234, %swap3A_235] {strides = array<i32>} : memref<80x512xf32, #tpu.memory_space<vmem>>, vector<1x16xf32>,
      %swap3A_237 = vector.shape_cast %swap3A_236 : vector<1x16xf32> to vector<16xf32>
      %swap3A_238 = vector.shape_cast %add3A_233 : vector<16xf32> to vector<1x16xf32>
      tpu.vector_store %arg8[%swap3A_234, %swap3A_235], %swap3A_238 {strides = array<i32>} : memref<80x512xf32, #tpu.memory_space<vmem>>, vector<1x16xf32>,
      %mul3A_239 = arith.mulf %sub3A_232, %sub3A_232 : vector<16xf32>
      %add3A_240 = arith.addf %add3A_104, %mul3A_239 : vector<16xf32>
      %get3A_241 = arith.index_cast %scan3A_81 : i32 to index
      %get3A_242 = arith.constant 144 : index
      %get3A_243 = tpu.vector_load %arg8[%get3A_241, %get3A_242] {strides = array<i32>} : memref<80x512xf32, #tpu.memory_space<vmem>>, vector<1x16xf32>,
      %get3A_244 = vector.shape_cast %get3A_243 : vector<1x16xf32> to vector<16xf32>
      %get3A_245 = arith.index_cast %scan3A_81 : i32 to index
      %get3A_246 = arith.constant 144 : index
      %get3A_247 = tpu.vector_load %arg9[%get3A_245, %get3A_246] {strides = array<i32>} : memref<80x512xf32, #tpu.memory_space<vmem>>, vector<1x16xf32>,
      %get3A_248 = vector.shape_cast %get3A_247 : vector<1x16xf32> to vector<16xf32>
      %sub3A_249 = arith.subf %get3A_244, %get3A_248 : vector<16xf32>
      %add3A_250 = arith.addf %get3A_248, %sub3A_249 : vector<16xf32>
      %swap3A_251 = arith.index_cast %scan3A_81 : i32 to index
      %swap3A_252 = arith.constant 144 : index
      %swap3A_253 = tpu.vector_load %arg8[%swap3A_251, %swap3A_252] {strides = array<i32>} : memref<80x512xf32, #tpu.memory_space<vmem>>, vector<1x16xf32>,
      %swap3A_254 = vector.shape_cast %swap3A_253 : vector<1x16xf32> to vector<16xf32>
      %swap3A_255 = vector.shape_cast %add3A_250 : vector<16xf32> to vector<1x16xf32>
      tpu.vector_store %arg8[%swap3A_251, %swap3A_252], %swap3A_255 {strides = array<i32>} : memref<80x512xf32, #tpu.memory_space<vmem>>, vector<1x16xf32>,
      %mul3A_256 = arith.mulf %sub3A_249, %sub3A_249 : vector<16xf32>
      %add3A_257 = arith.addf %add3A_121, %mul3A_256 : vector<16xf32>
      %get3A_258 = arith.index_cast %scan3A_81 : i32 to index
      %get3A_259 = arith.constant 160 : index
      %get3A_260 = tpu.vector_load %arg8[%get3A_258, %get3A_259] {strides = array<i32>} : memref<80x512xf32, #tpu.memory_space<vmem>>, vector<1x16xf32>,
      %get3A_261 = vector.shape_cast %get3A_260 : vector<1x16xf32> to vector<16xf32>
      %get3A_262 = arith.index_cast %scan3A_81 : i32 to index
      %get3A_263 = arith.constant 160 : index
      %get3A_264 = tpu.vector_load %arg9[%get3A_262, %get3A_263] {strides = array<i32>} : memref<80x512xf32, #tpu.memory_space<vmem>>, vector<1x16xf32>,
      %get3A_265 = vector.shape_cast %get3A_264 : vector<1x16xf32> to vector<16xf32>
      %sub3A_266 = arith.subf %get3A_261, %get3A_265 : vector<16xf32>
      %add3A_267 = arith.addf %get3A_265, %sub3A_266 : vector<16xf32>
      %swap3A_268 = arith.index_cast %scan3A_81 : i32 to index
      %swap3A_269 = arith.constant 160 : index
      %swap3A_270 = tpu.vector_load %arg8[%swap3A_268, %swap3A_269] {strides = array<i32>} : memref<80x512xf32, #tpu.memory_space<vmem>>, vector<1x16xf32>,
      %swap3A_271 = vector.shape_cast %swap3A_270 : vector<1x16xf32> to vector<16xf32>
      %swap3A_272 = vector.shape_cast %add3A_267 : vector<16xf32> to vector<1x16xf32>
      tpu.vector_store %arg8[%swap3A_268, %swap3A_269], %swap3A_272 {strides = array<i32>} : memref<80x512xf32, #tpu.memory_space<vmem>>, vector<1x16xf32>,
      %mul3A_273 = arith.mulf %sub3A_266, %sub3A_266 : vector<16xf32>
      %add3A_274 = arith.addf %add3A_138, %mul3A_273 : vector<16xf32>
      %get3A_275 = arith.index_cast %scan3A_81 : i32 to index
      %get3A_276 = arith.constant 176 : index
      %get3A_277 = tpu.vector_load %arg8[%get3A_275, %get3A_276] {strides = array<i32>} : memref<80x512xf32, #tpu.memory_space<vmem>>, vector<1x16xf32>,
      %get3A_278 = vector.shape_cast %get3A_277 : vector<1x16xf32> to vector<16xf32>
      %get3A_279 = arith.index_cast %scan3A_81 : i32 to index
      %get3A_280 = arith.constant 176 : index
      %get3A_281 = tpu.vector_load %arg9[%get3A_279, %get3A_280] {strides = array<i32>} : memref<80x512xf32, #tpu.memory_space<vmem>>, vector<1x16xf32>,
      %get3A_282 = vector.shape_cast %get3A_281 : vector<1x16xf32> to vector<16xf32>
      %sub3A_283 = arith.subf %get3A_278, %get3A_282 : vector<16xf32>
      %add3A_284 = arith.addf %get3A_282, %sub3A_283 : vector<16xf32>
      %swap3A_285 = arith.index_cast %scan3A_81 : i32 to index
      %swap3A_286 = arith.constant 176 : index
      %swap3A_287 = tpu.vector_load %arg8[%swap3A_285, %swap3A_286] {strides = array<i32>} : memref<80x512xf32, #tpu.memory_space<vmem>>, vector<1x16xf32>,
      %swap3A_288 = vector.shape_cast %swap3A_287 : vector<1x16xf32> to vector<16xf32>
      %swap3A_289 = vector.shape_cast %add3A_284 : vector<16xf32> to vector<1x16xf32>
      tpu.vector_store %arg8[%swap3A_285, %swap3A_286], %swap3A_289 {strides = array<i32>} : memref<80x512xf32, #tpu.memory_space<vmem>>, vector<1x16xf32>,
      %mul3A_290 = arith.mulf %sub3A_283, %sub3A_283 : vector<16xf32>
      %add3A_291 = arith.addf %add3A_155, %mul3A_290 : vector<16xf32>
      %get3A_292 = arith.index_cast %scan3A_81 : i32 to index
      %get3A_293 = arith.constant 192 : index
      %get3A_294 = tpu.vector_load %arg8[%get3A_292, %get3A_293] {strides = array<i32>} : memref<80x512xf32, #tpu.memory_space<vmem>>, vector<1x16xf32>,
      %get3A_295 = vector.shape_cast %get3A_294 : vector<1x16xf32> to vector<16xf32>
      %get3A_296 = arith.index_cast %scan3A_81 : i32 to index
      %get3A_297 = arith.constant 192 : index
      %get3A_298 = tpu.vector_load %arg9[%get3A_296, %get3A_297] {strides = array<i32>} : memref<80x512xf32, #tpu.memory_space<vmem>>, vector<1x16xf32>,
      %get3A_299 = vector.shape_cast %get3A_298 : vector<1x16xf32> to vector<16xf32>
      %sub3A_300 = arith.subf %get3A_295, %get3A_299 : vector<16xf32>
      %add3A_301 = arith.addf %get3A_299, %sub3A_300 : vector<16xf32>
      %swap3A_302 = arith.index_cast %scan3A_81 : i32 to index
      %swap3A_303 = arith.constant 192 : index
      %swap3A_304 = tpu.vector_load %arg8[%swap3A_302, %swap3A_303] {strides = array<i32>} : memref<80x512xf32, #tpu.memory_space<vmem>>, vector<1x16xf32>,
      %swap3A_305 = vector.shape_cast %swap3A_304 : vector<1x16xf32> to vector<16xf32>
      %swap3A_306 = vector.shape_cast %add3A_301 : vector<16xf32> to vector<1x16xf32>
      tpu.vector_store %arg8[%swap3A_302, %swap3A_303], %swap3A_306 {strides = array<i32>} : memref<80x512xf32, #tpu.memory_space<vmem>>, vector<1x16xf32>,
      %mul3A_307 = arith.mulf %sub3A_300, %sub3A_300 : vector<16xf32>
      %add3A_308 = arith.addf %add3A_172, %mul3A_307 : vector<16xf32>
      %get3A_309 = arith.index_cast %scan3A_81 : i32 to index
      %get3A_310 = arith.constant 208 : index
      %get3A_311 = tpu.vector_load %arg8[%get3A_309, %get3A_310] {strides = array<i32>} : memref<80x512xf32, #tpu.memory_space<vmem>>, vector<1x16xf32>,
      %get3A_312 = vector.shape_cast %get3A_311 : vector<1x16xf32> to vector<16xf32>
      %get3A_313 = arith.index_cast %scan3A_81 : i32 to index
      %get3A_314 = arith.constant 208 : index
      %get3A_315 = tpu.vector_load %arg9[%get3A_313, %get3A_314] {strides = array<i32>} : memref<80x512xf32, #tpu.memory_space<vmem>>, vector<1x16xf32>,
      %get3A_316 = vector.shape_cast %get3A_315 : vector<1x16xf32> to vector<16xf32>
      %sub3A_317 = arith.subf %get3A_312, %get3A_316 : vector<16xf32>
      %add3A_318 = arith.addf %get3A_316, %sub3A_317 : vector<16xf32>
      %swap3A_319 = arith.index_cast %scan3A_81 : i32 to index
      %swap3A_320 = arith.constant 208 : index
      %swap3A_321 = tpu.vector_load %arg8[%swap3A_319, %swap3A_320] {strides = array<i32>} : memref<80x512xf32, #tpu.memory_space<vmem>>, vector<1x16xf32>,
      %swap3A_322 = vector.shape_cast %swap3A_321 : vector<1x16xf32> to vector<16xf32>
      %swap3A_323 = vector.shape_cast %add3A_318 : vector<16xf32> to vector<1x16xf32>
      tpu.vector_store %arg8[%swap3A_319, %swap3A_320], %swap3A_323 {strides = array<i32>} : memref<80x512xf32, #tpu.memory_space<vmem>>, vector<1x16xf32>,
      %mul3A_324 = arith.mulf %sub3A_317, %sub3A_317 : vector<16xf32>
      %add3A_325 = arith.addf %add3A_189, %mul3A_324 : vector<16xf32>
      %get3A_326 = arith.index_cast %scan3A_81 : i32 to index
      %get3A_327 = arith.constant 224 : index
      %get3A_328 = tpu.vector_load %arg8[%get3A_326, %get3A_327] {strides = array<i32>} : memref<80x512xf32, #tpu.memory_space<vmem>>, vector<1x16xf32>,
      %get3A_329 = vector.shape_cast %get3A_328 : vector<1x16xf32> to vector<16xf32>
      %get3A_330 = arith.index_cast %scan3A_81 : i32 to index
      %get3A_331 = arith.constant 224 : index
      %get3A_332 = tpu.vector_load %arg9[%get3A_330, %get3A_331] {strides = array<i32>} : memref<80x512xf32, #tpu.memory_space<vmem>>, vector<1x16xf32>,
      %get3A_333 = vector.shape_cast %get3A_332 : vector<1x16xf32> to vector<16xf32>
      %sub3A_334 = arith.subf %get3A_329, %get3A_333 : vector<16xf32>
      %add3A_335 = arith.addf %get3A_333, %sub3A_334 : vector<16xf32>
      %swap3A_336 = arith.index_cast %scan3A_81 : i32 to index
      %swap3A_337 = arith.constant 224 : index
      %swap3A_338 = tpu.vector_load %arg8[%swap3A_336, %swap3A_337] {strides = array<i32>} : memref<80x512xf32, #tpu.memory_space<vmem>>, vector<1x16xf32>,
      %swap3A_339 = vector.shape_cast %swap3A_338 : vector<1x16xf32> to vector<16xf32>
      %swap3A_340 = vector.shape_cast %add3A_335 : vector<16xf32> to vector<1x16xf32>
      tpu.vector_store %arg8[%swap3A_336, %swap3A_337], %swap3A_340 {strides = array<i32>} : memref<80x512xf32, #tpu.memory_space<vmem>>, vector<1x16xf32>,
      %mul3A_341 = arith.mulf %sub3A_334, %sub3A_334 : vector<16xf32>
      %add3A_342 = arith.addf %add3A_206, %mul3A_341 : vector<16xf32>
      %get3A_343 = arith.index_cast %scan3A_81 : i32 to index
      %get3A_344 = arith.constant 240 : index
      %get3A_345 = tpu.vector_load %arg8[%get3A_343, %get3A_344] {strides = array<i32>} : memref<80x512xf32, #tpu.memory_space<vmem>>, vector<1x16xf32>,
      %get3A_346 = vector.shape_cast %get3A_345 : vector<1x16xf32> to vector<16xf32>
      %get3A_347 = arith.index_cast %scan3A_81 : i32 to index
      %get3A_348 = arith.constant 240 : index
      %get3A_349 = tpu.vector_load %arg9[%get3A_347, %get3A_348] {strides = array<i32>} : memref<80x512xf32, #tpu.memory_space<vmem>>, vector<1x16xf32>,
      %get3A_350 = vector.shape_cast %get3A_349 : vector<1x16xf32> to vector<16xf32>
      %sub3A_351 = arith.subf %get3A_346, %get3A_350 : vector<16xf32>
      %add3A_352 = arith.addf %get3A_350, %sub3A_351 : vector<16xf32>
      %swap3A_353 = arith.index_cast %scan3A_81 : i32 to index
      %swap3A_354 = arith.constant 240 : index
      %swap3A_355 = tpu.vector_load %arg8[%swap3A_353, %swap3A_354] {strides = array<i32>} : memref<80x512xf32, #tpu.memory_space<vmem>>, vector<1x16xf32>,
      %swap3A_356 = vector.shape_cast %swap3A_355 : vector<1x16xf32> to vector<16xf32>
      %swap3A_357 = vector.shape_cast %add3A_352 : vector<16xf32> to vector<1x16xf32>
      tpu.vector_store %arg8[%swap3A_353, %swap3A_354], %swap3A_357 {strides = array<i32>} : memref<80x512xf32, #tpu.memory_space<vmem>>, vector<1x16xf32>,
      %mul3A_358 = arith.mulf %sub3A_351, %sub3A_351 : vector<16xf32>
      %add3A_359 = arith.addf %add3A_223, %mul3A_358 : vector<16xf32>
      %get3A_360 = arith.index_cast %scan3A_81 : i32 to index
      %get3A_361 = arith.constant 256 : index
      %get3A_362 = tpu.vector_load %arg8[%get3A_360, %get3A_361] {strides = array<i32>} : memref<80x512xf32, #tpu.memory_space<vmem>>, vector<1x16xf32>,
      %get3A_363 = vector.shape_cast %get3A_362 : vector<1x16xf32> to vector<16xf32>
      %get3A_364 = arith.index_cast %scan3A_81 : i32 to index
      %get3A_365 = arith.constant 256 : index
      %get3A_366 = tpu.vector_load %arg9[%get3A_364, %get3A_365] {strides = array<i32>} : memref<80x512xf32, #tpu.memory_space<vmem>>, vector<1x16xf32>,
      %get3A_367 = vector.shape_cast %get3A_366 : vector<1x16xf32> to vector<16xf32>
      %sub3A_368 = arith.subf %get3A_363, %get3A_367 : vector<16xf32>
      %add3A_369 = arith.addf %get3A_367, %sub3A_368 : vector<16xf32>
      %swap3A_370 = arith.index_cast %scan3A_81 : i32 to index
      %swap3A_371 = arith.constant 256 : index
      %swap3A_372 = tpu.vector_load %arg8[%swap3A_370, %swap3A_371] {strides = array<i32>} : memref<80x512xf32, #tpu.memory_space<vmem>>, vector<1x16xf32>,
      %swap3A_373 = vector.shape_cast %swap3A_372 : vector<1x16xf32> to vector<16xf32>
      %swap3A_374 = vector.shape_cast %add3A_369 : vector<16xf32> to vector<1x16xf32>
      tpu.vector_store %arg8[%swap3A_370, %swap3A_371], %swap3A_374 {strides = array<i32>} : memref<80x512xf32, #tpu.memory_space<vmem>>, vector<1x16xf32>,
      %mul3A_375 = arith.mulf %sub3A_368, %sub3A_368 : vector<16xf32>
      %add3A_376 = arith.addf %add3A_240, %mul3A_375 : vector<16xf32>
      %get3A_377 = arith.index_cast %scan3A_81 : i32 to index
      %get3A_378 = arith.constant 272 : index
      %get3A_379 = tpu.vector_load %arg8[%get3A_377, %get3A_378] {strides = array<i32>} : memref<80x512xf32, #tpu.memory_space<vmem>>, vector<1x16xf32>,
      %get3A_380 = vector.shape_cast %get3A_379 : vector<1x16xf32> to vector<16xf32>
      %get3A_381 = arith.index_cast %scan3A_81 : i32 to index
      %get3A_382 = arith.constant 272 : index
      %get3A_383 = tpu.vector_load %arg9[%get3A_381, %get3A_382] {strides = array<i32>} : memref<80x512xf32, #tpu.memory_space<vmem>>, vector<1x16xf32>,
      %get3A_384 = vector.shape_cast %get3A_383 : vector<1x16xf32> to vector<16xf32>
      %sub3A_385 = arith.subf %get3A_380, %get3A_384 : vector<16xf32>
      %add3A_386 = arith.addf %get3A_384, %sub3A_385 : vector<16xf32>
      %swap3A_387 = arith.index_cast %scan3A_81 : i32 to index
      %swap3A_388 = arith.constant 272 : index
      %swap3A_389 = tpu.vector_load %arg8[%swap3A_387, %swap3A_388] {strides = array<i32>} : memref<80x512xf32, #tpu.memory_space<vmem>>, vector<1x16xf32>,
      %swap3A_390 = vector.shape_cast %swap3A_389 : vector<1x16xf32> to vector<16xf32>
      %swap3A_391 = vector.shape_cast %add3A_386 : vector<16xf32> to vector<1x16xf32>
      tpu.vector_store %arg8[%swap3A_387, %swap3A_388], %swap3A_391 {strides = array<i32>} : memref<80x512xf32, #tpu.memory_space<vmem>>, vector<1x16xf32>,
      %mul3A_392 = arith.mulf %sub3A_385, %sub3A_385 : vector<16xf32>
      %add3A_393 = arith.addf %add3A_257, %mul3A_392 : vector<16xf32>
      %get3A_394 = arith.index_cast %scan3A_81 : i32 to index
      %get3A_395 = arith.constant 288 : index
      %get3A_396 = tpu.vector_load %arg8[%get3A_394, %get3A_395] {strides = array<i32>} : memref<80x512xf32, #tpu.memory_space<vmem>>, vector<1x16xf32>,
      %get3A_397 = vector.shape_cast %get3A_396 : vector<1x16xf32> to vector<16xf32>
      %get3A_398 = arith.index_cast %scan3A_81 : i32 to index
      %get3A_399 = arith.constant 288 : index
      %get3A_400 = tpu.vector_load %arg9[%get3A_398, %get3A_399] {strides = array<i32>} : memref<80x512xf32, #tpu.memory_space<vmem>>, vector<1x16xf32>,
      %get3A_401 = vector.shape_cast %get3A_400 : vector<1x16xf32> to vector<16xf32>
      %sub3A_402 = arith.subf %get3A_397, %get3A_401 : vector<16xf32>
      %add3A_403 = arith.addf %get3A_401, %sub3A_402 : vector<16xf32>
      %swap3A_404 = arith.index_cast %scan3A_81 : i32 to index
      %swap3A_405 = arith.constant 288 : index
      %swap3A_406 = tpu.vector_load %arg8[%swap3A_404, %swap3A_405] {strides = array<i32>} : memref<80x512xf32, #tpu.memory_space<vmem>>, vector<1x16xf32>,
      %swap3A_407 = vector.shape_cast %swap3A_406 : vector<1x16xf32> to vector<16xf32>
      %swap3A_408 = vector.shape_cast %add3A_403 : vector<16xf32> to vector<1x16xf32>
      tpu.vector_store %arg8[%swap3A_404, %swap3A_405], %swap3A_408 {strides = array<i32>} : memref<80x512xf32, #tpu.memory_space<vmem>>, vector<1x16xf32>,
      %mul3A_409 = arith.mulf %sub3A_402, %sub3A_402 : vector<16xf32>
      %add3A_410 = arith.addf %add3A_274, %mul3A_409 : vector<16xf32>
      %get3A_411 = arith.index_cast %scan3A_81 : i32 to index
      %get3A_412 = arith.constant 304 : index
      %get3A_413 = tpu.vector_load %arg8[%get3A_411, %get3A_412] {strides = array<i32>} : memref<80x512xf32, #tpu.memory_space<vmem>>, vector<1x16xf32>,
      %get3A_414 = vector.shape_cast %get3A_413 : vector<1x16xf32> to vector<16xf32>
      %get3A_415 = arith.index_cast %scan3A_81 : i32 to index
      %get3A_416 = arith.constant 304 : index
      %get3A_417 = tpu.vector_load %arg9[%get3A_415, %get3A_416] {strides = array<i32>} : memref<80x512xf32, #tpu.memory_space<vmem>>, vector<1x16xf32>,
      %get3A_418 = vector.shape_cast %get3A_417 : vector<1x16xf32> to vector<16xf32>
      %sub3A_419 = arith.subf %get3A_414, %get3A_418 : vector<16xf32>
      %add3A_420 = arith.addf %get3A_418, %sub3A_419 : vector<16xf32>
      %swap3A_421 = arith.index_cast %scan3A_81 : i32 to index
      %swap3A_422 = arith.constant 304 : index
      %swap3A_423 = tpu.vector_load %arg8[%swap3A_421, %swap3A_422] {strides = array<i32>} : memref<80x512xf32, #tpu.memory_space<vmem>>, vector<1x16xf32>,
      %swap3A_424 = vector.shape_cast %swap3A_423 : vector<1x16xf32> to vector<16xf32>
      %swap3A_425 = vector.shape_cast %add3A_420 : vector<16xf32> to vector<1x16xf32>
      tpu.vector_store %arg8[%swap3A_421, %swap3A_422], %swap3A_425 {strides = array<i32>} : memref<80x512xf32, #tpu.memory_space<vmem>>, vector<1x16xf32>,
      %mul3A_426 = arith.mulf %sub3A_419, %sub3A_419 : vector<16xf32>
      %add3A_427 = arith.addf %add3A_291, %mul3A_426 : vector<16xf32>
      %get3A_428 = arith.index_cast %scan3A_81 : i32 to index
      %get3A_429 = arith.constant 320 : index
      %get3A_430 = tpu.vector_load %arg8[%get3A_428, %get3A_429] {strides = array<i32>} : memref<80x512xf32, #tpu.memory_space<vmem>>, vector<1x16xf32>,
      %get3A_431 = vector.shape_cast %get3A_430 : vector<1x16xf32> to vector<16xf32>
      %get3A_432 = arith.index_cast %scan3A_81 : i32 to index
      %get3A_433 = arith.constant 320 : index
      %get3A_434 = tpu.vector_load %arg9[%get3A_432, %get3A_433] {strides = array<i32>} : memref<80x512xf32, #tpu.memory_space<vmem>>, vector<1x16xf32>,
      %get3A_435 = vector.shape_cast %get3A_434 : vector<1x16xf32> to vector<16xf32>
      %sub3A_436 = arith.subf %get3A_431, %get3A_435 : vector<16xf32>
      %add3A_437 = arith.addf %get3A_435, %sub3A_436 : vector<16xf32>
      %swap3A_438 = arith.index_cast %scan3A_81 : i32 to index
      %swap3A_439 = arith.constant 320 : index
      %swap3A_440 = tpu.vector_load %arg8[%swap3A_438, %swap3A_439] {strides = array<i32>} : memref<80x512xf32, #tpu.memory_space<vmem>>, vector<1x16xf32>,
      %swap3A_441 = vector.shape_cast %swap3A_440 : vector<1x16xf32> to vector<16xf32>
      %swap3A_442 = vector.shape_cast %add3A_437 : vector<16xf32> to vector<1x16xf32>
      tpu.vector_store %arg8[%swap3A_438, %swap3A_439], %swap3A_442 {strides = array<i32>} : memref<80x512xf32, #tpu.memory_space<vmem>>, vector<1x16xf32>,
      %mul3A_443 = arith.mulf %sub3A_436, %sub3A_436 : vector<16xf32>
      %add3A_444 = arith.addf %add3A_308, %mul3A_443 : vector<16xf32>
      %get3A_445 = arith.index_cast %scan3A_81 : i32 to index
      %get3A_446 = arith.constant 336 : index
      %get3A_447 = tpu.vector_load %arg8[%get3A_445, %get3A_446] {strides = array<i32>} : memref<80x512xf32, #tpu.memory_space<vmem>>, vector<1x16xf32>,
      %get3A_448 = vector.shape_cast %get3A_447 : vector<1x16xf32> to vector<16xf32>
      %get3A_449 = arith.index_cast %scan3A_81 : i32 to index
      %get3A_450 = arith.constant 336 : index
      %get3A_451 = tpu.vector_load %arg9[%get3A_449, %get3A_450] {strides = array<i32>} : memref<80x512xf32, #tpu.memory_space<vmem>>, vector<1x16xf32>,
      %get3A_452 = vector.shape_cast %get3A_451 : vector<1x16xf32> to vector<16xf32>
      %sub3A_453 = arith.subf %get3A_448, %get3A_452 : vector<16xf32>
      %add3A_454 = arith.addf %get3A_452, %sub3A_453 : vector<16xf32>
      %swap3A_455 = arith.index_cast %scan3A_81 : i32 to index
      %swap3A_456 = arith.constant 336 : index
      %swap3A_457 = tpu.vector_load %arg8[%swap3A_455, %swap3A_456] {strides = array<i32>} : memref<80x512xf32, #tpu.memory_space<vmem>>, vector<1x16xf32>,
      %swap3A_458 = vector.shape_cast %swap3A_457 : vector<1x16xf32> to vector<16xf32>
      %swap3A_459 = vector.shape_cast %add3A_454 : vector<16xf32> to vector<1x16xf32>
      tpu.vector_store %arg8[%swap3A_455, %swap3A_456], %swap3A_459 {strides = array<i32>} : memref<80x512xf32, #tpu.memory_space<vmem>>, vector<1x16xf32>,
      %mul3A_460 = arith.mulf %sub3A_453, %sub3A_453 : vector<16xf32>
      %add3A_461 = arith.addf %add3A_325, %mul3A_460 : vector<16xf32>
      %get3A_462 = arith.index_cast %scan3A_81 : i32 to index
      %get3A_463 = arith.constant 352 : index
      %get3A_464 = tpu.vector_load %arg8[%get3A_462, %get3A_463] {strides = array<i32>} : memref<80x512xf32, #tpu.memory_space<vmem>>, vector<1x16xf32>,
      %get3A_465 = vector.shape_cast %get3A_464 : vector<1x16xf32> to vector<16xf32>
      %get3A_466 = arith.index_cast %scan3A_81 : i32 to index
      %get3A_467 = arith.constant 352 : index
      %get3A_468 = tpu.vector_load %arg9[%get3A_466, %get3A_467] {strides = array<i32>} : memref<80x512xf32, #tpu.memory_space<vmem>>, vector<1x16xf32>,
      %get3A_469 = vector.shape_cast %get3A_468 : vector<1x16xf32> to vector<16xf32>
      %sub3A_470 = arith.subf %get3A_465, %get3A_469 : vector<16xf32>
      %add3A_471 = arith.addf %get3A_469, %sub3A_470 : vector<16xf32>
      %swap3A_472 = arith.index_cast %scan3A_81 : i32 to index
      %swap3A_473 = arith.constant 352 : index
      %swap3A_474 = tpu.vector_load %arg8[%swap3A_472, %swap3A_473] {strides = array<i32>} : memref<80x512xf32, #tpu.memory_space<vmem>>, vector<1x16xf32>,
      %swap3A_475 = vector.shape_cast %swap3A_474 : vector<1x16xf32> to vector<16xf32>
      %swap3A_476 = vector.shape_cast %add3A_471 : vector<16xf32> to vector<1x16xf32>
      tpu.vector_store %arg8[%swap3A_472, %swap3A_473], %swap3A_476 {strides = array<i32>} : memref<80x512xf32, #tpu.memory_space<vmem>>, vector<1x16xf32>,
      %mul3A_477 = arith.mulf %sub3A_470, %sub3A_470 : vector<16xf32>
      %add3A_478 = arith.addf %add3A_342, %mul3A_477 : vector<16xf32>
      %get3A_479 = arith.index_cast %scan3A_81 : i32 to index
      %get3A_480 = arith.constant 368 : index
      %get3A_481 = tpu.vector_load %arg8[%get3A_479, %get3A_480] {strides = array<i32>} : memref<80x512xf32, #tpu.memory_space<vmem>>, vector<1x16xf32>,
      %get3A_482 = vector.shape_cast %get3A_481 : vector<1x16xf32> to vector<16xf32>
      %get3A_483 = arith.index_cast %scan3A_81 : i32 to index
      %get3A_484 = arith.constant 368 : index
      %get3A_485 = tpu.vector_load %arg9[%get3A_483, %get3A_484] {strides = array<i32>} : memref<80x512xf32, #tpu.memory_space<vmem>>, vector<1x16xf32>,
      %get3A_486 = vector.shape_cast %get3A_485 : vector<1x16xf32> to vector<16xf32>
      %sub3A_487 = arith.subf %get3A_482, %get3A_486 : vector<16xf32>
      %add3A_488 = arith.addf %get3A_486, %sub3A_487 : vector<16xf32>
      %swap3A_489 = arith.index_cast %scan3A_81 : i32 to index
      %swap3A_490 = arith.constant 368 : index
      %swap3A_491 = tpu.vector_load %arg8[%swap3A_489, %swap3A_490] {strides = array<i32>} : memref<80x512xf32, #tpu.memory_space<vmem>>, vector<1x16xf32>,
      %swap3A_492 = vector.shape_cast %swap3A_491 : vector<1x16xf32> to vector<16xf32>
      %swap3A_493 = vector.shape_cast %add3A_488 : vector<16xf32> to vector<1x16xf32>
      tpu.vector_store %arg8[%swap3A_489, %swap3A_490], %swap3A_493 {strides = array<i32>} : memref<80x512xf32, #tpu.memory_space<vmem>>, vector<1x16xf32>,
      %mul3A_494 = arith.mulf %sub3A_487, %sub3A_487 : vector<16xf32>
      %add3A_495 = arith.addf %add3A_359, %mul3A_494 : vector<16xf32>
      %get3A_496 = arith.index_cast %scan3A_81 : i32 to index
      %get3A_497 = arith.constant 384 : index
      %get3A_498 = tpu.vector_load %arg8[%get3A_496, %get3A_497] {strides = array<i32>} : memref<80x512xf32, #tpu.memory_space<vmem>>, vector<1x16xf32>,
      %get3A_499 = vector.shape_cast %get3A_498 : vector<1x16xf32> to vector<16xf32>
      %get3A_500 = arith.index_cast %scan3A_81 : i32 to index
      %get3A_501 = arith.constant 384 : index
      %get3A_502 = tpu.vector_load %arg9[%get3A_500, %get3A_501] {strides = array<i32>} : memref<80x512xf32, #tpu.memory_space<vmem>>, vector<1x16xf32>,
      %get3A_503 = vector.shape_cast %get3A_502 : vector<1x16xf32> to vector<16xf32>
      %sub3A_504 = arith.subf %get3A_499, %get3A_503 : vector<16xf32>
      %add3A_505 = arith.addf %get3A_503, %sub3A_504 : vector<16xf32>
      %swap3A_506 = arith.index_cast %scan3A_81 : i32 to index
      %swap3A_507 = arith.constant 384 : index
      %swap3A_508 = tpu.vector_load %arg8[%swap3A_506, %swap3A_507] {strides = array<i32>} : memref<80x512xf32, #tpu.memory_space<vmem>>, vector<1x16xf32>,
      %swap3A_509 = vector.shape_cast %swap3A_508 : vector<1x16xf32> to vector<16xf32>
      %swap3A_510 = vector.shape_cast %add3A_505 : vector<16xf32> to vector<1x16xf32>
      tpu.vector_store %arg8[%swap3A_506, %swap3A_507], %swap3A_510 {strides = array<i32>} : memref<80x512xf32, #tpu.memory_space<vmem>>, vector<1x16xf32>,
      %mul3A_511 = arith.mulf %sub3A_504, %sub3A_504 : vector<16xf32>
      %add3A_512 = arith.addf %add3A_376, %mul3A_511 : vector<16xf32>
      %get3A_513 = arith.index_cast %scan3A_81 : i32 to index
      %get3A_514 = arith.constant 400 : index
      %get3A_515 = tpu.vector_load %arg8[%get3A_513, %get3A_514] {strides = array<i32>} : memref<80x512xf32, #tpu.memory_space<vmem>>, vector<1x16xf32>,
      %get3A_516 = vector.shape_cast %get3A_515 : vector<1x16xf32> to vector<16xf32>
      %get3A_517 = arith.index_cast %scan3A_81 : i32 to index
      %get3A_518 = arith.constant 400 : index
      %get3A_519 = tpu.vector_load %arg9[%get3A_517, %get3A_518] {strides = array<i32>} : memref<80x512xf32, #tpu.memory_space<vmem>>, vector<1x16xf32>,
      %get3A_520 = vector.shape_cast %get3A_519 : vector<1x16xf32> to vector<16xf32>
      %sub3A_521 = arith.subf %get3A_516, %get3A_520 : vector<16xf32>
      %add3A_522 = arith.addf %get3A_520, %sub3A_521 : vector<16xf32>
      %swap3A_523 = arith.index_cast %scan3A_81 : i32 to index
      %swap3A_524 = arith.constant 400 : index
      %swap3A_525 = tpu.vector_load %arg8[%swap3A_523, %swap3A_524] {strides = array<i32>} : memref<80x512xf32, #tpu.memory_space<vmem>>, vector<1x16xf32>,
      %swap3A_526 = vector.shape_cast %swap3A_525 : vector<1x16xf32> to vector<16xf32>
      %swap3A_527 = vector.shape_cast %add3A_522 : vector<16xf32> to vector<1x16xf32>
      tpu.vector_store %arg8[%swap3A_523, %swap3A_524], %swap3A_527 {strides = array<i32>} : memref<80x512xf32, #tpu.memory_space<vmem>>, vector<1x16xf32>,
      %mul3A_528 = arith.mulf %sub3A_521, %sub3A_521 : vector<16xf32>
      %add3A_529 = arith.addf %add3A_393, %mul3A_528 : vector<16xf32>
      %get3A_530 = arith.index_cast %scan3A_81 : i32 to index
      %get3A_531 = arith.constant 416 : index
      %get3A_532 = tpu.vector_load %arg8[%get3A_530, %get3A_531] {strides = array<i32>} : memref<80x512xf32, #tpu.memory_space<vmem>>, vector<1x16xf32>,
      %get3A_533 = vector.shape_cast %get3A_532 : vector<1x16xf32> to vector<16xf32>
      %get3A_534 = arith.index_cast %scan3A_81 : i32 to index
      %get3A_535 = arith.constant 416 : index
      %get3A_536 = tpu.vector_load %arg9[%get3A_534, %get3A_535] {strides = array<i32>} : memref<80x512xf32, #tpu.memory_space<vmem>>, vector<1x16xf32>,
      %get3A_537 = vector.shape_cast %get3A_536 : vector<1x16xf32> to vector<16xf32>
      %sub3A_538 = arith.subf %get3A_533, %get3A_537 : vector<16xf32>
      %add3A_539 = arith.addf %get3A_537, %sub3A_538 : vector<16xf32>
      %swap3A_540 = arith.index_cast %scan3A_81 : i32 to index
      %swap3A_541 = arith.constant 416 : index
      %swap3A_542 = tpu.vector_load %arg8[%swap3A_540, %swap3A_541] {strides = array<i32>} : memref<80x512xf32, #tpu.memory_space<vmem>>, vector<1x16xf32>,
      %swap3A_543 = vector.shape_cast %swap3A_542 : vector<1x16xf32> to vector<16xf32>
      %swap3A_544 = vector.shape_cast %add3A_539 : vector<16xf32> to vector<1x16xf32>
      tpu.vector_store %arg8[%swap3A_540, %swap3A_541], %swap3A_544 {strides = array<i32>} : memref<80x512xf32, #tpu.memory_space<vmem>>, vector<1x16xf32>,
      %mul3A_545 = arith.mulf %sub3A_538, %sub3A_538 : vector<16xf32>
      %add3A_546 = arith.addf %add3A_410, %mul3A_545 : vector<16xf32>
      %get3A_547 = arith.index_cast %scan3A_81 : i32 to index
      %get3A_548 = arith.constant 432 : index
      %get3A_549 = tpu.vector_load %arg8[%get3A_547, %get3A_548] {strides = array<i32>} : memref<80x512xf32, #tpu.memory_space<vmem>>, vector<1x16xf32>,
      %get3A_550 = vector.shape_cast %get3A_549 : vector<1x16xf32> to vector<16xf32>
      %get3A_551 = arith.index_cast %scan3A_81 : i32 to index
      %get3A_552 = arith.constant 432 : index
      %get3A_553 = tpu.vector_load %arg9[%get3A_551, %get3A_552] {strides = array<i32>} : memref<80x512xf32, #tpu.memory_space<vmem>>, vector<1x16xf32>,
      %get3A_554 = vector.shape_cast %get3A_553 : vector<1x16xf32> to vector<16xf32>
      %sub3A_555 = arith.subf %get3A_550, %get3A_554 : vector<16xf32>
      %add3A_556 = arith.addf %get3A_554, %sub3A_555 : vector<16xf32>
      %swap3A_557 = arith.index_cast %scan3A_81 : i32 to index
      %swap3A_558 = arith.constant 432 : index
      %swap3A_559 = tpu.vector_load %arg8[%swap3A_557, %swap3A_558] {strides = array<i32>} : memref<80x512xf32, #tpu.memory_space<vmem>>, vector<1x16xf32>,
      %swap3A_560 = vector.shape_cast %swap3A_559 : vector<1x16xf32> to vector<16xf32>
      %swap3A_561 = vector.shape_cast %add3A_556 : vector<16xf32> to vector<1x16xf32>
      tpu.vector_store %arg8[%swap3A_557, %swap3A_558], %swap3A_561 {strides = array<i32>} : memref<80x512xf32, #tpu.memory_space<vmem>>, vector<1x16xf32>,
      %mul3A_562 = arith.mulf %sub3A_555, %sub3A_555 : vector<16xf32>
      %add3A_563 = arith.addf %add3A_427, %mul3A_562 : vector<16xf32>
      %get3A_564 = arith.index_cast %scan3A_81 : i32 to index
      %get3A_565 = arith.constant 448 : index
      %get3A_566 = tpu.vector_load %arg8[%get3A_564, %get3A_565] {strides = array<i32>} : memref<80x512xf32, #tpu.memory_space<vmem>>, vector<1x16xf32>,
      %get3A_567 = vector.shape_cast %get3A_566 : vector<1x16xf32> to vector<16xf32>
      %get3A_568 = arith.index_cast %scan3A_81 : i32 to index
      %get3A_569 = arith.constant 448 : index
      %get3A_570 = tpu.vector_load %arg9[%get3A_568, %get3A_569] {strides = array<i32>} : memref<80x512xf32, #tpu.memory_space<vmem>>, vector<1x16xf32>,
      %get3A_571 = vector.shape_cast %get3A_570 : vector<1x16xf32> to vector<16xf32>
      %sub3A_572 = arith.subf %get3A_567, %get3A_571 : vector<16xf32>
      %add3A_573 = arith.addf %get3A_571, %sub3A_572 : vector<16xf32>
      %swap3A_574 = arith.index_cast %scan3A_81 : i32 to index
      %swap3A_575 = arith.constant 448 : index
      %swap3A_576 = tpu.vector_load %arg8[%swap3A_574, %swap3A_575] {strides = array<i32>} : memref<80x512xf32, #tpu.memory_space<vmem>>, vector<1x16xf32>,
      %swap3A_577 = vector.shape_cast %swap3A_576 : vector<1x16xf32> to vector<16xf32>
      %swap3A_578 = vector.shape_cast %add3A_573 : vector<16xf32> to vector<1x16xf32>
      tpu.vector_store %arg8[%swap3A_574, %swap3A_575], %swap3A_578 {strides = array<i32>} : memref<80x512xf32, #tpu.memory_space<vmem>>, vector<1x16xf32>,
      %mul3A_579 = arith.mulf %sub3A_572, %sub3A_572 : vector<16xf32>
      %add3A_580 = arith.addf %add3A_444, %mul3A_579 : vector<16xf32>
      %get3A_581 = arith.index_cast %scan3A_81 : i32 to index
      %get3A_582 = arith.constant 464 : index
      %get3A_583 = tpu.vector_load %arg8[%get3A_581, %get3A_582] {strides = array<i32>} : memref<80x512xf32, #tpu.memory_space<vmem>>, vector<1x16xf32>,
      %get3A_584 = vector.shape_cast %get3A_583 : vector<1x16xf32> to vector<16xf32>
      %get3A_585 = arith.index_cast %scan3A_81 : i32 to index
      %get3A_586 = arith.constant 464 : index
      %get3A_587 = tpu.vector_load %arg9[%get3A_585, %get3A_586] {strides = array<i32>} : memref<80x512xf32, #tpu.memory_space<vmem>>, vector<1x16xf32>,
      %get3A_588 = vector.shape_cast %get3A_587 : vector<1x16xf32> to vector<16xf32>
      %sub3A_589 = arith.subf %get3A_584, %get3A_588 : vector<16xf32>
      %add3A_590 = arith.addf %get3A_588, %sub3A_589 : vector<16xf32>
      %swap3A_591 = arith.index_cast %scan3A_81 : i32 to index
      %swap3A_592 = arith.constant 464 : index
      %swap3A_593 = tpu.vector_load %arg8[%swap3A_591, %swap3A_592] {strides = array<i32>} : memref<80x512xf32, #tpu.memory_space<vmem>>, vector<1x16xf32>,
      %swap3A_594 = vector.shape_cast %swap3A_593 : vector<1x16xf32> to vector<16xf32>
      %swap3A_595 = vector.shape_cast %add3A_590 : vector<16xf32> to vector<1x16xf32>
      tpu.vector_store %arg8[%swap3A_591, %swap3A_592], %swap3A_595 {strides = array<i32>} : memref<80x512xf32, #tpu.memory_space<vmem>>, vector<1x16xf32>,
      %mul3A_596 = arith.mulf %sub3A_589, %sub3A_589 : vector<16xf32>
      %add3A_597 = arith.addf %add3A_461, %mul3A_596 : vector<16xf32>
      %get3A_598 = arith.index_cast %scan3A_81 : i32 to index
      %get3A_599 = arith.constant 480 : index
      %get3A_600 = tpu.vector_load %arg8[%get3A_598, %get3A_599] {strides = array<i32>} : memref<80x512xf32, #tpu.memory_space<vmem>>, vector<1x16xf32>,
      %get3A_601 = vector.shape_cast %get3A_600 : vector<1x16xf32> to vector<16xf32>
      %get3A_602 = arith.index_cast %scan3A_81 : i32 to index
      %get3A_603 = arith.constant 480 : index
      %get3A_604 = tpu.vector_load %arg9[%get3A_602, %get3A_603] {strides = array<i32>} : memref<80x512xf32, #tpu.memory_space<vmem>>, vector<1x16xf32>,
      %get3A_605 = vector.shape_cast %get3A_604 : vector<1x16xf32> to vector<16xf32>
      %sub3A_606 = arith.subf %get3A_601, %get3A_605 : vector<16xf32>
      %add3A_607 = arith.addf %get3A_605, %sub3A_606 : vector<16xf32>
      %swap3A_608 = arith.index_cast %scan3A_81 : i32 to index
      %swap3A_609 = arith.constant 480 : index
      %swap3A_610 = tpu.vector_load %arg8[%swap3A_608, %swap3A_609] {strides = array<i32>} : memref<80x512xf32, #tpu.memory_space<vmem>>, vector<1x16xf32>,
      %swap3A_611 = vector.shape_cast %swap3A_610 : vector<1x16xf32> to vector<16xf32>
      %swap3A_612 = vector.shape_cast %add3A_607 : vector<16xf32> to vector<1x16xf32>
      tpu.vector_store %arg8[%swap3A_608, %swap3A_609], %swap3A_612 {strides = array<i32>} : memref<80x512xf32, #tpu.memory_space<vmem>>, vector<1x16xf32>,
      %mul3A_613 = arith.mulf %sub3A_606, %sub3A_606 : vector<16xf32>
      %add3A_614 = arith.addf %add3A_478, %mul3A_613 : vector<16xf32>
      %get3A_615 = arith.index_cast %scan3A_81 : i32 to index
      %get3A_616 = arith.constant 496 : index
      %get3A_617 = tpu.vector_load %arg8[%get3A_615, %get3A_616] {strides = array<i32>} : memref<80x512xf32, #tpu.memory_space<vmem>>, vector<1x16xf32>,
      %get3A_618 = vector.shape_cast %get3A_617 : vector<1x16xf32> to vector<16xf32>
      %get3A_619 = arith.index_cast %scan3A_81 : i32 to index
      %get3A_620 = arith.constant 496 : index
      %get3A_621 = tpu.vector_load %arg9[%get3A_619, %get3A_620] {strides = array<i32>} : memref<80x512xf32, #tpu.memory_space<vmem>>, vector<1x16xf32>,
      %get3A_622 = vector.shape_cast %get3A_621 : vector<1x16xf32> to vector<16xf32>
      %sub3A_623 = arith.subf %get3A_618, %get3A_622 : vector<16xf32>
      %add3A_624 = arith.addf %get3A_622, %sub3A_623 : vector<16xf32>
      %swap3A_625 = arith.index_cast %scan3A_81 : i32 to index
      %swap3A_626 = arith.constant 496 : index
      %swap3A_627 = tpu.vector_load %arg8[%swap3A_625, %swap3A_626] {strides = array<i32>} : memref<80x512xf32, #tpu.memory_space<vmem>>, vector<1x16xf32>,
      %swap3A_628 = vector.shape_cast %swap3A_627 : vector<1x16xf32> to vector<16xf32>
      %swap3A_629 = vector.shape_cast %add3A_624 : vector<16xf32> to vector<1x16xf32>
      tpu.vector_store %arg8[%swap3A_625, %swap3A_626], %swap3A_629 {strides = array<i32>} : memref<80x512xf32, #tpu.memory_space<vmem>>, vector<1x16xf32>,
      %mul3A_630 = arith.mulf %sub3A_623, %sub3A_623 : vector<16xf32>
      %add3A_631 = arith.addf %add3A_495, %mul3A_630 : vector<16xf32>
      scf.yield %add3A_512, %add3A_529, %add3A_546, %add3A_563, %add3A_580, %add3A_597, %add3A_614, %add3A_631 : vector<16xf32>, vector<16xf32>, vector<16xf32>, vector<16xf32>, vector<16xf32>, vector<16xf32>, vector<16xf32>, vector<16xf32>
    }
    %scan3A_70 = arith.constant 80 : i32
    "tpu.region"() ({
      %run_scoped3A = tpu.sem_alloc : memref<!tpu.dma_semaphore, #tpu.memory_space<semaphore_mem>>
      %dma_start3A_81 = arith.constant 0 : i32
      %dma_start3A_82 = tpu.memref_slice %arg5[%mul3A_58, %dma_start3A_81] : memref<10240x512xf32, #tpu.memory_space<hbm>> -> memref<80x512xf32, #tpu.memory_space<hbm>>
      %dma_start3A_83 = arith.constant 0 : i32
      %dma_start3A_84 = tpu.memref_slice %arg5[%mul3A_58, %dma_start3A_83] : memref<10240x512xf32, #tpu.memory_space<hbm>> -> memref<80x512xf32, #tpu.memory_space<hbm>>
      tpu.enqueue_dma source(%arg8 : memref<80x512xf32, #tpu.memory_space<vmem>>) target(%dma_start3A_84 : memref<80x512xf32, #tpu.memory_space<hbm>>) target_semaphore(%run_scoped3A : memref<!tpu.dma_semaphore, #tpu.memory_space<semaphore_mem>>)
      %dma_wait3A_85 = arith.constant 0 : i32
      %dma_wait3A_86 = tpu.memref_slice %arg5[%mul3A_58, %dma_wait3A_85] : memref<10240x512xf32, #tpu.memory_space<hbm>> -> memref<80x512xf32, #tpu.memory_space<hbm>>
      %dma_wait3A_87 = arith.constant 0 : i32
      %dma_wait3A_88 = tpu.memref_slice %arg5[%mul3A_58, %dma_wait3A_87] : memref<10240x512xf32, #tpu.memory_space<hbm>> -> memref<80x512xf32, #tpu.memory_space<hbm>>
      tpu.wait_dma2 semaphore(%run_scoped3A : memref<!tpu.dma_semaphore, #tpu.memory_space<semaphore_mem>>) src(%arg8 : memref<80x512xf32, #tpu.memory_space<vmem>>) dst(%dma_wait3A_88 : memref<80x512xf32, #tpu.memory_space<hbm>>)
      tpu.yield
    }) : () -> ()
    %add3A_71 = arith.addf %scan3A_69#0, %scan3A_69#1 : vector<16xf32>
    %add3A_72 = arith.addf %scan3A_69#2, %scan3A_69#3 : vector<16xf32>
    %add3A_73 = arith.addf %add3A_71, %add3A_72 : vector<16xf32>
    %add3A_74 = arith.addf %scan3A_69#4, %scan3A_69#5 : vector<16xf32>
    %add3A_75 = arith.addf %scan3A_69#6, %scan3A_69#7 : vector<16xf32>
    %add3A_76 = arith.addf %add3A_74, %add3A_75 : vector<16xf32>
    %add3A_77 = arith.addf %add3A_73, %add3A_76 : vector<16xf32>
    %swap3A = arith.constant 0 : index
    %swap3A_78 = tpu.vector_load %arg10[%swap3A] {strides = array<i32>} : memref<16xf32, #tpu.memory_space<vmem>>, vector<16xf32>,
    %swap3A_79 = vector.shape_cast %swap3A_78 : vector<16xf32> to vector<16xf32>
    %swap3A_80 = vector.shape_cast %add3A_77 : vector<16xf32> to vector<16xf32>
    tpu.vector_store %arg10[%swap3A], %swap3A_80 {strides = array<i32>} : memref<16xf32, #tpu.memory_space<vmem>>, vector<16xf32>,
    "tpu.region"() ({
      %run_scoped3A = tpu.sem_alloc : memref<!tpu.dma_semaphore, #tpu.memory_space<semaphore_mem>>
      %dma_start3A_81 = arith.constant 0 : i32
      %dma_start3A_82 = tpu.memref_slice %arg6[%add3A, %dma_start3A_81] : memref<32x16xf32, #tpu.memory_space<hbm>> -> memref<1x16xf32, #tpu.memory_space<hbm>>
      %dma_start3A_83 = tpu.memref_squeeze %dma_start3A_82 : memref<1x16xf32, #tpu.memory_space<hbm>> -> memref<16xf32, #tpu.memory_space<hbm>>
      %dma_start3A_84 = arith.constant 0 : i32
      %dma_start3A_85 = tpu.memref_slice %arg6[%add3A, %dma_start3A_84] : memref<32x16xf32, #tpu.memory_space<hbm>> -> memref<1x16xf32, #tpu.memory_space<hbm>>
      %dma_start3A_86 = tpu.memref_squeeze %dma_start3A_85 : memref<1x16xf32, #tpu.memory_space<hbm>> -> memref<16xf32, #tpu.memory_space<hbm>>
      tpu.enqueue_dma source(%arg10 : memref<16xf32, #tpu.memory_space<vmem>>) target(%dma_start3A_86 : memref<16xf32, #tpu.memory_space<hbm>>) target_semaphore(%run_scoped3A : memref<!tpu.dma_semaphore, #tpu.memory_space<semaphore_mem>>)
      %dma_wait3A_87 = arith.constant 0 : i32
      %dma_wait3A_88 = tpu.memref_slice %arg6[%add3A, %dma_wait3A_87] : memref<32x16xf32, #tpu.memory_space<hbm>> -> memref<1x16xf32, #tpu.memory_space<hbm>>
      %dma_wait3A_89 = tpu.memref_squeeze %dma_wait3A_88 : memref<1x16xf32, #tpu.memory_space<hbm>> -> memref<16xf32, #tpu.memory_space<hbm>>
      %dma_wait3A_90 = arith.constant 0 : i32
      %dma_wait3A_91 = tpu.memref_slice %arg6[%add3A, %dma_wait3A_90] : memref<32x16xf32, #tpu.memory_space<hbm>> -> memref<1x16xf32, #tpu.memory_space<hbm>>
      %dma_wait3A_92 = tpu.memref_squeeze %dma_wait3A_91 : memref<1x16xf32, #tpu.memory_space<hbm>> -> memref<16xf32, #tpu.memory_space<hbm>>
      tpu.wait_dma2 semaphore(%run_scoped3A : memref<!tpu.dma_semaphore, #tpu.memory_space<semaphore_mem>>) src(%arg10 : memref<16xf32, #tpu.memory_space<vmem>>) dst(%dma_wait3A_92 : memref<16xf32, #tpu.memory_space<hbm>>)
      tpu.yield
    }) : () -> ()
    return
  }
}

module attributes {stable_mosaic.version = 14 : i64} {
  func.func @_mapped_body(%arg0: i32, %arg1: memref<512x4096xf32, #tpu.memory_space<vmem>>, %arg2: memref<512x4096xf32, #tpu.memory_space<vmem>>, %arg3: memref<1x512xf32, #tpu.memory_space<vmem>>, %arg4: memref<512x512xf32, #tpu.memory_space<vmem>>, %arg5: memref<512x1xf32, #tpu.memory_space<vmem>>, %arg6: memref<512x512xf32, #tpu.memory_space<vmem>>) attributes {dimension_semantics = [#tpu.dimension_semantics<arbitrary>], iteration_bounds = array<i64: 16>, scalar_prefetch = 0 : i64, scratch_operands = 0 : i64, tpu.core_type = #tpu.core_type<tc>, window_params = [{transform_indices = @transform_0, window_bounds = array<i64: 512, 4096>}, {pipeline_mode = #tpu.pipeline_mode<synchronous>, transform_indices = @transform_1, window_bounds = array<i64: 512, 4096>}, {pipeline_mode = #tpu.pipeline_mode<synchronous>, transform_indices = @transform_2, window_bounds = array<i64: 1, 512>}, {transform_indices = @transform_3, window_bounds = array<i64: 512, 512>}, {transform_indices = @transform_4, window_bounds = array<i64: 512, 1>}, {transform_indices = @transform_5, window_bounds = array<i64: 512, 512>}]} {
    %get3A = arith.constant 0 : index
    %get3A_0 = arith.constant 0 : index
    %get3A_1 = vector.load %arg1[%get3A, %get3A_0] : memref<512x4096xf32, #tpu.memory_space<vmem>>, vector<512x4096xf32>
    %get3A_2 = arith.constant 0 : index
    %get3A_3 = arith.constant 0 : index
    %get3A_4 = vector.load %arg2[%get3A_2, %get3A_3] : memref<512x4096xf32, #tpu.memory_space<vmem>>, vector<512x4096xf32>
    %dot_general3A = arith.constant dense<0.000000e+00> : vector<512x512xf32>
    %dot_general3A_5 = tpu.matmul %get3A_1, %get3A_4, %dot_general3A {dimension_numbers = #tpu.dot_dimension_numbers<[1], [1], [0], [0], [0, 0, 1, 0], [], []>, transpose_lhs_hint = false} : vector<512x4096xf32>, vector<512x4096xf32>, vector<512x512xf32> -> vector<512x512xf32>
    %get3A_6 = arith.constant 0 : index
    %get3A_7 = arith.constant 0 : index
    %get3A_8 = vector.load %arg3[%get3A_6, %get3A_7] : memref<1x512xf32, #tpu.memory_space<vmem>>, vector<1x512xf32>
    %add3A = vector.broadcast %get3A_8 : vector<1x512xf32> to vector<512x512xf32>
    %add3A_9 = arith.addf %dot_general3A_5, %add3A : vector<512x512xf32>
    %swap3A = arith.constant 0 : index
    %swap3A_10 = arith.constant 0 : index
    %swap3A_11 = vector.load %arg4[%swap3A, %swap3A_10] : memref<512x512xf32, #tpu.memory_space<vmem>>, vector<512x512xf32>
    tpu.vector_store %arg4[%swap3A, %swap3A_10], %add3A_9 {strides = array<i32>} : memref<512x512xf32, #tpu.memory_space<vmem>>, vector<512x512xf32>,
    %mul3A = arith.mulf %add3A_9, %add3A_9 : vector<512x512xf32>
    %reduce_sum3A = arith.constant dense<0.000000e+00> : vector<512xf32>
    %reduce_sum3A_12 = vector.multi_reduction <add>, %mul3A, %reduce_sum3A [1] : vector<512x512xf32> to vector<512xf32>
    %broadcast_in_dim3A = vector.shape_cast %reduce_sum3A_12 : vector<512xf32> to vector<512x1xf32>
    %swap3A_13 = arith.constant 0 : index
    %swap3A_14 = arith.constant 0 : index
    %swap3A_15 = vector.load %arg5[%swap3A_13, %swap3A_14] : memref<512x1xf32, #tpu.memory_space<vmem>>, vector<512x1xf32>
    tpu.vector_store %arg5[%swap3A_13, %swap3A_14], %broadcast_in_dim3A {strides = array<i32>} : memref<512x1xf32, #tpu.memory_space<vmem>>, vector<512x1xf32>,
    %add3A_16 = arith.addf %add3A_9, %add3A_9 : vector<512x512xf32>
    %transpose3A = tpu.transpose %add3A_16, [1, 0] : vector<512x512xf32> -> vector<512x512xf32>
    %swap3A_17 = arith.constant 0 : index
    %swap3A_18 = arith.constant 0 : index
    %swap3A_19 = vector.load %arg6[%swap3A_17, %swap3A_18] : memref<512x512xf32, #tpu.memory_space<vmem>>, vector<512x512xf32>
    tpu.vector_store %arg6[%swap3A_17, %swap3A_18], %transpose3A {strides = array<i32>} : memref<512x512xf32, #tpu.memory_space<vmem>>, vector<512x512xf32>,
    return
  }
  func.func @transform_0(%arg0: i32) -> (i32, i32) {
    %c0_i32 = arith.constant 0 : i32
    %c0_i32_0 = arith.constant 0 : i32
    return %arg0, %c0_i32 : i32, i32
  }
  func.func @transform_1(%arg0: i32) -> (i32, i32) {
    %c0_i32 = arith.constant 0 : i32
    %c0_i32_0 = arith.constant 0 : i32
    %c0_i32_1 = arith.constant 0 : i32
    return %c0_i32, %c0_i32_0 : i32, i32
  }
  func.func @transform_2(%arg0: i32) -> (i32, i32) {
    %c0_i32 = arith.constant 0 : i32
    %c0_i32_0 = arith.constant 0 : i32
    %c0_i32_1 = arith.constant 0 : i32
    return %c0_i32, %c0_i32_0 : i32, i32
  }
  func.func @transform_3(%arg0: i32) -> (i32, i32) {
    %c0_i32 = arith.constant 0 : i32
    %c0_i32_0 = arith.constant 0 : i32
    return %arg0, %c0_i32 : i32, i32
  }
  func.func @transform_4(%arg0: i32) -> (i32, i32) {
    %c0_i32 = arith.constant 0 : i32
    %c0_i32_0 = arith.constant 0 : i32
    return %arg0, %c0_i32 : i32, i32
  }
  func.func @transform_5(%arg0: i32) -> (i32, i32) {
    %c0_i32 = arith.constant 0 : i32
    %c0_i32_0 = arith.constant 0 : i32
    return %c0_i32, %arg0 : i32, i32
  }
}

module attributes {stable_mosaic.version = 14 : i64} {
  func.func @_assign_body(%arg0: i32, %arg1: memref<10x32x512xf32, #tpu.memory_space<vmem>>, %arg2: memref<10x32x1xf32, #tpu.memory_space<vmem>>, %arg3: memref<512x8192xf32, #tpu.memory_space<vmem>>, %arg4: memref<1x8192xf32, #tpu.memory_space<vmem>>, %arg5: memref<1024x10xi32, #tpu.memory_space<vmem>>, %arg6: memref<10x16x8192xf32, #tpu.memory_space<vmem>>, %arg7: memref<10x16x8192xf32, #tpu.memory_space<vmem>>) attributes {dimension_semantics = [#tpu.dimension_semantics<arbitrary>], iteration_bounds = array<i64: 33>, scalar_prefetch = 0 : i64, scratch_operands = 2 : i64, tpu.core_type = #tpu.core_type<tc>, window_params = [{transform_indices = @transform_0, window_bounds = array<i64: 10, 32, 512>}, {transform_indices = @transform_1, window_bounds = array<i64: 10, 32, 1>}, {pipeline_mode = #tpu.pipeline_mode<synchronous>, transform_indices = @transform_2, window_bounds = array<i64: 512, 8192>}, {pipeline_mode = #tpu.pipeline_mode<synchronous>, transform_indices = @transform_3, window_bounds = array<i64: 1, 8192>}, {pipeline_mode = #tpu.pipeline_mode<synchronous>, transform_indices = @transform_4, window_bounds = array<i64: 1024, 10>}]} {
    %get3A = arith.constant 0 : index
    %get3A_0 = arith.constant 0 : index
    %get3A_1 = arith.constant 0 : index
    %get3A_2 = vector.load %arg1[%get3A, %get3A_0, %get3A_1] : memref<10x32x512xf32, #tpu.memory_space<vmem>>, vector<10x32x512xf32>
    %get3A_3 = arith.constant 0 : index
    %get3A_4 = arith.constant 0 : index
    %get3A_5 = arith.constant 0 : index
    %get3A_6 = vector.load %arg2[%get3A_3, %get3A_4, %get3A_5] : memref<10x32x1xf32, #tpu.memory_space<vmem>>, vector<10x32x1xf32>
    %mul3A = arith.constant 2 : i32
    %mul3A_7 = arith.muli %mul3A, %arg0 : i32
    %sub3A = arith.constant 1 : i32
    %sub3A_8 = arith.subi %mul3A_7, %sub3A : i32
    %max3A = arith.constant 0 : i32
    %max3A_9 = arith.maxsi %sub3A_8, %max3A : i32
    %mul3A_10 = arith.constant 16 : i32
    %mul3A_11 = arith.muli %max3A_9, %mul3A_10 : i32
    %mul3A_12 = arith.constant 2 : i32
    %mul3A_13 = arith.muli %mul3A_12, %arg0 : i32
    %min3A = arith.constant 62 : i32
    %min3A_14 = arith.minsi %mul3A_13, %min3A : i32
    %mul3A_15 = arith.constant 16 : i32
    %mul3A_16 = arith.muli %min3A_14, %mul3A_15 : i32
    %get3A_17 = arith.constant 0 : index
    %get3A_18 = arith.constant 0 : index
    %get3A_19 = arith.constant 0 : index
    %get3A_20 = vector.load %arg6[%get3A_17, %get3A_18, %get3A_19] : memref<10x16x8192xf32, #tpu.memory_space<vmem>>, vector<10x16x8192xf32>
    %iota3A = tpu.iota {dimensions = array<i32: 1>} : vector<16x8192xi32>
    %broadcast_in_dim3A = arith.constant false
    %broadcast_in_dim3A_21 = vector.broadcast %broadcast_in_dim3A : i1 to vector<16x8192xi1>
    %slice3A = vector.extract_strided_slice %get3A_20 {offsets = [0, 0, 0], sizes = [1, 16, 8192], strides = [1, 1, 1]} : vector<10x16x8192xf32> to vector<1x16x8192xf32>
    %squeeze3A = vector.shape_cast %slice3A : vector<1x16x8192xf32> to vector<16x8192xf32>
    %jit3A = arith.constant 0x7F800000 : f32
    %broadcast_in_dim3A_22 = vector.broadcast %jit3A : f32 to vector<16x8192xf32>
    %select_n3A = arith.select %broadcast_in_dim3A_21, %broadcast_in_dim3A_22, %squeeze3A : vector<16x8192xi1>, vector<16x8192xf32>
    %reduce_min3A = arith.constant dense<0x7F800000> : vector<16xf32>
    %reduce_min3A_23 = vector.multi_reduction <minimumf>, %select_n3A, %reduce_min3A [1] : vector<16x8192xf32> to vector<16xf32>
    %broadcast_in_dim3A_24 = vector.shape_cast %reduce_min3A_23 : vector<16xf32> to vector<16x1xf32>
    %eq3A = vector.broadcast %broadcast_in_dim3A_24 : vector<16x1xf32> to vector<16x8192xf32>
    %eq3A_25 = arith.cmpf oeq, %select_n3A, %eq3A : vector<16x8192xf32>
    %jit3A_26 = arith.constant 8192 : i32
    %broadcast_in_dim3A_27 = vector.broadcast %jit3A_26 : i32 to vector<16x8192xi32>
    %select_n3A_28 = arith.select %eq3A_25, %iota3A, %broadcast_in_dim3A_27 : vector<16x8192xi1>, vector<16x8192xi32>
    %reduce_min3A_29 = arith.constant dense<2147483647> : vector<16xi32>
    %reduce_min3A_30 = vector.multi_reduction <minsi>, %select_n3A_28, %reduce_min3A_29 [1] : vector<16x8192xi32> to vector<16xi32>
    %broadcast_in_dim3A_31 = vector.shape_cast %reduce_min3A_30 : vector<16xi32> to vector<16x1xi32>
    %eq3A_32 = vector.broadcast %broadcast_in_dim3A_31 : vector<16x1xi32> to vector<16x8192xi32>
    %eq3A_33 = arith.cmpi eq, %iota3A, %eq3A_32 : vector<16x8192xi32>
    %or3A = arith.ori %broadcast_in_dim3A_21, %eq3A_33 : vector<16x8192xi1>
    %slice3A_34 = vector.extract_strided_slice %get3A_20 {offsets = [1, 0, 0], sizes = [1, 16, 8192], strides = [1, 1, 1]} : vector<10x16x8192xf32> to vector<1x16x8192xf32>
    %squeeze3A_35 = vector.shape_cast %slice3A_34 : vector<1x16x8192xf32> to vector<16x8192xf32>
    %jit3A_36 = arith.constant 0x7F800000 : f32
    %broadcast_in_dim3A_37 = vector.broadcast %jit3A_36 : f32 to vector<16x8192xf32>
    %select_n3A_38 = arith.select %or3A, %broadcast_in_dim3A_37, %squeeze3A_35 : vector<16x8192xi1>, vector<16x8192xf32>
    %reduce_min3A_39 = arith.constant dense<0x7F800000> : vector<16xf32>
    %reduce_min3A_40 = vector.multi_reduction <minimumf>, %select_n3A_38, %reduce_min3A_39 [1] : vector<16x8192xf32> to vector<16xf32>
    %broadcast_in_dim3A_41 = vector.shape_cast %reduce_min3A_40 : vector<16xf32> to vector<16x1xf32>
    %eq3A_42 = vector.broadcast %broadcast_in_dim3A_41 : vector<16x1xf32> to vector<16x8192xf32>
    %eq3A_43 = arith.cmpf oeq, %select_n3A_38, %eq3A_42 : vector<16x8192xf32>
    %jit3A_44 = arith.constant 8192 : i32
    %broadcast_in_dim3A_45 = vector.broadcast %jit3A_44 : i32 to vector<16x8192xi32>
    %select_n3A_46 = arith.select %eq3A_43, %iota3A, %broadcast_in_dim3A_45 : vector<16x8192xi1>, vector<16x8192xi32>
    %reduce_min3A_47 = arith.constant dense<2147483647> : vector<16xi32>
    %reduce_min3A_48 = vector.multi_reduction <minsi>, %select_n3A_46, %reduce_min3A_47 [1] : vector<16x8192xi32> to vector<16xi32>
    %broadcast_in_dim3A_49 = vector.shape_cast %reduce_min3A_48 : vector<16xi32> to vector<16x1xi32>
    %eq3A_50 = vector.broadcast %broadcast_in_dim3A_49 : vector<16x1xi32> to vector<16x8192xi32>
    %eq3A_51 = arith.cmpi eq, %iota3A, %eq3A_50 : vector<16x8192xi32>
    %or3A_52 = arith.ori %or3A, %eq3A_51 : vector<16x8192xi1>
    %slice3A_53 = vector.extract_strided_slice %get3A_20 {offsets = [2, 0, 0], sizes = [1, 16, 8192], strides = [1, 1, 1]} : vector<10x16x8192xf32> to vector<1x16x8192xf32>
    %squeeze3A_54 = vector.shape_cast %slice3A_53 : vector<1x16x8192xf32> to vector<16x8192xf32>
    %jit3A_55 = arith.constant 0x7F800000 : f32
    %broadcast_in_dim3A_56 = vector.broadcast %jit3A_55 : f32 to vector<16x8192xf32>
    %select_n3A_57 = arith.select %or3A_52, %broadcast_in_dim3A_56, %squeeze3A_54 : vector<16x8192xi1>, vector<16x8192xf32>
    %reduce_min3A_58 = arith.constant dense<0x7F800000> : vector<16xf32>
    %reduce_min3A_59 = vector.multi_reduction <minimumf>, %select_n3A_57, %reduce_min3A_58 [1] : vector<16x8192xf32> to vector<16xf32>
    %broadcast_in_dim3A_60 = vector.shape_cast %reduce_min3A_59 : vector<16xf32> to vector<16x1xf32>
    %eq3A_61 = vector.broadcast %broadcast_in_dim3A_60 : vector<16x1xf32> to vector<16x8192xf32>
    %eq3A_62 = arith.cmpf oeq, %select_n3A_57, %eq3A_61 : vector<16x8192xf32>
    %jit3A_63 = arith.constant 8192 : i32
    %broadcast_in_dim3A_64 = vector.broadcast %jit3A_63 : i32 to vector<16x8192xi32>
    %select_n3A_65 = arith.select %eq3A_62, %iota3A, %broadcast_in_dim3A_64 : vector<16x8192xi1>, vector<16x8192xi32>
    %reduce_min3A_66 = arith.constant dense<2147483647> : vector<16xi32>
    %reduce_min3A_67 = vector.multi_reduction <minsi>, %select_n3A_65, %reduce_min3A_66 [1] : vector<16x8192xi32> to vector<16xi32>
    %broadcast_in_dim3A_68 = vector.shape_cast %reduce_min3A_67 : vector<16xi32> to vector<16x1xi32>
    %eq3A_69 = vector.broadcast %broadcast_in_dim3A_68 : vector<16x1xi32> to vector<16x8192xi32>
    %eq3A_70 = arith.cmpi eq, %iota3A, %eq3A_69 : vector<16x8192xi32>
    %or3A_71 = arith.ori %or3A_52, %eq3A_70 : vector<16x8192xi1>
    %slice3A_72 = vector.extract_strided_slice %get3A_20 {offsets = [3, 0, 0], sizes = [1, 16, 8192], strides = [1, 1, 1]} : vector<10x16x8192xf32> to vector<1x16x8192xf32>
    %squeeze3A_73 = vector.shape_cast %slice3A_72 : vector<1x16x8192xf32> to vector<16x8192xf32>
    %jit3A_74 = arith.constant 0x7F800000 : f32
    %broadcast_in_dim3A_75 = vector.broadcast %jit3A_74 : f32 to vector<16x8192xf32>
    %select_n3A_76 = arith.select %or3A_71, %broadcast_in_dim3A_75, %squeeze3A_73 : vector<16x8192xi1>, vector<16x8192xf32>
    %reduce_min3A_77 = arith.constant dense<0x7F800000> : vector<16xf32>
    %reduce_min3A_78 = vector.multi_reduction <minimumf>, %select_n3A_76, %reduce_min3A_77 [1] : vector<16x8192xf32> to vector<16xf32>
    %broadcast_in_dim3A_79 = vector.shape_cast %reduce_min3A_78 : vector<16xf32> to vector<16x1xf32>
    %eq3A_80 = vector.broadcast %broadcast_in_dim3A_79 : vector<16x1xf32> to vector<16x8192xf32>
    %eq3A_81 = arith.cmpf oeq, %select_n3A_76, %eq3A_80 : vector<16x8192xf32>
    %jit3A_82 = arith.constant 8192 : i32
    %broadcast_in_dim3A_83 = vector.broadcast %jit3A_82 : i32 to vector<16x8192xi32>
    %select_n3A_84 = arith.select %eq3A_81, %iota3A, %broadcast_in_dim3A_83 : vector<16x8192xi1>, vector<16x8192xi32>
    %reduce_min3A_85 = arith.constant dense<2147483647> : vector<16xi32>
    %reduce_min3A_86 = vector.multi_reduction <minsi>, %select_n3A_84, %reduce_min3A_85 [1] : vector<16x8192xi32> to vector<16xi32>
    %broadcast_in_dim3A_87 = vector.shape_cast %reduce_min3A_86 : vector<16xi32> to vector<16x1xi32>
    %eq3A_88 = vector.broadcast %broadcast_in_dim3A_87 : vector<16x1xi32> to vector<16x8192xi32>
    %eq3A_89 = arith.cmpi eq, %iota3A, %eq3A_88 : vector<16x8192xi32>
    %or3A_90 = arith.ori %or3A_71, %eq3A_89 : vector<16x8192xi1>
    %slice3A_91 = vector.extract_strided_slice %get3A_20 {offsets = [4, 0, 0], sizes = [1, 16, 8192], strides = [1, 1, 1]} : vector<10x16x8192xf32> to vector<1x16x8192xf32>
    %squeeze3A_92 = vector.shape_cast %slice3A_91 : vector<1x16x8192xf32> to vector<16x8192xf32>
    %jit3A_93 = arith.constant 0x7F800000 : f32
    %broadcast_in_dim3A_94 = vector.broadcast %jit3A_93 : f32 to vector<16x8192xf32>
    %select_n3A_95 = arith.select %or3A_90, %broadcast_in_dim3A_94, %squeeze3A_92 : vector<16x8192xi1>, vector<16x8192xf32>
    %reduce_min3A_96 = arith.constant dense<0x7F800000> : vector<16xf32>
    %reduce_min3A_97 = vector.multi_reduction <minimumf>, %select_n3A_95, %reduce_min3A_96 [1] : vector<16x8192xf32> to vector<16xf32>
    %broadcast_in_dim3A_98 = vector.shape_cast %reduce_min3A_97 : vector<16xf32> to vector<16x1xf32>
    %eq3A_99 = vector.broadcast %broadcast_in_dim3A_98 : vector<16x1xf32> to vector<16x8192xf32>
    %eq3A_100 = arith.cmpf oeq, %select_n3A_95, %eq3A_99 : vector<16x8192xf32>
    %jit3A_101 = arith.constant 8192 : i32
    %broadcast_in_dim3A_102 = vector.broadcast %jit3A_101 : i32 to vector<16x8192xi32>
    %select_n3A_103 = arith.select %eq3A_100, %iota3A, %broadcast_in_dim3A_102 : vector<16x8192xi1>, vector<16x8192xi32>
    %reduce_min3A_104 = arith.constant dense<2147483647> : vector<16xi32>
    %reduce_min3A_105 = vector.multi_reduction <minsi>, %select_n3A_103, %reduce_min3A_104 [1] : vector<16x8192xi32> to vector<16xi32>
    %broadcast_in_dim3A_106 = vector.shape_cast %reduce_min3A_105 : vector<16xi32> to vector<16x1xi32>
    %eq3A_107 = vector.broadcast %broadcast_in_dim3A_106 : vector<16x1xi32> to vector<16x8192xi32>
    %eq3A_108 = arith.cmpi eq, %iota3A, %eq3A_107 : vector<16x8192xi32>
    %or3A_109 = arith.ori %or3A_90, %eq3A_108 : vector<16x8192xi1>
    %slice3A_110 = vector.extract_strided_slice %get3A_20 {offsets = [5, 0, 0], sizes = [1, 16, 8192], strides = [1, 1, 1]} : vector<10x16x8192xf32> to vector<1x16x8192xf32>
    %squeeze3A_111 = vector.shape_cast %slice3A_110 : vector<1x16x8192xf32> to vector<16x8192xf32>
    %jit3A_112 = arith.constant 0x7F800000 : f32
    %broadcast_in_dim3A_113 = vector.broadcast %jit3A_112 : f32 to vector<16x8192xf32>
    %select_n3A_114 = arith.select %or3A_109, %broadcast_in_dim3A_113, %squeeze3A_111 : vector<16x8192xi1>, vector<16x8192xf32>
    %reduce_min3A_115 = arith.constant dense<0x7F800000> : vector<16xf32>
    %reduce_min3A_116 = vector.multi_reduction <minimumf>, %select_n3A_114, %reduce_min3A_115 [1] : vector<16x8192xf32> to vector<16xf32>
    %broadcast_in_dim3A_117 = vector.shape_cast %reduce_min3A_116 : vector<16xf32> to vector<16x1xf32>
    %eq3A_118 = vector.broadcast %broadcast_in_dim3A_117 : vector<16x1xf32> to vector<16x8192xf32>
    %eq3A_119 = arith.cmpf oeq, %select_n3A_114, %eq3A_118 : vector<16x8192xf32>
    %jit3A_120 = arith.constant 8192 : i32
    %broadcast_in_dim3A_121 = vector.broadcast %jit3A_120 : i32 to vector<16x8192xi32>
    %select_n3A_122 = arith.select %eq3A_119, %iota3A, %broadcast_in_dim3A_121 : vector<16x8192xi1>, vector<16x8192xi32>
    %reduce_min3A_123 = arith.constant dense<2147483647> : vector<16xi32>
    %reduce_min3A_124 = vector.multi_reduction <minsi>, %select_n3A_122, %reduce_min3A_123 [1] : vector<16x8192xi32> to vector<16xi32>
    %broadcast_in_dim3A_125 = vector.shape_cast %reduce_min3A_124 : vector<16xi32> to vector<16x1xi32>
    %eq3A_126 = vector.broadcast %broadcast_in_dim3A_125 : vector<16x1xi32> to vector<16x8192xi32>
    %eq3A_127 = arith.cmpi eq, %iota3A, %eq3A_126 : vector<16x8192xi32>
    %or3A_128 = arith.ori %or3A_109, %eq3A_127 : vector<16x8192xi1>
    %slice3A_129 = vector.extract_strided_slice %get3A_20 {offsets = [6, 0, 0], sizes = [1, 16, 8192], strides = [1, 1, 1]} : vector<10x16x8192xf32> to vector<1x16x8192xf32>
    %squeeze3A_130 = vector.shape_cast %slice3A_129 : vector<1x16x8192xf32> to vector<16x8192xf32>
    %jit3A_131 = arith.constant 0x7F800000 : f32
    %broadcast_in_dim3A_132 = vector.broadcast %jit3A_131 : f32 to vector<16x8192xf32>
    %select_n3A_133 = arith.select %or3A_128, %broadcast_in_dim3A_132, %squeeze3A_130 : vector<16x8192xi1>, vector<16x8192xf32>
    %reduce_min3A_134 = arith.constant dense<0x7F800000> : vector<16xf32>
    %reduce_min3A_135 = vector.multi_reduction <minimumf>, %select_n3A_133, %reduce_min3A_134 [1] : vector<16x8192xf32> to vector<16xf32>
    %broadcast_in_dim3A_136 = vector.shape_cast %reduce_min3A_135 : vector<16xf32> to vector<16x1xf32>
    %eq3A_137 = vector.broadcast %broadcast_in_dim3A_136 : vector<16x1xf32> to vector<16x8192xf32>
    %eq3A_138 = arith.cmpf oeq, %select_n3A_133, %eq3A_137 : vector<16x8192xf32>
    %jit3A_139 = arith.constant 8192 : i32
    %broadcast_in_dim3A_140 = vector.broadcast %jit3A_139 : i32 to vector<16x8192xi32>
    %select_n3A_141 = arith.select %eq3A_138, %iota3A, %broadcast_in_dim3A_140 : vector<16x8192xi1>, vector<16x8192xi32>
    %reduce_min3A_142 = arith.constant dense<2147483647> : vector<16xi32>
    %reduce_min3A_143 = vector.multi_reduction <minsi>, %select_n3A_141, %reduce_min3A_142 [1] : vector<16x8192xi32> to vector<16xi32>
    %broadcast_in_dim3A_144 = vector.shape_cast %reduce_min3A_143 : vector<16xi32> to vector<16x1xi32>
    %eq3A_145 = vector.broadcast %broadcast_in_dim3A_144 : vector<16x1xi32> to vector<16x8192xi32>
    %eq3A_146 = arith.cmpi eq, %iota3A, %eq3A_145 : vector<16x8192xi32>
    %or3A_147 = arith.ori %or3A_128, %eq3A_146 : vector<16x8192xi1>
    %slice3A_148 = vector.extract_strided_slice %get3A_20 {offsets = [7, 0, 0], sizes = [1, 16, 8192], strides = [1, 1, 1]} : vector<10x16x8192xf32> to vector<1x16x8192xf32>
    %squeeze3A_149 = vector.shape_cast %slice3A_148 : vector<1x16x8192xf32> to vector<16x8192xf32>
    %jit3A_150 = arith.constant 0x7F800000 : f32
    %broadcast_in_dim3A_151 = vector.broadcast %jit3A_150 : f32 to vector<16x8192xf32>
    %select_n3A_152 = arith.select %or3A_147, %broadcast_in_dim3A_151, %squeeze3A_149 : vector<16x8192xi1>, vector<16x8192xf32>
    %reduce_min3A_153 = arith.constant dense<0x7F800000> : vector<16xf32>
    %reduce_min3A_154 = vector.multi_reduction <minimumf>, %select_n3A_152, %reduce_min3A_153 [1] : vector<16x8192xf32> to vector<16xf32>
    %broadcast_in_dim3A_155 = vector.shape_cast %reduce_min3A_154 : vector<16xf32> to vector<16x1xf32>
    %eq3A_156 = vector.broadcast %broadcast_in_dim3A_155 : vector<16x1xf32> to vector<16x8192xf32>
    %eq3A_157 = arith.cmpf oeq, %select_n3A_152, %eq3A_156 : vector<16x8192xf32>
    %jit3A_158 = arith.constant 8192 : i32
    %broadcast_in_dim3A_159 = vector.broadcast %jit3A_158 : i32 to vector<16x8192xi32>
    %select_n3A_160 = arith.select %eq3A_157, %iota3A, %broadcast_in_dim3A_159 : vector<16x8192xi1>, vector<16x8192xi32>
    %reduce_min3A_161 = arith.constant dense<2147483647> : vector<16xi32>
    %reduce_min3A_162 = vector.multi_reduction <minsi>, %select_n3A_160, %reduce_min3A_161 [1] : vector<16x8192xi32> to vector<16xi32>
    %broadcast_in_dim3A_163 = vector.shape_cast %reduce_min3A_162 : vector<16xi32> to vector<16x1xi32>
    %eq3A_164 = vector.broadcast %broadcast_in_dim3A_163 : vector<16x1xi32> to vector<16x8192xi32>
    %eq3A_165 = arith.cmpi eq, %iota3A, %eq3A_164 : vector<16x8192xi32>
    %or3A_166 = arith.ori %or3A_147, %eq3A_165 : vector<16x8192xi1>
    %slice3A_167 = vector.extract_strided_slice %get3A_20 {offsets = [8, 0, 0], sizes = [1, 16, 8192], strides = [1, 1, 1]} : vector<10x16x8192xf32> to vector<1x16x8192xf32>
    %squeeze3A_168 = vector.shape_cast %slice3A_167 : vector<1x16x8192xf32> to vector<16x8192xf32>
    %jit3A_169 = arith.constant 0x7F800000 : f32
    %broadcast_in_dim3A_170 = vector.broadcast %jit3A_169 : f32 to vector<16x8192xf32>
    %select_n3A_171 = arith.select %or3A_166, %broadcast_in_dim3A_170, %squeeze3A_168 : vector<16x8192xi1>, vector<16x8192xf32>
    %reduce_min3A_172 = arith.constant dense<0x7F800000> : vector<16xf32>
    %reduce_min3A_173 = vector.multi_reduction <minimumf>, %select_n3A_171, %reduce_min3A_172 [1] : vector<16x8192xf32> to vector<16xf32>
    %broadcast_in_dim3A_174 = vector.shape_cast %reduce_min3A_173 : vector<16xf32> to vector<16x1xf32>
    %eq3A_175 = vector.broadcast %broadcast_in_dim3A_174 : vector<16x1xf32> to vector<16x8192xf32>
    %eq3A_176 = arith.cmpf oeq, %select_n3A_171, %eq3A_175 : vector<16x8192xf32>
    %jit3A_177 = arith.constant 8192 : i32
    %broadcast_in_dim3A_178 = vector.broadcast %jit3A_177 : i32 to vector<16x8192xi32>
    %select_n3A_179 = arith.select %eq3A_176, %iota3A, %broadcast_in_dim3A_178 : vector<16x8192xi1>, vector<16x8192xi32>
    %reduce_min3A_180 = arith.constant dense<2147483647> : vector<16xi32>
    %reduce_min3A_181 = vector.multi_reduction <minsi>, %select_n3A_179, %reduce_min3A_180 [1] : vector<16x8192xi32> to vector<16xi32>
    %broadcast_in_dim3A_182 = vector.shape_cast %reduce_min3A_181 : vector<16xi32> to vector<16x1xi32>
    %eq3A_183 = vector.broadcast %broadcast_in_dim3A_182 : vector<16x1xi32> to vector<16x8192xi32>
    %eq3A_184 = arith.cmpi eq, %iota3A, %eq3A_183 : vector<16x8192xi32>
    %or3A_185 = arith.ori %or3A_166, %eq3A_184 : vector<16x8192xi1>
    %slice3A_186 = vector.extract_strided_slice %get3A_20 {offsets = [9, 0, 0], sizes = [1, 16, 8192], strides = [1, 1, 1]} : vector<10x16x8192xf32> to vector<1x16x8192xf32>
    %squeeze3A_187 = vector.shape_cast %slice3A_186 : vector<1x16x8192xf32> to vector<16x8192xf32>
    %jit3A_188 = arith.constant 0x7F800000 : f32
    %broadcast_in_dim3A_189 = vector.broadcast %jit3A_188 : f32 to vector<16x8192xf32>
    %select_n3A_190 = arith.select %or3A_185, %broadcast_in_dim3A_189, %squeeze3A_187 : vector<16x8192xi1>, vector<16x8192xf32>
    %reduce_min3A_191 = arith.constant dense<0x7F800000> : vector<16xf32>
    %reduce_min3A_192 = vector.multi_reduction <minimumf>, %select_n3A_190, %reduce_min3A_191 [1] : vector<16x8192xf32> to vector<16xf32>
    %broadcast_in_dim3A_193 = vector.shape_cast %reduce_min3A_192 : vector<16xf32> to vector<16x1xf32>
    %eq3A_194 = vector.broadcast %broadcast_in_dim3A_193 : vector<16x1xf32> to vector<16x8192xf32>
    %eq3A_195 = arith.cmpf oeq, %select_n3A_190, %eq3A_194 : vector<16x8192xf32>
    %jit3A_196 = arith.constant 8192 : i32
    %broadcast_in_dim3A_197 = vector.broadcast %jit3A_196 : i32 to vector<16x8192xi32>
    %select_n3A_198 = arith.select %eq3A_195, %iota3A, %broadcast_in_dim3A_197 : vector<16x8192xi1>, vector<16x8192xi32>
    %reduce_min3A_199 = arith.constant dense<2147483647> : vector<16xi32>
    %reduce_min3A_200 = vector.multi_reduction <minsi>, %select_n3A_198, %reduce_min3A_199 [1] : vector<16x8192xi32> to vector<16xi32>
    %stack3A = vector.shape_cast %reduce_min3A_30 : vector<16xi32> to vector<16x1xi32>
    %stack3A_201 = vector.shape_cast %reduce_min3A_48 : vector<16xi32> to vector<16x1xi32>
    %stack3A_202 = vector.shape_cast %reduce_min3A_67 : vector<16xi32> to vector<16x1xi32>
    %stack3A_203 = vector.shape_cast %reduce_min3A_86 : vector<16xi32> to vector<16x1xi32>
    %stack3A_204 = vector.shape_cast %reduce_min3A_105 : vector<16xi32> to vector<16x1xi32>
    %stack3A_205 = vector.shape_cast %reduce_min3A_124 : vector<16xi32> to vector<16x1xi32>
    %stack3A_206 = vector.shape_cast %reduce_min3A_143 : vector<16xi32> to vector<16x1xi32>
    %stack3A_207 = vector.shape_cast %reduce_min3A_162 : vector<16xi32> to vector<16x1xi32>
    %stack3A_208 = vector.shape_cast %reduce_min3A_181 : vector<16xi32> to vector<16x1xi32>
    %stack3A_209 = vector.shape_cast %reduce_min3A_200 : vector<16xi32> to vector<16x1xi32>
    %stack3A_210 = tpu.concatenate %stack3A, %stack3A_201, %stack3A_202, %stack3A_203, %stack3A_204, %stack3A_205, %stack3A_206, %stack3A_207, %stack3A_208, %stack3A_209 in 1 : vector<16x1xi32>, vector<16x1xi32>, vector<16x1xi32>, vector<16x1xi32>, vector<16x1xi32>, vector<16x1xi32>, vector<16x1xi32>, vector<16x1xi32>, vector<16x1xi32>, vector<16x1xi32> -> vector<16x10xi32>
    %swap3A = arith.index_cast %mul3A_11 : i32 to index
    %swap3A_211 = arith.constant 0 : index
    %swap3A_212 = vector.load %arg5[%swap3A, %swap3A_211] : memref<1024x10xi32, #tpu.memory_space<vmem>>, vector<16x10xi32>
    tpu.vector_store %arg5[%swap3A, %swap3A_211], %stack3A_210 {strides = array<i32>} : memref<1024x10xi32, #tpu.memory_space<vmem>>, vector<16x10xi32>,
    %slice3A_213 = vector.extract_strided_slice %get3A_2 {offsets = [0, 0, 0], sizes = [10, 16, 512], strides = [1, 1, 1]} : vector<10x32x512xf32> to vector<10x16x512xf32>
    %slice3A_214 = vector.extract_strided_slice %get3A_6 {offsets = [0, 0, 0], sizes = [10, 16, 1], strides = [1, 1, 1]} : vector<10x32x1xf32> to vector<10x16x1xf32>
    %reshape3A = vector.shape_cast %slice3A_213 : vector<10x16x512xf32> to vector<160x512xf32>
    %get3A_215 = arith.constant 0 : index
    %get3A_216 = arith.constant 0 : index
    %get3A_217 = vector.load %arg3[%get3A_215, %get3A_216] : memref<512x8192xf32, #tpu.memory_space<vmem>>, vector<512x8192xf32>
    %dot_general3A = arith.constant dense<0.000000e+00> : vector<160x8192xf32>
    %dot_general3A_218 = tpu.matmul %reshape3A, %get3A_217, %dot_general3A {dimension_numbers = #tpu.dot_dimension_numbers<[1], [0], [0], [1], [0, 0, 1, 1], [], []>, transpose_lhs_hint = false} : vector<160x512xf32>, vector<512x8192xf32>, vector<160x8192xf32> -> vector<160x8192xf32>
    %get3A_219 = arith.constant 0 : index
    %get3A_220 = arith.constant 0 : index
    %get3A_221 = vector.load %arg4[%get3A_219, %get3A_220] : memref<1x8192xf32, #tpu.memory_space<vmem>>, vector<1x8192xf32>
    %reshape3A_222 = vector.shape_cast %get3A_221 : vector<1x8192xf32> to vector<1x1x8192xf32>
    %add3A = vector.broadcast %slice3A_214 : vector<10x16x1xf32> to vector<10x16x8192xf32>
    %add3A_223 = vector.broadcast %reshape3A_222 : vector<1x1x8192xf32> to vector<10x16x8192xf32>
    %add3A_224 = arith.addf %add3A, %add3A_223 : vector<10x16x8192xf32>
    %reshape3A_225 = vector.shape_cast %dot_general3A_218 : vector<160x8192xf32> to vector<10x16x8192xf32>
    %sub3A_226 = arith.subf %add3A_224, %reshape3A_225 : vector<10x16x8192xf32>
    %swap3A_227 = arith.constant 0 : index
    %swap3A_228 = arith.constant 0 : index
    %swap3A_229 = arith.constant 0 : index
    %swap3A_230 = vector.load %arg7[%swap3A_227, %swap3A_228, %swap3A_229] : memref<10x16x8192xf32, #tpu.memory_space<vmem>>, vector<10x16x8192xf32>
    tpu.vector_store %arg7[%swap3A_227, %swap3A_228, %swap3A_229], %sub3A_226 {strides = array<i32>} : memref<10x16x8192xf32, #tpu.memory_space<vmem>>, vector<10x16x8192xf32>,
    %get3A_231 = arith.constant 0 : index
    %get3A_232 = arith.constant 0 : index
    %get3A_233 = arith.constant 0 : index
    %get3A_234 = vector.load %arg7[%get3A_231, %get3A_232, %get3A_233] : memref<10x16x8192xf32, #tpu.memory_space<vmem>>, vector<10x16x8192xf32>
    %iota3A_235 = tpu.iota {dimensions = array<i32: 1>} : vector<16x8192xi32>
    %broadcast_in_dim3A_236 = arith.constant false
    %broadcast_in_dim3A_237 = vector.broadcast %broadcast_in_dim3A_236 : i1 to vector<16x8192xi1>
    %slice3A_238 = vector.extract_strided_slice %get3A_234 {offsets = [0, 0, 0], sizes = [1, 16, 8192], strides = [1, 1, 1]} : vector<10x16x8192xf32> to vector<1x16x8192xf32>
    %squeeze3A_239 = vector.shape_cast %slice3A_238 : vector<1x16x8192xf32> to vector<16x8192xf32>
    %jit3A_240 = arith.constant 0x7F800000 : f32
    %broadcast_in_dim3A_241 = vector.broadcast %jit3A_240 : f32 to vector<16x8192xf32>
    %select_n3A_242 = arith.select %broadcast_in_dim3A_237, %broadcast_in_dim3A_241, %squeeze3A_239 : vector<16x8192xi1>, vector<16x8192xf32>
    %reduce_min3A_243 = arith.constant dense<0x7F800000> : vector<16xf32>
    %reduce_min3A_244 = vector.multi_reduction <minimumf>, %select_n3A_242, %reduce_min3A_243 [1] : vector<16x8192xf32> to vector<16xf32>
    %broadcast_in_dim3A_245 = vector.shape_cast %reduce_min3A_244 : vector<16xf32> to vector<16x1xf32>
    %eq3A_246 = vector.broadcast %broadcast_in_dim3A_245 : vector<16x1xf32> to vector<16x8192xf32>
    %eq3A_247 = arith.cmpf oeq, %select_n3A_242, %eq3A_246 : vector<16x8192xf32>
    %jit3A_248 = arith.constant 8192 : i32
    %broadcast_in_dim3A_249 = vector.broadcast %jit3A_248 : i32 to vector<16x8192xi32>
    %select_n3A_250 = arith.select %eq3A_247, %iota3A_235, %broadcast_in_dim3A_249 : vector<16x8192xi1>, vector<16x8192xi32>
    %reduce_min3A_251 = arith.constant dense<2147483647> : vector<16xi32>
    %reduce_min3A_252 = vector.multi_reduction <minsi>, %select_n3A_250, %reduce_min3A_251 [1] : vector<16x8192xi32> to vector<16xi32>
    %broadcast_in_dim3A_253 = vector.shape_cast %reduce_min3A_252 : vector<16xi32> to vector<16x1xi32>
    %eq3A_254 = vector.broadcast %broadcast_in_dim3A_253 : vector<16x1xi32> to vector<16x8192xi32>
    %eq3A_255 = arith.cmpi eq, %iota3A_235, %eq3A_254 : vector<16x8192xi32>
    %or3A_256 = arith.ori %broadcast_in_dim3A_237, %eq3A_255 : vector<16x8192xi1>
    %slice3A_257 = vector.extract_strided_slice %get3A_234 {offsets = [1, 0, 0], sizes = [1, 16, 8192], strides = [1, 1, 1]} : vector<10x16x8192xf32> to vector<1x16x8192xf32>
    %squeeze3A_258 = vector.shape_cast %slice3A_257 : vector<1x16x8192xf32> to vector<16x8192xf32>
    %jit3A_259 = arith.constant 0x7F800000 : f32
    %broadcast_in_dim3A_260 = vector.broadcast %jit3A_259 : f32 to vector<16x8192xf32>
    %select_n3A_261 = arith.select %or3A_256, %broadcast_in_dim3A_260, %squeeze3A_258 : vector<16x8192xi1>, vector<16x8192xf32>
    %reduce_min3A_262 = arith.constant dense<0x7F800000> : vector<16xf32>
    %reduce_min3A_263 = vector.multi_reduction <minimumf>, %select_n3A_261, %reduce_min3A_262 [1] : vector<16x8192xf32> to vector<16xf32>
    %broadcast_in_dim3A_264 = vector.shape_cast %reduce_min3A_263 : vector<16xf32> to vector<16x1xf32>
    %eq3A_265 = vector.broadcast %broadcast_in_dim3A_264 : vector<16x1xf32> to vector<16x8192xf32>
    %eq3A_266 = arith.cmpf oeq, %select_n3A_261, %eq3A_265 : vector<16x8192xf32>
    %jit3A_267 = arith.constant 8192 : i32
    %broadcast_in_dim3A_268 = vector.broadcast %jit3A_267 : i32 to vector<16x8192xi32>
    %select_n3A_269 = arith.select %eq3A_266, %iota3A_235, %broadcast_in_dim3A_268 : vector<16x8192xi1>, vector<16x8192xi32>
    %reduce_min3A_270 = arith.constant dense<2147483647> : vector<16xi32>
    %reduce_min3A_271 = vector.multi_reduction <minsi>, %select_n3A_269, %reduce_min3A_270 [1] : vector<16x8192xi32> to vector<16xi32>
    %broadcast_in_dim3A_272 = vector.shape_cast %reduce_min3A_271 : vector<16xi32> to vector<16x1xi32>
    %eq3A_273 = vector.broadcast %broadcast_in_dim3A_272 : vector<16x1xi32> to vector<16x8192xi32>
    %eq3A_274 = arith.cmpi eq, %iota3A_235, %eq3A_273 : vector<16x8192xi32>
    %or3A_275 = arith.ori %or3A_256, %eq3A_274 : vector<16x8192xi1>
    %slice3A_276 = vector.extract_strided_slice %get3A_234 {offsets = [2, 0, 0], sizes = [1, 16, 8192], strides = [1, 1, 1]} : vector<10x16x8192xf32> to vector<1x16x8192xf32>
    %squeeze3A_277 = vector.shape_cast %slice3A_276 : vector<1x16x8192xf32> to vector<16x8192xf32>
    %jit3A_278 = arith.constant 0x7F800000 : f32
    %broadcast_in_dim3A_279 = vector.broadcast %jit3A_278 : f32 to vector<16x8192xf32>
    %select_n3A_280 = arith.select %or3A_275, %broadcast_in_dim3A_279, %squeeze3A_277 : vector<16x8192xi1>, vector<16x8192xf32>
    %reduce_min3A_281 = arith.constant dense<0x7F800000> : vector<16xf32>
    %reduce_min3A_282 = vector.multi_reduction <minimumf>, %select_n3A_280, %reduce_min3A_281 [1] : vector<16x8192xf32> to vector<16xf32>
    %broadcast_in_dim3A_283 = vector.shape_cast %reduce_min3A_282 : vector<16xf32> to vector<16x1xf32>
    %eq3A_284 = vector.broadcast %broadcast_in_dim3A_283 : vector<16x1xf32> to vector<16x8192xf32>
    %eq3A_285 = arith.cmpf oeq, %select_n3A_280, %eq3A_284 : vector<16x8192xf32>
    %jit3A_286 = arith.constant 8192 : i32
    %broadcast_in_dim3A_287 = vector.broadcast %jit3A_286 : i32 to vector<16x8192xi32>
    %select_n3A_288 = arith.select %eq3A_285, %iota3A_235, %broadcast_in_dim3A_287 : vector<16x8192xi1>, vector<16x8192xi32>
    %reduce_min3A_289 = arith.constant dense<2147483647> : vector<16xi32>
    %reduce_min3A_290 = vector.multi_reduction <minsi>, %select_n3A_288, %reduce_min3A_289 [1] : vector<16x8192xi32> to vector<16xi32>
    %broadcast_in_dim3A_291 = vector.shape_cast %reduce_min3A_290 : vector<16xi32> to vector<16x1xi32>
    %eq3A_292 = vector.broadcast %broadcast_in_dim3A_291 : vector<16x1xi32> to vector<16x8192xi32>
    %eq3A_293 = arith.cmpi eq, %iota3A_235, %eq3A_292 : vector<16x8192xi32>
    %or3A_294 = arith.ori %or3A_275, %eq3A_293 : vector<16x8192xi1>
    %slice3A_295 = vector.extract_strided_slice %get3A_234 {offsets = [3, 0, 0], sizes = [1, 16, 8192], strides = [1, 1, 1]} : vector<10x16x8192xf32> to vector<1x16x8192xf32>
    %squeeze3A_296 = vector.shape_cast %slice3A_295 : vector<1x16x8192xf32> to vector<16x8192xf32>
    %jit3A_297 = arith.constant 0x7F800000 : f32
    %broadcast_in_dim3A_298 = vector.broadcast %jit3A_297 : f32 to vector<16x8192xf32>
    %select_n3A_299 = arith.select %or3A_294, %broadcast_in_dim3A_298, %squeeze3A_296 : vector<16x8192xi1>, vector<16x8192xf32>
    %reduce_min3A_300 = arith.constant dense<0x7F800000> : vector<16xf32>
    %reduce_min3A_301 = vector.multi_reduction <minimumf>, %select_n3A_299, %reduce_min3A_300 [1] : vector<16x8192xf32> to vector<16xf32>
    %broadcast_in_dim3A_302 = vector.shape_cast %reduce_min3A_301 : vector<16xf32> to vector<16x1xf32>
    %eq3A_303 = vector.broadcast %broadcast_in_dim3A_302 : vector<16x1xf32> to vector<16x8192xf32>
    %eq3A_304 = arith.cmpf oeq, %select_n3A_299, %eq3A_303 : vector<16x8192xf32>
    %jit3A_305 = arith.constant 8192 : i32
    %broadcast_in_dim3A_306 = vector.broadcast %jit3A_305 : i32 to vector<16x8192xi32>
    %select_n3A_307 = arith.select %eq3A_304, %iota3A_235, %broadcast_in_dim3A_306 : vector<16x8192xi1>, vector<16x8192xi32>
    %reduce_min3A_308 = arith.constant dense<2147483647> : vector<16xi32>
    %reduce_min3A_309 = vector.multi_reduction <minsi>, %select_n3A_307, %reduce_min3A_308 [1] : vector<16x8192xi32> to vector<16xi32>
    %broadcast_in_dim3A_310 = vector.shape_cast %reduce_min3A_309 : vector<16xi32> to vector<16x1xi32>
    %eq3A_311 = vector.broadcast %broadcast_in_dim3A_310 : vector<16x1xi32> to vector<16x8192xi32>
    %eq3A_312 = arith.cmpi eq, %iota3A_235, %eq3A_311 : vector<16x8192xi32>
    %or3A_313 = arith.ori %or3A_294, %eq3A_312 : vector<16x8192xi1>
    %slice3A_314 = vector.extract_strided_slice %get3A_234 {offsets = [4, 0, 0], sizes = [1, 16, 8192], strides = [1, 1, 1]} : vector<10x16x8192xf32> to vector<1x16x8192xf32>
    %squeeze3A_315 = vector.shape_cast %slice3A_314 : vector<1x16x8192xf32> to vector<16x8192xf32>
    %jit3A_316 = arith.constant 0x7F800000 : f32
    %broadcast_in_dim3A_317 = vector.broadcast %jit3A_316 : f32 to vector<16x8192xf32>
    %select_n3A_318 = arith.select %or3A_313, %broadcast_in_dim3A_317, %squeeze3A_315 : vector<16x8192xi1>, vector<16x8192xf32>
    %reduce_min3A_319 = arith.constant dense<0x7F800000> : vector<16xf32>
    %reduce_min3A_320 = vector.multi_reduction <minimumf>, %select_n3A_318, %reduce_min3A_319 [1] : vector<16x8192xf32> to vector<16xf32>
    %broadcast_in_dim3A_321 = vector.shape_cast %reduce_min3A_320 : vector<16xf32> to vector<16x1xf32>
    %eq3A_322 = vector.broadcast %broadcast_in_dim3A_321 : vector<16x1xf32> to vector<16x8192xf32>
    %eq3A_323 = arith.cmpf oeq, %select_n3A_318, %eq3A_322 : vector<16x8192xf32>
    %jit3A_324 = arith.constant 8192 : i32
    %broadcast_in_dim3A_325 = vector.broadcast %jit3A_324 : i32 to vector<16x8192xi32>
    %select_n3A_326 = arith.select %eq3A_323, %iota3A_235, %broadcast_in_dim3A_325 : vector<16x8192xi1>, vector<16x8192xi32>
    %reduce_min3A_327 = arith.constant dense<2147483647> : vector<16xi32>
    %reduce_min3A_328 = vector.multi_reduction <minsi>, %select_n3A_326, %reduce_min3A_327 [1] : vector<16x8192xi32> to vector<16xi32>
    %broadcast_in_dim3A_329 = vector.shape_cast %reduce_min3A_328 : vector<16xi32> to vector<16x1xi32>
    %eq3A_330 = vector.broadcast %broadcast_in_dim3A_329 : vector<16x1xi32> to vector<16x8192xi32>
    %eq3A_331 = arith.cmpi eq, %iota3A_235, %eq3A_330 : vector<16x8192xi32>
    %or3A_332 = arith.ori %or3A_313, %eq3A_331 : vector<16x8192xi1>
    %slice3A_333 = vector.extract_strided_slice %get3A_234 {offsets = [5, 0, 0], sizes = [1, 16, 8192], strides = [1, 1, 1]} : vector<10x16x8192xf32> to vector<1x16x8192xf32>
    %squeeze3A_334 = vector.shape_cast %slice3A_333 : vector<1x16x8192xf32> to vector<16x8192xf32>
    %jit3A_335 = arith.constant 0x7F800000 : f32
    %broadcast_in_dim3A_336 = vector.broadcast %jit3A_335 : f32 to vector<16x8192xf32>
    %select_n3A_337 = arith.select %or3A_332, %broadcast_in_dim3A_336, %squeeze3A_334 : vector<16x8192xi1>, vector<16x8192xf32>
    %reduce_min3A_338 = arith.constant dense<0x7F800000> : vector<16xf32>
    %reduce_min3A_339 = vector.multi_reduction <minimumf>, %select_n3A_337, %reduce_min3A_338 [1] : vector<16x8192xf32> to vector<16xf32>
    %broadcast_in_dim3A_340 = vector.shape_cast %reduce_min3A_339 : vector<16xf32> to vector<16x1xf32>
    %eq3A_341 = vector.broadcast %broadcast_in_dim3A_340 : vector<16x1xf32> to vector<16x8192xf32>
    %eq3A_342 = arith.cmpf oeq, %select_n3A_337, %eq3A_341 : vector<16x8192xf32>
    %jit3A_343 = arith.constant 8192 : i32
    %broadcast_in_dim3A_344 = vector.broadcast %jit3A_343 : i32 to vector<16x8192xi32>
    %select_n3A_345 = arith.select %eq3A_342, %iota3A_235, %broadcast_in_dim3A_344 : vector<16x8192xi1>, vector<16x8192xi32>
    %reduce_min3A_346 = arith.constant dense<2147483647> : vector<16xi32>
    %reduce_min3A_347 = vector.multi_reduction <minsi>, %select_n3A_345, %reduce_min3A_346 [1] : vector<16x8192xi32> to vector<16xi32>
    %broadcast_in_dim3A_348 = vector.shape_cast %reduce_min3A_347 : vector<16xi32> to vector<16x1xi32>
    %eq3A_349 = vector.broadcast %broadcast_in_dim3A_348 : vector<16x1xi32> to vector<16x8192xi32>
    %eq3A_350 = arith.cmpi eq, %iota3A_235, %eq3A_349 : vector<16x8192xi32>
    %or3A_351 = arith.ori %or3A_332, %eq3A_350 : vector<16x8192xi1>
    %slice3A_352 = vector.extract_strided_slice %get3A_234 {offsets = [6, 0, 0], sizes = [1, 16, 8192], strides = [1, 1, 1]} : vector<10x16x8192xf32> to vector<1x16x8192xf32>
    %squeeze3A_353 = vector.shape_cast %slice3A_352 : vector<1x16x8192xf32> to vector<16x8192xf32>
    %jit3A_354 = arith.constant 0x7F800000 : f32
    %broadcast_in_dim3A_355 = vector.broadcast %jit3A_354 : f32 to vector<16x8192xf32>
    %select_n3A_356 = arith.select %or3A_351, %broadcast_in_dim3A_355, %squeeze3A_353 : vector<16x8192xi1>, vector<16x8192xf32>
    %reduce_min3A_357 = arith.constant dense<0x7F800000> : vector<16xf32>
    %reduce_min3A_358 = vector.multi_reduction <minimumf>, %select_n3A_356, %reduce_min3A_357 [1] : vector<16x8192xf32> to vector<16xf32>
    %broadcast_in_dim3A_359 = vector.shape_cast %reduce_min3A_358 : vector<16xf32> to vector<16x1xf32>
    %eq3A_360 = vector.broadcast %broadcast_in_dim3A_359 : vector<16x1xf32> to vector<16x8192xf32>
    %eq3A_361 = arith.cmpf oeq, %select_n3A_356, %eq3A_360 : vector<16x8192xf32>
    %jit3A_362 = arith.constant 8192 : i32
    %broadcast_in_dim3A_363 = vector.broadcast %jit3A_362 : i32 to vector<16x8192xi32>
    %select_n3A_364 = arith.select %eq3A_361, %iota3A_235, %broadcast_in_dim3A_363 : vector<16x8192xi1>, vector<16x8192xi32>
    %reduce_min3A_365 = arith.constant dense<2147483647> : vector<16xi32>
    %reduce_min3A_366 = vector.multi_reduction <minsi>, %select_n3A_364, %reduce_min3A_365 [1] : vector<16x8192xi32> to vector<16xi32>
    %broadcast_in_dim3A_367 = vector.shape_cast %reduce_min3A_366 : vector<16xi32> to vector<16x1xi32>
    %eq3A_368 = vector.broadcast %broadcast_in_dim3A_367 : vector<16x1xi32> to vector<16x8192xi32>
    %eq3A_369 = arith.cmpi eq, %iota3A_235, %eq3A_368 : vector<16x8192xi32>
    %or3A_370 = arith.ori %or3A_351, %eq3A_369 : vector<16x8192xi1>
    %slice3A_371 = vector.extract_strided_slice %get3A_234 {offsets = [7, 0, 0], sizes = [1, 16, 8192], strides = [1, 1, 1]} : vector<10x16x8192xf32> to vector<1x16x8192xf32>
    %squeeze3A_372 = vector.shape_cast %slice3A_371 : vector<1x16x8192xf32> to vector<16x8192xf32>
    %jit3A_373 = arith.constant 0x7F800000 : f32
    %broadcast_in_dim3A_374 = vector.broadcast %jit3A_373 : f32 to vector<16x8192xf32>
    %select_n3A_375 = arith.select %or3A_370, %broadcast_in_dim3A_374, %squeeze3A_372 : vector<16x8192xi1>, vector<16x8192xf32>
    %reduce_min3A_376 = arith.constant dense<0x7F800000> : vector<16xf32>
    %reduce_min3A_377 = vector.multi_reduction <minimumf>, %select_n3A_375, %reduce_min3A_376 [1] : vector<16x8192xf32> to vector<16xf32>
    %broadcast_in_dim3A_378 = vector.shape_cast %reduce_min3A_377 : vector<16xf32> to vector<16x1xf32>
    %eq3A_379 = vector.broadcast %broadcast_in_dim3A_378 : vector<16x1xf32> to vector<16x8192xf32>
    %eq3A_380 = arith.cmpf oeq, %select_n3A_375, %eq3A_379 : vector<16x8192xf32>
    %jit3A_381 = arith.constant 8192 : i32
    %broadcast_in_dim3A_382 = vector.broadcast %jit3A_381 : i32 to vector<16x8192xi32>
    %select_n3A_383 = arith.select %eq3A_380, %iota3A_235, %broadcast_in_dim3A_382 : vector<16x8192xi1>, vector<16x8192xi32>
    %reduce_min3A_384 = arith.constant dense<2147483647> : vector<16xi32>
    %reduce_min3A_385 = vector.multi_reduction <minsi>, %select_n3A_383, %reduce_min3A_384 [1] : vector<16x8192xi32> to vector<16xi32>
    %broadcast_in_dim3A_386 = vector.shape_cast %reduce_min3A_385 : vector<16xi32> to vector<16x1xi32>
    %eq3A_387 = vector.broadcast %broadcast_in_dim3A_386 : vector<16x1xi32> to vector<16x8192xi32>
    %eq3A_388 = arith.cmpi eq, %iota3A_235, %eq3A_387 : vector<16x8192xi32>
    %or3A_389 = arith.ori %or3A_370, %eq3A_388 : vector<16x8192xi1>
    %slice3A_390 = vector.extract_strided_slice %get3A_234 {offsets = [8, 0, 0], sizes = [1, 16, 8192], strides = [1, 1, 1]} : vector<10x16x8192xf32> to vector<1x16x8192xf32>
    %squeeze3A_391 = vector.shape_cast %slice3A_390 : vector<1x16x8192xf32> to vector<16x8192xf32>
    %jit3A_392 = arith.constant 0x7F800000 : f32
    %broadcast_in_dim3A_393 = vector.broadcast %jit3A_392 : f32 to vector<16x8192xf32>
    %select_n3A_394 = arith.select %or3A_389, %broadcast_in_dim3A_393, %squeeze3A_391 : vector<16x8192xi1>, vector<16x8192xf32>
    %reduce_min3A_395 = arith.constant dense<0x7F800000> : vector<16xf32>
    %reduce_min3A_396 = vector.multi_reduction <minimumf>, %select_n3A_394, %reduce_min3A_395 [1] : vector<16x8192xf32> to vector<16xf32>
    %broadcast_in_dim3A_397 = vector.shape_cast %reduce_min3A_396 : vector<16xf32> to vector<16x1xf32>
    %eq3A_398 = vector.broadcast %broadcast_in_dim3A_397 : vector<16x1xf32> to vector<16x8192xf32>
    %eq3A_399 = arith.cmpf oeq, %select_n3A_394, %eq3A_398 : vector<16x8192xf32>
    %jit3A_400 = arith.constant 8192 : i32
    %broadcast_in_dim3A_401 = vector.broadcast %jit3A_400 : i32 to vector<16x8192xi32>
    %select_n3A_402 = arith.select %eq3A_399, %iota3A_235, %broadcast_in_dim3A_401 : vector<16x8192xi1>, vector<16x8192xi32>
    %reduce_min3A_403 = arith.constant dense<2147483647> : vector<16xi32>
    %reduce_min3A_404 = vector.multi_reduction <minsi>, %select_n3A_402, %reduce_min3A_403 [1] : vector<16x8192xi32> to vector<16xi32>
    %broadcast_in_dim3A_405 = vector.shape_cast %reduce_min3A_404 : vector<16xi32> to vector<16x1xi32>
    %eq3A_406 = vector.broadcast %broadcast_in_dim3A_405 : vector<16x1xi32> to vector<16x8192xi32>
    %eq3A_407 = arith.cmpi eq, %iota3A_235, %eq3A_406 : vector<16x8192xi32>
    %or3A_408 = arith.ori %or3A_389, %eq3A_407 : vector<16x8192xi1>
    %slice3A_409 = vector.extract_strided_slice %get3A_234 {offsets = [9, 0, 0], sizes = [1, 16, 8192], strides = [1, 1, 1]} : vector<10x16x8192xf32> to vector<1x16x8192xf32>
    %squeeze3A_410 = vector.shape_cast %slice3A_409 : vector<1x16x8192xf32> to vector<16x8192xf32>
    %jit3A_411 = arith.constant 0x7F800000 : f32
    %broadcast_in_dim3A_412 = vector.broadcast %jit3A_411 : f32 to vector<16x8192xf32>
    %select_n3A_413 = arith.select %or3A_408, %broadcast_in_dim3A_412, %squeeze3A_410 : vector<16x8192xi1>, vector<16x8192xf32>
    %reduce_min3A_414 = arith.constant dense<0x7F800000> : vector<16xf32>
    %reduce_min3A_415 = vector.multi_reduction <minimumf>, %select_n3A_413, %reduce_min3A_414 [1] : vector<16x8192xf32> to vector<16xf32>
    %broadcast_in_dim3A_416 = vector.shape_cast %reduce_min3A_415 : vector<16xf32> to vector<16x1xf32>
    %eq3A_417 = vector.broadcast %broadcast_in_dim3A_416 : vector<16x1xf32> to vector<16x8192xf32>
    %eq3A_418 = arith.cmpf oeq, %select_n3A_413, %eq3A_417 : vector<16x8192xf32>
    %jit3A_419 = arith.constant 8192 : i32
    %broadcast_in_dim3A_420 = vector.broadcast %jit3A_419 : i32 to vector<16x8192xi32>
    %select_n3A_421 = arith.select %eq3A_418, %iota3A_235, %broadcast_in_dim3A_420 : vector<16x8192xi1>, vector<16x8192xi32>
    %reduce_min3A_422 = arith.constant dense<2147483647> : vector<16xi32>
    %reduce_min3A_423 = vector.multi_reduction <minsi>, %select_n3A_421, %reduce_min3A_422 [1] : vector<16x8192xi32> to vector<16xi32>
    %stack3A_424 = vector.shape_cast %reduce_min3A_252 : vector<16xi32> to vector<16x1xi32>
    %stack3A_425 = vector.shape_cast %reduce_min3A_271 : vector<16xi32> to vector<16x1xi32>
    %stack3A_426 = vector.shape_cast %reduce_min3A_290 : vector<16xi32> to vector<16x1xi32>
    %stack3A_427 = vector.shape_cast %reduce_min3A_309 : vector<16xi32> to vector<16x1xi32>
    %stack3A_428 = vector.shape_cast %reduce_min3A_328 : vector<16xi32> to vector<16x1xi32>
    %stack3A_429 = vector.shape_cast %reduce_min3A_347 : vector<16xi32> to vector<16x1xi32>
    %stack3A_430 = vector.shape_cast %reduce_min3A_366 : vector<16xi32> to vector<16x1xi32>
    %stack3A_431 = vector.shape_cast %reduce_min3A_385 : vector<16xi32> to vector<16x1xi32>
    %stack3A_432 = vector.shape_cast %reduce_min3A_404 : vector<16xi32> to vector<16x1xi32>
    %stack3A_433 = vector.shape_cast %reduce_min3A_423 : vector<16xi32> to vector<16x1xi32>
    %stack3A_434 = tpu.concatenate %stack3A_424, %stack3A_425, %stack3A_426, %stack3A_427, %stack3A_428, %stack3A_429, %stack3A_430, %stack3A_431, %stack3A_432, %stack3A_433 in 1 : vector<16x1xi32>, vector<16x1xi32>, vector<16x1xi32>, vector<16x1xi32>, vector<16x1xi32>, vector<16x1xi32>, vector<16x1xi32>, vector<16x1xi32>, vector<16x1xi32>, vector<16x1xi32> -> vector<16x10xi32>
    %swap3A_435 = arith.index_cast %mul3A_16 : i32 to index
    %swap3A_436 = arith.constant 0 : index
    %swap3A_437 = vector.load %arg5[%swap3A_435, %swap3A_436] : memref<1024x10xi32, #tpu.memory_space<vmem>>, vector<16x10xi32>
    tpu.vector_store %arg5[%swap3A_435, %swap3A_436], %stack3A_434 {strides = array<i32>} : memref<1024x10xi32, #tpu.memory_space<vmem>>, vector<16x10xi32>,
    %slice3A_438 = vector.extract_strided_slice %get3A_2 {offsets = [0, 16, 0], sizes = [10, 16, 512], strides = [1, 1, 1]} : vector<10x32x512xf32> to vector<10x16x512xf32>
    %slice3A_439 = vector.extract_strided_slice %get3A_6 {offsets = [0, 16, 0], sizes = [10, 16, 1], strides = [1, 1, 1]} : vector<10x32x1xf32> to vector<10x16x1xf32>
    %reshape3A_440 = vector.shape_cast %slice3A_438 : vector<10x16x512xf32> to vector<160x512xf32>
    %get3A_441 = arith.constant 0 : index
    %get3A_442 = arith.constant 0 : index
    %get3A_443 = vector.load %arg3[%get3A_441, %get3A_442] : memref<512x8192xf32, #tpu.memory_space<vmem>>, vector<512x8192xf32>
    %dot_general3A_444 = arith.constant dense<0.000000e+00> : vector<160x8192xf32>
    %dot_general3A_445 = tpu.matmul %reshape3A_440, %get3A_443, %dot_general3A_444 {dimension_numbers = #tpu.dot_dimension_numbers<[1], [0], [0], [1], [0, 0, 1, 1], [], []>, transpose_lhs_hint = false} : vector<160x512xf32>, vector<512x8192xf32>, vector<160x8192xf32> -> vector<160x8192xf32>
    %get3A_446 = arith.constant 0 : index
    %get3A_447 = arith.constant 0 : index
    %get3A_448 = vector.load %arg4[%get3A_446, %get3A_447] : memref<1x8192xf32, #tpu.memory_space<vmem>>, vector<1x8192xf32>
    %reshape3A_449 = vector.shape_cast %get3A_448 : vector<1x8192xf32> to vector<1x1x8192xf32>
    %add3A_450 = vector.broadcast %slice3A_439 : vector<10x16x1xf32> to vector<10x16x8192xf32>
    %add3A_451 = vector.broadcast %reshape3A_449 : vector<1x1x8192xf32> to vector<10x16x8192xf32>
    %add3A_452 = arith.addf %add3A_450, %add3A_451 : vector<10x16x8192xf32>
    %reshape3A_453 = vector.shape_cast %dot_general3A_445 : vector<160x8192xf32> to vector<10x16x8192xf32>
    %sub3A_454 = arith.subf %add3A_452, %reshape3A_453 : vector<10x16x8192xf32>
    %swap3A_455 = arith.constant 0 : index
    %swap3A_456 = arith.constant 0 : index
    %swap3A_457 = arith.constant 0 : index
    %swap3A_458 = vector.load %arg6[%swap3A_455, %swap3A_456, %swap3A_457] : memref<10x16x8192xf32, #tpu.memory_space<vmem>>, vector<10x16x8192xf32>
    tpu.vector_store %arg6[%swap3A_455, %swap3A_456, %swap3A_457], %sub3A_454 {strides = array<i32>} : memref<10x16x8192xf32, #tpu.memory_space<vmem>>, vector<10x16x8192xf32>,
    return
  }
  func.func @transform_0(%arg0: i32) -> (i32, i32, i32) {
    %min3A = arith.constant 31 : i32
    %min3A_0 = arith.minsi %arg0, %min3A : i32
    %c0_i32 = arith.constant 0 : i32
    %c0_i32_1 = arith.constant 0 : i32
    %c0_i32_2 = arith.constant 0 : i32
    return %c0_i32, %min3A_0, %c0_i32_1 : i32, i32, i32
  }
  func.func @transform_1(%arg0: i32) -> (i32, i32, i32) {
    %min3A = arith.constant 31 : i32
    %min3A_0 = arith.minsi %arg0, %min3A : i32
    %c0_i32 = arith.constant 0 : i32
    %c0_i32_1 = arith.constant 0 : i32
    %c0_i32_2 = arith.constant 0 : i32
    return %c0_i32, %min3A_0, %c0_i32_1 : i32, i32, i32
  }
  func.func @transform_2(%arg0: i32) -> (i32, i32) {
    %c0_i32 = arith.constant 0 : i32
    %c0_i32_0 = arith.constant 0 : i32
    %c0_i32_1 = arith.constant 0 : i32
    return %c0_i32, %c0_i32_0 : i32, i32
  }
  func.func @transform_3(%arg0: i32) -> (i32, i32) {
    %c0_i32 = arith.constant 0 : i32
    %c0_i32_0 = arith.constant 0 : i32
    %c0_i32_1 = arith.constant 0 : i32
    return %c0_i32, %c0_i32_0 : i32, i32
  }
  func.func @transform_4(%arg0: i32) -> (i32, i32) {
    %c0_i32 = arith.constant 0 : i32
    %c0_i32_0 = arith.constant 0 : i32
    %c0_i32_1 = arith.constant 0 : i32
    return %c0_i32, %c0_i32_0 : i32, i32
  }
}

</mosaic_0001>

<sc_bundles>
// kernel: kernel.5.cloned.1.call-start
scs
__scs_entry_jumppad:
0x0: {  	(pc) =	sbr.rel $0x88, $3  }
0x1: {  	(tag) =	ssettag $0x0;
	lr =	simm.s32 $0x1  }
0x2: {  	[smem:$0x3F9D] =	sst lr;
	_ =	strace $0xD0000000  }
0x3: {  	_ = 	snop  }
0x4: {  	_ = 	snop  }
0x5: {  	_ = 	snop  }
0x6: {  	_ = 	snop  }
0x7: {  	_ = 	snop  }
__scs_overlays_trampoline_lowered:
0x8: {  	[smem:$0x3FAC] =	sst s0  }
0x9: {  	[smem:$0x3FAD] =	sst s1  }
0xa: {  	[smem:$0x3FAE] =	sst s2  }
0xb: {  	[smem:$0x3FAF] =	sst s3  }
0xc: {  	[smem:$0x3FB0] =	sst s4  }
0xd: {  	[smem:$0x3FB1] =	sst s5  }
0xe: {  	[smem:$0x3FB2] =	sst s6  }
0xf: {  	[smem:$0x3FB3] =	sst s7  }
0x10: {  	[smem:$0x3FB4] =	sst s8  }
0x11: {  	[smem:$0x3FB5] =	sst s9;
	s0 =	simm.s32 @!p0 $0x0  }
0x12: {  	s1 =	sld [smem:$0x3F9B];
	s0 =	simm.s32 @p0 $0x1  }
0x13: {  	[smem:$0x3FB6] =	sst s0;
	s0 =	simm.s32 @!p1 $0x0  }
0x14: {  	s2 =	sld [smem:$0x3F9A];
	s0 =	simm.s32 @p1 $0x1  }
0x15: {  	[smem:$0x3FB7] =	sst s0;
	s0 =	simm.s32 @!p2 $0x0  }
0x16: {  	s3 =	sld [smem:$0x3FDB];
	s0 =	simm.s32 @p2 $0x1  }
0x17: {  	s4 =	simm.s32 $0x1BF5;
	[smem:$0x3FB9] =	sst s0  }
0x18: {  	s0 =	sld [smem:$0x3F9C];
	_ =	swait.ge [sflag:s4], $0x0  }
0x19: {  	s7 =	sld [smem:$0x3F9D]  }
0x1a: {  	s8 =	sadd.s32 $0xFFFFE003, lr  }
0x1b: {  	s9 =	sadd.s32 $0xFFFFFEF7, lr;
	s5 =	simm.s32 $0xFFFFFFFF;
	p2 =	slt.u32 s8, $0xFFFFF086  }
0x1c: {  	p1 =	slt.u32 s9, $0xF7A;
	s5 =	simm.s32 @!p2 $0x0  }
0x1d: {  	s5 =	simm.s32 @p1 $0x1;
	p0 =	seq.s32 s7, s2  }
0x1e: {  	s7 =	smul.u32 @!p0 $0xF7A, s2;
	p2 =	seq.s32 @!p0 s5, $0x0  }
0x1f: {  	s9 =	smul.u32 $0xF7A, s1;
	s8 =	simm.s32 @!p0 $0x1BF5;
	p2 =	por !p2, p0  }
0x20: {  	[sflag:s8] =	ssyncset.s32 @!p0 $0xFFFFF086;
	s6 =	sadd.s32 @!p0 s3, s7;
	s7 =	simm.s32 @!p0 $0x108  }
0x21: {  	s3 =	sadd.s32 s3, s9;
	s6 =	sadd.s32 @!p0 $0x88, s6;
	s7 =	simm.s32 @p2 $0x1082  }
0x22: {  	[simem:s7], [sflag:s8] =	dma.local @!p0 [hbm:s6], $0xF7A  }
0x23: {  	s9 =	sor.u32 $0xD0000000, s2;
	s6 =	simm.s32 $0x108;
	_ =	swait.ge @!p0 [sflag:s8], $0x0  }
0x24: {  	s3 =	sadd.s32 $0x88, s3;
	s6 =	simm.s32 @!p1 $0x1082;
	[sflag:s4] =	ssyncset.s32 $0xFFFFF086  }
0x25: {  	[simem:s6], [sflag:s4] =	dma.local [hbm:s3], $0xF7A  }
0x26: {  	[smem:$0x3F9D] =	sst s1;
	(tag) =	ssettag s2;
	_ =	strace s9  }
0x27: {  	s1 =	sld [smem:$0x3FAD]  }
0x28: {  	s2 =	sld [smem:$0x3FAE]  }
0x29: {  	s4 =	sld [smem:$0x3FB0]  }
0x2a: {  	p0 =	seq.s32 s5, $0x0;
	s5 =	sld [smem:$0x3FB1]  }
0x2b: {  	s6 =	sld [smem:$0x3FB2]  }
0x2c: {  	s7 =	sld [smem:$0x3FB3]  }
0x2d: {  	s3 =	simm.s32 $0x108;
	s8 =	sld [smem:$0x3FB4]  }
0x2e: {  	s3 =	simm.s32 @!p0 $0x1082;
	s9 =	sld [smem:$0x3FB5]  }
0x2f: {  	lr =	sadd.s32 s0, s3;
	s0 =	sld [smem:$0x3FAC]  }
0x30: {  	s3 =	sld [smem:$0x3FAF]  }
0x31: {  	[smem:$0x3FB8] =	sst s10  }
0x32: {  	s10 =	sld [smem:$0x3FB6];
	_ =	sdelay $0x3  }
0x33: {  	p0 =	seq.s32 s10, $0x1;
	s10 =	sld [smem:$0x3FB8];
	_ =	sdelay $0x3  }
0x34: {  	[smem:$0x3FB8] =	sst s10  }
0x35: {  	s10 =	sld [smem:$0x3FB7];
	_ =	sdelay $0x3  }
0x36: {  	p1 =	seq.s32 s10, $0x1;
	s10 =	sld [smem:$0x3FB8];
	_ =	sdelay $0x3  }
0x37: {  	[smem:$0x3FB8] =	sst s10  }
0x38: {  	s10 =	sld [smem:$0x3FB9]  }
0x39: {  	_ = 	snop;
	(pc) =	sbr.ind lr, $3  }
0x3a: {  	_ = 	snop  }
0x3b: {  	_ = 	snop  }
0x3c: {  	p2 =	seq.s32 s10, $0x1;
	s10 =	sld [smem:$0x3FB8]  }
0x3d: {  	_ =	shalt  }
0x3e: {  	_ =	shalt  }
0x3f: {  	_ =	shalt  }
0x40: {  	_ =	shalt  }
0x41: {  	_ =	shalt  }
0x42: {  	_ =	shalt  }
0x43: {  	_ =	shalt  }
0x44: {  	_ =	shalt  }
0x45: {  	_ =	shalt  }
0x46: {  	_ =	shalt  }
0x47: {  	_ =	shalt  }
0x48: {  	_ =	shalt  }
0x49: {  	_ =	shalt  }
0x4a: {  	_ =	shalt  }
0x4b: {  	_ =	shalt  }
0x4c: {  	_ =	shalt  }
0x4d: {  	_ =	shalt  }
0x4e: {  	_ =	shalt  }
0x4f: {  	_ =	shalt  }
0x50: {  	_ =	shalt  }
0x51: {  	_ =	shalt  }
0x52: {  	_ =	shalt  }
0x53: {  	_ =	shalt  }
0x54: {  	_ =	shalt  }
0x55: {  	_ =	shalt  }
0x56: {  	_ =	shalt  }
0x57: {  	_ =	shalt  }
0x58: {  	_ =	shalt  }
0x59: {  	_ =	shalt  }
0x5a: {  	_ =	shalt  }
0x5b: {  	_ =	shalt  }
0x5c: {  	_ =	shalt  }
0x5d: {  	_ =	shalt  }
0x5e: {  	_ =	shalt  }
0x5f: {  	_ =	shalt  }
0x60: {  	_ =	shalt  }
0x61: {  	_ =	shalt  }
0x62: {  	_ =	shalt  }
0x63: {  	_ =	shalt  }
0x64: {  	_ =	shalt  }
0x65: {  	_ =	shalt  }
0x66: {  	_ =	shalt  }
0x67: {  	_ =	shalt  }
0x68: {  	_ =	shalt  }
0x69: {  	_ =	shalt  }
0x6a: {  	_ =	shalt  }
0x6b: {  	_ =	shalt  }
0x6c: {  	_ =	shalt  }
0x6d: {  	_ =	shalt  }
0x6e: {  	_ =	shalt  }
0x6f: {  	_ =	shalt  }
0x70: {  	_ =	shalt  }
0x71: {  	_ =	shalt  }
0x72: {  	_ =	shalt  }
0x73: {  	_ =	shalt  }
0x74: {  	_ =	shalt  }
0x75: {  	_ =	shalt  }
0x76: {  	_ =	shalt  }
0x77: {  	_ =	shalt  }
0x78: {  	_ =	shalt  }
0x79: {  	_ =	shalt  }
0x7a: {  	_ =	shalt  }
0x7b: {  	_ =	shalt  }
0x7c: {  	_ =	shalt  }
0x7d: {  	_ =	shalt  }
0x7e: {  	_ =	shalt  }
0x7f: {  	_ =	shalt  }
0x80: {  	_ =	shalt  }
0x81: {  	_ =	shalt  }
0x82: {  	_ =	shalt  }
0x83: {  	_ =	shalt  }
0x84: {  	_ =	shalt  }
0x85: {  	_ =	shalt  }
0x86: {  	_ =	shalt  }
0x87: {  	_ =	shalt  }
.Lfunc_end0:
.L_simem_size_0:
called_computation_lowered:
.L_overlay_start_0:
0x88: {  	s2 =	sld [smem:$0x3FD9]  }
0x89: {  	s3 =	sld [smem:$0x3FFE];
	_ =	sdelay $0x1  }
0x8a: {  	s1 =	srdreg.scid  }
0x8b: {  	s0 =	sand.u32 $0x1, s1  }
0x8c: {  	s14 =	sshll.u32 s0, $0xA;
	s2 =	sadd.s32 s3, s2  }
0x8d: {  	s2 =	sadd.s32 s2, s14  }
0x8e: {  	[smem:$0x3FC4] =	sst s2  }
0x8f: {  	_ = 	snop  }
0x90: {  	s2 =	sld [smem:$0x3FD0];
	_ =	sdelay $0x2  }
0x91: {  	s4 =	simm.s32 $0xA;
	s5 =	simm.s32 $0x10;
	s15 =	sld [smem:$0x3FC9]  }
0x92: {  	[smem:s5], [sflag:s4] =	dma.local [hbm:s2], $0x1  }
0x93: {  	_ =	swait.eq [sflag:s4], $0x1  }
0x94: {  	[sflag:s4] =	ssyncset.done $0x0  }
0x95: {  	[sflag:s4] =	ssyncadd.s32 $0xFFFFFFFF  }
0x96: {  	s16 =	sld [smem:$0x10];
	(tm) =	ssettm $0x1  }
0x97: {  	s17 =	sld [smem:$0x3FFB];
	_ =	sdelay $0x3  }
0x98: {  	_ =	strace s17  }
0x99: {  	s4 =	sld [smem:$0x3FFC];
	_ =	sdelay $0x3  }
0x9a: {  	_ =	strace s4  }
0x9b: {  	s4 =	sld [smem:$0x3FFD];
	_ =	sdelay $0x3  }
0x9c: {  	_ =	strace s4  }
0x9d: {  	_ =	strace $0x8FFFFFFF  }
0x9e: {  	s18 =	sld [smem:$0x3FDB];
	_ =	sdelay $0x1  }
0x9f: {  	s19 =	simm.s32 $_scs_section_size  }
0xa0: {  	s6 =	simm.s32 $_size__tile_overlayer_lowered;
	s7 =	simm.s32 $_tile_overlayer_lowered  }
0xa1: {  	s22 =	simm.s32 $0x1BFF;
	s21 =	sshll.u32 s7, $0x1;
	s4 =	sadd.s32 s19, s18  }
0xa2: {  	s8 =	simm.s32 $0x0;
	s20 =	sshll.u32 s6, $0x1;
	s6 =	sadd.s32 s21, s4  }
0xa3: {  	[timem:s8], [sflag:s22] =	dma.local [hbm:s6], s20  }
0xa4: {  	_ =	swait.ge [sflag:s22], s20  }
0xa5: {  	s5 =	ssub.s32 $0x0, s20;
	[sflag:s22] =	ssyncset.done $0x0  }
0xa6: {  	[sflag:s22] =	ssyncadd.s32 s5;
	_ =	sdelay $0x1  }
0xa7: {  	s23 =	simm.s32 $0x1B8B  }
0xa8: {  	_ =	swait.ge [sflag:s23], $0x1  }
0xa9: {  	[sflag:s23] =	ssyncset.done $0x0  }
0xaa: {  	s25 =	simm.s32 $0x1B8E;
	s24 =	sld [smem:$0x3FFE];
	[sflag:s23] =	ssyncadd.s32 $0xFFFFFFFF  }
0xab: {  	s26 =	simm.s32 $execute0_lowered;
	[smem:$0x3FD2] =	sst s25  }
0xac: {  	s6 =	sshll.u32 s26, $0x1;
	_ =	strace $0x80000046;
	[dreg:$0x1] =	wrdreg $0xFFFFFFFF  }
0xad: {  	s28 =	simm.s32 $_size_execute0_lowered;
	s4 =	sadd.s32 s4, s6;
	[dreg:$0x0] =	wrdreg $0x0  }
0xae: {  	s6 =	sshll.u32 s28, $0x1;
	[dreg:$0x2] =	wrdreg s4  }
0xaf: {  	[dreg:$0x3] =	wrdreg s6  }
0xb0: {  	[dreg:$0x4] =	wrdreg $0xC0  }
0xb1: {  	_ =	task [dreg:s8], $0x5FFFF  }
0xb2: {  	[dreg:$0x1] =	wrdreg $0xFFFFFFFF  }
0xb3: {  	[dreg:$0x0] =	wrdreg $0x60  }
0xb4: {  	[dreg:$0x2] =	wrdreg s24  }
0xb5: {  	[dreg:$0x3] =	wrdreg s15  }
0xb6: {  	[dreg:$0x4] =	wrdreg s16  }
0xb7: {  	[dreg:$0x5] =	wrdreg $0x9  }
0xb8: {  	_ =	task.clear_ibuf [dreg:s8], $0x6FFFF;
	_ =	strace $0x90000046  }
0xb9: {  	s29 =	simm.s32 $0x9;
	_ =	strace $0x80000048  }
0xba: {  	_ =	swait.ge [sflag:s29], $0x1  }
0xbb: {  	[sflag:s29] =	ssyncadd.s32 $0xFFFFFFFF  }
0xbc: {  	_ =	strace $0x90000048  }
0xbd: {  	_ =	sfence  }
0xbe: {  	s30 =	sld [smem:$0x0];
	_ =	sdelay $0x2  }
0xbf: {  	s31 =	sshll.u32 s1, $0xD;
	s1 =	sshrl.u32 s1, $0x2  }
0xc0: {  	s3 =	sand.u32 $0x4000, s31;
	s1 =	sadd.s32 s1, s30  }
0xc1: {  	s0 =	sor.u32 s3, s0;
	s1 =	sshll.u32 s1, $0x11  }
0xc2: {  	s0 =	sor.u32 s1, s0  }
0xc3: {  	s0 =	sadd.s32 $0x8F2B, s0  }
0xc4: {  	[sflag:s0] =	ssyncadd.remote.s32 $0x1  }
0xc5: {  	_ =	sfence.sel $0xFFFF  }
0xc6: {  	[dreg:$0x0] =	wrdreg $0xFFFFFFFF;
	(pc) =	sbr.abs _section_cstart, $3  }
0xc7: {  	[dreg:$0x1] =	wrdreg $0xFFFFFFFF  }
0xc8: {  	_ =	task.clear_ibuf [dreg:s8], $0x2FFFF;
	_ =	strace $0x9FFFFFFF  }
0xc9: {  	(tm) =	ssettm $0x7FFFFFFF  }
tec
execute0_lowered:
.L_overlay_start_1:
0x0: {  	(tag) =	ssettag $0x1  }
0x1: {  	s0 =	rddreg [dreg:$0x0]  }
0x2: {  	s1 =	rddreg [dreg:$0x1]  }
0x3: {  	s4 =	rddreg [dreg:$0x2]  }
0x4: {  	s3 =	srdreg.scid;
	s11 =	stileid.u32;
	s2 =	simm.s32 $0x0  }
0x5: {  	s28 =	simm.s32 $0x3880;
	s29 =	simm.s32 $0x4080;
	s30 =	simm.s32 $0x4880  }
0x6: {  	s31 =	simm.s32 $0x5080;
	s5 =	sand.u32 $0x1, s3;
	s24 =	sshll.u32 s11, $0x1  }
0x7: {  	[smem:$0x7FF] =	sst s2;
	s3 =	sadd.s32 $0x80800, s0;
	s8 =	sadd.s32 $0x800, s0  }
0x8: {  	s11 =	sshll.u32 s11, $0xA;
	s6 =	sor.u32 s5, s24;
	_ =	strace $0x80000047  }
0x9: {  	s9 =	ssub.s32 $0x2, s5;
	s5 =	sshll.u32 s5, $0x9;
	s7 =	sshll.u32 s6, $0x4  }
0xa: {  	s10 =	sshll.u32 s6, $0x2;
	s12 =	sshrl.u32 s9, $0x1;
	s5 =	sor.u32 s5, s11  }
0xb: {  	s14 =	smul.u32 $0x5000, s6;
	s6 =	sshllo.u32 s6, $0x2;
	s7 =	sadd.s32 s7, s0  }
0xc: {  	s13 =	sor.u32 $0x1, s10;
	s5 =	sshrl.u32 s5, $0x3;
	s9 =	ssub.s32 s9, s12  }
0xd: {  	s10 =	sor.u32 $0x2, s10;
	s20 =	sshll.u32 s6, $0x7;
	s6 =	smul.u32 $0x1400, s6  }
0xe: {  	s15 =	sshll.u32 s13, $0x7;
	s5 =	sadd.s32 s8, s5;
	s26 =	sadd.s32 s1, s14  }
0xf: {  	s16 =	smul.u32 $0x1400, s13;
	s17 =	sadd.s32 s4, s14;
	s18 =	sshll.u32 s10, $0x7  }
0x10: {  	s10 =	smul.u32 $0x1400, s10;
	s13 =	simm.s32 $0xA080;
	[dreg:$0x4] =	wrdreg s5  }
0x11: {  	s14 =	simm.s32 $0x0;
	s25 =	sand.u32 $0x280, s15;
	[dreg:$0x5] =	wrdreg s26  }
0x12: {  	s5 =	sadd.s32 $0x80900, s0;
	[dreg:$0x6] =	wrdreg s17;
	s23 =	sadd.s32 s1, s6  }
0x13: {  	s24 =	sadd.s32 s4, s6;
	s26 =	smax.u32 s9, $0x1;
	s6 =	simm.s32 $0x7080  }
0x14: {  	s9 =	simm.s32 $0x8880;
	s15 =	sor.u32 s11, s25;
	[dreg:$0xe] =	wrdreg s23  }
0x15: {  	s19 =	sadd.s32 s1, s16;
	s12 =	sadd.s32 s4, s16;
	[dreg:$0xf] =	wrdreg s24  }
0x16: {  	s22 =	sadd.s32 s1, s10;
	s10 =	sadd.s32 s4, s10;
	[dreg:$0x11] =	wrdreg s26  }
0x17: {  	s25 =	sadd.s32 $0x1000, s7;
	s23 =	simm.s32 $0x1880;
	[dreg:$0x8] =	wrdreg s19  }
0x18: {  	s24 =	simm.s32 $0x2080;
	s26 =	simm.s32 $0x3080;
	[dreg:$0x9] =	wrdreg s12  }
0x19: {  	s1 =	simm.s32 $0x6080;
	s0 =	sshrl.u32 s15, $0x3;
	[dreg:$0xb] =	wrdreg s22  }
0x1a: {  	s4 =	simm.s32 $0x6880;
	[dreg:$0xc] =	wrdreg s10;
	s0 =	sadd.s32 s8, s0  }
0x1b: {  	s7 =	simm.s32 $0x7880;
	[dreg:$0x7] =	wrdreg s0;
	s0 =	sand.u32 $0x300, s18  }
0x1c: {  	s12 =	sand.u32 $0x380, s20;
	[dreg:$0x10] =	wrdreg s25;
	s0 =	sor.u32 s11, s0  }
0x1d: {  	s19 =	simm.s32 $0x2;
	s20 =	simm.s32 $0x80;
	s0 =	sshrl.u32 s0, $0x3  }
0x1e: {  	s25 =	simm.s32 $0x2880;
	s21 =	sor.u32 s11, s12;
	s0 =	sadd.s32 s8, s0  }
0x1f: {  	v2 =	vlaneseq.u32;
	s10 =	simm.s32 $0x9080;
	[dreg:$0xa] =	wrdreg s0;
	s0 =	sshrl.u32 s21, $0x3  }
0x20: {  	vm0 =	vmmov $0xffff;
	v1 =	vshrl.u32 v2, $0x3;
	s12 =	simm.s32 $0x1;
	s11 =	simm.s32 $0x9880;
	s0 =	sadd.s32 s8, s0  }
0x21: {  	v0 =	vand.u32 $0x7, v2;
	v2 =	vor.u32 $0x8, v2;
	v1 =	vmul.u32 $0x8, v1;
	s8 =	simm.s32 $0x8080;
	[dreg:$0xd] =	wrdreg s0;
	s0 =	simm.s32 $0x5880  }
.LBB2_1:
0x22: {  	s15 =	rddreg [dreg:$0x4]  }
0x23: {  	[tilespmem:s2], [sflag:$0x2] =	stream.linear.gather [hbm4b:s15+s2], $0x80, $0x38;
	[tilespmem:$0x14100] =	vst v63  }
0x24: {  	_ =	swait.ge [sflag:s19], $0x80  }
0x25: {  	[sflag:s19] =	ssyncset.done $0x0  }
0x26: {  	[sflag:s19] =	ssyncadd.s32 $0xFFFFFF80  }
0x27: {  	v3 =	vld [tilespmem:$0x0];
	_ =	sdelay $0x4  }
0x28: {  	v4 =	vshll.u32 v3, $0x2  }
0x29: {  	v3 =	vand.u32 $0x7, v3;
	v4 =	vand.u32 $0xFFFFFFE0, v4  }
0x2a: {  	v3 =	vor.u32 v3, v4  }
0x2b: {  	v4 =	vperm.xlane v3, v0;
	_ =	sdelay $0x1  }
0x2c: {  	v4 =	vadd.s32 v1, v4;
	_ =	sdelay $0x1  }
0x2d: {  	v3 =	vperm.xlane v3, v2;
	_ =	sdelay $0x1  }
0x2e: {  	v3 =	vadd.s32 v1, v3  }
0x2f: {  	[tilespmem:s20], [sflag:$0x1] =	stream.indirect_vreg.gather [hbm4b:s3+s2], $0x80, v4, vm0, $0xb8;
	[tilespmem:$0x14100] =	vst v63  }
0x30: {  	s17 =	simm.s32 $0x880  }
0x31: {  	[tilespmem:s17], [sflag:$0x1] =	stream.indirect_vreg.gather [hbm4b:s5+s2], $0x80, v4, vm0, $0xb8;
	[tilespmem:$0x14100] =	vst v63  }
0x32: {  	s18 =	simm.s32 $0x1080  }
0x33: {  	[tilespmem:s18], [sflag:$0x1] =	stream.indirect_vreg.gather [hbm4b:s3+s2], $0x80, v3, vm0, $0xb8;
	[tilespmem:$0x14100] =	vst v63  }
0x34: {  	_ = 	snop  }
0x35: {  	[tilespmem:s23], [sflag:$0x1] =	stream.indirect_vreg.gather [hbm4b:s5+s2], $0x80, v3, vm0, $0xb8;
	[tilespmem:$0x14100] =	vst v63  }
0x36: {  	v3 =	vld [tilespmem:$0x10];
	_ =	sdelay $0x4  }
0x37: {  	v4 =	vshll.u32 v3, $0x2  }
0x38: {  	v3 =	vand.u32 $0x7, v3;
	v4 =	vand.u32 $0xFFFFFFE0, v4  }
0x39: {  	v3 =	vor.u32 v3, v4  }
0x3a: {  	v4 =	vperm.xlane v3, v0;
	_ =	sdelay $0x1  }
0x3b: {  	v4 =	vadd.s32 v1, v4;
	_ =	sdelay $0x1  }
0x3c: {  	v3 =	vperm.xlane v3, v2;
	_ =	sdelay $0x1  }
0x3d: {  	v3 =	vadd.s32 v1, v3  }
0x3e: {  	[tilespmem:s24], [sflag:$0x1] =	stream.indirect_vreg.gather [hbm4b:s3+s2], $0x80, v4, vm0, $0xb8;
	[tilespmem:$0x14100] =	vst v63  }
0x3f: {  	_ = 	snop  }
0x40: {  	[tilespmem:s25], [sflag:$0x1] =	stream.indirect_vreg.gather [hbm4b:s5+s2], $0x80, v4, vm0, $0xb8;
	[tilespmem:$0x14100] =	vst v63  }
0x41: {  	_ = 	snop  }
0x42: {  	[tilespmem:s26], [sflag:$0x1] =	stream.indirect_vreg.gather [hbm4b:s3+s2], $0x80, v3, vm0, $0xb8;
	[tilespmem:$0x14100] =	vst v63  }
0x43: {  	_ = 	snop  }
0x44: {  	[tilespmem:s28], [sflag:$0x1] =	stream.indirect_vreg.gather [hbm4b:s5+s2], $0x80, v3, vm0, $0xb8;
	[tilespmem:$0x14100] =	vst v63  }
0x45: {  	v3 =	vld [tilespmem:$0x20];
	_ =	sdelay $0x4  }
0x46: {  	v4 =	vshll.u32 v3, $0x2  }
0x47: {  	v3 =	vand.u32 $0x7, v3;
	v4 =	vand.u32 $0xFFFFFFE0, v4  }
0x48: {  	v3 =	vor.u32 v3, v4  }
0x49: {  	v4 =	vperm.xlane v3, v0;
	_ =	sdelay $0x1  }
0x4a: {  	v4 =	vadd.s32 v1, v4;
	_ =	sdelay $0x1  }
0x4b: {  	v3 =	vperm.xlane v3, v2;
	_ =	sdelay $0x1  }
0x4c: {  	v3 =	vadd.s32 v1, v3  }
0x4d: {  	[tilespmem:s29], [sflag:$0x1] =	stream.indirect_vreg.gather [hbm4b:s3+s2], $0x80, v4, vm0, $0xb8;
	[tilespmem:$0x14100] =	vst v63  }
0x4e: {  	_ = 	snop  }
0x4f: {  	[tilespmem:s30], [sflag:$0x1] =	stream.indirect_vreg.gather [hbm4b:s5+s2], $0x80, v4, vm0, $0xb8;
	[tilespmem:$0x14100] =	vst v63  }
0x50: {  	_ = 	snop  }
0x51: {  	[tilespmem:s31], [sflag:$0x1] =	stream.indirect_vreg.gather [hbm4b:s3+s2], $0x80, v3, vm0, $0xb8;
	[tilespmem:$0x14100] =	vst v63  }
0x52: {  	_ = 	snop  }
0x53: {  	[tilespmem:s0], [sflag:$0x1] =	stream.indirect_vreg.gather [hbm4b:s5+s2], $0x80, v3, vm0, $0xb8;
	[tilespmem:$0x14100] =	vst v63  }
0x54: {  	v3 =	vld [tilespmem:$0x30];
	_ =	sdelay $0x4  }
0x55: {  	v4 =	vshll.u32 v3, $0x2  }
0x56: {  	v3 =	vand.u32 $0x7, v3;
	v4 =	vand.u32 $0xFFFFFFE0, v4  }
0x57: {  	v3 =	vor.u32 v3, v4  }
0x58: {  	v4 =	vperm.xlane v3, v0;
	_ =	sdelay $0x1  }
0x59: {  	v4 =	vadd.s32 v1, v4;
	_ =	sdelay $0x1  }
0x5a: {  	v3 =	vperm.xlane v3, v2;
	_ =	sdelay $0x1  }
0x5b: {  	v3 =	vadd.s32 v1, v3  }
0x5c: {  	[tilespmem:s1], [sflag:$0x1] =	stream.indirect_vreg.gather [hbm4b:s3+s2], $0x80, v4, vm0, $0xb8;
	[tilespmem:$0x14100] =	vst v63  }
0x5d: {  	_ = 	snop  }
0x5e: {  	[tilespmem:s4], [sflag:$0x1] =	stream.indirect_vreg.gather [hbm4b:s5+s2], $0x80, v4, vm0, $0xb8;
	[tilespmem:$0x14100] =	vst v63  }
0x5f: {  	_ = 	snop  }
0x60: {  	[tilespmem:s6], [sflag:$0x1] =	stream.indirect_vreg.gather [hbm4b:s3+s2], $0x80, v3, vm0, $0xb8;
	[tilespmem:$0x14100] =	vst v63  }
0x61: {  	_ = 	snop  }
0x62: {  	[tilespmem:s7], [sflag:$0x1] =	stream.indirect_vreg.gather [hbm4b:s5+s2], $0x80, v3, vm0, $0xb8;
	[tilespmem:$0x14100] =	vst v63  }
0x63: {  	v3 =	vld [tilespmem:$0x40];
	_ =	sdelay $0x4  }
0x64: {  	v4 =	vshll.u32 v3, $0x2  }
0x65: {  	v3 =	vand.u32 $0x7, v3;
	v4 =	vand.u32 $0xFFFFFFE0, v4  }
0x66: {  	v3 =	vor.u32 v3, v4  }
0x67: {  	v4 =	vperm.xlane v3, v0;
	_ =	sdelay $0x1  }
0x68: {  	v4 =	vadd.s32 v1, v4;
	_ =	sdelay $0x1  }
0x69: {  	v3 =	vperm.xlane v3, v2;
	_ =	sdelay $0x1  }
0x6a: {  	v3 =	vadd.s32 v1, v3  }
0x6b: {  	[tilespmem:s8], [sflag:$0x1] =	stream.indirect_vreg.gather [hbm4b:s3+s2], $0x80, v4, vm0, $0xb8;
	[tilespmem:$0x14100] =	vst v63  }
0x6c: {  	_ = 	snop  }
0x6d: {  	[tilespmem:s9], [sflag:$0x1] =	stream.indirect_vreg.gather [hbm4b:s5+s2], $0x80, v4, vm0, $0xb8;
	[tilespmem:$0x14100] =	vst v63  }
0x6e: {  	_ = 	snop  }
0x6f: {  	[tilespmem:s10], [sflag:$0x1] =	stream.indirect_vreg.gather [hbm4b:s3+s2], $0x80, v3, vm0, $0xb8;
	[tilespmem:$0x14100] =	vst v63  }
0x70: {  	_ = 	snop  }
0x71: {  	[tilespmem:s11], [sflag:$0x1] =	stream.indirect_vreg.gather [hbm4b:s5+s2], $0x80, v3, vm0, $0xb8;
	[tilespmem:$0x14100] =	vst v63  }
0x72: {  	_ =	swait.ge [sflag:s12], $0xA000  }
0x73: {  	[sflag:s12] =	ssyncset.done $0x0  }
0x74: {  	s21 =	rddreg [dreg:$0x5];
	[sflag:s12] =	ssyncadd.s32 $0xFFFF6000  }
0x75: {  	[tilespmem:s13], [sflag:$0x2] =	stream.linear.gather [hbm4b:s21+s2], $0xA000, $0x38;
	[tilespmem:$0x14100] =	vst v63  }
0x76: {  	_ =	swait.ge [sflag:s19], $0xA000  }
0x77: {  	s22 =	sand.u32 $0xF000, s2;
	s16 =	sand.u32 $0x380, s2;
	[sflag:s19] =	ssyncset.done $0x0  }
0x78: {  	s15 =	sor.u32 s16, s22;
	[sflag:s19] =	ssyncadd.s32 $0xFFFF6000  }
0x79: {  	v9 =	vld [tilespmem:s15+$0xA8A0]  }
0x7a: {  	v3 =	vld [tilespmem:s15+$0xACF0]  }
0x7b: {  	v4 =	vld [tilespmem:s15+$0xA8B0]  }
0x7c: {  	v5 =	vld [tilespmem:s15+$0x8B0]  }
0x7d: {  	v7 =	vld [tilespmem:s15+$0xA4F0]  }
0x7e: {  	v10 =	vld [tilespmem:s15+$0x4F0]  }
0x7f: {  	v8 =	vld [tilespmem:s15+$0x80]  }
0x80: {  	v11 =	vld [tilespmem:s15+$0x4E0]  }
0x81: {  	v6 =	vld [tilespmem:s15+$0xA4D0]  }
0x82: {  	v13 =	vld [tilespmem:s15+$0xA4C0]  }
0x83: {  	v15 =	vld [tilespmem:s15+$0xA4B0]  }
0x84: {  	v16 =	vld [tilespmem:s15+$0x4C0]  }
0x85: {  	v14 =	vld [tilespmem:s15+$0x490]  }
0x86: {  	v17 =	vld [tilespmem:s15+$0x4B0]  }
0x87: {  	v18 =	vld [tilespmem:s15+$0xA480]  }
0x88: {  	v19 =	vld [tilespmem:s15+$0x480];
	v12 =	vsub.f32 v5, v4  }
0x89: {  	v20 =	vld [tilespmem:s15+$0xA0F0]  }
0x8a: {  	v21 =	vld [tilespmem:s15+$0xF0];
	v4 =	vadd.f32 v12, v4  }
0x8b: {  	v23 =	vld [tilespmem:s15+$0xA0B0]  }
0x8c: {  	[tilespmem:s15+$0x8B0] =	vst v4;
	v4 =	vld [tilespmem:s15+$0xA490]  }
0x8d: {  	v24 =	vld [tilespmem:s15+$0xA0E0]  }
0x8e: {  	v25 =	vld [tilespmem:s15+$0x880]  }
0x8f: {  	v26 =	vld [tilespmem:s15+$0xA8D0]  }
0x90: {  	v5 =	vld [tilespmem:s15+$0x4D0];
	v21 =	vsub.f32 v21, v20  }
0x91: {  	v27 =	vld [tilespmem:s15+$0xE0];
	v22 =	vsub.f32 v14, v4  }
0x92: {  	v28 =	vld [tilespmem:s15+$0x8D0];
	v20 =	vadd.f32 v21, v20  }
0x93: {  	v29 =	vld [tilespmem:s15+$0x8F0];
	v4 =	vadd.f32 v22, v4  }
0x94: {  	v30 =	vld [tilespmem:s15+$0xA4E0];
	v19 =	vsub.f32 v19, v18;
	[tilespmem:s15+$0xF0] =	vst v20  }
0x95: {  	v20 =	vsub.f32 v5, v6;
	[tilespmem:s15+$0x490] =	vst v4;
	v4 =	vld [tilespmem:s15+$0xA880]  }
0x96: {  	v32 =	vld [tilespmem:s15+$0x890];
	v17 =	vsub.f32 v17, v15;
	v18 =	vadd.f32 v19, v18  }
0x97: {  	v33 =	vld [tilespmem:s15+$0xCE0];
	v6 =	vadd.f32 v20, v6  }
0x98: {  	v58 =	vld [tilespmem:s15+$0xA0];
	v15 =	vadd.f32 v17, v15;
	[tilespmem:s15+$0x480] =	vst v18  }
0x99: {  	v18 =	vld [tilespmem:s15+$0xA8F0];
	[tilespmem:s15+$0x4D0] =	vst v6;
	v6 =	vsub.f32 v28, v26  }
0x9a: {  	[tilespmem:s15+$0x4B0] =	vst v15;
	v5 =	vld [tilespmem:s15+$0xA080];
	v15 =	vsub.f32 v25, v4  }
0x9b: {  	v36 =	vld [tilespmem:s15+$0xC0];
	v27 =	vsub.f32 v27, v24;
	v26 =	vadd.f32 v6, v26  }
0x9c: {  	v25 =	vld [tilespmem:s15+$0xACE0];
	v31 =	vadd.f32 v15, v4;
	v4 =	vsub.f32 v16, v13  }
0x9d: {  	v10 =	vsub.f32 v10, v7;
	v28 =	vld [tilespmem:s15+$0xA090];
	[tilespmem:s15+$0x8D0] =	vst v26;
	v16 =	vadd.f32 v27, v24  }
0x9e: {  	v29 =	vsub.f32 v29, v18;
	[tilespmem:s15+$0x880] =	vst v31;
	v13 =	vadd.f32 v4, v13;
	v31 =	vld [tilespmem:s15+$0xCF0]  }
0x9f: {  	v35 =	vsub.f32 v11, v30;
	v26 =	vld [tilespmem:s15+$0xAC90];
	[tilespmem:s15+$0xE0] =	vst v16;
	v16 =	vsub.f32 v8, v5  }
0xa0: {  	v7 =	vadd.f32 v10, v7;
	v18 =	vadd.f32 v29, v18;
	[tilespmem:s15+$0x4C0] =	vst v13;
	v13 =	vld [tilespmem:s15+$0x90]  }
0xa1: {  	v8 =	vsub.f32 v33, v25;
	v5 =	vadd.f32 v16, v5;
	v11 =	vmul.f32 v16, v16;
	v16 =	vld [tilespmem:s15+$0xB0]  }
0xa2: {  	v21 =	vmul.f32 v21, v21;
	v30 =	vadd.f32 v35, v30;
	[tilespmem:s15+$0x8F0] =	vst v18;
	v24 =	vld [tilespmem:s15+$0xA890];
	v27 =	vmul.f32 v27, v27  }
0xa3: {  	v18 =	vadd.f32 v8, v25;
	[tilespmem:s15+$0x80] =	vst v5;
	v5 =	vimm.f32 $0.0e+00;
	v34 =	vsub.f32 v31, v3;
	v31 =	vld [tilespmem:s15+$0xC90]  }
0xa4: {  	v37 =	vld [tilespmem:s15+$0xACB0];
	v19 =	vmul.f32 v19, v19;
	v59 =	vadd.f32 v11, v5;
	v11 =	vadd.f32 v27, v5  }
0xa5: {  	v61 =	vld [tilespmem:s15+$0xD0];
	[tilespmem:s15+$0x4F0] =	vst v7;
	v7 =	vmul.f32 v20, v20;
	v3 =	vadd.f32 v34, v3;
	v13 =	vsub.f32 v13, v28  }
0xa6: {  	v15 =	vmul.f32 v15, v15;
	v25 =	vld [tilespmem:s15+$0xA0A0];
	v19 =	vadd.f32 v19, v59;
	v16 =	vsub.f32 v16, v23  }
0xa7: {  	v27 =	vld [tilespmem:s15+$0x4A0];
	v20 =	vadd.f32 v13, v28;
	v28 =	vsub.f32 v32, v24;
	v13 =	vmul.f32 v13, v13  }
0xa8: {  	v60 =	vmul.f32 v10, v10;
	[tilespmem:s15+$0x4E0] =	vst v30;
	v10 =	vadd.f32 v15, v19;
	v19 =	vld [tilespmem:s15+$0x8A0];
	v30 =	vsub.f32 v31, v26  }
0xa9: {  	v31 =	vld [tilespmem:s15+$0xA4A0];
	[tilespmem:s15+$0x90] =	vst v20;
	v20 =	vadd.f32 v21, v5;
	v13 =	vadd.f32 v13, v5;
	v21 =	vmul.f32 v22, v22  }
0xaa: {  	v14 =	vld [tilespmem:s15+$0xA0D0];
	v24 =	vadd.f32 v28, v24;
	v15 =	vmul.f32 v28, v28;
	v22 =	vadd.f32 v30, v26  }
0xab: {  	[tilespmem:s15+$0xCE0] =	vst v18;
	v18 =	vld [tilespmem:s15+$0xA0C0];
	v28 =	vmul.f32 v16, v16;
	v16 =	vadd.f32 v16, v23;
	v13 =	vadd.f32 v21, v13  }
0xac: {  	v26 =	vld [tilespmem:s15+$0xCB0];
	[tilespmem:s15+$0xC90] =	vst v22;
	v22 =	vadd.f32 v60, v20;
	v20 =	vsub.f32 v58, v25  }
0xad: {  	v19 =	vsub.f32 v19, v9;
	v13 =	vadd.f32 v15, v13  }
0xae: {  	v62 =	vld [tilespmem:s15+$0xCA0];
	[tilespmem:s15+$0x890] =	vst v24;
	v15 =	vmul.f32 v30, v30;
	v24 =	vsub.f32 v27, v31;
	v27 =	vmul.f32 v29, v29  }
0xaf: {  	v32 =	vld [tilespmem:s15+$0xCD0];
	v29 =	vsub.f32 v61, v14;
	v23 =	vmul.f32 v20, v20;
	v20 =	vadd.f32 v20, v25  }
0xb0: {  	[tilespmem:s15+$0xCF0] =	vst v3;
	v21 =	vld [tilespmem:s15+$0xACA0];
	v63 =	vmul.f32 v19, v19;
	v9 =	vadd.f32 v19, v9;
	v19 =	vsub.f32 v36, v18  }
0xb1: {  	v17 =	vmul.f32 v17, v17;
	[tilespmem:s15+$0xB0] =	vst v16;
	v3 =	vadd.f32 v15, v13;
	v16 =	vsub.f32 v26, v37;
	v26 =	vld [tilespmem:s15+$0xAC80]  }
0xb2: {  	v12 =	vmul.f32 v12, v12;
	v13 =	vadd.f32 v28, v5;
	v28 =	vadd.f32 v24, v31;
	v31 =	vld [tilespmem:s15+$0xACD0]  }
0xb3: {  	v15 =	vmul.f32 v24, v24;
	v24 =	vmul.f32 v29, v29;
	v25 =	vadd.f32 v23, v5;
	v23 =	vld [tilespmem:s15+$0xC80];
	[tilespmem:s15+$0xA0] =	vst v20  }
0xb4: {  	v20 =	vld [tilespmem:s15+$0xA8C0];
	[tilespmem:s15+$0x8A0] =	vst v9;
	v9 =	vimm.f32 $0.0e+00;
	v30 =	vadd.f32 v17, v13;
	v17 =	vadd.f32 v27, v22  }
0xb5: {  	v13 =	vmul.f32 v16, v16;
	v16 =	vadd.f32 v16, v37;
	v27 =	vld [tilespmem:s15+$0x8E0];
	v38 =	vadd.f32 v15, v25  }
0xb6: {  	v22 =	vmul.f32 v35, v35;
	v25 =	vld [tilespmem:s15+$0x8C0];
	v15 =	vadd.f32 v12, v30;
	v30 =	vadd.f32 v29, v14  }
0xb7: {  	s16 =	simm.s32 $0x80;
	s17 =	simm.s32 $0x200;
	v12 =	vmul.f32 v34, v34;
	[tilespmem:s15+$0xCB0] =	vst v16;
	v16 =	vsub.f32 v62, v21;
	v29 =	vld [tilespmem:s15+$0xA8E0];
	v14 =	vadd.f32 v63, v38  }
.LBB2_2:
0xb8: {  	s21 =	smov.u32 s17  }
0xb9: {  	s18 =	sand.u32 $0xF000, s17;
	s22 =	sand.u32 $0x380, s16;
	v5 =	vadd.f32 v24, v5;
	[tilespmem:s15+$0x4A0] =	vst v28;
	v23 =	vsub.f32 v23, v26;
	v24 =	vld [tilespmem:s15+$0xCC0];
	s21 =	sadd.s32 $0x200, s17  }
0xba: {  	p0 =	sne.s32 s17, $0x9E00;
	v17 =	vadd.f32 v12, v17;
	s18 =	sor.u32 s22, s18;
	v28 =	vmul.f32 v19, v19;
	v22 =	vadd.f32 v22, v11;
	v33 =	vld [tilespmem:s15+$0xACC0]  }
0xbb: {  	v6 =	vmul.f32 v6, v6;
	v5 =	vadd.f32 v7, v5;
	v7 =	vsub.f32 v32, v31;
	v11 =	vld [tilespmem:s18+$0x90]  }
0xbc: {  	v18 =	vadd.f32 v19, v18;
	v19 =	vmul.f32 v23, v23;
	v9 =	vadd.f32 v28, v9;
	v12 =	vld [tilespmem:s18+$0xA8A0]  }
0xbd: {  	v21 =	vadd.f32 v16, v21;
	v23 =	vadd.f32 v23, v26;
	v26 =	vmul.f32 v7, v7;
	v28 =	vld [tilespmem:s18+$0xACF0]  }
0xbe: {  	v16 =	vmul.f32 v16, v16;
	v13 =	vadd.f32 v13, v15;
	v7 =	vadd.f32 v7, v31;
	v32 =	vld [tilespmem:s18+$0xA8B0];
	[tilespmem:s15+$0xC0] =	vst v18  }
0xbf: {  	v4 =	vmul.f32 v4, v4;
	v10 =	vadd.f32 v19, v10;
	v15 =	vld [tilespmem:s18+$0x8B0];
	[tilespmem:s15+$0xC80] =	vst v23;
	v19 =	vsub.f32 v24, v33  }
0xc0: {  	v14 =	vadd.f32 v16, v14;
	v5 =	vadd.f32 v6, v5;
	v23 =	vld [tilespmem:s18+$0xCF0];
	[tilespmem:s15+$0xD0] =	vst v30  }
0xc1: {  	v4 =	vadd.f32 v4, v9;
	v24 =	vld [tilespmem:s18+$0xCE0];
	v6 =	vadd.f32 v19, v33;
	[tilespmem:s15+$0xCD0] =	vst v7;
	v7 =	vmul.f32 v8, v8  }
0xc2: {  	v9 =	vsub.f32 v27, v29;
	v8 =	vsub.f32 v25, v20;
	v18 =	vld [tilespmem:s18+$0xA4F0];
	[tilespmem:s15+$0xCA0] =	vst v21  }
0xc3: {  	v5 =	vadd.f32 v26, v5;
	v25 =	vld [tilespmem:s18+$0x4F0];
	[tilespmem:s15+$0xCC0] =	vst v6;
	v6 =	vmul.f32 v19, v19  }
0xc4: {  	v21 =	vadd.f32 v9, v29;
	v9 =	vmul.f32 v9, v9;
	v19 =	vmul.f32 v8, v8;
	v26 =	vld [tilespmem:s18+$0x80]  }
0xc5: {  	v8 =	vadd.f32 v8, v20;
	v27 =	vld [tilespmem:s18+$0x4E0];
	v16 =	vsub.f32 v23, v28  }
0xc6: {  	v4 =	vadd.f32 v19, v4;
	v19 =	vadd.f32 v9, v22;
	v23 =	vld [tilespmem:s18+$0xA4D0];
	[tilespmem:s15+$0x8E0] =	vst v21  }
0xc7: {  	v15 =	vsub.f32 v15, v32;
	v22 =	vld [tilespmem:s18+$0x4D0];
	v20 =	vadd.f32 v16, v28;
	[tilespmem:s15+$0x8C0] =	vst v8;
	s15 =	smov.u32 s18  }
0xc8: {  	v9 =	vadd.f32 v6, v4;
	v28 =	vadd.f32 v7, v19;
	v8 =	vld [tilespmem:s15+$0xA4C0]  }
0xc9: {  	v6 =	vadd.f32 v15, v32;
	v4 =	vld [tilespmem:s15+$0x4C0]  }
0xca: {  	v7 =	vld [tilespmem:s15+$0xA4B0]  }
0xcb: {  	v29 =	vld [tilespmem:s15+$0x4B0];
	[tilespmem:s15+$0x8B0] =	vst v6  }
0xcc: {  	v6 =	vld [tilespmem:s15+$0xA490]  }
0xcd: {  	v21 =	vld [tilespmem:s15+$0xA0B0]  }
0xce: {  	v19 =	vld [tilespmem:s15+$0x490]  }
0xcf: {  	v30 =	vld [tilespmem:s15+$0xA480]  }
0xd0: {  	v31 =	vld [tilespmem:s15+$0x480]  }
0xd1: {  	v32 =	vld [tilespmem:s15+$0xA0F0]  }
0xd2: {  	v33 =	vld [tilespmem:s15+$0xF0]  }
0xd3: {  	v34 =	vld [tilespmem:s15+$0xA0E0];
	v35 =	vsub.f32 v19, v6  }
0xd4: {  	v19 =	vld [tilespmem:s15+$0xA0D0]  }
0xd5: {  	v36 =	vld [tilespmem:s15+$0xE0];
	v31 =	vsub.f32 v31, v30;
	v6 =	vadd.f32 v35, v6  }
0xd6: {  	v37 =	vld [tilespmem:s15+$0x880]  }
0xd7: {  	v29 =	vsub.f32 v29, v7;
	v33 =	vsub.f32 v33, v32;
	[tilespmem:s15+$0x490] =	vst v6;
	v6 =	vld [tilespmem:s15+$0xA880]  }
0xd8: {  	v30 =	vadd.f32 v31, v30;
	v38 =	vld [tilespmem:s15+$0xA8D0]  }
0xd9: {  	v4 =	vsub.f32 v4, v8;
	v32 =	vadd.f32 v33, v32;
	v33 =	vmul.f32 v33, v33;
	v39 =	vld [tilespmem:s15+$0x8D0]  }
0xda: {  	v7 =	vadd.f32 v29, v7;
	v36 =	vsub.f32 v36, v34;
	[tilespmem:s15+$0x480] =	vst v30;
	v30 =	vld [tilespmem:s15+$0xA8F0]  }
0xdb: {  	v22 =	vsub.f32 v22, v23;
	[tilespmem:s15+$0xF0] =	vst v32;
	v32 =	vld [tilespmem:s15+$0x8F0]  }
0xdc: {  	v8 =	vadd.f32 v4, v8;
	v40 =	vld [tilespmem:s15+$0xA080];
	v41 =	vmul.f32 v36, v36;
	[tilespmem:s15+$0x4B0] =	vst v7;
	v37 =	vsub.f32 v37, v6  }
0xdd: {  	v23 =	vadd.f32 v22, v23;
	v34 =	vadd.f32 v36, v34;
	v7 =	vmul.f32 v22, v22;
	v22 =	vld [tilespmem:s15+$0xACE0]  }
0xde: {  	v36 =	vld [tilespmem:s15+$0xA4E0];
	v42 =	vadd.f32 v37, v6;
	v6 =	vsub.f32 v39, v38  }
0xdf: {  	[tilespmem:s15+$0x4D0] =	vst v23;
	v23 =	vsub.f32 v25, v18;
	v25 =	vld [tilespmem:s15+$0x890]  }
0xe0: {  	[tilespmem:s15+$0x880] =	vst v42;
	v39 =	vld [tilespmem:s15+$0xA890];
	v38 =	vadd.f32 v6, v38;
	v32 =	vsub.f32 v32, v30  }
0xe1: {  	v26 =	vsub.f32 v26, v40;
	v42 =	vld [tilespmem:s15+$0xA090];
	[tilespmem:s15+$0xE0] =	vst v34;
	v34 =	vmul.f32 v23, v23  }
0xe2: {  	[tilespmem:s15+$0x4C0] =	vst v8;
	v30 =	vadd.f32 v32, v30;
	v43 =	vld [tilespmem:s15+$0xC90];
	v8 =	vsub.f32 v24, v22  }
0xe3: {  	v24 =	vadd.f32 v26, v40;
	v26 =	vmul.f32 v26, v26;
	v40 =	vsub.f32 v27, v36;
	[tilespmem:s15+$0x8D0] =	vst v38;
	v27 =	vld [tilespmem:s15+$0xAC90]  }
0xe4: {  	v38 =	vld [tilespmem:s15+$0xA0];
	[tilespmem:s15+$0x8F0] =	vst v30;
	v22 =	vadd.f32 v8, v22  }
0xe5: {  	v18 =	vadd.f32 v23, v18;
	[tilespmem:s15+$0x80] =	vst v24;
	v24 =	vld [tilespmem:s15+$0xA0A0];
	v23 =	vsub.f32 v25, v39  }
0xe6: {  	v30 =	vmul.f32 v31, v31;
	v10 =	vadd.f32 v26, v10;
	v25 =	vsub.f32 v11, v42;
	v26 =	vld [tilespmem:s15+$0xB0];
	[tilespmem:s15+$0xCE0] =	vst v22  }
0xe7: {  	v31 =	vmul.f32 v37, v37;
	v11 =	vadd.f32 v41, v28;
	v28 =	vadd.f32 v40, v36;
	v22 =	vld [tilespmem:s15+$0xC0];
	[tilespmem:s15+$0x4F0] =	vst v18  }
0xe8: {  	v10 =	vadd.f32 v30, v10;
	v36 =	vadd.f32 v25, v42;
	v25 =	vmul.f32 v25, v25;
	v30 =	vld [tilespmem:s15+$0x4A0]  }
0xe9: {  	v17 =	vadd.f32 v33, v17;
	v18 =	vld [tilespmem:s15+$0xA0C0];
	[tilespmem:s15+$0x4E0] =	vst v28;
	v28 =	vsub.f32 v43, v27  }
0xea: {  	v10 =	vadd.f32 v31, v10;
	[tilespmem:s15+$0x90] =	vst v36;
	v3 =	vadd.f32 v25, v3;
	v25 =	vmul.f32 v35, v35;
	v33 =	vld [tilespmem:s15+$0xA4A0]  }
0xeb: {  	v29 =	vmul.f32 v29, v29;
	v17 =	vadd.f32 v34, v17;
	v27 =	vadd.f32 v28, v27;
	v31 =	vld [tilespmem:s15+$0xCB0]  }
0xec: {  	v26 =	vsub.f32 v26, v21;
	v3 =	vadd.f32 v25, v3;
	v25 =	vmul.f32 v23, v23;
	v34 =	vld [tilespmem:s15+$0xACB0]  }
0xed: {  	v35 =	vsub.f32 v38, v24;
	v23 =	vadd.f32 v23, v39;
	v36 =	vld [tilespmem:s15+$0x8A0];
	[tilespmem:s15+$0xC90] =	vst v27  }
0xee: {  	v27 =	vmul.f32 v26, v26;
	v37 =	vld [tilespmem:s15+$0xD0];
	v3 =	vadd.f32 v25, v3;
	v25 =	vmul.f32 v28, v28  }
0xef: {  	v26 =	vadd.f32 v26, v21;
	v28 =	vmul.f32 v35, v35;
	v30 =	vsub.f32 v30, v33;
	[tilespmem:s15+$0x890] =	vst v23;
	v38 =	vld [tilespmem:s15+$0xCA0]  }
0xf0: {  	v24 =	vadd.f32 v35, v24;
	v3 =	vadd.f32 v25, v3;
	v21 =	vld [tilespmem:s15+$0xACA0];
	[tilespmem:s15+$0xCF0] =	vst v20  }
0xf1: {  	v13 =	vadd.f32 v27, v13;
	[tilespmem:s15+$0xB0] =	vst v26;
	v20 =	vmul.f32 v30, v30;
	v23 =	vld [tilespmem:s15+$0xC80];
	v27 =	vsub.f32 v31, v34  }
0xf2: {  	v14 =	vadd.f32 v28, v14;
	v28 =	vmul.f32 v32, v32;
	v31 =	vsub.f32 v36, v12;
	v26 =	vld [tilespmem:s15+$0xAC80]  }
0xf3: {  	v29 =	vadd.f32 v29, v13;
	v35 =	vsub.f32 v37, v19;
	v25 =	vld [tilespmem:s15+$0x8C0];
	v13 =	vmul.f32 v27, v27  }
.Ltmp0:
0xf4: {  	v15 =	vmul.f32 v15, v15;
	v17 =	vadd.f32 v28, v17;
	v14 =	vadd.f32 v20, v14;
	[tilespmem:s15+$0xA0] =	vst v24;
	v20 =	vld [tilespmem:s15+$0xA8C0];
	(pc) =	sbr.rel @p0 .LBB2_2-.Ltmp0, $4  }
0xf5: {  	v28 =	vadd.f32 v30, v33;
	v34 =	vadd.f32 v27, v34;
	v33 =	vmul.f32 v31, v31;
	v32 =	vld [tilespmem:s15+$0xCD0]  }
0xf6: {  	v15 =	vadd.f32 v15, v29;
	v36 =	vadd.f32 v31, v12;
	v12 =	vmul.f32 v16, v16;
	v31 =	vld [tilespmem:s15+$0xACD0]  }
0xf7: {  	v30 =	vadd.f32 v35, v19;
	v24 =	vmul.f32 v35, v35;
	v16 =	vsub.f32 v38, v21;
	v27 =	vld [tilespmem:s15+$0x8E0];
	[tilespmem:s15+$0xCB0] =	vst v34  }
0xf8: {  	s16 =	sadd.s32 $0x80, s16;
	s17 =	smov.u32 s21;
	v19 =	vsub.f32 v22, v18;
	v22 =	vmul.f32 v40, v40;
	v14 =	vadd.f32 v33, v14;
	[tilespmem:s15+$0x8A0] =	vst v36;
	v29 =	vld [tilespmem:s15+$0xA8E0]  }
0xf9: {  	v33 =	vld [tilespmem:s15+$0xCC0]  }
0xfa: {  	[tilespmem:s15+$0x4A0] =	vst v28;
	v34 =	vld [tilespmem:s15+$0xACC0];
	v28 =	vsub.f32 v23, v26  }
0xfb: {  	v54 =	vadd.f32 v16, v21  }
0xfc: {  	[tilespmem:s15+$0xD0] =	vst v30;
	v23 =	vsub.f32 v32, v31;
	v26 =	vadd.f32 v28, v26  }
0xfd: {  	v18 =	vadd.f32 v19, v18;
	[tilespmem:s15+$0xCA0] =	vst v54;
	v21 =	vsub.f32 v27, v29  }
0xfe: {  	v31 =	vadd.f32 v23, v31;
	[tilespmem:s15+$0xC80] =	vst v26;
	v26 =	vsub.f32 v25, v20  }
0xff: {  	[tilespmem:s15+$0xC0] =	vst v18;
	v18 =	vsub.f32 v33, v34;
	v25 =	vadd.f32 v21, v29  }
0x100: {  	[tilespmem:s15+$0xCD0] =	vst v31;
	v20 =	vadd.f32 v26, v20  }
0x101: {  	v27 =	vadd.f32 v18, v34;
	[tilespmem:s15+$0x8E0] =	vst v25  }
0x102: {  	[tilespmem:s15+$0x8C0] =	vst v20  }
0x103: {  	s16 =	rddreg [dreg:$0x6];
	[tilespmem:s15+$0xCC0] =	vst v27;
	s15 =	simm.s32 $0x0  }
0x104: {  	[hbm4b:s16+s15] =	stream.linear.scatter [tilespmem:s20], [sflag:$0x2], $0xA000, $0x38;
	[tilespmem:$0x14100] =	vst v63  }
0x105: {  	_ =	swait.ge [sflag:s19], $0xA000  }
0x106: {  	[sflag:s19] =	ssyncset.done $0x0  }
0x107: {  	s22 =	rddreg [dreg:$0x7];
	[sflag:s19] =	ssyncadd.s32 $0xFFFF6000  }
0x108: {  	[tilespmem:s15], [sflag:$0x2] =	stream.linear.gather [hbm4b:s22+s15], $0x80, $0x38;
	[tilespmem:$0x14100] =	vst v63  }
0x109: {  	_ =	swait.ge [sflag:s19], $0x80  }
0x10a: {  	[sflag:s19] =	ssyncset.done $0x0  }
0x10b: {  	[sflag:s19] =	ssyncadd.s32 $0xFFFFFF80  }
0x10c: {  	v20 =	vld [tilespmem:$0x0];
	_ =	sdelay $0x4  }
0x10d: {  	v25 =	vshll.u32 v20, $0x2  }
0x10e: {  	v20 =	vand.u32 $0x7, v20;
	v25 =	vand.u32 $0xFFFFFFE0, v25  }
0x10f: {  	v20 =	vor.u32 v20, v25  }
0x110: {  	v25 =	vperm.xlane v20, v0;
	_ =	sdelay $0x1  }
0x111: {  	v25 =	vadd.s32 v1, v25;
	_ =	sdelay $0x1  }
0x112: {  	v20 =	vperm.xlane v20, v2;
	_ =	sdelay $0x1  }
0x113: {  	v20 =	vadd.s32 v1, v20  }
0x114: {  	[tilespmem:s20], [sflag:$0x1] =	stream.indirect_vreg.gather [hbm4b:s3+s15], $0x80, v25, vm0, $0xb8;
	[tilespmem:$0x14100] =	vst v63  }
0x115: {  	s17 =	simm.s32 $0x880  }
0x116: {  	[tilespmem:s17], [sflag:$0x1] =	stream.indirect_vreg.gather [hbm4b:s5+s15], $0x80, v25, vm0, $0xb8;
	[tilespmem:$0x14100] =	vst v63  }
0x117: {  	s18 =	simm.s32 $0x1080  }
0x118: {  	[tilespmem:s18], [sflag:$0x1] =	stream.indirect_vreg.gather [hbm4b:s3+s15], $0x80, v20, vm0, $0xb8;
	[tilespmem:$0x14100] =	vst v63  }
0x119: {  	_ = 	snop  }
0x11a: {  	[tilespmem:s23], [sflag:$0x1] =	stream.indirect_vreg.gather [hbm4b:s5+s15], $0x80, v20, vm0, $0xb8;
	[tilespmem:$0x14100] =	vst v63  }
0x11b: {  	v20 =	vld [tilespmem:$0x10];
	_ =	sdelay $0x4  }
0x11c: {  	v25 =	vshll.u32 v20, $0x2  }
0x11d: {  	v20 =	vand.u32 $0x7, v20;
	v25 =	vand.u32 $0xFFFFFFE0, v25  }
0x11e: {  	v20 =	vor.u32 v20, v25  }
0x11f: {  	v25 =	vperm.xlane v20, v0;
	_ =	sdelay $0x1  }
0x120: {  	v25 =	vadd.s32 v1, v25;
	_ =	sdelay $0x1  }
0x121: {  	v20 =	vperm.xlane v20, v2;
	_ =	sdelay $0x1  }
0x122: {  	v20 =	vadd.s32 v1, v20  }
0x123: {  	[tilespmem:s24], [sflag:$0x1] =	stream.indirect_vreg.gather [hbm4b:s3+s15], $0x80, v25, vm0, $0xb8;
	[tilespmem:$0x14100] =	vst v63  }
0x124: {  	_ = 	snop  }
0x125: {  	[tilespmem:s25], [sflag:$0x1] =	stream.indirect_vreg.gather [hbm4b:s5+s15], $0x80, v25, vm0, $0xb8;
	[tilespmem:$0x14100] =	vst v63  }
0x126: {  	_ = 	snop  }
0x127: {  	[tilespmem:s26], [sflag:$0x1] =	stream.indirect_vreg.gather [hbm4b:s3+s15], $0x80, v20, vm0, $0xb8;
	[tilespmem:$0x14100] =	vst v63  }
0x128: {  	_ = 	snop  }
0x129: {  	[tilespmem:s28], [sflag:$0x1] =	stream.indirect_vreg.gather [hbm4b:s5+s15], $0x80, v20, vm0, $0xb8;
	[tilespmem:$0x14100] =	vst v63  }
0x12a: {  	v20 =	vld [tilespmem:$0x20];
	_ =	sdelay $0x4  }
0x12b: {  	v25 =	vshll.u32 v20, $0x2  }
0x12c: {  	v20 =	vand.u32 $0x7, v20;
	v25 =	vand.u32 $0xFFFFFFE0, v25  }
0x12d: {  	v20 =	vor.u32 v20, v25  }
0x12e: {  	v25 =	vperm.xlane v20, v0;
	_ =	sdelay $0x1  }
0x12f: {  	v25 =	vadd.s32 v1, v25;
	_ =	sdelay $0x1  }
0x130: {  	v20 =	vperm.xlane v20, v2;
	_ =	sdelay $0x1  }
0x131: {  	v20 =	vadd.s32 v1, v20  }
0x132: {  	[tilespmem:s29], [sflag:$0x1] =	stream.indirect_vreg.gather [hbm4b:s3+s15], $0x80, v25, vm0, $0xb8;
	[tilespmem:$0x14100] =	vst v63  }
0x133: {  	_ = 	snop  }
0x134: {  	[tilespmem:s30], [sflag:$0x1] =	stream.indirect_vreg.gather [hbm4b:s5+s15], $0x80, v25, vm0, $0xb8;
	[tilespmem:$0x14100] =	vst v63  }
0x135: {  	_ = 	snop  }
0x136: {  	[tilespmem:s31], [sflag:$0x1] =	stream.indirect_vreg.gather [hbm4b:s3+s15], $0x80, v20, vm0, $0xb8;
	[tilespmem:$0x14100] =	vst v63  }
0x137: {  	_ = 	snop  }
0x138: {  	[tilespmem:s0], [sflag:$0x1] =	stream.indirect_vreg.gather [hbm4b:s5+s15], $0x80, v20, vm0, $0xb8;
	[tilespmem:$0x14100] =	vst v63  }
0x139: {  	v20 =	vld [tilespmem:$0x30];
	_ =	sdelay $0x4  }
0x13a: {  	v25 =	vshll.u32 v20, $0x2  }
0x13b: {  	v20 =	vand.u32 $0x7, v20;
	v25 =	vand.u32 $0xFFFFFFE0, v25  }
0x13c: {  	v20 =	vor.u32 v20, v25  }
0x13d: {  	v25 =	vperm.xlane v20, v0;
	_ =	sdelay $0x1  }
0x13e: {  	v25 =	vadd.s32 v1, v25;
	_ =	sdelay $0x1  }
0x13f: {  	v20 =	vperm.xlane v20, v2;
	_ =	sdelay $0x1  }
0x140: {  	v20 =	vadd.s32 v1, v20  }
0x141: {  	[tilespmem:s1], [sflag:$0x1] =	stream.indirect_vreg.gather [hbm4b:s3+s15], $0x80, v25, vm0, $0xb8;
	[tilespmem:$0x14100] =	vst v63  }
0x142: {  	_ = 	snop  }
0x143: {  	[tilespmem:s4], [sflag:$0x1] =	stream.indirect_vreg.gather [hbm4b:s5+s15], $0x80, v25, vm0, $0xb8;
	[tilespmem:$0x14100] =	vst v63  }
0x144: {  	_ = 	snop  }
0x145: {  	[tilespmem:s6], [sflag:$0x1] =	stream.indirect_vreg.gather [hbm4b:s3+s15], $0x80, v20, vm0, $0xb8;
	[tilespmem:$0x14100] =	vst v63  }
0x146: {  	_ = 	snop  }
0x147: {  	[tilespmem:s7], [sflag:$0x1] =	stream.indirect_vreg.gather [hbm4b:s5+s15], $0x80, v20, vm0, $0xb8;
	[tilespmem:$0x14100] =	vst v63  }
0x148: {  	v20 =	vld [tilespmem:$0x40];
	_ =	sdelay $0x4  }
0x149: {  	v25 =	vshll.u32 v20, $0x2  }
0x14a: {  	v20 =	vand.u32 $0x7, v20;
	v25 =	vand.u32 $0xFFFFFFE0, v25  }
0x14b: {  	v20 =	vor.u32 v20, v25  }
0x14c: {  	v25 =	vperm.xlane v20, v0;
	_ =	sdelay $0x1  }
0x14d: {  	v25 =	vadd.s32 v1, v25;
	_ =	sdelay $0x1  }
0x14e: {  	v20 =	vperm.xlane v20, v2;
	_ =	sdelay $0x1  }
0x14f: {  	v20 =	vadd.s32 v1, v20  }
0x150: {  	[tilespmem:s8], [sflag:$0x1] =	stream.indirect_vreg.gather [hbm4b:s3+s15], $0x80, v25, vm0, $0xb8;
	[tilespmem:$0x14100] =	vst v63  }
0x151: {  	_ = 	snop  }
0x152: {  	[tilespmem:s9], [sflag:$0x1] =	stream.indirect_vreg.gather [hbm4b:s5+s15], $0x80, v25, vm0, $0xb8;
	[tilespmem:$0x14100] =	vst v63  }
0x153: {  	_ = 	snop  }
0x154: {  	[tilespmem:s10], [sflag:$0x1] =	stream.indirect_vreg.gather [hbm4b:s3+s15], $0x80, v20, vm0, $0xb8;
	[tilespmem:$0x14100] =	vst v63  }
0x155: {  	_ = 	snop  }
0x156: {  	[tilespmem:s11], [sflag:$0x1] =	stream.indirect_vreg.gather [hbm4b:s5+s15], $0x80, v20, vm0, $0xb8;
	[tilespmem:$0x14100] =	vst v63  }
0x157: {  	_ =	swait.ge [sflag:s12], $0xA000  }
0x158: {  	[sflag:s12] =	ssyncset.done $0x0  }
0x159: {  	s21 =	rddreg [dreg:$0x8];
	[sflag:s12] =	ssyncadd.s32 $0xFFFF6000  }
0x15a: {  	[tilespmem:s13], [sflag:$0x2] =	stream.linear.gather [hbm4b:s21+s15], $0xA000, $0x38;
	[tilespmem:$0x14100] =	vst v63  }
0x15b: {  	_ =	swait.ge [sflag:s19], $0xA000  }
0x15c: {  	s22 =	sand.u32 $0xF000, s15;
	s15 =	sand.u32 $0x380, s15;
	[sflag:s19] =	ssyncset.done $0x0  }
0x15d: {  	s15 =	sor.u32 s15, s22;
	[sflag:s19] =	ssyncadd.s32 $0xFFFF6000  }
0x15e: {  	v20 =	vld [tilespmem:s15+$0xA8A0]  }
0x15f: {  	v30 =	vld [tilespmem:s15+$0xACF0]  }
0x160: {  	v27 =	vld [tilespmem:s15+$0xA8B0]  }
0x161: {  	v25 =	vld [tilespmem:s15+$0x8B0]  }
0x162: {  	v31 =	vld [tilespmem:s15+$0xA4F0]  }
0x163: {  	v55 =	vld [tilespmem:s15+$0x4F0]  }
0x164: {  	v56 =	vld [tilespmem:s15+$0x80]  }
0x165: {  	v57 =	vld [tilespmem:s15+$0x4E0]  }
0x166: {  	v35 =	vld [tilespmem:s15+$0xA4D0]  }
0x167: {  	v36 =	vld [tilespmem:s15+$0x4D0]  }
0x168: {  	v37 =	vld [tilespmem:s15+$0xA4C0]  }
0x169: {  	v38 =	vld [tilespmem:s15+$0xA4B0]  }
0x16a: {  	v39 =	vld [tilespmem:s15+$0x4C0]  }
0x16b: {  	v29 =	vld [tilespmem:s15+$0x490]  }
0x16c: {  	v40 =	vld [tilespmem:s15+$0x4B0]  }
0x16d: {  	v41 =	vld [tilespmem:s15+$0xA480]  }
0x16e: {  	v42 =	vld [tilespmem:s15+$0x480]  }
0x16f: {  	v43 =	vld [tilespmem:s15+$0xA0F0]  }
0x170: {  	v5 =	vadd.f32 v24, v5;
	v12 =	vadd.f32 v12, v17;
	v44 =	vld [tilespmem:s15+$0xF0]  }
0x171: {  	v13 =	vadd.f32 v13, v15;
	v6 =	vmul.f32 v6, v6;
	v19 =	vmul.f32 v19, v19;
	v46 =	vld [tilespmem:s15+$0xA0E0]  }
0x172: {  	v16 =	vmul.f32 v16, v16;
	v11 =	vadd.f32 v22, v11;
	v21 =	vmul.f32 v21, v21;
	v59 =	vld [tilespmem:s15+$0xE0]  }
0x173: {  	v5 =	vadd.f32 v7, v5;
	v9 =	vadd.f32 v19, v9;
	v19 =	vmul.f32 v28, v28;
	v17 =	vld [tilespmem:s15+$0xA8F0]  }
0x174: {  	v8 =	vmul.f32 v8, v8;
	v14 =	vadd.f32 v16, v14;
	v11 =	vadd.f32 v21, v11;
	v60 =	vld [tilespmem:s15+$0xA080]  }
0x175: {  	v6 =	vadd.f32 v6, v5;
	v10 =	vadd.f32 v19, v10;
	v15 =	vld [tilespmem:s15+$0x8F0]  }
0x176: {  	v8 =	vadd.f32 v8, v11;
	v62 =	vld [tilespmem:s15+$0xA4E0];
	v25 =	vsub.f32 v25, v27  }
0x177: {  	v48 =	vld [tilespmem:s15+$0x880];
	v42 =	vsub.f32 v42, v41;
	v44 =	vsub.f32 v44, v43  }
0x178: {  	v58 =	vld [tilespmem:s15+$0xA880];
	v40 =	vsub.f32 v40, v38;
	v28 =	vsub.f32 v36, v35  }
0x179: {  	v24 =	vld [tilespmem:s15+$0xA8D0];
	v16 =	vsub.f32 v59, v46;
	v5 =	vsub.f32 v39, v37  }
0x17a: {  	v7 =	vld [tilespmem:s15+$0x8D0];
	v15 =	vsub.f32 v15, v17;
	v33 =	vsub.f32 v56, v60  }
0x17b: {  	v61 =	vld [tilespmem:s15+$0xACE0];
	v32 =	vsub.f32 v55, v31;
	v34 =	vsub.f32 v57, v62  }
0x17c: {  	v49 =	vld [tilespmem:s15+$0xCE0];
	v27 =	vadd.f32 v25, v27;
	v41 =	vadd.f32 v42, v41  }
0x17d: {  	v51 =	vld [tilespmem:s15+$0xA890];
	v43 =	vadd.f32 v44, v43;
	v22 =	vadd.f32 v40, v38  }
0x17e: {  	v4 =	vmul.f32 v4, v4;
	v21 =	vld [tilespmem:s15+$0x90];
	v19 =	vadd.f32 v28, v35;
	v50 =	vadd.f32 v16, v46  }
0x17f: {  	v23 =	vmul.f32 v23, v23;
	v52 =	vld [tilespmem:s15+$0xAC90];
	v17 =	vadd.f32 v15, v17;
	v55 =	vadd.f32 v34, v62  }
0x180: {  	v53 =	vld [tilespmem:s15+$0xA0];
	v11 =	vmul.f32 v33, v33;
	[tilespmem:s15+$0x4B0] =	vst v22;
	v22 =	vsub.f32 v48, v58;
	v48 =	vadd.f32 v4, v9  }
0x181: {  	v16 =	vmul.f32 v16, v16;
	[tilespmem:s15+$0x8B0] =	vst v27;
	v27 =	vld [tilespmem:s15+$0xA490];
	v9 =	vsub.f32 v7, v24;
	v4 =	vadd.f32 v23, v6  }
0x182: {  	[tilespmem:s15+$0x4D0] =	vst v19;
	v19 =	vld [tilespmem:s15+$0x890];
	v6 =	vmul.f32 v26, v26;
	v7 =	vadd.f32 v5, v37;
	v10 =	vadd.f32 v11, v10  }
0x183: {  	v56 =	vmul.f32 v42, v42;
	v26 =	vld [tilespmem:s15+$0xCF0];
	v11 =	vadd.f32 v16, v8;
	v63 =	vadd.f32 v22, v58  }
0x184: {  	v18 =	vmul.f32 v18, v18;
	v23 =	vld [tilespmem:s15+$0xA090];
	[tilespmem:s15+$0x8F0] =	vst v17;
	v24 =	vadd.f32 v9, v24;
	v6 =	vadd.f32 v6, v48  }
0x185: {  	v17 =	vld [tilespmem:s15+$0xC90];
	[tilespmem:s15+$0x4C0] =	vst v7;
	v7 =	vsub.f32 v49, v61;
	v10 =	vadd.f32 v56, v10  }
0x186: {  	v57 =	vld [tilespmem:s15+$0xC0];
	[tilespmem:s15+$0x8D0] =	vst v24;
	v24 =	vadd.f32 v33, v60;
	v6 =	vadd.f32 v18, v6  }
0x187: {  	v59 =	vld [tilespmem:s15+$0xACB0];
	v18 =	vadd.f32 v7, v61;
	v45 =	vsub.f32 v29, v27  }
0x188: {  	v16 =	vld [tilespmem:s15+$0x4A0];
	v54 =	vsub.f32 v26, v30;
	v26 =	vadd.f32 v32, v31  }
0x189: {  	v29 =	vld [tilespmem:s15+$0xA0B0];
	v21 =	vsub.f32 v21, v23;
	v19 =	vsub.f32 v19, v51  }
0x18a: {  	v15 =	vmul.f32 v15, v15;
	v31 =	vld [tilespmem:s15+$0xB0];
	v17 =	vsub.f32 v17, v52;
	[tilespmem:s15+$0x80] =	vst v24;
	v47 =	vadd.f32 v45, v27  }
0x18b: {  	v24 =	vld [tilespmem:s15+$0xA0A0];
	[tilespmem:s15+$0x4F0] =	vst v26;
	v26 =	vmul.f32 v44, v44;
	v23 =	vadd.f32 v21, v23;
	v8 =	vmul.f32 v21, v21  }
0x18c: {  	v30 =	vadd.f32 v54, v30;
	v21 =	vmul.f32 v22, v22;
	v22 =	vld [tilespmem:s15+$0xA4A0];
	v60 =	vadd.f32 v19, v51  }
0x18d: {  	v58 =	vld [tilespmem:s15+$0xCB0];
	[tilespmem:s15+$0x90] =	vst v23;
	v12 =	vadd.f32 v26, v12;
	v3 =	vadd.f32 v8, v3;
	v23 =	vmul.f32 v45, v45  }
0x18e: {  	[tilespmem:s15+$0x480] =	vst v41;
	v61 =	vld [tilespmem:s15+$0xD0];
	v32 =	vmul.f32 v32, v32;
	v26 =	vadd.f32 v17, v52;
	v8 =	vadd.f32 v21, v10  }
0x18f: {  	[tilespmem:s15+$0xF0] =	vst v43;
	v10 =	vmul.f32 v19, v19;
	v19 =	vld [tilespmem:s15+$0x8A0];
	v31 =	vsub.f32 v31, v29;
	v3 =	vadd.f32 v23, v3  }
0x190: {  	v25 =	vmul.f32 v25, v25;
	[tilespmem:s15+$0xE0] =	vst v50;
	v27 =	vld [tilespmem:s15+$0xA0D0];
	v12 =	vadd.f32 v32, v12;
	v23 =	vsub.f32 v53, v24  }
0x191: {  	v62 =	vld [tilespmem:s15+$0xCA0];
	[tilespmem:s15+$0xC90] =	vst v26;
	v26 =	vmul.f32 v31, v31;
	v16 =	vsub.f32 v16, v22;
	v3 =	vadd.f32 v10, v3  }
0x192: {  	[tilespmem:s15+$0x4E0] =	vst v55;
	v21 =	vld [tilespmem:s15+$0xACA0];
	v10 =	vmul.f32 v17, v17;
	v17 =	vadd.f32 v31, v29;
	v24 =	vadd.f32 v23, v24  }
0x193: {  	[tilespmem:s15+$0xCE0] =	vst v18;
	v18 =	vld [tilespmem:s15+$0xA0C0];
	v29 =	vmul.f32 v23, v23;
	v31 =	vsub.f32 v58, v59;
	v13 =	vadd.f32 v26, v13  }
0x194: {  	[tilespmem:s15+$0xCF0] =	vst v30;
	v30 =	vmul.f32 v40, v40;
	v32 =	vld [tilespmem:s15+$0xCD0];
	v19 =	vsub.f32 v19, v20;
	v3 =	vadd.f32 v10, v3  }
0x195: {  	v23 =	vld [tilespmem:s15+$0xC80];
	[tilespmem:s15+$0xB0] =	vst v17;
	v17 =	vmul.f32 v16, v16;
	v14 =	vadd.f32 v29, v14;
	v29 =	vsub.f32 v61, v27  }
0x196: {  	[tilespmem:s15+$0x880] =	vst v63;
	v26 =	vld [tilespmem:s15+$0xAC80];
	v10 =	vmul.f32 v28, v28;
	v33 =	vadd.f32 v31, v59;
	v28 =	vadd.f32 v16, v22  }
0x197: {  	[tilespmem:s15+$0xA0] =	vst v24;
	v24 =	vld [tilespmem:s15+$0xA8C0];
	v16 =	vsub.f32 v62, v21;
	v30 =	vadd.f32 v30, v13;
	v13 =	vmul.f32 v31, v31  }
0x198: {  	[tilespmem:s15+$0x490] =	vst v47;
	v22 =	vadd.f32 v19, v20;
	v31 =	vld [tilespmem:s15+$0xACD0];
	v63 =	vmul.f32 v19, v19;
	v19 =	vsub.f32 v57, v18  }
0x199: {  	[tilespmem:s15+$0x890] =	vst v60;
	v20 =	vld [tilespmem:s15+$0x8C0];
	v14 =	vadd.f32 v17, v14;
	v17 =	vadd.f32 v15, v12  }
0x19a: {  	v12 =	vmul.f32 v54, v54;
	[tilespmem:s15+$0xCB0] =	vst v33;
	v15 =	vadd.f32 v25, v30;
	v30 =	vadd.f32 v29, v27;
	v27 =	vld [tilespmem:s15+$0x8E0]  }
0x19b: {  	s16 =	simm.s32 $0x80;
	s21 =	simm.s32 $0x200;
	v25 =	vmul.f32 v29, v29;
	[tilespmem:s15+$0x8A0] =	vst v22;
	v22 =	vmul.f32 v34, v34;
	v29 =	vld [tilespmem:s15+$0xA8E0];
	v14 =	vadd.f32 v63, v14  }
.LBB2_4:
0x19c: {  	s17 =	smov.u32 s21  }
0x19d: {  	s18 =	sand.u32 $0xF000, s21;
	s22 =	sand.u32 $0x380, s16;
	v4 =	vadd.f32 v25, v4;
	[tilespmem:s15+$0x4A0] =	vst v28;
	v23 =	vsub.f32 v23, v26;
	v25 =	vld [tilespmem:s15+$0xCC0];
	s17 =	sadd.s32 $0x200, s21  }
0x19e: {  	p0 =	sne.s32 s21, $0x9E00;
	v17 =	vadd.f32 v12, v17;
	s18 =	sor.u32 s22, s18;
	v28 =	vmul.f32 v19, v19;
	v22 =	vadd.f32 v22, v11;
	v33 =	vld [tilespmem:s15+$0xACC0]  }
0x19f: {  	v9 =	vmul.f32 v9, v9;
	v4 =	vadd.f32 v10, v4;
	v10 =	vsub.f32 v32, v31;
	v11 =	vld [tilespmem:s18+$0x90]  }
0x1a0: {  	v18 =	vadd.f32 v19, v18;
	v19 =	vmul.f32 v23, v23;
	v6 =	vadd.f32 v28, v6;
	v12 =	vld [tilespmem:s18+$0xA8A0]  }
0x1a1: {  	v21 =	vadd.f32 v16, v21;
	v23 =	vadd.f32 v23, v26;
	v26 =	vmul.f32 v10, v10;
	v28 =	vld [tilespmem:s18+$0xACF0]  }
0x1a2: {  	v16 =	vmul.f32 v16, v16;
	v13 =	vadd.f32 v13, v15;
	v10 =	vadd.f32 v10, v31;
	v32 =	vld [tilespmem:s18+$0xA8B0];
	[tilespmem:s15+$0xC0] =	vst v18  }
0x1a3: {  	v5 =	vmul.f32 v5, v5;
	v8 =	vadd.f32 v19, v8;
	v15 =	vld [tilespmem:s18+$0x8B0];
	[tilespmem:s15+$0xC80] =	vst v23;
	v19 =	vsub.f32 v25, v33  }
0x1a4: {  	v14 =	vadd.f32 v16, v14;
	v4 =	vadd.f32 v9, v4;
	v23 =	vld [tilespmem:s18+$0xCF0];
	[tilespmem:s15+$0xD0] =	vst v30  }
0x1a5: {  	v7 =	vmul.f32 v7, v7;
	v5 =	vadd.f32 v5, v6;
	v25 =	vld [tilespmem:s18+$0xCE0];
	v6 =	vadd.f32 v19, v33;
	[tilespmem:s15+$0xCD0] =	vst v10  }
0x1a6: {  	v9 =	vsub.f32 v20, v24;
	v10 =	vsub.f32 v27, v29;
	v18 =	vld [tilespmem:s18+$0xA4F0];
	[tilespmem:s15+$0xCA0] =	vst v21  }
0x1a7: {  	v4 =	vadd.f32 v26, v4;
	v27 =	vld [tilespmem:s18+$0x4F0];
	[tilespmem:s15+$0xCC0] =	vst v6;
	v6 =	vmul.f32 v19, v19  }
0x1a8: {  	v19 =	vmul.f32 v9, v9;
	v20 =	vadd.f32 v10, v29;
	v10 =	vmul.f32 v10, v10;
	v26 =	vld [tilespmem:s18+$0x80]  }
0x1a9: {  	v9 =	vadd.f32 v9, v24;
	v29 =	vld [tilespmem:s18+$0x4E0];
	v16 =	vsub.f32 v23, v28  }
0x1aa: {  	v5 =	vadd.f32 v19, v5;
	v10 =	vadd.f32 v10, v22;
	v23 =	vld [tilespmem:s18+$0xA4D0];
	[tilespmem:s15+$0x8E0] =	vst v20  }
0x1ab: {  	v15 =	vsub.f32 v15, v32;
	v22 =	vld [tilespmem:s18+$0x4D0];
	v20 =	vadd.f32 v16, v28;
	[tilespmem:s15+$0x8C0] =	vst v9;
	s15 =	smov.u32 s18  }
0x1ac: {  	v6 =	vadd.f32 v6, v5;
	v24 =	vadd.f32 v7, v10;
	v9 =	vld [tilespmem:s15+$0xA4C0]  }
0x1ad: {  	v7 =	vadd.f32 v15, v32;
	v5 =	vld [tilespmem:s15+$0x4C0]  }
0x1ae: {  	v10 =	vld [tilespmem:s15+$0xA4B0]  }
0x1af: {  	v28 =	vld [tilespmem:s15+$0x4B0];
	[tilespmem:s15+$0x8B0] =	vst v7  }
0x1b0: {  	v7 =	vld [tilespmem:s15+$0xA490]  }
0x1b1: {  	v21 =	vld [tilespmem:s15+$0xA0B0]  }
0x1b2: {  	v19 =	vld [tilespmem:s15+$0x490]  }
0x1b3: {  	v30 =	vld [tilespmem:s15+$0xA480]  }
0x1b4: {  	v31 =	vld [tilespmem:s15+$0x480]  }
0x1b5: {  	v32 =	vld [tilespmem:s15+$0xA0F0]  }
0x1b6: {  	v33 =	vld [tilespmem:s15+$0xF0]  }
0x1b7: {  	v34 =	vld [tilespmem:s15+$0xA0E0];
	v35 =	vsub.f32 v19, v7  }
0x1b8: {  	v19 =	vld [tilespmem:s15+$0xA0D0]  }
0x1b9: {  	v36 =	vld [tilespmem:s15+$0xE0];
	v31 =	vsub.f32 v31, v30;
	v7 =	vadd.f32 v35, v7  }
0x1ba: {  	v37 =	vld [tilespmem:s15+$0x880]  }
0x1bb: {  	v28 =	vsub.f32 v28, v10;
	v33 =	vsub.f32 v33, v32;
	[tilespmem:s15+$0x490] =	vst v7;
	v7 =	vld [tilespmem:s15+$0xA880]  }
0x1bc: {  	v30 =	vadd.f32 v31, v30;
	v38 =	vld [tilespmem:s15+$0xA8D0]  }
0x1bd: {  	v5 =	vsub.f32 v5, v9;
	v32 =	vadd.f32 v33, v32;
	v33 =	vmul.f32 v33, v33;
	v39 =	vld [tilespmem:s15+$0x8D0]  }
0x1be: {  	v10 =	vadd.f32 v28, v10;
	v36 =	vsub.f32 v36, v34;
	[tilespmem:s15+$0x480] =	vst v30;
	v30 =	vld [tilespmem:s15+$0xA8F0]  }
0x1bf: {  	v22 =	vsub.f32 v22, v23;
	[tilespmem:s15+$0xF0] =	vst v32;
	v32 =	vld [tilespmem:s15+$0x8F0]  }
0x1c0: {  	v42 =	vadd.f32 v5, v9;
	v40 =	vld [tilespmem:s15+$0xA080];
	v41 =	vmul.f32 v36, v36;
	[tilespmem:s15+$0x4B0] =	vst v10;
	v37 =	vsub.f32 v37, v7  }
0x1c1: {  	v23 =	vadd.f32 v22, v23;
	v34 =	vadd.f32 v36, v34;
	v10 =	vmul.f32 v22, v22;
	v22 =	vld [tilespmem:s15+$0xACE0]  }
0x1c2: {  	v36 =	vld [tilespmem:s15+$0xA4E0];
	v7 =	vadd.f32 v37, v7;
	v9 =	vsub.f32 v39, v38  }
0x1c3: {  	[tilespmem:s15+$0x4D0] =	vst v23;
	v23 =	vsub.f32 v27, v18;
	v27 =	vld [tilespmem:s15+$0x890]  }
0x1c4: {  	[tilespmem:s15+$0x880] =	vst v7;
	v39 =	vld [tilespmem:s15+$0xA890];
	v38 =	vadd.f32 v9, v38;
	v32 =	vsub.f32 v32, v30  }
0x1c5: {  	v26 =	vsub.f32 v26, v40;
	v43 =	vld [tilespmem:s15+$0xA090];
	[tilespmem:s15+$0xE0] =	vst v34;
	v34 =	vmul.f32 v23, v23  }
0x1c6: {  	[tilespmem:s15+$0x4C0] =	vst v42;
	v30 =	vadd.f32 v32, v30;
	v42 =	vld [tilespmem:s15+$0xC90];
	v7 =	vsub.f32 v25, v22  }
0x1c7: {  	v25 =	vadd.f32 v26, v40;
	v26 =	vmul.f32 v26, v26;
	v29 =	vsub.f32 v29, v36;
	[tilespmem:s15+$0x8D0] =	vst v38;
	v38 =	vld [tilespmem:s15+$0xAC90]  }
0x1c8: {  	v40 =	vld [tilespmem:s15+$0xA0];
	[tilespmem:s15+$0x8F0] =	vst v30;
	v22 =	vadd.f32 v7, v22  }
0x1c9: {  	v18 =	vadd.f32 v23, v18;
	[tilespmem:s15+$0x80] =	vst v25;
	v25 =	vld [tilespmem:s15+$0xA0A0];
	v23 =	vsub.f32 v27, v39  }
0x1ca: {  	v30 =	vmul.f32 v31, v31;
	v8 =	vadd.f32 v26, v8;
	v26 =	vsub.f32 v11, v43;
	v27 =	vld [tilespmem:s15+$0xB0];
	[tilespmem:s15+$0xCE0] =	vst v22  }
0x1cb: {  	v31 =	vmul.f32 v37, v37;
	v11 =	vadd.f32 v41, v24;
	v24 =	vadd.f32 v29, v36;
	v22 =	vld [tilespmem:s15+$0xC0];
	[tilespmem:s15+$0x4F0] =	vst v18  }
0x1cc: {  	v8 =	vadd.f32 v30, v8;
	v36 =	vadd.f32 v26, v43;
	v26 =	vmul.f32 v26, v26;
	v30 =	vld [tilespmem:s15+$0x4A0]  }
0x1cd: {  	v17 =	vadd.f32 v33, v17;
	v18 =	vld [tilespmem:s15+$0xA0C0];
	[tilespmem:s15+$0x4E0] =	vst v24;
	v24 =	vsub.f32 v42, v38  }
0x1ce: {  	v8 =	vadd.f32 v31, v8;
	[tilespmem:s15+$0x90] =	vst v36;
	v3 =	vadd.f32 v26, v3;
	v26 =	vmul.f32 v35, v35;
	v33 =	vld [tilespmem:s15+$0xA4A0]  }
0x1cf: {  	v28 =	vmul.f32 v28, v28;
	v17 =	vadd.f32 v34, v17;
	v31 =	vadd.f32 v24, v38;
	v34 =	vld [tilespmem:s15+$0xCB0]  }
0x1d0: {  	v27 =	vsub.f32 v27, v21;
	v3 =	vadd.f32 v26, v3;
	v26 =	vmul.f32 v23, v23;
	v35 =	vld [tilespmem:s15+$0xACB0]  }
0x1d1: {  	v36 =	vsub.f32 v40, v25;
	v23 =	vadd.f32 v23, v39;
	v37 =	vld [tilespmem:s15+$0x8A0];
	[tilespmem:s15+$0xC90] =	vst v31  }
0x1d2: {  	v24 =	vmul.f32 v24, v24;
	v31 =	vmul.f32 v27, v27;
	v38 =	vld [tilespmem:s15+$0xD0];
	v3 =	vadd.f32 v26, v3  }
0x1d3: {  	v27 =	vadd.f32 v27, v21;
	v26 =	vmul.f32 v36, v36;
	v30 =	vsub.f32 v30, v33;
	[tilespmem:s15+$0x890] =	vst v23;
	v39 =	vld [tilespmem:s15+$0xCA0]  }
0x1d4: {  	v25 =	vadd.f32 v36, v25;
	v3 =	vadd.f32 v24, v3;
	v21 =	vld [tilespmem:s15+$0xACA0];
	[tilespmem:s15+$0xCF0] =	vst v20  }
0x1d5: {  	v13 =	vadd.f32 v31, v13;
	[tilespmem:s15+$0xB0] =	vst v27;
	v24 =	vmul.f32 v30, v30;
	v23 =	vld [tilespmem:s15+$0xC80];
	v27 =	vsub.f32 v34, v35  }
0x1d6: {  	v32 =	vmul.f32 v32, v32;
	v14 =	vadd.f32 v26, v14;
	v31 =	vsub.f32 v37, v12;
	v26 =	vld [tilespmem:s15+$0xAC80]  }
0x1d7: {  	v36 =	vadd.f32 v28, v13;
	v34 =	vsub.f32 v38, v19;
	v20 =	vld [tilespmem:s15+$0x8C0];
	v13 =	vmul.f32 v27, v27  }
.Ltmp1:
0x1d8: {  	v15 =	vmul.f32 v15, v15;
	v17 =	vadd.f32 v32, v17;
	v14 =	vadd.f32 v24, v14;
	[tilespmem:s15+$0xA0] =	vst v25;
	v24 =	vld [tilespmem:s15+$0xA8C0];
	(pc) =	sbr.rel @p0 .LBB2_4-.Ltmp1, $4  }
0x1d9: {  	v28 =	vadd.f32 v30, v33;
	v35 =	vadd.f32 v27, v35;
	v33 =	vmul.f32 v31, v31;
	v32 =	vld [tilespmem:s15+$0xCD0]  }
0x1da: {  	v15 =	vadd.f32 v15, v36;
	v37 =	vadd.f32 v31, v12;
	v12 =	vmul.f32 v16, v16;
	v31 =	vld [tilespmem:s15+$0xACD0]  }
0x1db: {  	v30 =	vadd.f32 v34, v19;
	v25 =	vmul.f32 v34, v34;
	v16 =	vsub.f32 v39, v21;
	v27 =	vld [tilespmem:s15+$0x8E0];
	[tilespmem:s15+$0xCB0] =	vst v35  }
0x1dc: {  	s16 =	sadd.s32 $0x80, s16;
	s21 =	smov.u32 s17;
	v19 =	vsub.f32 v22, v18;
	v22 =	vmul.f32 v29, v29;
	v14 =	vadd.f32 v33, v14;
	[tilespmem:s15+$0x8A0] =	vst v37;
	v29 =	vld [tilespmem:s15+$0xA8E0]  }
0x1dd: {  	v33 =	vld [tilespmem:s15+$0xCC0]  }
0x1de: {  	[tilespmem:s15+$0x4A0] =	vst v28;
	v34 =	vld [tilespmem:s15+$0xACC0];
	v28 =	vsub.f32 v23, v26  }
0x1df: {  	v55 =	vadd.f32 v16, v21  }
0x1e0: {  	[tilespmem:s15+$0xD0] =	vst v30;
	v23 =	vsub.f32 v32, v31;
	v26 =	vadd.f32 v28, v26  }
0x1e1: {  	v18 =	vadd.f32 v19, v18;
	[tilespmem:s15+$0xCA0] =	vst v55;
	v21 =	vsub.f32 v27, v29  }
0x1e2: {  	v31 =	vadd.f32 v23, v31;
	[tilespmem:s15+$0xC80] =	vst v26;
	v26 =	vsub.f32 v20, v24  }
0x1e3: {  	[tilespmem:s15+$0xC0] =	vst v18;
	v18 =	vsub.f32 v33, v34;
	v20 =	vadd.f32 v21, v29  }
0x1e4: {  	[tilespmem:s15+$0xCD0] =	vst v31;
	v24 =	vadd.f32 v26, v24  }
0x1e5: {  	v27 =	vadd.f32 v18, v34;
	[tilespmem:s15+$0x8E0] =	vst v20  }
0x1e6: {  	[tilespmem:s15+$0x8C0] =	vst v24  }
0x1e7: {  	s16 =	rddreg [dreg:$0x9];
	[tilespmem:s15+$0xCC0] =	vst v27;
	s15 =	simm.s32 $0x0  }
0x1e8: {  	[hbm4b:s16+s15] =	stream.linear.scatter [tilespmem:s20], [sflag:$0x2], $0xA000, $0x38;
	[tilespmem:$0x14100] =	vst v63  }
0x1e9: {  	_ =	swait.ge [sflag:s19], $0xA000  }
0x1ea: {  	[sflag:s19] =	ssyncset.done $0x0  }
0x1eb: {  	s22 =	rddreg [dreg:$0xa];
	[sflag:s19] =	ssyncadd.s32 $0xFFFF6000  }
0x1ec: {  	[tilespmem:s15], [sflag:$0x2] =	stream.linear.gather [hbm4b:s22+s15], $0x80, $0x38;
	[tilespmem:$0x14100] =	vst v63  }
0x1ed: {  	_ =	swait.ge [sflag:s19], $0x80  }
0x1ee: {  	[sflag:s19] =	ssyncset.done $0x0  }
0x1ef: {  	[sflag:s19] =	ssyncadd.s32 $0xFFFFFF80  }
0x1f0: {  	v20 =	vld [tilespmem:$0x0];
	_ =	sdelay $0x4  }
0x1f1: {  	v24 =	vshll.u32 v20, $0x2  }
0x1f2: {  	v20 =	vand.u32 $0x7, v20;
	v24 =	vand.u32 $0xFFFFFFE0, v24  }
0x1f3: {  	v20 =	vor.u32 v20, v24  }
0x1f4: {  	v24 =	vperm.xlane v20, v0;
	_ =	sdelay $0x1  }
0x1f5: {  	v24 =	vadd.s32 v1, v24;
	_ =	sdelay $0x1  }
0x1f6: {  	v20 =	vperm.xlane v20, v2;
	_ =	sdelay $0x1  }
0x1f7: {  	v20 =	vadd.s32 v1, v20  }
0x1f8: {  	[tilespmem:s20], [sflag:$0x1] =	stream.indirect_vreg.gather [hbm4b:s3+s15], $0x80, v24, vm0, $0xb8;
	[tilespmem:$0x14100] =	vst v63  }
0x1f9: {  	s17 =	simm.s32 $0x880  }
0x1fa: {  	[tilespmem:s17], [sflag:$0x1] =	stream.indirect_vreg.gather [hbm4b:s5+s15], $0x80, v24, vm0, $0xb8;
	[tilespmem:$0x14100] =	vst v63  }
0x1fb: {  	s18 =	simm.s32 $0x1080  }
0x1fc: {  	[tilespmem:s18], [sflag:$0x1] =	stream.indirect_vreg.gather [hbm4b:s3+s15], $0x80, v20, vm0, $0xb8;
	[tilespmem:$0x14100] =	vst v63  }
0x1fd: {  	_ = 	snop  }
0x1fe: {  	[tilespmem:s23], [sflag:$0x1] =	stream.indirect_vreg.gather [hbm4b:s5+s15], $0x80, v20, vm0, $0xb8;
	[tilespmem:$0x14100] =	vst v63  }
0x1ff: {  	v20 =	vld [tilespmem:$0x10];
	_ =	sdelay $0x4  }
0x200: {  	v24 =	vshll.u32 v20, $0x2  }
0x201: {  	v20 =	vand.u32 $0x7, v20;
	v24 =	vand.u32 $0xFFFFFFE0, v24  }
0x202: {  	v20 =	vor.u32 v20, v24  }
0x203: {  	v24 =	vperm.xlane v20, v0;
	_ =	sdelay $0x1  }
0x204: {  	v24 =	vadd.s32 v1, v24;
	_ =	sdelay $0x1  }
0x205: {  	v20 =	vperm.xlane v20, v2;
	_ =	sdelay $0x1  }
0x206: {  	v20 =	vadd.s32 v1, v20  }
0x207: {  	[tilespmem:s24], [sflag:$0x1] =	stream.indirect_vreg.gather [hbm4b:s3+s15], $0x80, v24, vm0, $0xb8;
	[tilespmem:$0x14100] =	vst v63  }
0x208: {  	_ = 	snop  }
0x209: {  	[tilespmem:s25], [sflag:$0x1] =	stream.indirect_vreg.gather [hbm4b:s5+s15], $0x80, v24, vm0, $0xb8;
	[tilespmem:$0x14100] =	vst v63  }
0x20a: {  	_ = 	snop  }
0x20b: {  	[tilespmem:s26], [sflag:$0x1] =	stream.indirect_vreg.gather [hbm4b:s3+s15], $0x80, v20, vm0, $0xb8;
	[tilespmem:$0x14100] =	vst v63  }
0x20c: {  	_ = 	snop  }
0x20d: {  	[tilespmem:s28], [sflag:$0x1] =	stream.indirect_vreg.gather [hbm4b:s5+s15], $0x80, v20, vm0, $0xb8;
	[tilespmem:$0x14100] =	vst v63  }
0x20e: {  	v20 =	vld [tilespmem:$0x20];
	_ =	sdelay $0x4  }
0x20f: {  	v24 =	vshll.u32 v20, $0x2  }
0x210: {  	v20 =	vand.u32 $0x7, v20;
	v24 =	vand.u32 $0xFFFFFFE0, v24  }
0x211: {  	v20 =	vor.u32 v20, v24  }
0x212: {  	v24 =	vperm.xlane v20, v0;
	_ =	sdelay $0x1  }
0x213: {  	v24 =	vadd.s32 v1, v24;
	_ =	sdelay $0x1  }
0x214: {  	v20 =	vperm.xlane v20, v2;
	_ =	sdelay $0x1  }
0x215: {  	v20 =	vadd.s32 v1, v20  }
0x216: {  	[tilespmem:s29], [sflag:$0x1] =	stream.indirect_vreg.gather [hbm4b:s3+s15], $0x80, v24, vm0, $0xb8;
	[tilespmem:$0x14100] =	vst v63  }
0x217: {  	_ = 	snop  }
0x218: {  	[tilespmem:s30], [sflag:$0x1] =	stream.indirect_vreg.gather [hbm4b:s5+s15], $0x80, v24, vm0, $0xb8;
	[tilespmem:$0x14100] =	vst v63  }
0x219: {  	_ = 	snop  }
0x21a: {  	[tilespmem:s31], [sflag:$0x1] =	stream.indirect_vreg.gather [hbm4b:s3+s15], $0x80, v20, vm0, $0xb8;
	[tilespmem:$0x14100] =	vst v63  }
0x21b: {  	_ = 	snop  }
0x21c: {  	[tilespmem:s0], [sflag:$0x1] =	stream.indirect_vreg.gather [hbm4b:s5+s15], $0x80, v20, vm0, $0xb8;
	[tilespmem:$0x14100] =	vst v63  }
0x21d: {  	v20 =	vld [tilespmem:$0x30];
	_ =	sdelay $0x4  }
0x21e: {  	v24 =	vshll.u32 v20, $0x2  }
0x21f: {  	v20 =	vand.u32 $0x7, v20;
	v24 =	vand.u32 $0xFFFFFFE0, v24  }
0x220: {  	v20 =	vor.u32 v20, v24  }
0x221: {  	v24 =	vperm.xlane v20, v0;
	_ =	sdelay $0x1  }
0x222: {  	v24 =	vadd.s32 v1, v24;
	_ =	sdelay $0x1  }
0x223: {  	v20 =	vperm.xlane v20, v2;
	_ =	sdelay $0x1  }
0x224: {  	v20 =	vadd.s32 v1, v20  }
0x225: {  	[tilespmem:s1], [sflag:$0x1] =	stream.indirect_vreg.gather [hbm4b:s3+s15], $0x80, v24, vm0, $0xb8;
	[tilespmem:$0x14100] =	vst v63  }
0x226: {  	_ = 	snop  }
0x227: {  	[tilespmem:s4], [sflag:$0x1] =	stream.indirect_vreg.gather [hbm4b:s5+s15], $0x80, v24, vm0, $0xb8;
	[tilespmem:$0x14100] =	vst v63  }
0x228: {  	_ = 	snop  }
0x229: {  	[tilespmem:s6], [sflag:$0x1] =	stream.indirect_vreg.gather [hbm4b:s3+s15], $0x80, v20, vm0, $0xb8;
	[tilespmem:$0x14100] =	vst v63  }
0x22a: {  	_ = 	snop  }
0x22b: {  	[tilespmem:s7], [sflag:$0x1] =	stream.indirect_vreg.gather [hbm4b:s5+s15], $0x80, v20, vm0, $0xb8;
	[tilespmem:$0x14100] =	vst v63  }
0x22c: {  	v20 =	vld [tilespmem:$0x40];
	_ =	sdelay $0x4  }
0x22d: {  	v24 =	vshll.u32 v20, $0x2  }
0x22e: {  	v20 =	vand.u32 $0x7, v20;
	v24 =	vand.u32 $0xFFFFFFE0, v24  }
0x22f: {  	v20 =	vor.u32 v20, v24  }
0x230: {  	v24 =	vperm.xlane v20, v0;
	_ =	sdelay $0x1  }
0x231: {  	v24 =	vadd.s32 v1, v24;
	_ =	sdelay $0x1  }
0x232: {  	v20 =	vperm.xlane v20, v2;
	_ =	sdelay $0x1  }
0x233: {  	v20 =	vadd.s32 v1, v20  }
0x234: {  	[tilespmem:s8], [sflag:$0x1] =	stream.indirect_vreg.gather [hbm4b:s3+s15], $0x80, v24, vm0, $0xb8;
	[tilespmem:$0x14100] =	vst v63  }
0x235: {  	_ = 	snop  }
0x236: {  	[tilespmem:s9], [sflag:$0x1] =	stream.indirect_vreg.gather [hbm4b:s5+s15], $0x80, v24, vm0, $0xb8;
	[tilespmem:$0x14100] =	vst v63  }
0x237: {  	_ = 	snop  }
0x238: {  	[tilespmem:s10], [sflag:$0x1] =	stream.indirect_vreg.gather [hbm4b:s3+s15], $0x80, v20, vm0, $0xb8;
	[tilespmem:$0x14100] =	vst v63  }
0x239: {  	_ = 	snop  }
0x23a: {  	[tilespmem:s11], [sflag:$0x1] =	stream.indirect_vreg.gather [hbm4b:s5+s15], $0x80, v20, vm0, $0xb8;
	[tilespmem:$0x14100] =	vst v63  }
0x23b: {  	_ =	swait.ge [sflag:s12], $0xA000  }
0x23c: {  	[sflag:s12] =	ssyncset.done $0x0  }
0x23d: {  	s21 =	rddreg [dreg:$0xb];
	[sflag:s12] =	ssyncadd.s32 $0xFFFF6000  }
0x23e: {  	[tilespmem:s13], [sflag:$0x2] =	stream.linear.gather [hbm4b:s21+s15], $0xA000, $0x38;
	[tilespmem:$0x14100] =	vst v63  }
0x23f: {  	_ =	swait.ge [sflag:s19], $0xA000  }
0x240: {  	s22 =	sand.u32 $0xF000, s15;
	s15 =	sand.u32 $0x380, s15;
	[sflag:s19] =	ssyncset.done $0x0  }
0x241: {  	s15 =	sor.u32 s15, s22;
	[sflag:s19] =	ssyncadd.s32 $0xFFFF6000  }
0x242: {  	v30 =	vld [tilespmem:s15+$0xACF0]  }
0x243: {  	v27 =	vld [tilespmem:s15+$0xA8B0]  }
0x244: {  	v24 =	vld [tilespmem:s15+$0x8B0]  }
0x245: {  	v31 =	vld [tilespmem:s15+$0xA4F0]  }
0x246: {  	v56 =	vld [tilespmem:s15+$0x4F0]  }
0x247: {  	v57 =	vld [tilespmem:s15+$0x80]  }
0x248: {  	v58 =	vld [tilespmem:s15+$0x4E0]  }
0x249: {  	v35 =	vld [tilespmem:s15+$0xA4D0]  }
0x24a: {  	v36 =	vld [tilespmem:s15+$0x4D0]  }
0x24b: {  	v37 =	vld [tilespmem:s15+$0xA4C0]  }
0x24c: {  	v38 =	vld [tilespmem:s15+$0xA4B0]  }
0x24d: {  	v39 =	vld [tilespmem:s15+$0x4C0]  }
0x24e: {  	v40 =	vld [tilespmem:s15+$0x4B0]  }
0x24f: {  	v41 =	vld [tilespmem:s15+$0xA480]  }
0x250: {  	v42 =	vld [tilespmem:s15+$0x480]  }
0x251: {  	v43 =	vld [tilespmem:s15+$0xA0F0]  }
0x252: {  	v44 =	vld [tilespmem:s15+$0xF0]  }
0x253: {  	v46 =	vld [tilespmem:s15+$0xA0E0]  }
0x254: {  	v4 =	vadd.f32 v25, v4;
	v12 =	vadd.f32 v12, v17;
	v9 =	vmul.f32 v9, v9;
	v60 =	vld [tilespmem:s15+$0xE0]  }
0x255: {  	v13 =	vadd.f32 v13, v15;
	v16 =	vmul.f32 v16, v16;
	v19 =	vmul.f32 v19, v19;
	v17 =	vld [tilespmem:s15+$0xA8F0]  }
0x256: {  	v5 =	vmul.f32 v5, v5;
	v11 =	vadd.f32 v22, v11;
	v21 =	vmul.f32 v21, v21;
	v61 =	vld [tilespmem:s15+$0xA080]  }
0x257: {  	v4 =	vadd.f32 v10, v4;
	v6 =	vadd.f32 v19, v6;
	v19 =	vmul.f32 v28, v28;
	v15 =	vld [tilespmem:s15+$0x8F0]  }
0x258: {  	v7 =	vmul.f32 v7, v7;
	v14 =	vadd.f32 v16, v14;
	v11 =	vadd.f32 v21, v11;
	v63 =	vld [tilespmem:s15+$0xA4E0]  }
0x259: {  	v4 =	vadd.f32 v9, v4;
	v19 =	vadd.f32 v19, v8;
	v49 =	vld [tilespmem:s15+$0xA090]  }
0x25a: {  	v6 =	vadd.f32 v5, v6;
	v7 =	vadd.f32 v7, v11;
	v50 =	vld [tilespmem:s15+$0xCF0]  }
0x25b: {  	v21 =	vld [tilespmem:s15+$0x90];
	v24 =	vsub.f32 v24, v27;
	v42 =	vsub.f32 v42, v41  }
0x25c: {  	v29 =	vld [tilespmem:s15+$0x490];
	v44 =	vsub.f32 v44, v43;
	v40 =	vsub.f32 v40, v38  }
0x25d: {  	v48 =	vld [tilespmem:s15+$0x880];
	v28 =	vsub.f32 v36, v35;
	v16 =	vsub.f32 v60, v46  }
0x25e: {  	v59 =	vld [tilespmem:s15+$0xA880];
	v5 =	vsub.f32 v39, v37;
	v15 =	vsub.f32 v15, v17  }
0x25f: {  	v25 =	vld [tilespmem:s15+$0xA8D0];
	v33 =	vsub.f32 v57, v61;
	v52 =	vsub.f32 v50, v30  }
0x260: {  	v10 =	vld [tilespmem:s15+$0x8D0];
	v34 =	vsub.f32 v58, v63;
	v21 =	vsub.f32 v21, v49  }
0x261: {  	v62 =	vld [tilespmem:s15+$0xACE0];
	v27 =	vadd.f32 v24, v27;
	v41 =	vadd.f32 v42, v41  }
0x262: {  	v51 =	vld [tilespmem:s15+$0xA0];
	v43 =	vadd.f32 v44, v43;
	v22 =	vadd.f32 v40, v38  }
0x263: {  	v53 =	vld [tilespmem:s15+$0xB0];
	v8 =	vadd.f32 v28, v35;
	v17 =	vadd.f32 v15, v17;
	[tilespmem:s15+$0x8B0] =	vst v27  }
0x264: {  	v58 =	vld [tilespmem:s15+$0xCB0];
	v30 =	vadd.f32 v52, v30;
	v11 =	vmul.f32 v33, v33;
	[tilespmem:s15+$0x4B0] =	vst v22;
	v22 =	vsub.f32 v48, v59  }
0x265: {  	v54 =	vadd.f32 v34, v63;
	v27 =	vld [tilespmem:s15+$0xA490];
	[tilespmem:s15+$0x4D0] =	vst v8;
	v8 =	vmul.f32 v23, v23;
	v48 =	vadd.f32 v16, v46  }
0x266: {  	v23 =	vld [tilespmem:s15+$0xCE0];
	v16 =	vmul.f32 v16, v16;
	v19 =	vadd.f32 v11, v19;
	v9 =	vadd.f32 v22, v59  }
0x267: {  	[tilespmem:s15+$0x8F0] =	vst v17;
	v17 =	vld [tilespmem:s15+$0xC90];
	v4 =	vadd.f32 v8, v4;
	v8 =	vmul.f32 v26, v26;
	v26 =	vadd.f32 v5, v37  }
0x268: {  	v37 =	vadd.f32 v21, v49;
	v11 =	vadd.f32 v16, v7;
	v7 =	vmul.f32 v21, v21;
	v16 =	vld [tilespmem:s15+$0x4A0]  }
0x269: {  	v21 =	vmul.f32 v22, v22;
	v22 =	vld [tilespmem:s15+$0xA4A0];
	[tilespmem:s15+$0x880] =	vst v9;
	v9 =	vsub.f32 v10, v25;
	v6 =	vadd.f32 v8, v6  }
0x26a: {  	v59 =	vld [tilespmem:s15+$0xACB0];
	[tilespmem:s15+$0x4C0] =	vst v26;
	v26 =	vsub.f32 v56, v31;
	v45 =	vsub.f32 v29, v27  }
0x26b: {  	v18 =	vmul.f32 v18, v18;
	v10 =	vld [tilespmem:s15+$0xA890];
	v3 =	vadd.f32 v7, v3;
	v25 =	vadd.f32 v9, v25  }
0x26c: {  	[tilespmem:s15+$0xCF0] =	vst v30;
	v56 =	vmul.f32 v42, v42;
	v29 =	vld [tilespmem:s15+$0xA0B0];
	v8 =	vsub.f32 v23, v62;
	v47 =	vadd.f32 v45, v27  }
0x26d: {  	v23 =	vadd.f32 v33, v61;
	v31 =	vadd.f32 v26, v31;
	[tilespmem:s15+$0x8D0] =	vst v25;
	v25 =	vld [tilespmem:s15+$0xAC90]  }
0x26e: {  	v6 =	vadd.f32 v18, v6;
	v19 =	vadd.f32 v56, v19;
	[tilespmem:s15+$0x490] =	vst v47;
	v47 =	vld [tilespmem:s15+$0x890]  }
0x26f: {  	v60 =	vld [tilespmem:s15+$0xD0];
	v18 =	vadd.f32 v8, v62;
	v30 =	vsub.f32 v58, v59;
	[tilespmem:s15+$0x4F0] =	vst v31;
	v31 =	vmul.f32 v44, v44  }
0x270: {  	[tilespmem:s15+$0x90] =	vst v37;
	v27 =	vld [tilespmem:s15+$0xA0D0];
	v16 =	vsub.f32 v16, v22;
	v7 =	vadd.f32 v21, v19  }
0x271: {  	[tilespmem:s15+$0x80] =	vst v23;
	v23 =	vld [tilespmem:s15+$0xA0A0];
	v37 =	vadd.f32 v30, v59;
	v12 =	vadd.f32 v31, v12;
	v31 =	vmul.f32 v45, v45  }
0x272: {  	v20 =	vld [tilespmem:s15+$0xA8A0];
	v26 =	vmul.f32 v26, v26;
	v33 =	vsub.f32 v53, v29;
	v17 =	vsub.f32 v17, v25  }
0x273: {  	v32 =	vld [tilespmem:s15+$0xCD0];
	v3 =	vadd.f32 v31, v3;
	v55 =	vsub.f32 v47, v10  }
0x274: {  	v61 =	vld [tilespmem:s15+$0xCA0];
	v12 =	vadd.f32 v26, v12;
	v26 =	vmul.f32 v33, v33;
	v25 =	vadd.f32 v17, v25  }
0x275: {  	[tilespmem:s15+$0x480] =	vst v41;
	v21 =	vld [tilespmem:s15+$0xACA0];
	v62 =	vsub.f32 v60, v27;
	v10 =	vadd.f32 v55, v10;
	v19 =	vmul.f32 v55, v55  }
0x276: {  	v15 =	vmul.f32 v15, v15;
	v31 =	vld [tilespmem:s15+$0x8A0];
	v13 =	vadd.f32 v26, v13;
	[tilespmem:s15+$0xC90] =	vst v25;
	v25 =	vsub.f32 v51, v23  }
0x277: {  	v57 =	vld [tilespmem:s15+$0xC0];
	[tilespmem:s15+$0x890] =	vst v10;
	v3 =	vadd.f32 v19, v3;
	v10 =	vmul.f32 v17, v17;
	v17 =	vadd.f32 v33, v29  }
0x278: {  	[tilespmem:s15+$0xCE0] =	vst v18;
	v18 =	vld [tilespmem:s15+$0xA0C0];
	v29 =	vmul.f32 v40, v40;
	v19 =	vmul.f32 v25, v25;
	v25 =	vadd.f32 v25, v23  }
0x279: {  	[tilespmem:s15+$0xF0] =	vst v43;
	v26 =	vld [tilespmem:s15+$0xAC80];
	v3 =	vadd.f32 v10, v3;
	v10 =	vmul.f32 v28, v28;
	v28 =	vadd.f32 v16, v22  }
0x27a: {  	v23 =	vld [tilespmem:s15+$0xC80];
	[tilespmem:s15+$0xB0] =	vst v17;
	v17 =	vmul.f32 v16, v16;
	v16 =	vsub.f32 v61, v21;
	v14 =	vadd.f32 v19, v14  }
0x27b: {  	v24 =	vmul.f32 v24, v24;
	v19 =	vsub.f32 v31, v20;
	[tilespmem:s15+$0xA0] =	vst v25;
	v25 =	vadd.f32 v29, v13;
	v29 =	vld [tilespmem:s15+$0xA8C0]  }
0x27c: {  	[tilespmem:s15+$0x4E0] =	vst v54;
	v13 =	vmul.f32 v30, v30;
	v31 =	vld [tilespmem:s15+$0xACD0];
	v30 =	vadd.f32 v62, v27;
	v14 =	vadd.f32 v17, v14  }
0x27d: {  	[tilespmem:s15+$0xE0] =	vst v48;
	v27 =	vld [tilespmem:s15+$0xA8E0];
	v17 =	vadd.f32 v15, v12;
	v22 =	vadd.f32 v19, v20;
	v63 =	vmul.f32 v19, v19  }
0x27e: {  	[tilespmem:s15+$0xCB0] =	vst v37;
	v20 =	vld [tilespmem:s15+$0x8C0];
	v15 =	vadd.f32 v24, v25;
	v12 =	vmul.f32 v52, v52;
	v25 =	vmul.f32 v62, v62  }
0x27f: {  	s16 =	simm.s32 $0x80;
	s21 =	simm.s32 $0x200;
	v24 =	vld [tilespmem:s15+$0x8E0];
	v19 =	vsub.f32 v57, v18;
	[tilespmem:s15+$0x8A0] =	vst v22;
	v22 =	vmul.f32 v34, v34;
	v14 =	vadd.f32 v63, v14  }
.LBB2_6:
0x280: {  	s17 =	smov.u32 s21  }
0x281: {  	s18 =	sand.u32 $0xF000, s21;
	s22 =	sand.u32 $0x380, s16;
	v4 =	vadd.f32 v25, v4;
	[tilespmem:s15+$0x4A0] =	vst v28;
	v23 =	vsub.f32 v23, v26;
	v25 =	vld [tilespmem:s15+$0xCC0];
	s17 =	sadd.s32 $0x200, s21  }
0x282: {  	p0 =	sne.s32 s21, $0x9E00;
	v17 =	vadd.f32 v12, v17;
	s18 =	sor.u32 s22, s18;
	v28 =	vmul.f32 v19, v19;
	v22 =	vadd.f32 v22, v11;
	v33 =	vld [tilespmem:s15+$0xACC0]  }
0x283: {  	v9 =	vmul.f32 v9, v9;
	v4 =	vadd.f32 v10, v4;
	v10 =	vsub.f32 v32, v31;
	v11 =	vld [tilespmem:s18+$0x90]  }
0x284: {  	v18 =	vadd.f32 v19, v18;
	v19 =	vmul.f32 v23, v23;
	v6 =	vadd.f32 v28, v6;
	v12 =	vld [tilespmem:s18+$0xA8A0]  }
0x285: {  	v21 =	vadd.f32 v16, v21;
	v23 =	vadd.f32 v23, v26;
	v26 =	vmul.f32 v10, v10;
	v28 =	vld [tilespmem:s18+$0xACF0]  }
0x286: {  	v16 =	vmul.f32 v16, v16;
	v13 =	vadd.f32 v13, v15;
	v10 =	vadd.f32 v10, v31;
	v32 =	vld [tilespmem:s18+$0xA8B0];
	[tilespmem:s15+$0xC0] =	vst v18  }
0x287: {  	v5 =	vmul.f32 v5, v5;
	v7 =	vadd.f32 v19, v7;
	v15 =	vld [tilespmem:s18+$0x8B0];
	[tilespmem:s15+$0xC80] =	vst v23;
	v19 =	vsub.f32 v25, v33  }
0x288: {  	v14 =	vadd.f32 v16, v14;
	v4 =	vadd.f32 v9, v4;
	v23 =	vld [tilespmem:s18+$0xCF0];
	[tilespmem:s15+$0xD0] =	vst v30  }
0x289: {  	v8 =	vmul.f32 v8, v8;
	v5 =	vadd.f32 v5, v6;
	v25 =	vld [tilespmem:s18+$0xCE0];
	v6 =	vadd.f32 v19, v33;
	[tilespmem:s15+$0xCD0] =	vst v10  }
0x28a: {  	v9 =	vsub.f32 v20, v29;
	v10 =	vsub.f32 v24, v27;
	v18 =	vld [tilespmem:s18+$0xA4F0];
	[tilespmem:s15+$0xCA0] =	vst v21  }
0x28b: {  	v4 =	vadd.f32 v26, v4;
	v24 =	vld [tilespmem:s18+$0x4F0];
	[tilespmem:s15+$0xCC0] =	vst v6;
	v6 =	vmul.f32 v19, v19  }
0x28c: {  	v19 =	vmul.f32 v9, v9;
	v20 =	vadd.f32 v10, v27;
	v10 =	vmul.f32 v10, v10;
	v26 =	vld [tilespmem:s18+$0x80]  }
0x28d: {  	v9 =	vadd.f32 v9, v29;
	v27 =	vld [tilespmem:s18+$0x4E0];
	v16 =	vsub.f32 v23, v28  }
0x28e: {  	v5 =	vadd.f32 v19, v5;
	v10 =	vadd.f32 v10, v22;
	v23 =	vld [tilespmem:s18+$0xA4D0];
	[tilespmem:s15+$0x8E0] =	vst v20  }
0x28f: {  	v15 =	vsub.f32 v15, v32;
	v22 =	vld [tilespmem:s18+$0x4D0];
	v20 =	vadd.f32 v16, v28;
	[tilespmem:s15+$0x8C0] =	vst v9;
	s15 =	smov.u32 s18  }
0x290: {  	v6 =	vadd.f32 v6, v5;
	v28 =	vadd.f32 v8, v10;
	v9 =	vld [tilespmem:s15+$0xA4C0]  }
0x291: {  	v8 =	vadd.f32 v15, v32;
	v5 =	vld [tilespmem:s15+$0x4C0]  }
0x292: {  	v10 =	vld [tilespmem:s15+$0xA4B0]  }
0x293: {  	v29 =	vld [tilespmem:s15+$0x4B0];
	[tilespmem:s15+$0x8B0] =	vst v8  }
0x294: {  	v8 =	vld [tilespmem:s15+$0xA490]  }
0x295: {  	v21 =	vld [tilespmem:s15+$0xA0B0]  }
0x296: {  	v19 =	vld [tilespmem:s15+$0x490]  }
0x297: {  	v30 =	vld [tilespmem:s15+$0xA480]  }
0x298: {  	v31 =	vld [tilespmem:s15+$0x480]  }
0x299: {  	v32 =	vld [tilespmem:s15+$0xA0F0]  }
0x29a: {  	v33 =	vld [tilespmem:s15+$0xF0]  }
0x29b: {  	v34 =	vld [tilespmem:s15+$0xA0E0];
	v35 =	vsub.f32 v19, v8  }
0x29c: {  	v19 =	vld [tilespmem:s15+$0xA0D0]  }
0x29d: {  	v36 =	vld [tilespmem:s15+$0xE0];
	v31 =	vsub.f32 v31, v30;
	v8 =	vadd.f32 v35, v8  }
0x29e: {  	v37 =	vld [tilespmem:s15+$0x880]  }
0x29f: {  	v29 =	vsub.f32 v29, v10;
	v33 =	vsub.f32 v33, v32;
	[tilespmem:s15+$0x490] =	vst v8;
	v8 =	vld [tilespmem:s15+$0xA880]  }
0x2a0: {  	v30 =	vadd.f32 v31, v30;
	v38 =	vld [tilespmem:s15+$0xA8D0]  }
0x2a1: {  	v5 =	vsub.f32 v5, v9;
	v32 =	vadd.f32 v33, v32;
	v33 =	vmul.f32 v33, v33;
	v39 =	vld [tilespmem:s15+$0x8D0]  }
0x2a2: {  	v10 =	vadd.f32 v29, v10;
	v36 =	vsub.f32 v36, v34;
	[tilespmem:s15+$0x480] =	vst v30;
	v30 =	vld [tilespmem:s15+$0xA8F0]  }
0x2a3: {  	v22 =	vsub.f32 v22, v23;
	[tilespmem:s15+$0xF0] =	vst v32;
	v32 =	vld [tilespmem:s15+$0x8F0]  }
0x2a4: {  	v42 =	vadd.f32 v5, v9;
	v40 =	vld [tilespmem:s15+$0xA080];
	v41 =	vmul.f32 v36, v36;
	[tilespmem:s15+$0x4B0] =	vst v10;
	v37 =	vsub.f32 v37, v8  }
0x2a5: {  	v23 =	vadd.f32 v22, v23;
	v34 =	vadd.f32 v36, v34;
	v10 =	vmul.f32 v22, v22;
	v22 =	vld [tilespmem:s15+$0xACE0]  }
0x2a6: {  	v36 =	vld [tilespmem:s15+$0xA4E0];
	v8 =	vadd.f32 v37, v8;
	v9 =	vsub.f32 v39, v38  }
0x2a7: {  	[tilespmem:s15+$0x4D0] =	vst v23;
	v23 =	vsub.f32 v24, v18;
	v24 =	vld [tilespmem:s15+$0x890]  }
0x2a8: {  	[tilespmem:s15+$0x880] =	vst v8;
	v39 =	vld [tilespmem:s15+$0xA890];
	v38 =	vadd.f32 v9, v38;
	v32 =	vsub.f32 v32, v30  }
0x2a9: {  	v26 =	vsub.f32 v26, v40;
	v43 =	vld [tilespmem:s15+$0xA090];
	[tilespmem:s15+$0xE0] =	vst v34;
	v34 =	vmul.f32 v23, v23  }
0x2aa: {  	[tilespmem:s15+$0x4C0] =	vst v42;
	v30 =	vadd.f32 v32, v30;
	v42 =	vld [tilespmem:s15+$0xC90];
	v8 =	vsub.f32 v25, v22  }
0x2ab: {  	v25 =	vadd.f32 v26, v40;
	v26 =	vmul.f32 v26, v26;
	v27 =	vsub.f32 v27, v36;
	[tilespmem:s15+$0x8D0] =	vst v38;
	v38 =	vld [tilespmem:s15+$0xAC90]  }
0x2ac: {  	v40 =	vld [tilespmem:s15+$0xA0];
	[tilespmem:s15+$0x8F0] =	vst v30;
	v22 =	vadd.f32 v8, v22  }
0x2ad: {  	v18 =	vadd.f32 v23, v18;
	[tilespmem:s15+$0x80] =	vst v25;
	v25 =	vld [tilespmem:s15+$0xA0A0];
	v23 =	vsub.f32 v24, v39  }
0x2ae: {  	v30 =	vmul.f32 v31, v31;
	v7 =	vadd.f32 v26, v7;
	v24 =	vsub.f32 v11, v43;
	v26 =	vld [tilespmem:s15+$0xB0];
	[tilespmem:s15+$0xCE0] =	vst v22  }
0x2af: {  	v31 =	vmul.f32 v37, v37;
	v11 =	vadd.f32 v41, v28;
	v28 =	vadd.f32 v27, v36;
	v22 =	vld [tilespmem:s15+$0xC0];
	[tilespmem:s15+$0x4F0] =	vst v18  }
0x2b0: {  	v7 =	vadd.f32 v30, v7;
	v36 =	vadd.f32 v24, v43;
	v24 =	vmul.f32 v24, v24;
	v30 =	vld [tilespmem:s15+$0x4A0]  }
0x2b1: {  	v17 =	vadd.f32 v33, v17;
	v18 =	vld [tilespmem:s15+$0xA0C0];
	[tilespmem:s15+$0x4E0] =	vst v28;
	v28 =	vsub.f32 v42, v38  }
0x2b2: {  	v7 =	vadd.f32 v31, v7;
	[tilespmem:s15+$0x90] =	vst v36;
	v3 =	vadd.f32 v24, v3;
	v24 =	vmul.f32 v35, v35;
	v33 =	vld [tilespmem:s15+$0xA4A0]  }
0x2b3: {  	v29 =	vmul.f32 v29, v29;
	v17 =	vadd.f32 v34, v17;
	v31 =	vadd.f32 v28, v38;
	v34 =	vld [tilespmem:s15+$0xCB0]  }
0x2b4: {  	v26 =	vsub.f32 v26, v21;
	v3 =	vadd.f32 v24, v3;
	v24 =	vmul.f32 v23, v23;
	v35 =	vld [tilespmem:s15+$0xACB0]  }
0x2b5: {  	v36 =	vsub.f32 v40, v25;
	v23 =	vadd.f32 v23, v39;
	v37 =	vld [tilespmem:s15+$0x8A0];
	[tilespmem:s15+$0xC90] =	vst v31  }
0x2b6: {  	v31 =	vmul.f32 v26, v26;
	v38 =	vld [tilespmem:s15+$0xD0];
	v3 =	vadd.f32 v24, v3;
	v24 =	vmul.f32 v28, v28  }
0x2b7: {  	v26 =	vadd.f32 v26, v21;
	v28 =	vmul.f32 v36, v36;
	v30 =	vsub.f32 v30, v33;
	[tilespmem:s15+$0x890] =	vst v23;
	v39 =	vld [tilespmem:s15+$0xCA0]  }
0x2b8: {  	v25 =	vadd.f32 v36, v25;
	v3 =	vadd.f32 v24, v3;
	v21 =	vld [tilespmem:s15+$0xACA0];
	[tilespmem:s15+$0xCF0] =	vst v20  }
0x2b9: {  	v13 =	vadd.f32 v31, v13;
	[tilespmem:s15+$0xB0] =	vst v26;
	v24 =	vmul.f32 v30, v30;
	v23 =	vld [tilespmem:s15+$0xC80];
	v31 =	vsub.f32 v34, v35  }
0x2ba: {  	v14 =	vadd.f32 v28, v14;
	v28 =	vmul.f32 v32, v32;
	v34 =	vsub.f32 v37, v12;
	v26 =	vld [tilespmem:s15+$0xAC80]  }
0x2bb: {  	v37 =	vadd.f32 v29, v13;
	v36 =	vsub.f32 v38, v19;
	v20 =	vld [tilespmem:s15+$0x8C0];
	v13 =	vmul.f32 v31, v31  }
.Ltmp2:
0x2bc: {  	v15 =	vmul.f32 v15, v15;
	v17 =	vadd.f32 v28, v17;
	v14 =	vadd.f32 v24, v14;
	[tilespmem:s15+$0xA0] =	vst v25;
	v29 =	vld [tilespmem:s15+$0xA8C0];
	(pc) =	sbr.rel @p0 .LBB2_6-.Ltmp2, $4  }
0x2bd: {  	v28 =	vadd.f32 v30, v33;
	v35 =	vadd.f32 v31, v35;
	v33 =	vmul.f32 v34, v34;
	v32 =	vld [tilespmem:s15+$0xCD0]  }
0x2be: {  	v34 =	vadd.f32 v34, v12;
	v15 =	vadd.f32 v15, v37;
	v12 =	vmul.f32 v16, v16;
	v31 =	vld [tilespmem:s15+$0xACD0]  }
0x2bf: {  	v30 =	vadd.f32 v36, v19;
	v25 =	vmul.f32 v36, v36;
	v16 =	vsub.f32 v39, v21;
	v24 =	vld [tilespmem:s15+$0x8E0];
	[tilespmem:s15+$0xCB0] =	vst v35  }
0x2c0: {  	s16 =	sadd.s32 $0x80, s16;
	s21 =	smov.u32 s17;
	v19 =	vsub.f32 v22, v18;
	v22 =	vmul.f32 v27, v27;
	v14 =	vadd.f32 v33, v14;
	[tilespmem:s15+$0x8A0] =	vst v34;
	v27 =	vld [tilespmem:s15+$0xA8E0]  }
0x2c1: {  	v33 =	vld [tilespmem:s15+$0xCC0]  }
0x2c2: {  	v34 =	vld [tilespmem:s15+$0xACC0];
	_ =	sdelay $0x2  }
0x2c3: {  	[tilespmem:s15+$0x4A0] =	vst v28;
	v28 =	vsub.f32 v23, v26;
	v18 =	vadd.f32 v19, v18  }
0x2c4: {  	v56 =	vadd.f32 v16, v21;
	[tilespmem:s15+$0xD0] =	vst v30;
	v23 =	vsub.f32 v32, v31  }
0x2c5: {  	v26 =	vadd.f32 v28, v26;
	[tilespmem:s15+$0xC0] =	vst v18;
	v18 =	vsub.f32 v33, v34  }
0x2c6: {  	[tilespmem:s15+$0xCA0] =	vst v56;
	v31 =	vadd.f32 v23, v31;
	v21 =	vsub.f32 v24, v27  }
0x2c7: {  	[tilespmem:s15+$0xC80] =	vst v26;
	v26 =	vsub.f32 v20, v29;
	v24 =	vadd.f32 v18, v34  }
0x2c8: {  	[tilespmem:s15+$0xCD0] =	vst v31;
	v20 =	vadd.f32 v21, v27  }
0x2c9: {  	[tilespmem:s15+$0xCC0] =	vst v24;
	v24 =	vadd.f32 v26, v29  }
0x2ca: {  	[tilespmem:s15+$0x8E0] =	vst v20  }
0x2cb: {  	s16 =	rddreg [dreg:$0xc];
	[tilespmem:s15+$0x8C0] =	vst v24;
	s15 =	simm.s32 $0x0  }
0x2cc: {  	[hbm4b:s16+s15] =	stream.linear.scatter [tilespmem:s20], [sflag:$0x2], $0xA000, $0x38;
	[tilespmem:$0x14100] =	vst v63  }
0x2cd: {  	_ =	swait.ge [sflag:s19], $0xA000  }
0x2ce: {  	[sflag:s19] =	ssyncset.done $0x0  }
0x2cf: {  	s22 =	rddreg [dreg:$0xd];
	[sflag:s19] =	ssyncadd.s32 $0xFFFF6000  }
0x2d0: {  	[tilespmem:s15], [sflag:$0x2] =	stream.linear.gather [hbm4b:s22+s15], $0x80, $0x38;
	[tilespmem:$0x14100] =	vst v63  }
0x2d1: {  	_ =	swait.ge [sflag:s19], $0x80  }
0x2d2: {  	[sflag:s19] =	ssyncset.done $0x0  }
0x2d3: {  	[sflag:s19] =	ssyncadd.s32 $0xFFFFFF80  }
0x2d4: {  	v20 =	vld [tilespmem:$0x0];
	_ =	sdelay $0x4  }
0x2d5: {  	v24 =	vshll.u32 v20, $0x2  }
0x2d6: {  	v20 =	vand.u32 $0x7, v20;
	v24 =	vand.u32 $0xFFFFFFE0, v24  }
0x2d7: {  	v20 =	vor.u32 v20, v24  }
0x2d8: {  	v24 =	vperm.xlane v20, v0;
	_ =	sdelay $0x1  }
0x2d9: {  	v24 =	vadd.s32 v1, v24;
	_ =	sdelay $0x1  }
0x2da: {  	v20 =	vperm.xlane v20, v2;
	_ =	sdelay $0x1  }
0x2db: {  	v20 =	vadd.s32 v1, v20  }
0x2dc: {  	[tilespmem:s20], [sflag:$0x1] =	stream.indirect_vreg.gather [hbm4b:s3+s15], $0x80, v24, vm0, $0xb8;
	[tilespmem:$0x14100] =	vst v63  }
0x2dd: {  	s17 =	simm.s32 $0x880  }
0x2de: {  	[tilespmem:s17], [sflag:$0x1] =	stream.indirect_vreg.gather [hbm4b:s5+s15], $0x80, v24, vm0, $0xb8;
	[tilespmem:$0x14100] =	vst v63  }
0x2df: {  	s18 =	simm.s32 $0x1080  }
0x2e0: {  	[tilespmem:s18], [sflag:$0x1] =	stream.indirect_vreg.gather [hbm4b:s3+s15], $0x80, v20, vm0, $0xb8;
	[tilespmem:$0x14100] =	vst v63  }
0x2e1: {  	_ = 	snop  }
0x2e2: {  	[tilespmem:s23], [sflag:$0x1] =	stream.indirect_vreg.gather [hbm4b:s5+s15], $0x80, v20, vm0, $0xb8;
	[tilespmem:$0x14100] =	vst v63  }
0x2e3: {  	v20 =	vld [tilespmem:$0x10];
	_ =	sdelay $0x4  }
0x2e4: {  	v24 =	vshll.u32 v20, $0x2  }
0x2e5: {  	v20 =	vand.u32 $0x7, v20;
	v24 =	vand.u32 $0xFFFFFFE0, v24  }
0x2e6: {  	v20 =	vor.u32 v20, v24  }
0x2e7: {  	v24 =	vperm.xlane v20, v0;
	_ =	sdelay $0x1  }
0x2e8: {  	v24 =	vadd.s32 v1, v24;
	_ =	sdelay $0x1  }
0x2e9: {  	v20 =	vperm.xlane v20, v2;
	_ =	sdelay $0x1  }
0x2ea: {  	v20 =	vadd.s32 v1, v20  }
0x2eb: {  	[tilespmem:s24], [sflag:$0x1] =	stream.indirect_vreg.gather [hbm4b:s3+s15], $0x80, v24, vm0, $0xb8;
	[tilespmem:$0x14100] =	vst v63  }
0x2ec: {  	_ = 	snop  }
0x2ed: {  	[tilespmem:s25], [sflag:$0x1] =	stream.indirect_vreg.gather [hbm4b:s5+s15], $0x80, v24, vm0, $0xb8;
	[tilespmem:$0x14100] =	vst v63  }
0x2ee: {  	_ = 	snop  }
0x2ef: {  	[tilespmem:s26], [sflag:$0x1] =	stream.indirect_vreg.gather [hbm4b:s3+s15], $0x80, v20, vm0, $0xb8;
	[tilespmem:$0x14100] =	vst v63  }
0x2f0: {  	_ = 	snop  }
0x2f1: {  	[tilespmem:s28], [sflag:$0x1] =	stream.indirect_vreg.gather [hbm4b:s5+s15], $0x80, v20, vm0, $0xb8;
	[tilespmem:$0x14100] =	vst v63  }
0x2f2: {  	v20 =	vld [tilespmem:$0x20];
	_ =	sdelay $0x4  }
0x2f3: {  	v24 =	vshll.u32 v20, $0x2  }
0x2f4: {  	v20 =	vand.u32 $0x7, v20;
	v24 =	vand.u32 $0xFFFFFFE0, v24  }
0x2f5: {  	v20 =	vor.u32 v20, v24  }
0x2f6: {  	v24 =	vperm.xlane v20, v0;
	_ =	sdelay $0x1  }
0x2f7: {  	v24 =	vadd.s32 v1, v24;
	_ =	sdelay $0x1  }
0x2f8: {  	v20 =	vperm.xlane v20, v2;
	_ =	sdelay $0x1  }
0x2f9: {  	v20 =	vadd.s32 v1, v20  }
0x2fa: {  	[tilespmem:s29], [sflag:$0x1] =	stream.indirect_vreg.gather [hbm4b:s3+s15], $0x80, v24, vm0, $0xb8;
	[tilespmem:$0x14100] =	vst v63  }
0x2fb: {  	_ = 	snop  }
0x2fc: {  	[tilespmem:s30], [sflag:$0x1] =	stream.indirect_vreg.gather [hbm4b:s5+s15], $0x80, v24, vm0, $0xb8;
	[tilespmem:$0x14100] =	vst v63  }
0x2fd: {  	_ = 	snop  }
0x2fe: {  	[tilespmem:s31], [sflag:$0x1] =	stream.indirect_vreg.gather [hbm4b:s3+s15], $0x80, v20, vm0, $0xb8;
	[tilespmem:$0x14100] =	vst v63  }
0x2ff: {  	_ = 	snop  }
0x300: {  	[tilespmem:s0], [sflag:$0x1] =	stream.indirect_vreg.gather [hbm4b:s5+s15], $0x80, v20, vm0, $0xb8;
	[tilespmem:$0x14100] =	vst v63  }
0x301: {  	v20 =	vld [tilespmem:$0x30];
	_ =	sdelay $0x4  }
0x302: {  	v24 =	vshll.u32 v20, $0x2  }
0x303: {  	v20 =	vand.u32 $0x7, v20;
	v24 =	vand.u32 $0xFFFFFFE0, v24  }
0x304: {  	v20 =	vor.u32 v20, v24  }
0x305: {  	v24 =	vperm.xlane v20, v0;
	_ =	sdelay $0x1  }
0x306: {  	v24 =	vadd.s32 v1, v24;
	_ =	sdelay $0x1  }
0x307: {  	v20 =	vperm.xlane v20, v2;
	_ =	sdelay $0x1  }
0x308: {  	v20 =	vadd.s32 v1, v20  }
0x309: {  	[tilespmem:s1], [sflag:$0x1] =	stream.indirect_vreg.gather [hbm4b:s3+s15], $0x80, v24, vm0, $0xb8;
	[tilespmem:$0x14100] =	vst v63  }
0x30a: {  	_ = 	snop  }
0x30b: {  	[tilespmem:s4], [sflag:$0x1] =	stream.indirect_vreg.gather [hbm4b:s5+s15], $0x80, v24, vm0, $0xb8;
	[tilespmem:$0x14100] =	vst v63  }
0x30c: {  	_ = 	snop  }
0x30d: {  	[tilespmem:s6], [sflag:$0x1] =	stream.indirect_vreg.gather [hbm4b:s3+s15], $0x80, v20, vm0, $0xb8;
	[tilespmem:$0x14100] =	vst v63  }
0x30e: {  	_ = 	snop  }
0x30f: {  	[tilespmem:s7], [sflag:$0x1] =	stream.indirect_vreg.gather [hbm4b:s5+s15], $0x80, v20, vm0, $0xb8;
	[tilespmem:$0x14100] =	vst v63  }
0x310: {  	v20 =	vld [tilespmem:$0x40];
	_ =	sdelay $0x4  }
0x311: {  	v24 =	vshll.u32 v20, $0x2  }
0x312: {  	v20 =	vand.u32 $0x7, v20;
	v24 =	vand.u32 $0xFFFFFFE0, v24  }
0x313: {  	v20 =	vor.u32 v20, v24  }
0x314: {  	v24 =	vperm.xlane v20, v0;
	_ =	sdelay $0x1  }
0x315: {  	v24 =	vadd.s32 v1, v24;
	_ =	sdelay $0x1  }
0x316: {  	v20 =	vperm.xlane v20, v2;
	_ =	sdelay $0x1  }
0x317: {  	v20 =	vadd.s32 v1, v20  }
0x318: {  	[tilespmem:s8], [sflag:$0x1] =	stream.indirect_vreg.gather [hbm4b:s3+s15], $0x80, v24, vm0, $0xb8;
	[tilespmem:$0x14100] =	vst v63  }
0x319: {  	_ = 	snop  }
0x31a: {  	[tilespmem:s9], [sflag:$0x1] =	stream.indirect_vreg.gather [hbm4b:s5+s15], $0x80, v24, vm0, $0xb8;
	[tilespmem:$0x14100] =	vst v63  }
0x31b: {  	_ = 	snop  }
0x31c: {  	[tilespmem:s10], [sflag:$0x1] =	stream.indirect_vreg.gather [hbm4b:s3+s15], $0x80, v20, vm0, $0xb8;
	[tilespmem:$0x14100] =	vst v63  }
0x31d: {  	_ = 	snop  }
0x31e: {  	[tilespmem:s11], [sflag:$0x1] =	stream.indirect_vreg.gather [hbm4b:s5+s15], $0x80, v20, vm0, $0xb8;
	[tilespmem:$0x14100] =	vst v63  }
0x31f: {  	_ =	swait.ge [sflag:s12], $0xA000  }
0x320: {  	[sflag:s12] =	ssyncset.done $0x0  }
0x321: {  	s21 =	rddreg [dreg:$0xe];
	[sflag:s12] =	ssyncadd.s32 $0xFFFF6000  }
0x322: {  	[tilespmem:s13], [sflag:$0x2] =	stream.linear.gather [hbm4b:s21+s15], $0xA000, $0x38;
	[tilespmem:$0x14100] =	vst v63  }
0x323: {  	_ =	swait.ge [sflag:s19], $0xA000  }
0x324: {  	s22 =	sand.u32 $0xF000, s15;
	s15 =	sand.u32 $0x380, s15;
	[sflag:s19] =	ssyncset.done $0x0  }
0x325: {  	s15 =	sor.u32 s15, s22;
	[sflag:s19] =	ssyncadd.s32 $0xFFFF6000  }
0x326: {  	v20 =	vld [tilespmem:s15+$0xA8A0]  }
0x327: {  	v30 =	vld [tilespmem:s15+$0xACF0]  }
0x328: {  	v27 =	vld [tilespmem:s15+$0xA8B0]  }
0x329: {  	v24 =	vld [tilespmem:s15+$0x8B0]  }
0x32a: {  	v31 =	vld [tilespmem:s15+$0xA4F0]  }
0x32b: {  	v57 =	vld [tilespmem:s15+$0x4F0]  }
0x32c: {  	v58 =	vld [tilespmem:s15+$0x80]  }
0x32d: {  	v35 =	vld [tilespmem:s15+$0xA4D0]  }
0x32e: {  	v36 =	vld [tilespmem:s15+$0x4D0]  }
0x32f: {  	v37 =	vld [tilespmem:s15+$0xA4C0]  }
0x330: {  	v38 =	vld [tilespmem:s15+$0xA4B0]  }
0x331: {  	v39 =	vld [tilespmem:s15+$0x4C0]  }
0x332: {  	v40 =	vld [tilespmem:s15+$0x4B0]  }
0x333: {  	v41 =	vld [tilespmem:s15+$0xA480]  }
0x334: {  	v42 =	vld [tilespmem:s15+$0x480]  }
0x335: {  	v43 =	vld [tilespmem:s15+$0xA0F0]  }
0x336: {  	v44 =	vld [tilespmem:s15+$0xF0]  }
0x337: {  	v46 =	vld [tilespmem:s15+$0xA0E0]  }
0x338: {  	v4 =	vadd.f32 v25, v4;
	v12 =	vadd.f32 v12, v17;
	v9 =	vmul.f32 v9, v9;
	v48 =	vld [tilespmem:s15+$0x880]  }
0x339: {  	v63 =	vadd.f32 v13, v15;
	v16 =	vmul.f32 v16, v16;
	v19 =	vmul.f32 v19, v19;
	v60 =	vld [tilespmem:s15+$0xA880]  }
0x33a: {  	v5 =	vmul.f32 v5, v5;
	v11 =	vadd.f32 v22, v11;
	v21 =	vmul.f32 v21, v21;
	v61 =	vld [tilespmem:s15+$0xE0]  }
0x33b: {  	v4 =	vadd.f32 v10, v4;
	v6 =	vadd.f32 v19, v6;
	v19 =	vmul.f32 v28, v28;
	v17 =	vld [tilespmem:s15+$0xA8F0]  }
0x33c: {  	v8 =	vmul.f32 v8, v8;
	v14 =	vadd.f32 v16, v14;
	v11 =	vadd.f32 v21, v11;
	v62 =	vld [tilespmem:s15+$0xA080]  }
0x33d: {  	v4 =	vadd.f32 v9, v4;
	v19 =	vadd.f32 v19, v7;
	v13 =	vld [tilespmem:s15+$0x8F0]  }
0x33e: {  	v6 =	vadd.f32 v5, v6;
	v8 =	vadd.f32 v8, v11;
	v51 =	vld [tilespmem:s15+$0xA090]  }
0x33f: {  	v52 =	vld [tilespmem:s15+$0xCF0];
	v24 =	vsub.f32 v24, v27;
	v42 =	vsub.f32 v42, v41  }
0x340: {  	v21 =	vld [tilespmem:s15+$0x90];
	v44 =	vsub.f32 v44, v43;
	v40 =	vsub.f32 v40, v38  }
0x341: {  	v59 =	vld [tilespmem:s15+$0x4E0];
	v28 =	vsub.f32 v36, v35;
	v15 =	vsub.f32 v48, v60  }
0x342: {  	v29 =	vld [tilespmem:s15+$0x490];
	v16 =	vsub.f32 v61, v46;
	v5 =	vsub.f32 v39, v37  }
0x343: {  	v25 =	vld [tilespmem:s15+$0xA8D0];
	v53 =	vsub.f32 v13, v17;
	v13 =	vsub.f32 v58, v62  }
0x344: {  	v10 =	vld [tilespmem:s15+$0x8D0];
	v54 =	vsub.f32 v52, v30;
	v27 =	vadd.f32 v24, v27  }
0x345: {  	v49 =	vld [tilespmem:s15+$0x890];
	v11 =	vsub.f32 v21, v51;
	v22 =	vadd.f32 v40, v38  }
0x346: {  	v41 =	vadd.f32 v42, v41;
	v7 =	vadd.f32 v28, v35;
	[tilespmem:s15+$0x8B0] =	vst v27;
	v27 =	vld [tilespmem:s15+$0xA490]  }
0x347: {  	v43 =	vadd.f32 v44, v43;
	v9 =	vadd.f32 v15, v60;
	[tilespmem:s15+$0x4B0] =	vst v22;
	v22 =	vld [tilespmem:s15+$0xACE0]  }
0x348: {  	v50 =	vadd.f32 v16, v46;
	v17 =	vadd.f32 v53, v17;
	[tilespmem:s15+$0x4D0] =	vst v7;
	v7 =	vmul.f32 v23, v23;
	v23 =	vld [tilespmem:s15+$0xCE0]  }
0x349: {  	v55 =	vld [tilespmem:s15+$0xC90];
	v30 =	vadd.f32 v54, v30;
	[tilespmem:s15+$0x880] =	vst v9;
	v9 =	vsub.f32 v10, v25  }
0x34a: {  	v48 =	vld [tilespmem:s15+$0xA4E0];
	v56 =	vadd.f32 v11, v51;
	v4 =	vadd.f32 v7, v4;
	v7 =	vmul.f32 v26, v26  }
0x34b: {  	v10 =	vld [tilespmem:s15+$0xA890];
	v26 =	vadd.f32 v5, v37;
	v25 =	vadd.f32 v9, v25  }
0x34c: {  	v18 =	vmul.f32 v18, v18;
	v21 =	vld [tilespmem:s15+$0xB0];
	[tilespmem:s15+$0x8F0] =	vst v17;
	v6 =	vadd.f32 v7, v6;
	v45 =	vsub.f32 v29, v27  }
0x34d: {  	[tilespmem:s15+$0xCF0] =	vst v30;
	v29 =	vld [tilespmem:s15+$0xA0B0];
	v7 =	vsub.f32 v23, v22;
	v23 =	vadd.f32 v13, v62  }
0x34e: {  	v60 =	vld [tilespmem:s15+$0xACB0];
	[tilespmem:s15+$0x4C0] =	vst v26;
	v6 =	vadd.f32 v18, v6;
	v18 =	vsub.f32 v57, v31  }
0x34f: {  	v16 =	vmul.f32 v16, v16;
	v34 =	vsub.f32 v59, v48;
	[tilespmem:s15+$0x8D0] =	vst v25;
	v25 =	vld [tilespmem:s15+$0xAC90];
	v17 =	vadd.f32 v7, v22  }
0x350: {  	v58 =	vmul.f32 v42, v42;
	v30 =	vld [tilespmem:s15+$0xCA0];
	v57 =	vsub.f32 v49, v10;
	[tilespmem:s15+$0x80] =	vst v23;
	v23 =	vadd.f32 v18, v31  }
0x351: {  	v26 =	vld [tilespmem:s15+$0xA0];
	v47 =	vadd.f32 v45, v27;
	v31 =	vadd.f32 v34, v48;
	[tilespmem:s15+$0xCE0] =	vst v17;
	v17 =	vmul.f32 v13, v13  }
0x352: {  	v22 =	vld [tilespmem:s15+$0xA0A0];
	v10 =	vadd.f32 v57, v10;
	[tilespmem:s15+$0x4F0] =	vst v23;
	v23 =	vmul.f32 v44, v44;
	v21 =	vsub.f32 v21, v29  }
0x353: {  	[tilespmem:s15+$0x4E0] =	vst v31;
	v31 =	vld [tilespmem:s15+$0xCB0];
	v19 =	vadd.f32 v17, v19;
	v17 =	vadd.f32 v16, v8;
	v8 =	vmul.f32 v11, v11  }
0x354: {  	v18 =	vmul.f32 v18, v18;
	v11 =	vld [tilespmem:s15+$0x4A0];
	v16 =	vsub.f32 v55, v25;
	v12 =	vadd.f32 v23, v12  }
0x355: {  	[tilespmem:s15+$0x890] =	vst v10;
	v23 =	vld [tilespmem:s15+$0xA4A0];
	v10 =	vadd.f32 v21, v29;
	v3 =	vadd.f32 v8, v3;
	v8 =	vmul.f32 v45, v45  }
0x356: {  	v15 =	vmul.f32 v15, v15;
	v59 =	vld [tilespmem:s15+$0xC0];
	v19 =	vadd.f32 v58, v19;
	v25 =	vadd.f32 v16, v25  }
0x357: {  	v27 =	vld [tilespmem:s15+$0xA0D0];
	v12 =	vadd.f32 v18, v12;
	v3 =	vadd.f32 v8, v3;
	v8 =	vmul.f32 v57, v57  }
0x358: {  	v18 =	vsub.f32 v26, v22;
	v26 =	vld [tilespmem:s15+$0xD0];
	v15 =	vadd.f32 v15, v19  }
0x359: {  	v19 =	vld [tilespmem:s15+$0x8A0];
	[tilespmem:s15+$0xC90] =	vst v25;
	v25 =	vmul.f32 v21, v21;
	v3 =	vadd.f32 v8, v3;
	v8 =	vmul.f32 v16, v16  }
0x35a: {  	v13 =	vld [tilespmem:s15+$0xA0C0];
	v29 =	vsub.f32 v31, v60;
	v16 =	vmul.f32 v18, v18;
	v11 =	vsub.f32 v11, v23  }
0x35b: {  	v61 =	vmul.f32 v53, v53;
	[tilespmem:s15+$0xB0] =	vst v10;
	v10 =	vld [tilespmem:s15+$0xAC80];
	v18 =	vadd.f32 v18, v22;
	v3 =	vadd.f32 v8, v3  }
0x35c: {  	[tilespmem:s15+$0x480] =	vst v41;
	v21 =	vld [tilespmem:s15+$0xACA0];
	v22 =	vmul.f32 v40, v40;
	v8 =	vadd.f32 v25, v63;
	v31 =	vadd.f32 v16, v14  }
0x35d: {  	[tilespmem:s15+$0xF0] =	vst v43;
	v25 =	vmul.f32 v11, v11;
	v16 =	vld [tilespmem:s15+$0xC80];
	v62 =	vsub.f32 v26, v27;
	v26 =	vadd.f32 v61, v12  }
0x35e: {  	v24 =	vmul.f32 v24, v24;
	[tilespmem:s15+$0xA0] =	vst v18;
	v18 =	vld [tilespmem:s15+$0xA8C0];
	v12 =	vadd.f32 v29, v60;
	v19 =	vsub.f32 v19, v20  }
0x35f: {  	[tilespmem:s15+$0xE0] =	vst v50;
	v14 =	vmul.f32 v28, v28;
	v28 =	vld [tilespmem:s15+$0xCD0];
	v8 =	vadd.f32 v22, v8;
	v25 =	vadd.f32 v25, v31  }
0x360: {  	[tilespmem:s15+$0x90] =	vst v56;
	v22 =	vmul.f32 v29, v29;
	v29 =	vadd.f32 v11, v23;
	v23 =	vld [tilespmem:s15+$0xACD0];
	v11 =	vadd.f32 v62, v27  }
0x361: {  	[tilespmem:s15+$0xCB0] =	vst v12;
	v27 =	vsub.f32 v30, v21;
	v12 =	vld [tilespmem:s15+$0xA8E0];
	v31 =	vadd.f32 v19, v20;
	v63 =	vmul.f32 v19, v19  }
0x362: {  	[tilespmem:s15+$0x490] =	vst v47;
	v32 =	vmul.f32 v62, v62;
	v30 =	vsub.f32 v59, v13;
	v20 =	vld [tilespmem:s15+$0x8C0];
	v24 =	vadd.f32 v24, v8  }
0x363: {  	s16 =	simm.s32 $0x80;
	s21 =	simm.s32 $0x200;
	v19 =	vld [tilespmem:s15+$0x8E0];
	v8 =	vmul.f32 v54, v54;
	[tilespmem:s15+$0x8A0] =	vst v31;
	v31 =	vmul.f32 v34, v34;
	v25 =	vadd.f32 v63, v25  }
.LBB2_8:
0x364: {  	s17 =	smov.u32 s21  }
0x365: {  	s18 =	sand.u32 $0xF000, s21;
	s22 =	sand.u32 $0x380, s16;
	v4 =	vadd.f32 v32, v4;
	[tilespmem:s15+$0x4A0] =	vst v29;
	v29 =	vsub.f32 v16, v10;
	v32 =	vld [tilespmem:s15+$0xCC0];
	s17 =	sadd.s32 $0x200, s21  }
0x366: {  	p0 =	sne.s32 s21, $0x9E00;
	v16 =	vadd.f32 v8, v26;
	s18 =	sor.u32 s22, s18;
	v33 =	vmul.f32 v30, v30;
	v31 =	vadd.f32 v31, v17;
	v34 =	vld [tilespmem:s15+$0xACC0]  }
0x367: {  	v9 =	vmul.f32 v9, v9;
	v4 =	vadd.f32 v14, v4;
	v14 =	vsub.f32 v28, v23;
	v17 =	vld [tilespmem:s18+$0x90]  }
0x368: {  	v13 =	vadd.f32 v30, v13;
	v26 =	vmul.f32 v29, v29;
	v6 =	vadd.f32 v33, v6;
	v8 =	vld [tilespmem:s18+$0xA8A0]  }
0x369: {  	v21 =	vadd.f32 v27, v21;
	v29 =	vadd.f32 v29, v10;
	v30 =	vmul.f32 v14, v14;
	v28 =	vld [tilespmem:s18+$0xACF0]  }
0x36a: {  	v27 =	vmul.f32 v27, v27;
	v10 =	vadd.f32 v22, v24;
	v14 =	vadd.f32 v14, v23;
	v33 =	vld [tilespmem:s18+$0xA8B0];
	[tilespmem:s15+$0xC0] =	vst v13  }
0x36b: {  	v5 =	vmul.f32 v5, v5;
	v13 =	vadd.f32 v26, v15;
	v22 =	vld [tilespmem:s18+$0x8B0];
	[tilespmem:s15+$0xC80] =	vst v29;
	v23 =	vsub.f32 v32, v34  }
0x36c: {  	v4 =	vadd.f32 v9, v4;
	v24 =	vld [tilespmem:s18+$0xCF0];
	[tilespmem:s15+$0xD0] =	vst v11;
	v11 =	vadd.f32 v27, v25  }
0x36d: {  	v7 =	vmul.f32 v7, v7;
	v5 =	vadd.f32 v5, v6;
	v25 =	vld [tilespmem:s18+$0xCE0];
	v6 =	vadd.f32 v23, v34;
	[tilespmem:s15+$0xCD0] =	vst v14  }
0x36e: {  	v9 =	vsub.f32 v20, v18;
	v14 =	vsub.f32 v19, v12;
	v15 =	vld [tilespmem:s18+$0xA4F0];
	[tilespmem:s15+$0xCA0] =	vst v21  }
0x36f: {  	v4 =	vadd.f32 v30, v4;
	v26 =	vld [tilespmem:s18+$0x4F0];
	[tilespmem:s15+$0xCC0] =	vst v6;
	v6 =	vmul.f32 v23, v23  }
0x370: {  	v19 =	vmul.f32 v9, v9;
	v20 =	vadd.f32 v14, v12;
	v14 =	vmul.f32 v14, v14;
	v23 =	vld [tilespmem:s18+$0x80]  }
0x371: {  	v9 =	vadd.f32 v9, v18;
	v27 =	vld [tilespmem:s18+$0x4E0];
	v12 =	vsub.f32 v24, v28  }
0x372: {  	v5 =	vadd.f32 v19, v5;
	v14 =	vadd.f32 v14, v31;
	v24 =	vld [tilespmem:s18+$0xA4D0];
	[tilespmem:s15+$0x8E0] =	vst v20  }
0x373: {  	v18 =	vsub.f32 v22, v33;
	v29 =	vld [tilespmem:s18+$0x4D0];
	v20 =	vadd.f32 v12, v28;
	[tilespmem:s15+$0x8C0] =	vst v9;
	s15 =	smov.u32 s18  }
0x374: {  	v6 =	vadd.f32 v6, v5;
	v22 =	vadd.f32 v7, v14;
	v9 =	vld [tilespmem:s15+$0xA4C0]  }
0x375: {  	v7 =	vadd.f32 v18, v33;
	v5 =	vld [tilespmem:s15+$0x4C0]  }
0x376: {  	v14 =	vld [tilespmem:s15+$0xA4B0]  }
0x377: {  	v28 =	vld [tilespmem:s15+$0x4B0];
	[tilespmem:s15+$0x8B0] =	vst v7  }
0x378: {  	v7 =	vld [tilespmem:s15+$0xA490]  }
0x379: {  	v21 =	vld [tilespmem:s15+$0xA0B0]  }
0x37a: {  	v19 =	vld [tilespmem:s15+$0x490]  }
0x37b: {  	v30 =	vld [tilespmem:s15+$0xA480]  }
0x37c: {  	v31 =	vld [tilespmem:s15+$0x480]  }
0x37d: {  	v32 =	vld [tilespmem:s15+$0xA0F0]  }
0x37e: {  	v33 =	vld [tilespmem:s15+$0xF0]  }
0x37f: {  	v34 =	vld [tilespmem:s15+$0xA0E0];
	v35 =	vsub.f32 v19, v7  }
0x380: {  	v19 =	vld [tilespmem:s15+$0xA0D0]  }
0x381: {  	v36 =	vld [tilespmem:s15+$0xE0];
	v31 =	vsub.f32 v31, v30;
	v7 =	vadd.f32 v35, v7  }
0x382: {  	v37 =	vld [tilespmem:s15+$0x880]  }
0x383: {  	v28 =	vsub.f32 v28, v14;
	v33 =	vsub.f32 v33, v32;
	[tilespmem:s15+$0x490] =	vst v7;
	v7 =	vld [tilespmem:s15+$0xA880]  }
0x384: {  	v30 =	vadd.f32 v31, v30;
	v38 =	vld [tilespmem:s15+$0xA8D0]  }
0x385: {  	v5 =	vsub.f32 v5, v9;
	v32 =	vadd.f32 v33, v32;
	v33 =	vmul.f32 v33, v33;
	v39 =	vld [tilespmem:s15+$0x8D0]  }
0x386: {  	v14 =	vadd.f32 v28, v14;
	v36 =	vsub.f32 v36, v34;
	[tilespmem:s15+$0x480] =	vst v30;
	v30 =	vld [tilespmem:s15+$0xA8F0]  }
0x387: {  	v29 =	vsub.f32 v29, v24;
	[tilespmem:s15+$0xF0] =	vst v32;
	v32 =	vld [tilespmem:s15+$0x8F0]  }
0x388: {  	v42 =	vadd.f32 v5, v9;
	v40 =	vld [tilespmem:s15+$0xA080];
	v41 =	vmul.f32 v36, v36;
	[tilespmem:s15+$0x4B0] =	vst v14;
	v37 =	vsub.f32 v37, v7  }
0x389: {  	v24 =	vadd.f32 v29, v24;
	v34 =	vadd.f32 v36, v34;
	v14 =	vmul.f32 v29, v29;
	v29 =	vld [tilespmem:s15+$0xACE0]  }
0x38a: {  	v36 =	vld [tilespmem:s15+$0xA4E0];
	v7 =	vadd.f32 v37, v7;
	v9 =	vsub.f32 v39, v38  }
0x38b: {  	[tilespmem:s15+$0x4D0] =	vst v24;
	v24 =	vsub.f32 v26, v15;
	v26 =	vld [tilespmem:s15+$0x890]  }
0x38c: {  	[tilespmem:s15+$0x880] =	vst v7;
	v39 =	vld [tilespmem:s15+$0xA890];
	v38 =	vadd.f32 v9, v38;
	v32 =	vsub.f32 v32, v30  }
0x38d: {  	v23 =	vsub.f32 v23, v40;
	v43 =	vld [tilespmem:s15+$0xA090];
	[tilespmem:s15+$0xE0] =	vst v34;
	v34 =	vmul.f32 v24, v24  }
0x38e: {  	[tilespmem:s15+$0x4C0] =	vst v42;
	v30 =	vadd.f32 v32, v30;
	v42 =	vld [tilespmem:s15+$0xC90];
	v7 =	vsub.f32 v25, v29  }
0x38f: {  	v25 =	vadd.f32 v23, v40;
	v23 =	vmul.f32 v23, v23;
	v40 =	vsub.f32 v27, v36;
	[tilespmem:s15+$0x8D0] =	vst v38;
	v27 =	vld [tilespmem:s15+$0xAC90]  }
0x390: {  	v38 =	vld [tilespmem:s15+$0xA0];
	[tilespmem:s15+$0x8F0] =	vst v30;
	v29 =	vadd.f32 v7, v29  }
0x391: {  	v15 =	vadd.f32 v24, v15;
	[tilespmem:s15+$0x80] =	vst v25;
	v25 =	vld [tilespmem:s15+$0xA0A0];
	v24 =	vsub.f32 v26, v39  }
0x392: {  	v30 =	vmul.f32 v31, v31;
	v13 =	vadd.f32 v23, v13;
	v23 =	vsub.f32 v17, v43;
	v26 =	vld [tilespmem:s15+$0xB0];
	[tilespmem:s15+$0xCE0] =	vst v29  }
0x393: {  	v17 =	vadd.f32 v41, v22;
	v22 =	vadd.f32 v40, v36;
	v31 =	vld [tilespmem:s15+$0xC0];
	[tilespmem:s15+$0x4F0] =	vst v15;
	v15 =	vmul.f32 v37, v37  }
0x394: {  	v30 =	vadd.f32 v30, v13;
	v29 =	vadd.f32 v23, v43;
	v23 =	vmul.f32 v23, v23;
	v36 =	vld [tilespmem:s15+$0x4A0]  }
0x395: {  	v16 =	vadd.f32 v33, v16;
	v13 =	vld [tilespmem:s15+$0xA0C0];
	[tilespmem:s15+$0x4E0] =	vst v22;
	v22 =	vsub.f32 v42, v27  }
0x396: {  	v15 =	vadd.f32 v15, v30;
	[tilespmem:s15+$0x90] =	vst v29;
	v3 =	vadd.f32 v23, v3;
	v23 =	vmul.f32 v35, v35;
	v29 =	vld [tilespmem:s15+$0xA4A0]  }
0x397: {  	v28 =	vmul.f32 v28, v28;
	v30 =	vadd.f32 v34, v16;
	v16 =	vadd.f32 v22, v27;
	v27 =	vld [tilespmem:s15+$0xCB0]  }
0x398: {  	v26 =	vsub.f32 v26, v21;
	v3 =	vadd.f32 v23, v3;
	v23 =	vmul.f32 v24, v24;
	v33 =	vld [tilespmem:s15+$0xACB0]  }
0x399: {  	v34 =	vsub.f32 v38, v25;
	v24 =	vadd.f32 v24, v39;
	v35 =	vld [tilespmem:s15+$0x8A0];
	[tilespmem:s15+$0xC90] =	vst v16  }
0x39a: {  	v22 =	vmul.f32 v22, v22;
	v16 =	vmul.f32 v26, v26;
	v37 =	vld [tilespmem:s15+$0xD0];
	v3 =	vadd.f32 v23, v3  }
0x39b: {  	v26 =	vadd.f32 v26, v21;
	v23 =	vmul.f32 v34, v34;
	v36 =	vsub.f32 v36, v29;
	[tilespmem:s15+$0x890] =	vst v24;
	v38 =	vld [tilespmem:s15+$0xCA0]  }
0x39c: {  	v24 =	vadd.f32 v34, v25;
	v3 =	vadd.f32 v22, v3;
	v21 =	vld [tilespmem:s15+$0xACA0];
	[tilespmem:s15+$0xCF0] =	vst v20  }
0x39d: {  	v20 =	vadd.f32 v16, v10;
	[tilespmem:s15+$0xB0] =	vst v26;
	v25 =	vmul.f32 v36, v36;
	v16 =	vld [tilespmem:s15+$0xC80];
	v27 =	vsub.f32 v27, v33  }
0x39e: {  	v11 =	vadd.f32 v23, v11;
	v26 =	vmul.f32 v32, v32;
	v23 =	vsub.f32 v35, v8;
	v10 =	vld [tilespmem:s15+$0xAC80]  }
0x39f: {  	v34 =	vadd.f32 v28, v20;
	v32 =	vsub.f32 v37, v19;
	v20 =	vld [tilespmem:s15+$0x8C0];
	v22 =	vmul.f32 v27, v27  }
.Ltmp3:
0x3a0: {  	v25 =	vadd.f32 v25, v11;
	v11 =	vmul.f32 v18, v18;
	v26 =	vadd.f32 v26, v30;
	[tilespmem:s15+$0xA0] =	vst v24;
	v18 =	vld [tilespmem:s15+$0xA8C0];
	(pc) =	sbr.rel @p0 .LBB2_8-.Ltmp3, $4  }
0x3a1: {  	v29 =	vadd.f32 v36, v29;
	v30 =	vadd.f32 v27, v33;
	v35 =	vmul.f32 v23, v23;
	v28 =	vld [tilespmem:s15+$0xCD0]  }
0x3a2: {  	v33 =	vadd.f32 v23, v8;
	v8 =	vmul.f32 v12, v12;
	v24 =	vadd.f32 v11, v34;
	v23 =	vld [tilespmem:s15+$0xACD0]  }
0x3a3: {  	v11 =	vadd.f32 v32, v19;
	v32 =	vmul.f32 v32, v32;
	v27 =	vsub.f32 v38, v21;
	v19 =	vld [tilespmem:s15+$0x8E0];
	[tilespmem:s15+$0xCB0] =	vst v30  }
0x3a4: {  	s16 =	sadd.s32 $0x80, s16;
	s21 =	smov.u32 s17;
	v25 =	vadd.f32 v35, v25;
	v30 =	vsub.f32 v31, v13;
	v31 =	vmul.f32 v40, v40;
	[tilespmem:s15+$0x8A0] =	vst v33;
	v12 =	vld [tilespmem:s15+$0xA8E0]  }
0x3a5: {  	v4 =	vadd.f32 v32, v4  }
0x3a6: {  	v16 =	vsub.f32 v16, v10;
	v8 =	vadd.f32 v8, v26  }
0x3a7: {  	v50 =	vadd.f32 v27, v21;
	v9 =	vmul.f32 v9, v9;
	v51 =	vadd.f32 v22, v24  }
0x3a8: {  	v45 =	vld [tilespmem:s15+$0xCC0];
	v53 =	vmul.f32 v27, v27;
	v20 =	vsub.f32 v20, v18;
	v17 =	vadd.f32 v31, v17  }
0x3a9: {  	v47 =	vld [tilespmem:s15+$0xACC0];
	v5 =	vmul.f32 v5, v5;
	v13 =	vadd.f32 v30, v13;
	v4 =	vadd.f32 v14, v4  }
0x3aa: {  	v46 =	vmul.f32 v30, v30;
	v48 =	vsub.f32 v28, v23;
	v10 =	vadd.f32 v16, v10  }
0x3ab: {  	v49 =	vmul.f32 v16, v16;
	v55 =	vadd.f32 v53, v25;
	v61 =	vadd.f32 v20, v18  }
0x3ac: {  	v7 =	vmul.f32 v7, v7;
	v6 =	vadd.f32 v46, v6;
	v19 =	vsub.f32 v19, v12  }
0x3ad: {  	[tilespmem:s15+$0x4A0] =	vst v29;
	v56 =	vmul.f32 v20, v20;
	v52 =	vadd.f32 v48, v23;
	v15 =	vadd.f32 v49, v15  }
0x3ae: {  	[tilespmem:s15+$0xD0] =	vst v11;
	v54 =	vsub.f32 v45, v47;
	v5 =	vadd.f32 v5, v6;
	v57 =	vmul.f32 v19, v19  }
0x3af: {  	[tilespmem:s15+$0xCA0] =	vst v50;
	v14 =	vmul.f32 v48, v48;
	v4 =	vadd.f32 v9, v4;
	v62 =	vadd.f32 v51, v55  }
0x3b0: {  	[tilespmem:s15+$0xC0] =	vst v13;
	v59 =	vmul.f32 v54, v54;
	v5 =	vadd.f32 v56, v5;
	v60 =	vadd.f32 v57, v17  }
0x3b1: {  	[tilespmem:s15+$0xC80] =	vst v10;
	v4 =	vadd.f32 v14, v4;
	v12 =	vadd.f32 v19, v12  }
0x3b2: {  	[tilespmem:s15+$0x8C0] =	vst v61;
	v5 =	vadd.f32 v59, v5;
	v6 =	vadd.f32 v7, v60  }
0x3b3: {  	[tilespmem:s15+$0xCD0] =	vst v52;
	v3 =	vadd.f32 v3, v15;
	v58 =	vadd.f32 v54, v47  }
0x3b4: {  	[tilespmem:s15+$0x8E0] =	vst v12;
	v4 =	vadd.f32 v4, v5;
	v63 =	vadd.f32 v8, v6  }
0x3b5: {  	s18 =	rddreg [dreg:$0xf];
	[tilespmem:s15+$0xCC0] =	vst v58  }
0x3b6: {  	v3 =	vadd.f32 v62, v3;
	[hbm4b:s18+s2] =	stream.linear.scatter [tilespmem:s20], [sflag:$0x2], $0xA000, $0x38;
	v4 =	vadd.f32 v63, v4;
	[tilespmem:$0x14100] =	vst v63  }
0x3b7: {  	_ =	swait.ge [sflag:s19], $0xA000  }
0x3b8: {  	[sflag:s19] =	ssyncset.done $0x0;
	v3 =	vadd.f32 v4, v3  }
0x3b9: {  	[sflag:s19] =	ssyncadd.s32 $0xFFFF6000  }
0x3ba: {  	s16 =	simm.s32 $0x14080;
	s21 =	rddreg [dreg:$0x10];
	[tilespmem:$0x14080] =	vst v3  }
0x3bb: {  	[hbm4b:s21+s2] =	stream.linear.scatter [tilespmem:s16], [sflag:$0x2], $0x80, $0x38;
	[tilespmem:$0x14100] =	vst v63  }
0x3bc: {  	_ =	swait.ge [sflag:s19], $0x80  }
0x3bd: {  	s14 =	sadd.s32 $0x1, s14;
	s22 =	rddreg [dreg:$0x11]  }
0x3be: {  	p0 =	sne.s32 s14, s22  }
.Ltmp4:
0x3bf: {  	_ = 	snop;
	(pc) =	sbr.rel @p0 .LBB2_1-.Ltmp4, $3  }
0x3c0: {  	_ =	sdelay $0x1  }
0x3c1: {  	[sflag:s19] =	ssyncset.done $0x0  }
0x3c2: {  	[sflag:s19] =	ssyncadd.s32 $0xFFFFFF80  }
0x3c3: {  	_ =	sfence.sel $0x180000  }
0x3c4: {  	[bflag:$0x0] =	sbarrier.arrive $0xFFFF  }
0x3c5: {  	_ =	strace $0x90000047  }
0x3c6: {  	s0 =	stileid.u32;
	[bflag:$0x2] =	sbarrier.arrive $0xFFFF  }
0x3c7: {  	p0 =	sne.s32 s0, $0x0;
	s0 =	rddreg [dreg:$0x3]  }
0x3c8: {  	s0 =	sadd.s32 @!p0 $0x100000, s0  }
0x3c9: {  	[sflag:s0] =	ssyncadd.tile.s32 @!p0 $0x1;
	_ =	shalt  }
.Lfunc_end2:
_tile_overlayer_lowered:
.L_overlay_start_2:
0x3ca: {  	(tag) =	ssettag $0x2  }
0x3cb: {  	s0 =	rddreg [dreg:$0x0];
	s2 =	stileid.u32  }
0x3cc: {  	s1 =	rddreg [dreg:$0x1];
	p0 =	sne.s32 s2, $0x0  }
0x3cd: {  	s3 =	rddreg [dreg:$0x2];
	[bflag:$0x3] =	sbarrier.arrive $0xFFFF;
	s2 =	simm.s32 @!p0 $0x1C02  }
0x3ce: {  	[timem:s3], [sflag:s2] =	dma.local @!p0 [hbm:s0], s1  }
0x3cf: {  	s0 =	simm.s32 @!p0 $0x2  }
0x3d0: {  	_ =	swait.ge @!p0 [sflag:s0], s1  }
0x3d1: {  	s1 =	ssub.s32 @!p0 $0x0, s1;
	[sflag:s0] =	ssyncset.done @!p0 $0x0  }
0x3d2: {  	[sflag:s0] =	ssyncadd.s32 @!p0 s1  }
0x3d3: {  	[bflag:$0x3] =	sbarrier.arrive $0xFFFF  }
0x3d4: {  	_ =	shalt  }

</sc_bundles>
